<compile_context>
chip_gen: v7x
topology: tpu7x:2x2x1
jax: 0.10.2.dev20260603
libtpu: 0.0.44.dev20260713+nightly
codegen_flags: <defaults>
</compile_context>

<pallas_src>
import functools

import jax
import jax.numpy as jnp
from jax import lax
from jax.experimental import pallas as pl
from jax.experimental.pallas import tpu as pltpu
from jax.experimental.pallas import tpu_sc as plsc

N_ATOMS = 10000
N_EDGES = 320000
F = 128
R = 16
L = 16
NC = 2
NS = 16
NW = NC * NS
EDGES_PER_W = N_EDGES // NW
CHUNK = 40
N_CHUNKS = EDGES_PER_W // CHUNK
N_ATOMS_PAD = 10240
ROWS_PER_TILE = N_ATOMS_PAD // NS


_BE = 12800


def _filter_body(rbf_ref, w1_ref, b1_ref, w2_ref, b2_ref, out_ref):
    rbf_blk = rbf_ref[...].T
    x = jnp.dot(rbf_blk.astype(jnp.bfloat16),
                w1_ref[...].astype(jnp.bfloat16),
                preferred_element_type=jnp.float32)
    x = x + b1_ref[...]
    x = x * jax.nn.sigmoid(x)
    y = jnp.dot(x.astype(jnp.bfloat16),
                w2_ref[...].astype(jnp.bfloat16),
                preferred_element_type=jnp.float32) + b2_ref[...]
    out_ref[...] = y


def _filter_mlp(rbf_t, w1, b1, w2, b2):
    grid = (N_EDGES // _BE,)
    return pl.pallas_call(
        _filter_body,
        grid=grid,
        in_specs=[
            pl.BlockSpec((R, _BE), lambda i: (0, i)),
            pl.BlockSpec((R, F), lambda i: (0, 0)),
            pl.BlockSpec((1, F), lambda i: (0, 0)),
            pl.BlockSpec((F, F), lambda i: (0, 0)),
            pl.BlockSpec((1, F), lambda i: (0, 0)),
        ],
        out_specs=pl.BlockSpec((_BE, F), lambda i: (i, 0)),
        out_shape=jax.ShapeDtypeStruct((N_EDGES, F), jnp.float32),
    )(rbf_t, w1, b1, w2, b2)



_SC_MESH = plsc.VectorSubcoreMesh(core_axis_name="c", subcore_axis_name="s")


@functools.partial(
    pl.kernel,
    out_type=jax.ShapeDtypeStruct((NC, N_ATOMS_PAD, F), jnp.float32),
    mesh=_SC_MESH,
    scratch_types=[
        pltpu.VMEM((4, CHUNK), jnp.int32),
        pltpu.VMEM((4, CHUNK), jnp.int32),
        pltpu.VMEM((2, CHUNK, F), jnp.float32),
        pltpu.VMEM((2, CHUNK, F), jnp.float32),
        pltpu.VMEM((2, CHUNK, F), jnp.float32),
        pltpu.VMEM_SHARED((N_ATOMS_PAD, F), jnp.float32),
        pltpu.SemaphoreType.DMA,
        pltpu.SemaphoreType.DMA,
        pltpu.SemaphoreType.DMA,
        pltpu.SemaphoreType.DMA,
        pltpu.SemaphoreType.DMA,
        pltpu.SemaphoreType.DMA,
        pltpu.SemaphoreType.DMA,
        pltpu.SemaphoreType.DMA,
        pltpu.SemaphoreType.DMA,
        pltpu.SemaphoreType.DMA,
    ],
)
def _sc_aggregate(h_hbm, w_hbm, idxi3_hbm, idxj3_hbm, zeros_hbm, out_hbm,
                  idxj_v, idxi_v, rows_v, wrows_v, msg_v, agg_sh,
                  gsem0, gsem1, wsem0, wsem1, ssem0, ssem1,
                  isem0, isem1, isem2, isem3):
    gsems = (gsem0, gsem1)
    wsems = (wsem0, wsem1)
    ssems = (ssem0, ssem1)
    isems = (isem0, isem1, isem2, isem3)
    c = lax.axis_index("c")
    s = lax.axis_index("s")
    wid = c * NS + s

    row0 = s * ROWS_PER_TILE
    pltpu.sync_copy(
        zeros_hbm.at[pl.ds(row0, ROWS_PER_TILE)],
        agg_sh.at[pl.ds(row0, ROWS_PER_TILE)],
    )
    plsc.subcore_barrier()

    base_edge = wid * EDGES_PER_W

    def idxj_fetch_desc(ci, q):
        return pltpu.make_async_copy(idxj3_hbm.at[wid, ci], idxj_v.at[q],
                                     isems[q])

    def idxi_fetch_desc(ci, q):
        return pltpu.make_async_copy(idxi3_hbm.at[wid, ci], idxi_v.at[q],
                                     isems[q])

    def gather_desc(q, b):
        return pltpu.make_async_copy(
            h_hbm.at[idxj_v.at[q]], rows_v.at[b], gsems[b])

    def wrow_desc(ci, b):
        return pltpu.make_async_copy(
            w_hbm.at[pl.ds(base_edge + ci * CHUNK, CHUNK)],
            wrows_v.at[b], wsems[b])

    def scat_desc(q, b):
        return pltpu.make_async_copy(
            msg_v.at[b], agg_sh.at[idxi_v.at[q]], ssems[b])

    def start_fetch(ci, q, b):
        gather_desc(q, b).start()
        wrow_desc(ci, b).start()

    for ci0 in range(2):
        pltpu.sync_copy(idxj3_hbm.at[wid, ci0], idxj_v.at[ci0])
        pltpu.sync_copy(idxi3_hbm.at[wid, ci0], idxi_v.at[ci0])
        start_fetch(ci0, ci0, ci0)

    def process(ci, q, b, guard_drain, do_prefetch):
        gather_desc(q, b).wait()
        wrow_desc(ci, b).wait()

        def _drain_prev_scatter():
            scat_desc((q + 2) % 4, b).wait()

        if guard_drain:
            pl.when(ci >= 2)(_drain_prev_scatter)
        else:
            _drain_prev_scatter()

        if do_prefetch:
            idxj_fetch_desc(ci + 2, (q + 2) % 4).start()
            idxi_fetch_desc(ci + 2, (q + 2) % 4).start()

        @plsc.parallel_loop(0, CHUNK, 1, unroll=2)
        def _mul(e):
            for g in range(F // L):
                msg_v[b, e, pl.ds(g * L, L)] = (
                    rows_v[b, e, pl.ds(g * L, L)]
                    * wrows_v[b, e, pl.ds(g * L, L)])

        pltpu.async_copy(
            msg_v.at[b], agg_sh.at[idxi_v.at[q]], ssems[b], add=True)

        if do_prefetch:
            idxj_fetch_desc(ci + 2, (q + 2) % 4).wait()
            idxi_fetch_desc(ci + 2, (q + 2) % 4).wait()
            start_fetch(ci + 2, (q + 2) % 4, b)

    def quad_body(g, carry):
        for q in range(4):
            ci = 4 * g + q
            process(ci, q, b=q % 2, guard_drain=(q < 2), do_prefetch=True)
        return carry

    lax.fori_loop(0, N_CHUNKS // 4, quad_body, 0)
    process(N_CHUNKS - 2, 0, 0, guard_drain=False, do_prefetch=False)
    process(N_CHUNKS - 1, 1, 1, guard_drain=False, do_prefetch=False)
    scat_desc(0, 0).wait()
    scat_desc(1, 1).wait()
    plsc.subcore_barrier()

    pltpu.sync_copy(
        agg_sh.at[pl.ds(row0, ROWS_PER_TILE)],
        out_hbm.at[c, pl.ds(row0, ROWS_PER_TILE)],
    )



_BA = 2000


def _update_body(h_ref, p_ref, w3_ref, b3_ref, w4_ref, b4_ref, out_ref):
    agg = p_ref[0] + p_ref[1]
    x = jnp.dot(agg, w3_ref[...], preferred_element_type=jnp.float32) + b3_ref[...]
    x = x * jax.nn.sigmoid(x)
    out_ref[...] = (
        h_ref[...]
        + jnp.dot(x, w4_ref[...], preferred_element_type=jnp.float32)
        + b4_ref[...]
    )


def _update_mlp(h, partials, w3, b3, w4, b4):
    grid = (N_ATOMS // _BA,)
    return pl.pallas_call(
        _update_body,
        grid=grid,
        in_specs=[
            pl.BlockSpec((_BA, F), lambda i: (i, 0)),
            pl.BlockSpec((NC, _BA, F), lambda i: (0, i, 0)),
            pl.BlockSpec((F, F), lambda i: (0, 0)),
            pl.BlockSpec((1, F), lambda i: (0, 0)),
            pl.BlockSpec((F, F), lambda i: (0, 0)),
            pl.BlockSpec((1, F), lambda i: (0, 0)),
        ],
        out_specs=pl.BlockSpec((_BA, F), lambda i: (i, 0)),
        out_shape=jax.ShapeDtypeStruct((N_ATOMS, F), jnp.float32),
    )(h, partials, w3, b3, w4, b4)




def kernel(h, rbf_ij, idx_i, idx_j, W1, b1, W2, b2, W3, b3, W4, b4):
    idx_i3 = idx_i.astype(jnp.int32).reshape(NW, N_CHUNKS, CHUNK)
    idx_j3 = idx_j.astype(jnp.int32).reshape(NW, N_CHUNKS, CHUNK)
    w_all = _filter_mlp(rbf_ij.T, W1, b1.reshape(1, F), W2, b2.reshape(1, F))
    zeros = jnp.zeros((N_ATOMS_PAD, F), jnp.float32)
    partials = _sc_aggregate(h, w_all, idx_i3, idx_j3, zeros)
    return _update_mlp(h, partials, W3, b3.reshape(1, F), W4, b4.reshape(1, F))

# --- scband reference (transcript-rebuilt; emitter-appended) ---
"""Pipeline reference for scband-interaction-block-67843303407621 (READ-ONLY COPY).

The authoritative reference and input builder live on the scoring server;
editing this copy changes nothing except your own understanding.
"""

import jax, jax.numpy as jnp
import numpy as np

N_ATOMS = 10000
N_EDGES = 320000
N_FEATURES = 128
N_RBF = 16

def setup_inputs(seed: int = 0) -> dict:
    key = jax.random.key(seed)
    ks = jax.random.split(key, 12)
    h = jax.random.normal(ks[0], (N_ATOMS, N_FEATURES), dtype=jnp.float32)
    rbf_ij = jax.random.uniform(ks[1], (N_EDGES, N_RBF), dtype=jnp.float32)
    idx_i = jax.random.randint(ks[2], (N_EDGES,), 0, N_ATOMS, dtype=jnp.int64 if jax.config.jax_enable_x64 else jnp.int32)
    idx_j = jax.random.randint(ks[3], (N_EDGES,), 0, N_ATOMS, dtype=jnp.int64 if jax.config.jax_enable_x64 else jnp.int32)
    # Dense params (flax convention: kernel [in, out], bias [out])
    def dense_init(k, fan_in, fan_out):
        # lecun_normal-ish init
        return jax.random.normal(k, (fan_in, fan_out), dtype=jnp.float32) / np.sqrt(fan_in)
    W1 = dense_init(ks[4], N_RBF, N_FEATURES); b1 = jnp.zeros((N_FEATURES,), jnp.float32)
    W2 = dense_init(ks[5], N_FEATURES, N_FEATURES); b2 = jnp.zeros((N_FEATURES,), jnp.float32)
    W3 = dense_init(ks[6], N_FEATURES, N_FEATURES); b3 = jnp.zeros((N_FEATURES,), jnp.float32)
    W4 = dense_init(ks[7], N_FEATURES, N_FEATURES); b4 = jnp.zeros((N_FEATURES,), jnp.float32)
    return {"h": h, "rbf_ij": rbf_ij, "idx_i": idx_i, "idx_j": idx_j,
            "W1": W1, "b1": b1, "W2": W2, "b2": b2,
            "W3": W3, "b3": b3, "W4": W4, "b4": b4}

def reference(h, rbf_ij, idx_i, idx_j, W1, b1, W2, b2, W3, b3, W4, b4):
    n_atoms = h.shape[0]
    # filter network on RBF expansion
    W = rbf_ij @ W1 + b1
    W = jax.nn.silu(W)
    W = W @ W2 + b2
    # gather source-node features and modulate (SparseCore gather)
    msgs = h[idx_j] * W
    # scatter-add aggregation onto destination nodes (SparseCore scatter-add)
    agg = jnp.zeros((n_atoms, h.shape[1]), dtype=h.dtype).at[idx_i].add(msgs)
    # atom-wise update network
    delta = jax.nn.silu(agg @ W3 + b3) @ W4 + b4
    return h + delta

if __name__ == "__main__":
    import jax
    _d = setup_inputs()
    print(jax.jit(kernel)(*tuple(_d.values())))

</pallas_src>

<mosaic_0001>
#map = affine_map<(d0, d1) -> (0, 0)>
#map1 = affine_map<(d0, d1) -> (0, 0, 0)>
module attributes {stable_mosaic.version = 14 : i64} {
  func.func @_sc_aggregate(%arg0: i32, %arg1: i32, %arg2: memref<10000x128xf32, #tpu.memory_space<hbm>>, %arg3: memref<320000x128xf32, #tpu.memory_space<hbm>>, %arg4: memref<32x250x40xi32, #tpu.memory_space<hbm>>, %arg5: memref<32x250x40xi32, #tpu.memory_space<hbm>>, %arg6: memref<10240x128xf32, #tpu.memory_space<hbm>>, %arg7: memref<2x10240x128xf32, #tpu.memory_space<hbm>>, %arg8: memref<4x40xi32, #tpu.memory_space<vmem>>, %arg9: memref<4x40xi32, #tpu.memory_space<vmem>>, %arg10: memref<2x40x128xf32, #tpu.memory_space<vmem>>, %arg11: memref<2x40x128xf32, #tpu.memory_space<vmem>>, %arg12: memref<2x40x128xf32, #tpu.memory_space<vmem>>, %arg13: memref<10240x128xf32, #tpu.memory_space<vmem_shared>>, %arg14: memref<!tpu.dma_semaphore, #tpu.memory_space<semaphore_mem>>, %arg15: memref<!tpu.dma_semaphore, #tpu.memory_space<semaphore_mem>>, %arg16: memref<!tpu.dma_semaphore, #tpu.memory_space<semaphore_mem>>, %arg17: memref<!tpu.dma_semaphore, #tpu.memory_space<semaphore_mem>>, %arg18: memref<!tpu.dma_semaphore, #tpu.memory_space<semaphore_mem>>, %arg19: memref<!tpu.dma_semaphore, #tpu.memory_space<semaphore_mem>>, %arg20: memref<!tpu.dma_semaphore, #tpu.memory_space<semaphore_mem>>, %arg21: memref<!tpu.dma_semaphore, #tpu.memory_space<semaphore_mem>>, %arg22: memref<!tpu.dma_semaphore, #tpu.memory_space<semaphore_mem>>, %arg23: memref<!tpu.dma_semaphore, #tpu.memory_space<semaphore_mem>>) attributes {dimension_semantics = [#tpu.dimension_semantics<core_parallel>, #tpu.dimension_semantics<subcore_parallel>], iteration_bounds = array<i64: 2, 16>, scalar_prefetch = 0 : i64, scratch_operands = 16 : i64, tpu.core_type = #tpu.core_type<sc_vector_subcore>, window_params = [{transform_indices = #map}, {transform_indices = #map}, {transform_indices = #map1}, {transform_indices = #map1}, {transform_indices = #map}, {transform_indices = #map1}]} {
    %mul3A = arith.constant 16 : i32
    %mul3A_0 = arith.muli %arg0, %mul3A : i32
    %add3A = arith.addi %mul3A_0, %arg1 : i32
    %mul3A_1 = arith.constant 640 : i32
    %mul3A_2 = arith.muli %arg1, %mul3A_1 : i32
    "tpu.region"() ({
      %run_scoped3A_201 = tpu.sem_alloc : memref<!tpu.dma_semaphore, #tpu.memory_space<semaphore_mem>>
      %dma_start3A_202 = arith.constant 0 : i32
      %dma_start3A_203 = tpu.memref_slice %arg13[%mul3A_2, %dma_start3A_202] : memref<10240x128xf32, #tpu.memory_space<vmem_shared>> -> memref<640x128xf32, #tpu.memory_space<vmem_shared>>
      %dma_start3A_204 = arith.constant 0 : i32
      %dma_start3A_205 = tpu.memref_slice %arg6[%mul3A_2, %dma_start3A_204] : memref<10240x128xf32, #tpu.memory_space<hbm>> -> memref<640x128xf32, #tpu.memory_space<hbm>>
      tpu.enqueue_dma source(%dma_start3A_205 : memref<640x128xf32, #tpu.memory_space<hbm>>) target(%dma_start3A_203 : memref<640x128xf32, #tpu.memory_space<vmem_shared>>) target_semaphore(%run_scoped3A_201 : memref<!tpu.dma_semaphore, #tpu.memory_space<semaphore_mem>>)
      %dma_wait3A_206 = arith.constant 0 : i32
      %dma_wait3A_207 = tpu.memref_slice %arg13[%mul3A_2, %dma_wait3A_206] : memref<10240x128xf32, #tpu.memory_space<vmem_shared>> -> memref<640x128xf32, #tpu.memory_space<vmem_shared>>
      %dma_wait3A_208 = arith.constant 0 : i32
      %dma_wait3A_209 = tpu.memref_slice %arg6[%mul3A_2, %dma_wait3A_208] : memref<10240x128xf32, #tpu.memory_space<hbm>> -> memref<640x128xf32, #tpu.memory_space<hbm>>
      tpu.wait_dma2 semaphore(%run_scoped3A_201 : memref<!tpu.dma_semaphore, #tpu.memory_space<semaphore_mem>>) src(%dma_wait3A_209 : memref<640x128xf32, #tpu.memory_space<hbm>>) dst(%dma_wait3A_207 : memref<640x128xf32, #tpu.memory_space<vmem_shared>>)
      tpu.yield
    }) : () -> ()
    %barrier3A = arith.constant 0 : index
    tpu.barrier barrier_id(%barrier3A)
    %mul3A_3 = arith.constant 10000 : i32
    %mul3A_4 = arith.muli %add3A, %mul3A_3 : i32
    %run_scoped3A = arith.constant 0 : i32
    %run_scoped3A_5 = arith.constant 0 : i32
    "tpu.region"() ({
      %run_scoped3A_201 = tpu.sem_alloc : memref<!tpu.dma_semaphore, #tpu.memory_space<semaphore_mem>>
      %dma_start3A_202 = arith.constant 0 : i32
      %dma_start3A_203 = tpu.memref_slice %arg8[%run_scoped3A_5, %dma_start3A_202] : memref<4x40xi32, #tpu.memory_space<vmem>> -> memref<1x40xi32, #tpu.memory_space<vmem>>
      %dma_start3A_204 = tpu.memref_squeeze %dma_start3A_203 : memref<1x40xi32, #tpu.memory_space<vmem>> -> memref<40xi32, #tpu.memory_space<vmem>>
      %dma_start3A_205 = arith.constant 0 : i32
      %dma_start3A_206 = tpu.memref_slice %arg5[%add3A, %run_scoped3A, %dma_start3A_205] : memref<32x250x40xi32, #tpu.memory_space<hbm>> -> memref<1x1x40xi32, #tpu.memory_space<hbm>>
      %dma_start3A_207 = tpu.memref_squeeze %dma_start3A_206 : memref<1x1x40xi32, #tpu.memory_space<hbm>> -> memref<40xi32, #tpu.memory_space<hbm>>
      %dma_start3A_208 = arith.constant 0 : i32
      %dma_start3A_209 = tpu.memref_slice %arg8[%run_scoped3A_5, %dma_start3A_208] : memref<4x40xi32, #tpu.memory_space<vmem>> -> memref<1x40xi32, #tpu.memory_space<vmem>>
      %dma_start3A_210 = tpu.memref_squeeze %dma_start3A_209 : memref<1x40xi32, #tpu.memory_space<vmem>> -> memref<40xi32, #tpu.memory_space<vmem>>
      %dma_start3A_211 = arith.constant 0 : i32
      %dma_start3A_212 = tpu.memref_slice %arg5[%add3A, %run_scoped3A, %dma_start3A_211] : memref<32x250x40xi32, #tpu.memory_space<hbm>> -> memref<1x1x40xi32, #tpu.memory_space<hbm>>
      %dma_start3A_213 = tpu.memref_squeeze %dma_start3A_212 : memref<1x1x40xi32, #tpu.memory_space<hbm>> -> memref<40xi32, #tpu.memory_space<hbm>>
      tpu.enqueue_dma source(%dma_start3A_213 : memref<40xi32, #tpu.memory_space<hbm>>) target(%dma_start3A_210 : memref<40xi32, #tpu.memory_space<vmem>>) target_semaphore(%run_scoped3A_201 : memref<!tpu.dma_semaphore, #tpu.memory_space<semaphore_mem>>)
      %dma_wait3A_214 = arith.constant 0 : i32
      %dma_wait3A_215 = tpu.memref_slice %arg8[%run_scoped3A_5, %dma_wait3A_214] : memref<4x40xi32, #tpu.memory_space<vmem>> -> memref<1x40xi32, #tpu.memory_space<vmem>>
      %dma_wait3A_216 = tpu.memref_squeeze %dma_wait3A_215 : memref<1x40xi32, #tpu.memory_space<vmem>> -> memref<40xi32, #tpu.memory_space<vmem>>
      %dma_wait3A_217 = arith.constant 0 : i32
      %dma_wait3A_218 = tpu.memref_slice %arg5[%add3A, %run_scoped3A, %dma_wait3A_217] : memref<32x250x40xi32, #tpu.memory_space<hbm>> -> memref<1x1x40xi32, #tpu.memory_space<hbm>>
      %dma_wait3A_219 = tpu.memref_squeeze %dma_wait3A_218 : memref<1x1x40xi32, #tpu.memory_space<hbm>> -> memref<40xi32, #tpu.memory_space<hbm>>
      %dma_wait3A_220 = arith.constant 0 : i32
      %dma_wait3A_221 = tpu.memref_slice %arg8[%run_scoped3A_5, %dma_wait3A_220] : memref<4x40xi32, #tpu.memory_space<vmem>> -> memref<1x40xi32, #tpu.memory_space<vmem>>
      %dma_wait3A_222 = tpu.memref_squeeze %dma_wait3A_221 : memref<1x40xi32, #tpu.memory_space<vmem>> -> memref<40xi32, #tpu.memory_space<vmem>>
      %dma_wait3A_223 = arith.constant 0 : i32
      %dma_wait3A_224 = tpu.memref_slice %arg5[%add3A, %run_scoped3A, %dma_wait3A_223] : memref<32x250x40xi32, #tpu.memory_space<hbm>> -> memref<1x1x40xi32, #tpu.memory_space<hbm>>
      %dma_wait3A_225 = tpu.memref_squeeze %dma_wait3A_224 : memref<1x1x40xi32, #tpu.memory_space<hbm>> -> memref<40xi32, #tpu.memory_space<hbm>>
      tpu.wait_dma2 semaphore(%run_scoped3A_201 : memref<!tpu.dma_semaphore, #tpu.memory_space<semaphore_mem>>) src(%dma_wait3A_225 : memref<40xi32, #tpu.memory_space<hbm>>) dst(%dma_wait3A_222 : memref<40xi32, #tpu.memory_space<vmem>>)
      tpu.yield
    }) : () -> ()
    %run_scoped3A_6 = arith.constant 0 : i32
    %run_scoped3A_7 = arith.constant 0 : i32
    "tpu.region"() ({
      %run_scoped3A_201 = tpu.sem_alloc : memref<!tpu.dma_semaphore, #tpu.memory_space<semaphore_mem>>
      %dma_start3A_202 = arith.constant 0 : i32
      %dma_start3A_203 = tpu.memref_slice %arg9[%run_scoped3A_7, %dma_start3A_202] : memref<4x40xi32, #tpu.memory_space<vmem>> -> memref<1x40xi32, #tpu.memory_space<vmem>>
      %dma_start3A_204 = tpu.memref_squeeze %dma_start3A_203 : memref<1x40xi32, #tpu.memory_space<vmem>> -> memref<40xi32, #tpu.memory_space<vmem>>
      %dma_start3A_205 = arith.constant 0 : i32
      %dma_start3A_206 = tpu.memref_slice %arg4[%add3A, %run_scoped3A_6, %dma_start3A_205] : memref<32x250x40xi32, #tpu.memory_space<hbm>> -> memref<1x1x40xi32, #tpu.memory_space<hbm>>
      %dma_start3A_207 = tpu.memref_squeeze %dma_start3A_206 : memref<1x1x40xi32, #tpu.memory_space<hbm>> -> memref<40xi32, #tpu.memory_space<hbm>>
      %dma_start3A_208 = arith.constant 0 : i32
      %dma_start3A_209 = tpu.memref_slice %arg9[%run_scoped3A_7, %dma_start3A_208] : memref<4x40xi32, #tpu.memory_space<vmem>> -> memref<1x40xi32, #tpu.memory_space<vmem>>
      %dma_start3A_210 = tpu.memref_squeeze %dma_start3A_209 : memref<1x40xi32, #tpu.memory_space<vmem>> -> memref<40xi32, #tpu.memory_space<vmem>>
      %dma_start3A_211 = arith.constant 0 : i32
      %dma_start3A_212 = tpu.memref_slice %arg4[%add3A, %run_scoped3A_6, %dma_start3A_211] : memref<32x250x40xi32, #tpu.memory_space<hbm>> -> memref<1x1x40xi32, #tpu.memory_space<hbm>>
      %dma_start3A_213 = tpu.memref_squeeze %dma_start3A_212 : memref<1x1x40xi32, #tpu.memory_space<hbm>> -> memref<40xi32, #tpu.memory_space<hbm>>
      tpu.enqueue_dma source(%dma_start3A_213 : memref<40xi32, #tpu.memory_space<hbm>>) target(%dma_start3A_210 : memref<40xi32, #tpu.memory_space<vmem>>) target_semaphore(%run_scoped3A_201 : memref<!tpu.dma_semaphore, #tpu.memory_space<semaphore_mem>>)
      %dma_wait3A_214 = arith.constant 0 : i32
      %dma_wait3A_215 = tpu.memref_slice %arg9[%run_scoped3A_7, %dma_wait3A_214] : memref<4x40xi32, #tpu.memory_space<vmem>> -> memref<1x40xi32, #tpu.memory_space<vmem>>
      %dma_wait3A_216 = tpu.memref_squeeze %dma_wait3A_215 : memref<1x40xi32, #tpu.memory_space<vmem>> -> memref<40xi32, #tpu.memory_space<vmem>>
      %dma_wait3A_217 = arith.constant 0 : i32
      %dma_wait3A_218 = tpu.memref_slice %arg4[%add3A, %run_scoped3A_6, %dma_wait3A_217] : memref<32x250x40xi32, #tpu.memory_space<hbm>> -> memref<1x1x40xi32, #tpu.memory_space<hbm>>
      %dma_wait3A_219 = tpu.memref_squeeze %dma_wait3A_218 : memref<1x1x40xi32, #tpu.memory_space<hbm>> -> memref<40xi32, #tpu.memory_space<hbm>>
      %dma_wait3A_220 = arith.constant 0 : i32
      %dma_wait3A_221 = tpu.memref_slice %arg9[%run_scoped3A_7, %dma_wait3A_220] : memref<4x40xi32, #tpu.memory_space<vmem>> -> memref<1x40xi32, #tpu.memory_space<vmem>>
      %dma_wait3A_222 = tpu.memref_squeeze %dma_wait3A_221 : memref<1x40xi32, #tpu.memory_space<vmem>> -> memref<40xi32, #tpu.memory_space<vmem>>
      %dma_wait3A_223 = arith.constant 0 : i32
      %dma_wait3A_224 = tpu.memref_slice %arg4[%add3A, %run_scoped3A_6, %dma_wait3A_223] : memref<32x250x40xi32, #tpu.memory_space<hbm>> -> memref<1x1x40xi32, #tpu.memory_space<hbm>>
      %dma_wait3A_225 = tpu.memref_squeeze %dma_wait3A_224 : memref<1x1x40xi32, #tpu.memory_space<hbm>> -> memref<40xi32, #tpu.memory_space<hbm>>
      tpu.wait_dma2 semaphore(%run_scoped3A_201 : memref<!tpu.dma_semaphore, #tpu.memory_space<semaphore_mem>>) src(%dma_wait3A_225 : memref<40xi32, #tpu.memory_space<hbm>>) dst(%dma_wait3A_222 : memref<40xi32, #tpu.memory_space<vmem>>)
      tpu.yield
    }) : () -> ()
    %dma_start3A = arith.constant 0 : i32
    %dma_start3A_8 = arith.constant 0 : i32
    %dma_start3A_9 = arith.constant 0 : i32
    %dma_start3A_10 = arith.constant 0 : i32
    %dma_start3A_11 = tpu.memref_slice %arg10[%dma_start3A_8, %dma_start3A_9, %dma_start3A_10] : memref<2x40x128xf32, #tpu.memory_space<vmem>> -> memref<1x40x128xf32, #tpu.memory_space<vmem>>
    %dma_start3A_12 = tpu.memref_squeeze %dma_start3A_11 : memref<1x40x128xf32, #tpu.memory_space<vmem>> -> memref<40x128xf32, #tpu.memory_space<vmem>>
    %dma_start3A_13 = arith.constant 0 : i32
    %dma_start3A_14 = tpu.memref_slice %arg8[%dma_start3A, %dma_start3A_13] : memref<4x40xi32, #tpu.memory_space<vmem>> -> memref<1x40xi32, #tpu.memory_space<vmem>>
    %dma_start3A_15 = tpu.memref_squeeze %dma_start3A_14 : memref<1x40xi32, #tpu.memory_space<vmem>> -> memref<40xi32, #tpu.memory_space<vmem>>
    %dma_start3A_16 = arith.constant 0 : i32
    %dma_start3A_17 = arith.constant 0 : i32
    %dma_start3A_18 = tpu.memref_slice %arg2[%dma_start3A_16, %dma_start3A_17] : memref<10000x128xf32, #tpu.memory_space<hbm>> -> memref<10000x128xf32, #tpu.memory_space<hbm>>
    tpu.enqueue_indirect_dma source(%dma_start3A_18 : memref<10000x128xf32, #tpu.memory_space<hbm>>) target(%dma_start3A_12 : memref<40x128xf32, #tpu.memory_space<vmem>>) offsets(%dma_start3A_15 : memref<40xi32, #tpu.memory_space<vmem>>) semaphore(%arg14 : memref<!tpu.dma_semaphore, #tpu.memory_space<semaphore_mem>>)
    %add3A_19 = arith.constant 0 : i32
    %add3A_20 = arith.addi %mul3A_4, %add3A_19 : i32
    %dma_start3A_21 = arith.constant 0 : i32
    %dma_start3A_22 = arith.constant 0 : i32
    %dma_start3A_23 = arith.constant 0 : i32
    %dma_start3A_24 = tpu.memref_slice %arg11[%dma_start3A_21, %dma_start3A_22, %dma_start3A_23] : memref<2x40x128xf32, #tpu.memory_space<vmem>> -> memref<1x40x128xf32, #tpu.memory_space<vmem>>
    %dma_start3A_25 = tpu.memref_squeeze %dma_start3A_24 : memref<1x40x128xf32, #tpu.memory_space<vmem>> -> memref<40x128xf32, #tpu.memory_space<vmem>>
    %dma_start3A_26 = arith.constant 0 : i32
    %dma_start3A_27 = tpu.memref_slice %arg3[%add3A_20, %dma_start3A_26] : memref<320000x128xf32, #tpu.memory_space<hbm>> -> memref<40x128xf32, #tpu.memory_space<hbm>>
    %dma_start3A_28 = arith.constant 0 : i32
    %dma_start3A_29 = arith.constant 0 : i32
    %dma_start3A_30 = tpu.memref_slice %arg11[%dma_start3A_21, %dma_start3A_28, %dma_start3A_29] : memref<2x40x128xf32, #tpu.memory_space<vmem>> -> memref<1x40x128xf32, #tpu.memory_space<vmem>>
    %dma_start3A_31 = tpu.memref_squeeze %dma_start3A_30 : memref<1x40x128xf32, #tpu.memory_space<vmem>> -> memref<40x128xf32, #tpu.memory_space<vmem>>
    %dma_start3A_32 = arith.constant 0 : i32
    %dma_start3A_33 = tpu.memref_slice %arg3[%add3A_20, %dma_start3A_32] : memref<320000x128xf32, #tpu.memory_space<hbm>> -> memref<40x128xf32, #tpu.memory_space<hbm>>
    tpu.enqueue_dma source(%dma_start3A_33 : memref<40x128xf32, #tpu.memory_space<hbm>>) target(%dma_start3A_31 : memref<40x128xf32, #tpu.memory_space<vmem>>) target_semaphore(%arg16 : memref<!tpu.dma_semaphore, #tpu.memory_space<semaphore_mem>>)
    %run_scoped3A_34 = arith.constant 1 : i32
    %run_scoped3A_35 = arith.constant 1 : i32
    "tpu.region"() ({
      %run_scoped3A_201 = tpu.sem_alloc : memref<!tpu.dma_semaphore, #tpu.memory_space<semaphore_mem>>
      %dma_start3A_202 = arith.constant 0 : i32
      %dma_start3A_203 = tpu.memref_slice %arg8[%run_scoped3A_35, %dma_start3A_202] : memref<4x40xi32, #tpu.memory_space<vmem>> -> memref<1x40xi32, #tpu.memory_space<vmem>>
      %dma_start3A_204 = tpu.memref_squeeze %dma_start3A_203 : memref<1x40xi32, #tpu.memory_space<vmem>> -> memref<40xi32, #tpu.memory_space<vmem>>
      %dma_start3A_205 = arith.constant 0 : i32
      %dma_start3A_206 = tpu.memref_slice %arg5[%add3A, %run_scoped3A_34, %dma_start3A_205] : memref<32x250x40xi32, #tpu.memory_space<hbm>> -> memref<1x1x40xi32, #tpu.memory_space<hbm>>
      %dma_start3A_207 = tpu.memref_squeeze %dma_start3A_206 : memref<1x1x40xi32, #tpu.memory_space<hbm>> -> memref<40xi32, #tpu.memory_space<hbm>>
      %dma_start3A_208 = arith.constant 0 : i32
      %dma_start3A_209 = tpu.memref_slice %arg8[%run_scoped3A_35, %dma_start3A_208] : memref<4x40xi32, #tpu.memory_space<vmem>> -> memref<1x40xi32, #tpu.memory_space<vmem>>
      %dma_start3A_210 = tpu.memref_squeeze %dma_start3A_209 : memref<1x40xi32, #tpu.memory_space<vmem>> -> memref<40xi32, #tpu.memory_space<vmem>>
      %dma_start3A_211 = arith.constant 0 : i32
      %dma_start3A_212 = tpu.memref_slice %arg5[%add3A, %run_scoped3A_34, %dma_start3A_211] : memref<32x250x40xi32, #tpu.memory_space<hbm>> -> memref<1x1x40xi32, #tpu.memory_space<hbm>>
      %dma_start3A_213 = tpu.memref_squeeze %dma_start3A_212 : memref<1x1x40xi32, #tpu.memory_space<hbm>> -> memref<40xi32, #tpu.memory_space<hbm>>
      tpu.enqueue_dma source(%dma_start3A_213 : memref<40xi32, #tpu.memory_space<hbm>>) target(%dma_start3A_210 : memref<40xi32, #tpu.memory_space<vmem>>) target_semaphore(%run_scoped3A_201 : memref<!tpu.dma_semaphore, #tpu.memory_space<semaphore_mem>>)
      %dma_wait3A_214 = arith.constant 0 : i32
      %dma_wait3A_215 = tpu.memref_slice %arg8[%run_scoped3A_35, %dma_wait3A_214] : memref<4x40xi32, #tpu.memory_space<vmem>> -> memref<1x40xi32, #tpu.memory_space<vmem>>
      %dma_wait3A_216 = tpu.memref_squeeze %dma_wait3A_215 : memref<1x40xi32, #tpu.memory_space<vmem>> -> memref<40xi32, #tpu.memory_space<vmem>>
      %dma_wait3A_217 = arith.constant 0 : i32
      %dma_wait3A_218 = tpu.memref_slice %arg5[%add3A, %run_scoped3A_34, %dma_wait3A_217] : memref<32x250x40xi32, #tpu.memory_space<hbm>> -> memref<1x1x40xi32, #tpu.memory_space<hbm>>
      %dma_wait3A_219 = tpu.memref_squeeze %dma_wait3A_218 : memref<1x1x40xi32, #tpu.memory_space<hbm>> -> memref<40xi32, #tpu.memory_space<hbm>>
      %dma_wait3A_220 = arith.constant 0 : i32
      %dma_wait3A_221 = tpu.memref_slice %arg8[%run_scoped3A_35, %dma_wait3A_220] : memref<4x40xi32, #tpu.memory_space<vmem>> -> memref<1x40xi32, #tpu.memory_space<vmem>>
      %dma_wait3A_222 = tpu.memref_squeeze %dma_wait3A_221 : memref<1x40xi32, #tpu.memory_space<vmem>> -> memref<40xi32, #tpu.memory_space<vmem>>
      %dma_wait3A_223 = arith.constant 0 : i32
      %dma_wait3A_224 = tpu.memref_slice %arg5[%add3A, %run_scoped3A_34, %dma_wait3A_223] : memref<32x250x40xi32, #tpu.memory_space<hbm>> -> memref<1x1x40xi32, #tpu.memory_space<hbm>>
      %dma_wait3A_225 = tpu.memref_squeeze %dma_wait3A_224 : memref<1x1x40xi32, #tpu.memory_space<hbm>> -> memref<40xi32, #tpu.memory_space<hbm>>
      tpu.wait_dma2 semaphore(%run_scoped3A_201 : memref<!tpu.dma_semaphore, #tpu.memory_space<semaphore_mem>>) src(%dma_wait3A_225 : memref<40xi32, #tpu.memory_space<hbm>>) dst(%dma_wait3A_222 : memref<40xi32, #tpu.memory_space<vmem>>)
      tpu.yield
    }) : () -> ()
    %run_scoped3A_36 = arith.constant 1 : i32
    %run_scoped3A_37 = arith.constant 1 : i32
    "tpu.region"() ({
      %run_scoped3A_201 = tpu.sem_alloc : memref<!tpu.dma_semaphore, #tpu.memory_space<semaphore_mem>>
      %dma_start3A_202 = arith.constant 0 : i32
      %dma_start3A_203 = tpu.memref_slice %arg9[%run_scoped3A_37, %dma_start3A_202] : memref<4x40xi32, #tpu.memory_space<vmem>> -> memref<1x40xi32, #tpu.memory_space<vmem>>
      %dma_start3A_204 = tpu.memref_squeeze %dma_start3A_203 : memref<1x40xi32, #tpu.memory_space<vmem>> -> memref<40xi32, #tpu.memory_space<vmem>>
      %dma_start3A_205 = arith.constant 0 : i32
      %dma_start3A_206 = tpu.memref_slice %arg4[%add3A, %run_scoped3A_36, %dma_start3A_205] : memref<32x250x40xi32, #tpu.memory_space<hbm>> -> memref<1x1x40xi32, #tpu.memory_space<hbm>>
      %dma_start3A_207 = tpu.memref_squeeze %dma_start3A_206 : memref<1x1x40xi32, #tpu.memory_space<hbm>> -> memref<40xi32, #tpu.memory_space<hbm>>
      %dma_start3A_208 = arith.constant 0 : i32
      %dma_start3A_209 = tpu.memref_slice %arg9[%run_scoped3A_37, %dma_start3A_208] : memref<4x40xi32, #tpu.memory_space<vmem>> -> memref<1x40xi32, #tpu.memory_space<vmem>>
      %dma_start3A_210 = tpu.memref_squeeze %dma_start3A_209 : memref<1x40xi32, #tpu.memory_space<vmem>> -> memref<40xi32, #tpu.memory_space<vmem>>
      %dma_start3A_211 = arith.constant 0 : i32
      %dma_start3A_212 = tpu.memref_slice %arg4[%add3A, %run_scoped3A_36, %dma_start3A_211] : memref<32x250x40xi32, #tpu.memory_space<hbm>> -> memref<1x1x40xi32, #tpu.memory_space<hbm>>
      %dma_start3A_213 = tpu.memref_squeeze %dma_start3A_212 : memref<1x1x40xi32, #tpu.memory_space<hbm>> -> memref<40xi32, #tpu.memory_space<hbm>>
      tpu.enqueue_dma source(%dma_start3A_213 : memref<40xi32, #tpu.memory_space<hbm>>) target(%dma_start3A_210 : memref<40xi32, #tpu.memory_space<vmem>>) target_semaphore(%run_scoped3A_201 : memref<!tpu.dma_semaphore, #tpu.memory_space<semaphore_mem>>)
      %dma_wait3A_214 = arith.constant 0 : i32
      %dma_wait3A_215 = tpu.memref_slice %arg9[%run_scoped3A_37, %dma_wait3A_214] : memref<4x40xi32, #tpu.memory_space<vmem>> -> memref<1x40xi32, #tpu.memory_space<vmem>>
      %dma_wait3A_216 = tpu.memref_squeeze %dma_wait3A_215 : memref<1x40xi32, #tpu.memory_space<vmem>> -> memref<40xi32, #tpu.memory_space<vmem>>
      %dma_wait3A_217 = arith.constant 0 : i32
      %dma_wait3A_218 = tpu.memref_slice %arg4[%add3A, %run_scoped3A_36, %dma_wait3A_217] : memref<32x250x40xi32, #tpu.memory_space<hbm>> -> memref<1x1x40xi32, #tpu.memory_space<hbm>>
      %dma_wait3A_219 = tpu.memref_squeeze %dma_wait3A_218 : memref<1x1x40xi32, #tpu.memory_space<hbm>> -> memref<40xi32, #tpu.memory_space<hbm>>
      %dma_wait3A_220 = arith.constant 0 : i32
      %dma_wait3A_221 = tpu.memref_slice %arg9[%run_scoped3A_37, %dma_wait3A_220] : memref<4x40xi32, #tpu.memory_space<vmem>> -> memref<1x40xi32, #tpu.memory_space<vmem>>
      %dma_wait3A_222 = tpu.memref_squeeze %dma_wait3A_221 : memref<1x40xi32, #tpu.memory_space<vmem>> -> memref<40xi32, #tpu.memory_space<vmem>>
      %dma_wait3A_223 = arith.constant 0 : i32
      %dma_wait3A_224 = tpu.memref_slice %arg4[%add3A, %run_scoped3A_36, %dma_wait3A_223] : memref<32x250x40xi32, #tpu.memory_space<hbm>> -> memref<1x1x40xi32, #tpu.memory_space<hbm>>
      %dma_wait3A_225 = tpu.memref_squeeze %dma_wait3A_224 : memref<1x1x40xi32, #tpu.memory_space<hbm>> -> memref<40xi32, #tpu.memory_space<hbm>>
      tpu.wait_dma2 semaphore(%run_scoped3A_201 : memref<!tpu.dma_semaphore, #tpu.memory_space<semaphore_mem>>) src(%dma_wait3A_225 : memref<40xi32, #tpu.memory_space<hbm>>) dst(%dma_wait3A_222 : memref<40xi32, #tpu.memory_space<vmem>>)
      tpu.yield
    }) : () -> ()
    %dma_start3A_38 = arith.constant 1 : i32
    %dma_start3A_39 = arith.constant 1 : i32
    %dma_start3A_40 = arith.constant 0 : i32
    %dma_start3A_41 = arith.constant 0 : i32
    %dma_start3A_42 = tpu.memref_slice %arg10[%dma_start3A_39, %dma_start3A_40, %dma_start3A_41] : memref<2x40x128xf32, #tpu.memory_space<vmem>> -> memref<1x40x128xf32, #tpu.memory_space<vmem>>
    %dma_start3A_43 = tpu.memref_squeeze %dma_start3A_42 : memref<1x40x128xf32, #tpu.memory_space<vmem>> -> memref<40x128xf32, #tpu.memory_space<vmem>>
    %dma_start3A_44 = arith.constant 0 : i32
    %dma_start3A_45 = tpu.memref_slice %arg8[%dma_start3A_38, %dma_start3A_44] : memref<4x40xi32, #tpu.memory_space<vmem>> -> memref<1x40xi32, #tpu.memory_space<vmem>>
    %dma_start3A_46 = tpu.memref_squeeze %dma_start3A_45 : memref<1x40xi32, #tpu.memory_space<vmem>> -> memref<40xi32, #tpu.memory_space<vmem>>
    %dma_start3A_47 = arith.constant 0 : i32
    %dma_start3A_48 = arith.constant 0 : i32
    %dma_start3A_49 = tpu.memref_slice %arg2[%dma_start3A_47, %dma_start3A_48] : memref<10000x128xf32, #tpu.memory_space<hbm>> -> memref<10000x128xf32, #tpu.memory_space<hbm>>
    tpu.enqueue_indirect_dma source(%dma_start3A_49 : memref<10000x128xf32, #tpu.memory_space<hbm>>) target(%dma_start3A_43 : memref<40x128xf32, #tpu.memory_space<vmem>>) offsets(%dma_start3A_46 : memref<40xi32, #tpu.memory_space<vmem>>) semaphore(%arg15 : memref<!tpu.dma_semaphore, #tpu.memory_space<semaphore_mem>>)
    %add3A_50 = arith.constant 40 : i32
    %add3A_51 = arith.addi %mul3A_4, %add3A_50 : i32
    %dma_start3A_52 = arith.constant 1 : i32
    %dma_start3A_53 = arith.constant 0 : i32
    %dma_start3A_54 = arith.constant 0 : i32
    %dma_start3A_55 = tpu.memref_slice %arg11[%dma_start3A_52, %dma_start3A_53, %dma_start3A_54] : memref<2x40x128xf32, #tpu.memory_space<vmem>> -> memref<1x40x128xf32, #tpu.memory_space<vmem>>
    %dma_start3A_56 = tpu.memref_squeeze %dma_start3A_55 : memref<1x40x128xf32, #tpu.memory_space<vmem>> -> memref<40x128xf32, #tpu.memory_space<vmem>>
    %dma_start3A_57 = arith.constant 0 : i32
    %dma_start3A_58 = tpu.memref_slice %arg3[%add3A_51, %dma_start3A_57] : memref<320000x128xf32, #tpu.memory_space<hbm>> -> memref<40x128xf32, #tpu.memory_space<hbm>>
    %dma_start3A_59 = arith.constant 0 : i32
    %dma_start3A_60 = arith.constant 0 : i32
    %dma_start3A_61 = tpu.memref_slice %arg11[%dma_start3A_52, %dma_start3A_59, %dma_start3A_60] : memref<2x40x128xf32, #tpu.memory_space<vmem>> -> memref<1x40x128xf32, #tpu.memory_space<vmem>>
    %dma_start3A_62 = tpu.memref_squeeze %dma_start3A_61 : memref<1x40x128xf32, #tpu.memory_space<vmem>> -> memref<40x128xf32, #tpu.memory_space<vmem>>
    %dma_start3A_63 = arith.constant 0 : i32
    %dma_start3A_64 = tpu.memref_slice %arg3[%add3A_51, %dma_start3A_63] : memref<320000x128xf32, #tpu.memory_space<hbm>> -> memref<40x128xf32, #tpu.memory_space<hbm>>
    tpu.enqueue_dma source(%dma_start3A_64 : memref<40x128xf32, #tpu.memory_space<hbm>>) target(%dma_start3A_62 : memref<40x128xf32, #tpu.memory_space<vmem>>) target_semaphore(%arg17 : memref<!tpu.dma_semaphore, #tpu.memory_space<semaphore_mem>>)
    %scan3A = arith.constant 0 : i32
    %scan3A_65 = arith.constant 0 : i32
    %scan3A_66 = arith.constant 62 : i32
    %scan3A_67 = arith.addi %scan3A_65, %scan3A_66 : i32
    %scan3A_68 = arith.constant 1 : i32
    scf.for %scan3A_201 = %scan3A_65 to %scan3A_67 step %scan3A_68  : i32 {
      %mul3A_202 = arith.constant 4 : i32
      %mul3A_203 = arith.muli %mul3A_202, %scan3A_201 : i32
      %add3A_204 = arith.constant 0 : i32
      %add3A_205 = arith.addi %mul3A_203, %add3A_204 : i32
      %dma_wait3A_206 = arith.constant 0 : i32
      %dma_wait3A_207 = arith.constant 0 : i32
      %dma_wait3A_208 = arith.constant 0 : i32
      %dma_wait3A_209 = arith.constant 0 : i32
      %dma_wait3A_210 = tpu.memref_slice %arg10[%dma_wait3A_207, %dma_wait3A_208, %dma_wait3A_209] : memref<2x40x128xf32, #tpu.memory_space<vmem>> -> memref<1x40x128xf32, #tpu.memory_space<vmem>>
      %dma_wait3A_211 = tpu.memref_squeeze %dma_wait3A_210 : memref<1x40x128xf32, #tpu.memory_space<vmem>> -> memref<40x128xf32, #tpu.memory_space<vmem>>
      %dma_wait3A_212 = arith.constant 0 : i32
      %dma_wait3A_213 = tpu.memref_slice %arg8[%dma_wait3A_206, %dma_wait3A_212] : memref<4x40xi32, #tpu.memory_space<vmem>> -> memref<1x40xi32, #tpu.memory_space<vmem>>
      %dma_wait3A_214 = tpu.memref_squeeze %dma_wait3A_213 : memref<1x40xi32, #tpu.memory_space<vmem>> -> memref<40xi32, #tpu.memory_space<vmem>>
      %dma_wait3A_215 = arith.constant 0 : i32
      %dma_wait3A_216 = arith.constant 0 : i32
      %dma_wait3A_217 = tpu.memref_slice %arg2[%dma_wait3A_215, %dma_wait3A_216] : memref<10000x128xf32, #tpu.memory_space<hbm>> -> memref<10000x128xf32, #tpu.memory_space<hbm>>
      tpu.wait_indirect_dma semaphore(%arg14 : memref<!tpu.dma_semaphore, #tpu.memory_space<semaphore_mem>>) src(%dma_wait3A_217 : memref<10000x128xf32, #tpu.memory_space<hbm>>) dst(%dma_wait3A_211 : memref<40x128xf32, #tpu.memory_space<vmem>>)
      %mul3A_218 = arith.constant 40 : i32
      %mul3A_219 = arith.muli %add3A_205, %mul3A_218 : i32
      %add3A_220 = arith.addi %mul3A_4, %mul3A_219 : i32
      %dma_wait3A_221 = arith.constant 0 : i32
      %dma_wait3A_222 = arith.constant 0 : i32
      %dma_wait3A_223 = arith.constant 0 : i32
      %dma_wait3A_224 = tpu.memref_slice %arg11[%dma_wait3A_221, %dma_wait3A_222, %dma_wait3A_223] : memref<2x40x128xf32, #tpu.memory_space<vmem>> -> memref<1x40x128xf32, #tpu.memory_space<vmem>>
      %dma_wait3A_225 = tpu.memref_squeeze %dma_wait3A_224 : memref<1x40x128xf32, #tpu.memory_space<vmem>> -> memref<40x128xf32, #tpu.memory_space<vmem>>
      %dma_wait3A_226 = arith.constant 0 : i32
      %dma_wait3A_227 = tpu.memref_slice %arg3[%add3A_220, %dma_wait3A_226] : memref<320000x128xf32, #tpu.memory_space<hbm>> -> memref<40x128xf32, #tpu.memory_space<hbm>>
      %dma_wait3A_228 = arith.constant 0 : i32
      %dma_wait3A_229 = arith.constant 0 : i32
      %dma_wait3A_230 = tpu.memref_slice %arg11[%dma_wait3A_221, %dma_wait3A_228, %dma_wait3A_229] : memref<2x40x128xf32, #tpu.memory_space<vmem>> -> memref<1x40x128xf32, #tpu.memory_space<vmem>>
      %dma_wait3A_231 = tpu.memref_squeeze %dma_wait3A_230 : memref<1x40x128xf32, #tpu.memory_space<vmem>> -> memref<40x128xf32, #tpu.memory_space<vmem>>
      %dma_wait3A_232 = arith.constant 0 : i32
      %dma_wait3A_233 = tpu.memref_slice %arg3[%add3A_220, %dma_wait3A_232] : memref<320000x128xf32, #tpu.memory_space<hbm>> -> memref<40x128xf32, #tpu.memory_space<hbm>>
      tpu.wait_dma2 semaphore(%arg16 : memref<!tpu.dma_semaphore, #tpu.memory_space<semaphore_mem>>) src(%dma_wait3A_233 : memref<40x128xf32, #tpu.memory_space<hbm>>) dst(%dma_wait3A_231 : memref<40x128xf32, #tpu.memory_space<vmem>>)
      %ge3A = arith.constant 2 : i32
      %ge3A_234 = arith.cmpi sge, %add3A_205, %ge3A : i32
      %convert_element_type3A = arith.extui %ge3A_234 : i1 to i32
      %cond3A = arith.constant 0 : i32
      %cond3A_235 = arith.cmpi ne, %convert_element_type3A, %cond3A : i32
      scf.if %cond3A_235 {
        %dma_wait3A_781 = arith.constant 0 : i32
        %dma_wait3A_782 = arith.constant 2 : i32
        %dma_wait3A_783 = arith.constant 0 : i32
        %dma_wait3A_784 = arith.constant 0 : i32
        %dma_wait3A_785 = tpu.memref_slice %arg12[%dma_wait3A_781, %dma_wait3A_783, %dma_wait3A_784] : memref<2x40x128xf32, #tpu.memory_space<vmem>> -> memref<1x40x128xf32, #tpu.memory_space<vmem>>
        %dma_wait3A_786 = tpu.memref_squeeze %dma_wait3A_785 : memref<1x40x128xf32, #tpu.memory_space<vmem>> -> memref<40x128xf32, #tpu.memory_space<vmem>>
        %dma_wait3A_787 = arith.constant 0 : i32
        %dma_wait3A_788 = tpu.memref_slice %arg9[%dma_wait3A_782, %dma_wait3A_787] : memref<4x40xi32, #tpu.memory_space<vmem>> -> memref<1x40xi32, #tpu.memory_space<vmem>>
        %dma_wait3A_789 = tpu.memref_squeeze %dma_wait3A_788 : memref<1x40xi32, #tpu.memory_space<vmem>> -> memref<40xi32, #tpu.memory_space<vmem>>
        %dma_wait3A_790 = arith.constant 0 : i32
        %dma_wait3A_791 = arith.constant 0 : i32
        %dma_wait3A_792 = tpu.memref_slice %arg13[%dma_wait3A_790, %dma_wait3A_791] : memref<10240x128xf32, #tpu.memory_space<vmem_shared>> -> memref<10240x128xf32, #tpu.memory_space<vmem_shared>>
        tpu.wait_indirect_dma semaphore(%arg18 : memref<!tpu.dma_semaphore, #tpu.memory_space<semaphore_mem>>) src(%dma_wait3A_786 : memref<40x128xf32, #tpu.memory_space<vmem>>) dst(%dma_wait3A_792 : memref<10240x128xf32, #tpu.memory_space<vmem_shared>>)
      } else {
      }
      %add3A_236 = arith.constant 2 : i32
      %add3A_237 = arith.addi %add3A_205, %add3A_236 : i32
      %dma_start3A_238 = arith.constant 2 : i32
      %dma_start3A_239 = arith.constant 0 : i32
      %dma_start3A_240 = tpu.memref_slice %arg8[%dma_start3A_238, %dma_start3A_239] : memref<4x40xi32, #tpu.memory_space<vmem>> -> memref<1x40xi32, #tpu.memory_space<vmem>>
      %dma_start3A_241 = tpu.memref_squeeze %dma_start3A_240 : memref<1x40xi32, #tpu.memory_space<vmem>> -> memref<40xi32, #tpu.memory_space<vmem>>
      %dma_start3A_242 = arith.constant 0 : i32
      %dma_start3A_243 = tpu.memref_slice %arg5[%add3A, %add3A_237, %dma_start3A_242] : memref<32x250x40xi32, #tpu.memory_space<hbm>> -> memref<1x1x40xi32, #tpu.memory_space<hbm>>
      %dma_start3A_244 = tpu.memref_squeeze %dma_start3A_243 : memref<1x1x40xi32, #tpu.memory_space<hbm>> -> memref<40xi32, #tpu.memory_space<hbm>>
      %dma_start3A_245 = arith.constant 0 : i32
      %dma_start3A_246 = tpu.memref_slice %arg8[%dma_start3A_238, %dma_start3A_245] : memref<4x40xi32, #tpu.memory_space<vmem>> -> memref<1x40xi32, #tpu.memory_space<vmem>>
      %dma_start3A_247 = tpu.memref_squeeze %dma_start3A_246 : memref<1x40xi32, #tpu.memory_space<vmem>> -> memref<40xi32, #tpu.memory_space<vmem>>
      %dma_start3A_248 = arith.constant 0 : i32
      %dma_start3A_249 = tpu.memref_slice %arg5[%add3A, %add3A_237, %dma_start3A_248] : memref<32x250x40xi32, #tpu.memory_space<hbm>> -> memref<1x1x40xi32, #tpu.memory_space<hbm>>
      %dma_start3A_250 = tpu.memref_squeeze %dma_start3A_249 : memref<1x1x40xi32, #tpu.memory_space<hbm>> -> memref<40xi32, #tpu.memory_space<hbm>>
      tpu.enqueue_dma source(%dma_start3A_250 : memref<40xi32, #tpu.memory_space<hbm>>) target(%dma_start3A_247 : memref<40xi32, #tpu.memory_space<vmem>>) target_semaphore(%arg22 : memref<!tpu.dma_semaphore, #tpu.memory_space<semaphore_mem>>)
      %add3A_251 = arith.constant 2 : i32
      %add3A_252 = arith.addi %add3A_205, %add3A_251 : i32
      %dma_start3A_253 = arith.constant 2 : i32
      %dma_start3A_254 = arith.constant 0 : i32
      %dma_start3A_255 = tpu.memref_slice %arg9[%dma_start3A_253, %dma_start3A_254] : memref<4x40xi32, #tpu.memory_space<vmem>> -> memref<1x40xi32, #tpu.memory_space<vmem>>
      %dma_start3A_256 = tpu.memref_squeeze %dma_start3A_255 : memref<1x40xi32, #tpu.memory_space<vmem>> -> memref<40xi32, #tpu.memory_space<vmem>>
      %dma_start3A_257 = arith.constant 0 : i32
      %dma_start3A_258 = tpu.memref_slice %arg4[%add3A, %add3A_252, %dma_start3A_257] : memref<32x250x40xi32, #tpu.memory_space<hbm>> -> memref<1x1x40xi32, #tpu.memory_space<hbm>>
      %dma_start3A_259 = tpu.memref_squeeze %dma_start3A_258 : memref<1x1x40xi32, #tpu.memory_space<hbm>> -> memref<40xi32, #tpu.memory_space<hbm>>
      %dma_start3A_260 = arith.constant 0 : i32
      %dma_start3A_261 = tpu.memref_slice %arg9[%dma_start3A_253, %dma_start3A_260] : memref<4x40xi32, #tpu.memory_space<vmem>> -> memref<1x40xi32, #tpu.memory_space<vmem>>
      %dma_start3A_262 = tpu.memref_squeeze %dma_start3A_261 : memref<1x40xi32, #tpu.memory_space<vmem>> -> memref<40xi32, #tpu.memory_space<vmem>>
      %dma_start3A_263 = arith.constant 0 : i32
      %dma_start3A_264 = tpu.memref_slice %arg4[%add3A, %add3A_252, %dma_start3A_263] : memref<32x250x40xi32, #tpu.memory_space<hbm>> -> memref<1x1x40xi32, #tpu.memory_space<hbm>>
      %dma_start3A_265 = tpu.memref_squeeze %dma_start3A_264 : memref<1x1x40xi32, #tpu.memory_space<hbm>> -> memref<40xi32, #tpu.memory_space<hbm>>
      tpu.enqueue_dma source(%dma_start3A_265 : memref<40xi32, #tpu.memory_space<hbm>>) target(%dma_start3A_262 : memref<40xi32, #tpu.memory_space<vmem>>) target_semaphore(%arg22 : memref<!tpu.dma_semaphore, #tpu.memory_space<semaphore_mem>>)
      %parallel_loop3A_266 = arith.constant 0 : i32
      %parallel_loop3A_267 = arith.constant 40 : i32
      %parallel_loop3A_268 = arith.constant 1 : i32
      scf.for %parallel_loop3A_781 = %parallel_loop3A_266 to %parallel_loop3A_267 step %parallel_loop3A_268  : i32 {
        %parallel_loop3A_782 = arith.constant 0 : i32
        %parallel_loop3A_783 = arith.index_cast %parallel_loop3A_782 : i32 to index
        %parallel_loop3A_784 = arith.index_cast %parallel_loop3A_781 : i32 to index
        %parallel_loop3A_785 = arith.constant 0 : index
        %parallel_loop3A_786 = tpu.vector_load %arg10[%parallel_loop3A_783, %parallel_loop3A_784, %parallel_loop3A_785] {strides = array<i32>} : memref<2x40x128xf32, #tpu.memory_space<vmem>>, vector<1x1x16xf32>,
        %parallel_loop3A_787 = vector.shape_cast %parallel_loop3A_786 : vector<1x1x16xf32> to vector<16xf32>
        %parallel_loop3A_788 = arith.constant 0 : i32
        %parallel_loop3A_789 = arith.index_cast %parallel_loop3A_788 : i32 to index
        %parallel_loop3A_790 = arith.index_cast %parallel_loop3A_781 : i32 to index
        %parallel_loop3A_791 = arith.constant 0 : index
        %parallel_loop3A_792 = tpu.vector_load %arg11[%parallel_loop3A_789, %parallel_loop3A_790, %parallel_loop3A_791] {strides = array<i32>} : memref<2x40x128xf32, #tpu.memory_space<vmem>>, vector<1x1x16xf32>,
        %parallel_loop3A_793 = vector.shape_cast %parallel_loop3A_792 : vector<1x1x16xf32> to vector<16xf32>
        %parallel_loop3A_794 = arith.mulf %parallel_loop3A_787, %parallel_loop3A_793 : vector<16xf32>
        %parallel_loop3A_795 = arith.constant 0 : i32
        %parallel_loop3A_796 = arith.index_cast %parallel_loop3A_795 : i32 to index
        %parallel_loop3A_797 = arith.index_cast %parallel_loop3A_781 : i32 to index
        %parallel_loop3A_798 = arith.constant 0 : index
        %parallel_loop3A_799 = tpu.vector_load %arg12[%parallel_loop3A_796, %parallel_loop3A_797, %parallel_loop3A_798] {strides = array<i32>} : memref<2x40x128xf32, #tpu.memory_space<vmem>>, vector<1x1x16xf32>,
        %parallel_loop3A_800 = vector.shape_cast %parallel_loop3A_799 : vector<1x1x16xf32> to vector<16xf32>
        %parallel_loop3A_801 = vector.shape_cast %parallel_loop3A_794 : vector<16xf32> to vector<1x1x16xf32>
        tpu.vector_store %arg12[%parallel_loop3A_796, %parallel_loop3A_797, %parallel_loop3A_798], %parallel_loop3A_801 {strides = array<i32>} : memref<2x40x128xf32, #tpu.memory_space<vmem>>, vector<1x1x16xf32>,
        %parallel_loop3A_802 = arith.constant 0 : i32
        %parallel_loop3A_803 = arith.index_cast %parallel_loop3A_802 : i32 to index
        %parallel_loop3A_804 = arith.index_cast %parallel_loop3A_781 : i32 to index
        %parallel_loop3A_805 = arith.constant 16 : index
        %parallel_loop3A_806 = tpu.vector_load %arg10[%parallel_loop3A_803, %parallel_loop3A_804, %parallel_loop3A_805] {strides = array<i32>} : memref<2x40x128xf32, #tpu.memory_space<vmem>>, vector<1x1x16xf32>,
        %parallel_loop3A_807 = vector.shape_cast %parallel_loop3A_806 : vector<1x1x16xf32> to vector<16xf32>
        %parallel_loop3A_808 = arith.constant 0 : i32
        %parallel_loop3A_809 = arith.index_cast %parallel_loop3A_808 : i32 to index
        %parallel_loop3A_810 = arith.index_cast %parallel_loop3A_781 : i32 to index
        %parallel_loop3A_811 = arith.constant 16 : index
        %parallel_loop3A_812 = tpu.vector_load %arg11[%parallel_loop3A_809, %parallel_loop3A_810, %parallel_loop3A_811] {strides = array<i32>} : memref<2x40x128xf32, #tpu.memory_space<vmem>>, vector<1x1x16xf32>,
        %parallel_loop3A_813 = vector.shape_cast %parallel_loop3A_812 : vector<1x1x16xf32> to vector<16xf32>
        %parallel_loop3A_814 = arith.mulf %parallel_loop3A_807, %parallel_loop3A_813 : vector<16xf32>
        %parallel_loop3A_815 = arith.constant 0 : i32
        %parallel_loop3A_816 = arith.index_cast %parallel_loop3A_815 : i32 to index
        %parallel_loop3A_817 = arith.index_cast %parallel_loop3A_781 : i32 to index
        %parallel_loop3A_818 = arith.constant 16 : index
        %parallel_loop3A_819 = tpu.vector_load %arg12[%parallel_loop3A_816, %parallel_loop3A_817, %parallel_loop3A_818] {strides = array<i32>} : memref<2x40x128xf32, #tpu.memory_space<vmem>>, vector<1x1x16xf32>,
        %parallel_loop3A_820 = vector.shape_cast %parallel_loop3A_819 : vector<1x1x16xf32> to vector<16xf32>
        %parallel_loop3A_821 = vector.shape_cast %parallel_loop3A_814 : vector<16xf32> to vector<1x1x16xf32>
        tpu.vector_store %arg12[%parallel_loop3A_816, %parallel_loop3A_817, %parallel_loop3A_818], %parallel_loop3A_821 {strides = array<i32>} : memref<2x40x128xf32, #tpu.memory_space<vmem>>, vector<1x1x16xf32>,
        %parallel_loop3A_822 = arith.constant 0 : i32
        %parallel_loop3A_823 = arith.index_cast %parallel_loop3A_822 : i32 to index
        %parallel_loop3A_824 = arith.index_cast %parallel_loop3A_781 : i32 to index
        %parallel_loop3A_825 = arith.constant 32 : index
        %parallel_loop3A_826 = tpu.vector_load %arg10[%parallel_loop3A_823, %parallel_loop3A_824, %parallel_loop3A_825] {strides = array<i32>} : memref<2x40x128xf32, #tpu.memory_space<vmem>>, vector<1x1x16xf32>,
        %parallel_loop3A_827 = vector.shape_cast %parallel_loop3A_826 : vector<1x1x16xf32> to vector<16xf32>
        %parallel_loop3A_828 = arith.constant 0 : i32
        %parallel_loop3A_829 = arith.index_cast %parallel_loop3A_828 : i32 to index
        %parallel_loop3A_830 = arith.index_cast %parallel_loop3A_781 : i32 to index
        %parallel_loop3A_831 = arith.constant 32 : index
        %parallel_loop3A_832 = tpu.vector_load %arg11[%parallel_loop3A_829, %parallel_loop3A_830, %parallel_loop3A_831] {strides = array<i32>} : memref<2x40x128xf32, #tpu.memory_space<vmem>>, vector<1x1x16xf32>,
        %parallel_loop3A_833 = vector.shape_cast %parallel_loop3A_832 : vector<1x1x16xf32> to vector<16xf32>
        %parallel_loop3A_834 = arith.mulf %parallel_loop3A_827, %parallel_loop3A_833 : vector<16xf32>
        %parallel_loop3A_835 = arith.constant 0 : i32
        %parallel_loop3A_836 = arith.index_cast %parallel_loop3A_835 : i32 to index
        %parallel_loop3A_837 = arith.index_cast %parallel_loop3A_781 : i32 to index
        %parallel_loop3A_838 = arith.constant 32 : index
        %parallel_loop3A_839 = tpu.vector_load %arg12[%parallel_loop3A_836, %parallel_loop3A_837, %parallel_loop3A_838] {strides = array<i32>} : memref<2x40x128xf32, #tpu.memory_space<vmem>>, vector<1x1x16xf32>,
        %parallel_loop3A_840 = vector.shape_cast %parallel_loop3A_839 : vector<1x1x16xf32> to vector<16xf32>
        %parallel_loop3A_841 = vector.shape_cast %parallel_loop3A_834 : vector<16xf32> to vector<1x1x16xf32>
        tpu.vector_store %arg12[%parallel_loop3A_836, %parallel_loop3A_837, %parallel_loop3A_838], %parallel_loop3A_841 {strides = array<i32>} : memref<2x40x128xf32, #tpu.memory_space<vmem>>, vector<1x1x16xf32>,
        %parallel_loop3A_842 = arith.constant 0 : i32
        %parallel_loop3A_843 = arith.index_cast %parallel_loop3A_842 : i32 to index
        %parallel_loop3A_844 = arith.index_cast %parallel_loop3A_781 : i32 to index
        %parallel_loop3A_845 = arith.constant 48 : index
        %parallel_loop3A_846 = tpu.vector_load %arg10[%parallel_loop3A_843, %parallel_loop3A_844, %parallel_loop3A_845] {strides = array<i32>} : memref<2x40x128xf32, #tpu.memory_space<vmem>>, vector<1x1x16xf32>,
        %parallel_loop3A_847 = vector.shape_cast %parallel_loop3A_846 : vector<1x1x16xf32> to vector<16xf32>
        %parallel_loop3A_848 = arith.constant 0 : i32
        %parallel_loop3A_849 = arith.index_cast %parallel_loop3A_848 : i32 to index
        %parallel_loop3A_850 = arith.index_cast %parallel_loop3A_781 : i32 to index
        %parallel_loop3A_851 = arith.constant 48 : index
        %parallel_loop3A_852 = tpu.vector_load %arg11[%parallel_loop3A_849, %parallel_loop3A_850, %parallel_loop3A_851] {strides = array<i32>} : memref<2x40x128xf32, #tpu.memory_space<vmem>>, vector<1x1x16xf32>,
        %parallel_loop3A_853 = vector.shape_cast %parallel_loop3A_852 : vector<1x1x16xf32> to vector<16xf32>
        %parallel_loop3A_854 = arith.mulf %parallel_loop3A_847, %parallel_loop3A_853 : vector<16xf32>
        %parallel_loop3A_855 = arith.constant 0 : i32
        %parallel_loop3A_856 = arith.index_cast %parallel_loop3A_855 : i32 to index
        %parallel_loop3A_857 = arith.index_cast %parallel_loop3A_781 : i32 to index
        %parallel_loop3A_858 = arith.constant 48 : index
        %parallel_loop3A_859 = tpu.vector_load %arg12[%parallel_loop3A_856, %parallel_loop3A_857, %parallel_loop3A_858] {strides = array<i32>} : memref<2x40x128xf32, #tpu.memory_space<vmem>>, vector<1x1x16xf32>,
        %parallel_loop3A_860 = vector.shape_cast %parallel_loop3A_859 : vector<1x1x16xf32> to vector<16xf32>
        %parallel_loop3A_861 = vector.shape_cast %parallel_loop3A_854 : vector<16xf32> to vector<1x1x16xf32>
        tpu.vector_store %arg12[%parallel_loop3A_856, %parallel_loop3A_857, %parallel_loop3A_858], %parallel_loop3A_861 {strides = array<i32>} : memref<2x40x128xf32, #tpu.memory_space<vmem>>, vector<1x1x16xf32>,
        %parallel_loop3A_862 = arith.constant 0 : i32
        %parallel_loop3A_863 = arith.index_cast %parallel_loop3A_862 : i32 to index
        %parallel_loop3A_864 = arith.index_cast %parallel_loop3A_781 : i32 to index
        %parallel_loop3A_865 = arith.constant 64 : index
        %parallel_loop3A_866 = tpu.vector_load %arg10[%parallel_loop3A_863, %parallel_loop3A_864, %parallel_loop3A_865] {strides = array<i32>} : memref<2x40x128xf32, #tpu.memory_space<vmem>>, vector<1x1x16xf32>,
        %parallel_loop3A_867 = vector.shape_cast %parallel_loop3A_866 : vector<1x1x16xf32> to vector<16xf32>
        %parallel_loop3A_868 = arith.constant 0 : i32
        %parallel_loop3A_869 = arith.index_cast %parallel_loop3A_868 : i32 to index
        %parallel_loop3A_870 = arith.index_cast %parallel_loop3A_781 : i32 to index
        %parallel_loop3A_871 = arith.constant 64 : index
        %parallel_loop3A_872 = tpu.vector_load %arg11[%parallel_loop3A_869, %parallel_loop3A_870, %parallel_loop3A_871] {strides = array<i32>} : memref<2x40x128xf32, #tpu.memory_space<vmem>>, vector<1x1x16xf32>,
        %parallel_loop3A_873 = vector.shape_cast %parallel_loop3A_872 : vector<1x1x16xf32> to vector<16xf32>
        %parallel_loop3A_874 = arith.mulf %parallel_loop3A_867, %parallel_loop3A_873 : vector<16xf32>
        %parallel_loop3A_875 = arith.constant 0 : i32
        %parallel_loop3A_876 = arith.index_cast %parallel_loop3A_875 : i32 to index
        %parallel_loop3A_877 = arith.index_cast %parallel_loop3A_781 : i32 to index
        %parallel_loop3A_878 = arith.constant 64 : index
        %parallel_loop3A_879 = tpu.vector_load %arg12[%parallel_loop3A_876, %parallel_loop3A_877, %parallel_loop3A_878] {strides = array<i32>} : memref<2x40x128xf32, #tpu.memory_space<vmem>>, vector<1x1x16xf32>,
        %parallel_loop3A_880 = vector.shape_cast %parallel_loop3A_879 : vector<1x1x16xf32> to vector<16xf32>
        %parallel_loop3A_881 = vector.shape_cast %parallel_loop3A_874 : vector<16xf32> to vector<1x1x16xf32>
        tpu.vector_store %arg12[%parallel_loop3A_876, %parallel_loop3A_877, %parallel_loop3A_878], %parallel_loop3A_881 {strides = array<i32>} : memref<2x40x128xf32, #tpu.memory_space<vmem>>, vector<1x1x16xf32>,
        %parallel_loop3A_882 = arith.constant 0 : i32
        %parallel_loop3A_883 = arith.index_cast %parallel_loop3A_882 : i32 to index
        %parallel_loop3A_884 = arith.index_cast %parallel_loop3A_781 : i32 to index
        %parallel_loop3A_885 = arith.constant 80 : index
        %parallel_loop3A_886 = tpu.vector_load %arg10[%parallel_loop3A_883, %parallel_loop3A_884, %parallel_loop3A_885] {strides = array<i32>} : memref<2x40x128xf32, #tpu.memory_space<vmem>>, vector<1x1x16xf32>,
        %parallel_loop3A_887 = vector.shape_cast %parallel_loop3A_886 : vector<1x1x16xf32> to vector<16xf32>
        %parallel_loop3A_888 = arith.constant 0 : i32
        %parallel_loop3A_889 = arith.index_cast %parallel_loop3A_888 : i32 to index
        %parallel_loop3A_890 = arith.index_cast %parallel_loop3A_781 : i32 to index
        %parallel_loop3A_891 = arith.constant 80 : index
        %parallel_loop3A_892 = tpu.vector_load %arg11[%parallel_loop3A_889, %parallel_loop3A_890, %parallel_loop3A_891] {strides = array<i32>} : memref<2x40x128xf32, #tpu.memory_space<vmem>>, vector<1x1x16xf32>,
        %parallel_loop3A_893 = vector.shape_cast %parallel_loop3A_892 : vector<1x1x16xf32> to vector<16xf32>
        %parallel_loop3A_894 = arith.mulf %parallel_loop3A_887, %parallel_loop3A_893 : vector<16xf32>
        %parallel_loop3A_895 = arith.constant 0 : i32
        %parallel_loop3A_896 = arith.index_cast %parallel_loop3A_895 : i32 to index
        %parallel_loop3A_897 = arith.index_cast %parallel_loop3A_781 : i32 to index
        %parallel_loop3A_898 = arith.constant 80 : index
        %parallel_loop3A_899 = tpu.vector_load %arg12[%parallel_loop3A_896, %parallel_loop3A_897, %parallel_loop3A_898] {strides = array<i32>} : memref<2x40x128xf32, #tpu.memory_space<vmem>>, vector<1x1x16xf32>,
        %parallel_loop3A_900 = vector.shape_cast %parallel_loop3A_899 : vector<1x1x16xf32> to vector<16xf32>
        %parallel_loop3A_901 = vector.shape_cast %parallel_loop3A_894 : vector<16xf32> to vector<1x1x16xf32>
        tpu.vector_store %arg12[%parallel_loop3A_896, %parallel_loop3A_897, %parallel_loop3A_898], %parallel_loop3A_901 {strides = array<i32>} : memref<2x40x128xf32, #tpu.memory_space<vmem>>, vector<1x1x16xf32>,
        %parallel_loop3A_902 = arith.constant 0 : i32
        %parallel_loop3A_903 = arith.index_cast %parallel_loop3A_902 : i32 to index
        %parallel_loop3A_904 = arith.index_cast %parallel_loop3A_781 : i32 to index
        %parallel_loop3A_905 = arith.constant 96 : index
        %parallel_loop3A_906 = tpu.vector_load %arg10[%parallel_loop3A_903, %parallel_loop3A_904, %parallel_loop3A_905] {strides = array<i32>} : memref<2x40x128xf32, #tpu.memory_space<vmem>>, vector<1x1x16xf32>,
        %parallel_loop3A_907 = vector.shape_cast %parallel_loop3A_906 : vector<1x1x16xf32> to vector<16xf32>
        %parallel_loop3A_908 = arith.constant 0 : i32
        %parallel_loop3A_909 = arith.index_cast %parallel_loop3A_908 : i32 to index
        %parallel_loop3A_910 = arith.index_cast %parallel_loop3A_781 : i32 to index
        %parallel_loop3A_911 = arith.constant 96 : index
        %parallel_loop3A_912 = tpu.vector_load %arg11[%parallel_loop3A_909, %parallel_loop3A_910, %parallel_loop3A_911] {strides = array<i32>} : memref<2x40x128xf32, #tpu.memory_space<vmem>>, vector<1x1x16xf32>,
        %parallel_loop3A_913 = vector.shape_cast %parallel_loop3A_912 : vector<1x1x16xf32> to vector<16xf32>
        %parallel_loop3A_914 = arith.mulf %parallel_loop3A_907, %parallel_loop3A_913 : vector<16xf32>
        %parallel_loop3A_915 = arith.constant 0 : i32
        %parallel_loop3A_916 = arith.index_cast %parallel_loop3A_915 : i32 to index
        %parallel_loop3A_917 = arith.index_cast %parallel_loop3A_781 : i32 to index
        %parallel_loop3A_918 = arith.constant 96 : index
        %parallel_loop3A_919 = tpu.vector_load %arg12[%parallel_loop3A_916, %parallel_loop3A_917, %parallel_loop3A_918] {strides = array<i32>} : memref<2x40x128xf32, #tpu.memory_space<vmem>>, vector<1x1x16xf32>,
        %parallel_loop3A_920 = vector.shape_cast %parallel_loop3A_919 : vector<1x1x16xf32> to vector<16xf32>
        %parallel_loop3A_921 = vector.shape_cast %parallel_loop3A_914 : vector<16xf32> to vector<1x1x16xf32>
        tpu.vector_store %arg12[%parallel_loop3A_916, %parallel_loop3A_917, %parallel_loop3A_918], %parallel_loop3A_921 {strides = array<i32>} : memref<2x40x128xf32, #tpu.memory_space<vmem>>, vector<1x1x16xf32>,
        %parallel_loop3A_922 = arith.constant 0 : i32
        %parallel_loop3A_923 = arith.index_cast %parallel_loop3A_922 : i32 to index
        %parallel_loop3A_924 = arith.index_cast %parallel_loop3A_781 : i32 to index
        %parallel_loop3A_925 = arith.constant 112 : index
        %parallel_loop3A_926 = tpu.vector_load %arg10[%parallel_loop3A_923, %parallel_loop3A_924, %parallel_loop3A_925] {strides = array<i32>} : memref<2x40x128xf32, #tpu.memory_space<vmem>>, vector<1x1x16xf32>,
        %parallel_loop3A_927 = vector.shape_cast %parallel_loop3A_926 : vector<1x1x16xf32> to vector<16xf32>
        %parallel_loop3A_928 = arith.constant 0 : i32
        %parallel_loop3A_929 = arith.index_cast %parallel_loop3A_928 : i32 to index
        %parallel_loop3A_930 = arith.index_cast %parallel_loop3A_781 : i32 to index
        %parallel_loop3A_931 = arith.constant 112 : index
        %parallel_loop3A_932 = tpu.vector_load %arg11[%parallel_loop3A_929, %parallel_loop3A_930, %parallel_loop3A_931] {strides = array<i32>} : memref<2x40x128xf32, #tpu.memory_space<vmem>>, vector<1x1x16xf32>,
        %parallel_loop3A_933 = vector.shape_cast %parallel_loop3A_932 : vector<1x1x16xf32> to vector<16xf32>
        %parallel_loop3A_934 = arith.mulf %parallel_loop3A_927, %parallel_loop3A_933 : vector<16xf32>
        %parallel_loop3A_935 = arith.constant 0 : i32
        %parallel_loop3A_936 = arith.index_cast %parallel_loop3A_935 : i32 to index
        %parallel_loop3A_937 = arith.index_cast %parallel_loop3A_781 : i32 to index
        %parallel_loop3A_938 = arith.constant 112 : index
        %parallel_loop3A_939 = tpu.vector_load %arg12[%parallel_loop3A_936, %parallel_loop3A_937, %parallel_loop3A_938] {strides = array<i32>} : memref<2x40x128xf32, #tpu.memory_space<vmem>>, vector<1x1x16xf32>,
        %parallel_loop3A_940 = vector.shape_cast %parallel_loop3A_939 : vector<1x1x16xf32> to vector<16xf32>
        %parallel_loop3A_941 = vector.shape_cast %parallel_loop3A_934 : vector<16xf32> to vector<1x1x16xf32>
        tpu.vector_store %arg12[%parallel_loop3A_936, %parallel_loop3A_937, %parallel_loop3A_938], %parallel_loop3A_941 {strides = array<i32>} : memref<2x40x128xf32, #tpu.memory_space<vmem>>, vector<1x1x16xf32>,
      } {sc.loop_unroll_factor = 2 : i64, sc.parallel_access}
      %dma_start3A_269 = arith.constant 0 : i32
      %dma_start3A_270 = arith.constant 0 : i32
      %dma_start3A_271 = arith.constant 0 : i32
      %dma_start3A_272 = arith.constant 0 : i32
      %dma_start3A_273 = tpu.memref_slice %arg12[%dma_start3A_269, %dma_start3A_271, %dma_start3A_272] : memref<2x40x128xf32, #tpu.memory_space<vmem>> -> memref<1x40x128xf32, #tpu.memory_space<vmem>>
      %dma_start3A_274 = tpu.memref_squeeze %dma_start3A_273 : memref<1x40x128xf32, #tpu.memory_space<vmem>> -> memref<40x128xf32, #tpu.memory_space<vmem>>
      %dma_start3A_275 = arith.constant 0 : i32
      %dma_start3A_276 = tpu.memref_slice %arg9[%dma_start3A_270, %dma_start3A_275] : memref<4x40xi32, #tpu.memory_space<vmem>> -> memref<1x40xi32, #tpu.memory_space<vmem>>
      %dma_start3A_277 = tpu.memref_squeeze %dma_start3A_276 : memref<1x40xi32, #tpu.memory_space<vmem>> -> memref<40xi32, #tpu.memory_space<vmem>>
      %dma_start3A_278 = arith.constant 0 : i32
      %dma_start3A_279 = arith.constant 0 : i32
      %dma_start3A_280 = tpu.memref_slice %arg13[%dma_start3A_278, %dma_start3A_279] : memref<10240x128xf32, #tpu.memory_space<vmem_shared>> -> memref<10240x128xf32, #tpu.memory_space<vmem_shared>>
      tpu.enqueue_indirect_dma source(%dma_start3A_274 : memref<40x128xf32, #tpu.memory_space<vmem>>) target(%dma_start3A_280 : memref<10240x128xf32, #tpu.memory_space<vmem_shared>>) offsets(%dma_start3A_277 : memref<40xi32, #tpu.memory_space<vmem>>) semaphore(%arg18 : memref<!tpu.dma_semaphore, #tpu.memory_space<semaphore_mem>>) {add = true}
      %add3A_281 = arith.constant 2 : i32
      %add3A_282 = arith.addi %add3A_205, %add3A_281 : i32
      %dma_wait3A_283 = arith.constant 2 : i32
      %dma_wait3A_284 = arith.constant 0 : i32
      %dma_wait3A_285 = tpu.memref_slice %arg8[%dma_wait3A_283, %dma_wait3A_284] : memref<4x40xi32, #tpu.memory_space<vmem>> -> memref<1x40xi32, #tpu.memory_space<vmem>>
      %dma_wait3A_286 = tpu.memref_squeeze %dma_wait3A_285 : memref<1x40xi32, #tpu.memory_space<vmem>> -> memref<40xi32, #tpu.memory_space<vmem>>
      %dma_wait3A_287 = arith.constant 0 : i32
      %dma_wait3A_288 = tpu.memref_slice %arg5[%add3A, %add3A_282, %dma_wait3A_287] : memref<32x250x40xi32, #tpu.memory_space<hbm>> -> memref<1x1x40xi32, #tpu.memory_space<hbm>>
      %dma_wait3A_289 = tpu.memref_squeeze %dma_wait3A_288 : memref<1x1x40xi32, #tpu.memory_space<hbm>> -> memref<40xi32, #tpu.memory_space<hbm>>
      %dma_wait3A_290 = arith.constant 0 : i32
      %dma_wait3A_291 = tpu.memref_slice %arg8[%dma_wait3A_283, %dma_wait3A_290] : memref<4x40xi32, #tpu.memory_space<vmem>> -> memref<1x40xi32, #tpu.memory_space<vmem>>
      %dma_wait3A_292 = tpu.memref_squeeze %dma_wait3A_291 : memref<1x40xi32, #tpu.memory_space<vmem>> -> memref<40xi32, #tpu.memory_space<vmem>>
      %dma_wait3A_293 = arith.constant 0 : i32
      %dma_wait3A_294 = tpu.memref_slice %arg5[%add3A, %add3A_282, %dma_wait3A_293] : memref<32x250x40xi32, #tpu.memory_space<hbm>> -> memref<1x1x40xi32, #tpu.memory_space<hbm>>
      %dma_wait3A_295 = tpu.memref_squeeze %dma_wait3A_294 : memref<1x1x40xi32, #tpu.memory_space<hbm>> -> memref<40xi32, #tpu.memory_space<hbm>>
      tpu.wait_dma2 semaphore(%arg22 : memref<!tpu.dma_semaphore, #tpu.memory_space<semaphore_mem>>) src(%dma_wait3A_295 : memref<40xi32, #tpu.memory_space<hbm>>) dst(%dma_wait3A_292 : memref<40xi32, #tpu.memory_space<vmem>>)
      %add3A_296 = arith.constant 2 : i32
      %add3A_297 = arith.addi %add3A_205, %add3A_296 : i32
      %dma_wait3A_298 = arith.constant 2 : i32
      %dma_wait3A_299 = arith.constant 0 : i32
      %dma_wait3A_300 = tpu.memref_slice %arg9[%dma_wait3A_298, %dma_wait3A_299] : memref<4x40xi32, #tpu.memory_space<vmem>> -> memref<1x40xi32, #tpu.memory_space<vmem>>
      %dma_wait3A_301 = tpu.memref_squeeze %dma_wait3A_300 : memref<1x40xi32, #tpu.memory_space<vmem>> -> memref<40xi32, #tpu.memory_space<vmem>>
      %dma_wait3A_302 = arith.constant 0 : i32
      %dma_wait3A_303 = tpu.memref_slice %arg4[%add3A, %add3A_297, %dma_wait3A_302] : memref<32x250x40xi32, #tpu.memory_space<hbm>> -> memref<1x1x40xi32, #tpu.memory_space<hbm>>
      %dma_wait3A_304 = tpu.memref_squeeze %dma_wait3A_303 : memref<1x1x40xi32, #tpu.memory_space<hbm>> -> memref<40xi32, #tpu.memory_space<hbm>>
      %dma_wait3A_305 = arith.constant 0 : i32
      %dma_wait3A_306 = tpu.memref_slice %arg9[%dma_wait3A_298, %dma_wait3A_305] : memref<4x40xi32, #tpu.memory_space<vmem>> -> memref<1x40xi32, #tpu.memory_space<vmem>>
      %dma_wait3A_307 = tpu.memref_squeeze %dma_wait3A_306 : memref<1x40xi32, #tpu.memory_space<vmem>> -> memref<40xi32, #tpu.memory_space<vmem>>
      %dma_wait3A_308 = arith.constant 0 : i32
      %dma_wait3A_309 = tpu.memref_slice %arg4[%add3A, %add3A_297, %dma_wait3A_308] : memref<32x250x40xi32, #tpu.memory_space<hbm>> -> memref<1x1x40xi32, #tpu.memory_space<hbm>>
      %dma_wait3A_310 = tpu.memref_squeeze %dma_wait3A_309 : memref<1x1x40xi32, #tpu.memory_space<hbm>> -> memref<40xi32, #tpu.memory_space<hbm>>
      tpu.wait_dma2 semaphore(%arg22 : memref<!tpu.dma_semaphore, #tpu.memory_space<semaphore_mem>>) src(%dma_wait3A_310 : memref<40xi32, #tpu.memory_space<hbm>>) dst(%dma_wait3A_307 : memref<40xi32, #tpu.memory_space<vmem>>)
      %add3A_311 = arith.constant 2 : i32
      %add3A_312 = arith.addi %add3A_205, %add3A_311 : i32
      %dma_start3A_313 = arith.constant 2 : i32
      %dma_start3A_314 = arith.constant 0 : i32
      %dma_start3A_315 = arith.constant 0 : i32
      %dma_start3A_316 = arith.constant 0 : i32
      %dma_start3A_317 = tpu.memref_slice %arg10[%dma_start3A_314, %dma_start3A_315, %dma_start3A_316] : memref<2x40x128xf32, #tpu.memory_space<vmem>> -> memref<1x40x128xf32, #tpu.memory_space<vmem>>
      %dma_start3A_318 = tpu.memref_squeeze %dma_start3A_317 : memref<1x40x128xf32, #tpu.memory_space<vmem>> -> memref<40x128xf32, #tpu.memory_space<vmem>>
      %dma_start3A_319 = arith.constant 0 : i32
      %dma_start3A_320 = tpu.memref_slice %arg8[%dma_start3A_313, %dma_start3A_319] : memref<4x40xi32, #tpu.memory_space<vmem>> -> memref<1x40xi32, #tpu.memory_space<vmem>>
      %dma_start3A_321 = tpu.memref_squeeze %dma_start3A_320 : memref<1x40xi32, #tpu.memory_space<vmem>> -> memref<40xi32, #tpu.memory_space<vmem>>
      %dma_start3A_322 = arith.constant 0 : i32
      %dma_start3A_323 = arith.constant 0 : i32
      %dma_start3A_324 = tpu.memref_slice %arg2[%dma_start3A_322, %dma_start3A_323] : memref<10000x128xf32, #tpu.memory_space<hbm>> -> memref<10000x128xf32, #tpu.memory_space<hbm>>
      tpu.enqueue_indirect_dma source(%dma_start3A_324 : memref<10000x128xf32, #tpu.memory_space<hbm>>) target(%dma_start3A_318 : memref<40x128xf32, #tpu.memory_space<vmem>>) offsets(%dma_start3A_321 : memref<40xi32, #tpu.memory_space<vmem>>) semaphore(%arg14 : memref<!tpu.dma_semaphore, #tpu.memory_space<semaphore_mem>>)
      %mul3A_325 = arith.constant 40 : i32
      %mul3A_326 = arith.muli %add3A_312, %mul3A_325 : i32
      %add3A_327 = arith.addi %mul3A_4, %mul3A_326 : i32
      %dma_start3A_328 = arith.constant 0 : i32
      %dma_start3A_329 = arith.constant 0 : i32
      %dma_start3A_330 = arith.constant 0 : i32
      %dma_start3A_331 = tpu.memref_slice %arg11[%dma_start3A_328, %dma_start3A_329, %dma_start3A_330] : memref<2x40x128xf32, #tpu.memory_space<vmem>> -> memref<1x40x128xf32, #tpu.memory_space<vmem>>
      %dma_start3A_332 = tpu.memref_squeeze %dma_start3A_331 : memref<1x40x128xf32, #tpu.memory_space<vmem>> -> memref<40x128xf32, #tpu.memory_space<vmem>>
      %dma_start3A_333 = arith.constant 0 : i32
      %dma_start3A_334 = tpu.memref_slice %arg3[%add3A_327, %dma_start3A_333] : memref<320000x128xf32, #tpu.memory_space<hbm>> -> memref<40x128xf32, #tpu.memory_space<hbm>>
      %dma_start3A_335 = arith.constant 0 : i32
      %dma_start3A_336 = arith.constant 0 : i32
      %dma_start3A_337 = tpu.memref_slice %arg11[%dma_start3A_328, %dma_start3A_335, %dma_start3A_336] : memref<2x40x128xf32, #tpu.memory_space<vmem>> -> memref<1x40x128xf32, #tpu.memory_space<vmem>>
      %dma_start3A_338 = tpu.memref_squeeze %dma_start3A_337 : memref<1x40x128xf32, #tpu.memory_space<vmem>> -> memref<40x128xf32, #tpu.memory_space<vmem>>
      %dma_start3A_339 = arith.constant 0 : i32
      %dma_start3A_340 = tpu.memref_slice %arg3[%add3A_327, %dma_start3A_339] : memref<320000x128xf32, #tpu.memory_space<hbm>> -> memref<40x128xf32, #tpu.memory_space<hbm>>
      tpu.enqueue_dma source(%dma_start3A_340 : memref<40x128xf32, #tpu.memory_space<hbm>>) target(%dma_start3A_338 : memref<40x128xf32, #tpu.memory_space<vmem>>) target_semaphore(%arg16 : memref<!tpu.dma_semaphore, #tpu.memory_space<semaphore_mem>>)
      %mul3A_341 = arith.constant 4 : i32
      %mul3A_342 = arith.muli %mul3A_341, %scan3A_201 : i32
      %add3A_343 = arith.constant 1 : i32
      %add3A_344 = arith.addi %mul3A_342, %add3A_343 : i32
      %dma_wait3A_345 = arith.constant 1 : i32
      %dma_wait3A_346 = arith.constant 1 : i32
      %dma_wait3A_347 = arith.constant 0 : i32
      %dma_wait3A_348 = arith.constant 0 : i32
      %dma_wait3A_349 = tpu.memref_slice %arg10[%dma_wait3A_346, %dma_wait3A_347, %dma_wait3A_348] : memref<2x40x128xf32, #tpu.memory_space<vmem>> -> memref<1x40x128xf32, #tpu.memory_space<vmem>>
      %dma_wait3A_350 = tpu.memref_squeeze %dma_wait3A_349 : memref<1x40x128xf32, #tpu.memory_space<vmem>> -> memref<40x128xf32, #tpu.memory_space<vmem>>
      %dma_wait3A_351 = arith.constant 0 : i32
      %dma_wait3A_352 = tpu.memref_slice %arg8[%dma_wait3A_345, %dma_wait3A_351] : memref<4x40xi32, #tpu.memory_space<vmem>> -> memref<1x40xi32, #tpu.memory_space<vmem>>
      %dma_wait3A_353 = tpu.memref_squeeze %dma_wait3A_352 : memref<1x40xi32, #tpu.memory_space<vmem>> -> memref<40xi32, #tpu.memory_space<vmem>>
      %dma_wait3A_354 = arith.constant 0 : i32
      %dma_wait3A_355 = arith.constant 0 : i32
      %dma_wait3A_356 = tpu.memref_slice %arg2[%dma_wait3A_354, %dma_wait3A_355] : memref<10000x128xf32, #tpu.memory_space<hbm>> -> memref<10000x128xf32, #tpu.memory_space<hbm>>
      tpu.wait_indirect_dma semaphore(%arg15 : memref<!tpu.dma_semaphore, #tpu.memory_space<semaphore_mem>>) src(%dma_wait3A_356 : memref<10000x128xf32, #tpu.memory_space<hbm>>) dst(%dma_wait3A_350 : memref<40x128xf32, #tpu.memory_space<vmem>>)
      %mul3A_357 = arith.constant 40 : i32
      %mul3A_358 = arith.muli %add3A_344, %mul3A_357 : i32
      %add3A_359 = arith.addi %mul3A_4, %mul3A_358 : i32
      %dma_wait3A_360 = arith.constant 1 : i32
      %dma_wait3A_361 = arith.constant 0 : i32
      %dma_wait3A_362 = arith.constant 0 : i32
      %dma_wait3A_363 = tpu.memref_slice %arg11[%dma_wait3A_360, %dma_wait3A_361, %dma_wait3A_362] : memref<2x40x128xf32, #tpu.memory_space<vmem>> -> memref<1x40x128xf32, #tpu.memory_space<vmem>>
      %dma_wait3A_364 = tpu.memref_squeeze %dma_wait3A_363 : memref<1x40x128xf32, #tpu.memory_space<vmem>> -> memref<40x128xf32, #tpu.memory_space<vmem>>
      %dma_wait3A_365 = arith.constant 0 : i32
      %dma_wait3A_366 = tpu.memref_slice %arg3[%add3A_359, %dma_wait3A_365] : memref<320000x128xf32, #tpu.memory_space<hbm>> -> memref<40x128xf32, #tpu.memory_space<hbm>>
      %dma_wait3A_367 = arith.constant 0 : i32
      %dma_wait3A_368 = arith.constant 0 : i32
      %dma_wait3A_369 = tpu.memref_slice %arg11[%dma_wait3A_360, %dma_wait3A_367, %dma_wait3A_368] : memref<2x40x128xf32, #tpu.memory_space<vmem>> -> memref<1x40x128xf32, #tpu.memory_space<vmem>>
      %dma_wait3A_370 = tpu.memref_squeeze %dma_wait3A_369 : memref<1x40x128xf32, #tpu.memory_space<vmem>> -> memref<40x128xf32, #tpu.memory_space<vmem>>
      %dma_wait3A_371 = arith.constant 0 : i32
      %dma_wait3A_372 = tpu.memref_slice %arg3[%add3A_359, %dma_wait3A_371] : memref<320000x128xf32, #tpu.memory_space<hbm>> -> memref<40x128xf32, #tpu.memory_space<hbm>>
      tpu.wait_dma2 semaphore(%arg17 : memref<!tpu.dma_semaphore, #tpu.memory_space<semaphore_mem>>) src(%dma_wait3A_372 : memref<40x128xf32, #tpu.memory_space<hbm>>) dst(%dma_wait3A_370 : memref<40x128xf32, #tpu.memory_space<vmem>>)
      %ge3A_373 = arith.constant 2 : i32
      %ge3A_374 = arith.cmpi sge, %add3A_344, %ge3A_373 : i32
      %convert_element_type3A_375 = arith.extui %ge3A_374 : i1 to i32
      %cond3A_376 = arith.constant 0 : i32
      %cond3A_377 = arith.cmpi ne, %convert_element_type3A_375, %cond3A_376 : i32
      scf.if %cond3A_377 {
        %dma_wait3A_781 = arith.constant 1 : i32
        %dma_wait3A_782 = arith.constant 3 : i32
        %dma_wait3A_783 = arith.constant 0 : i32
        %dma_wait3A_784 = arith.constant 0 : i32
        %dma_wait3A_785 = tpu.memref_slice %arg12[%dma_wait3A_781, %dma_wait3A_783, %dma_wait3A_784] : memref<2x40x128xf32, #tpu.memory_space<vmem>> -> memref<1x40x128xf32, #tpu.memory_space<vmem>>
        %dma_wait3A_786 = tpu.memref_squeeze %dma_wait3A_785 : memref<1x40x128xf32, #tpu.memory_space<vmem>> -> memref<40x128xf32, #tpu.memory_space<vmem>>
        %dma_wait3A_787 = arith.constant 0 : i32
        %dma_wait3A_788 = tpu.memref_slice %arg9[%dma_wait3A_782, %dma_wait3A_787] : memref<4x40xi32, #tpu.memory_space<vmem>> -> memref<1x40xi32, #tpu.memory_space<vmem>>
        %dma_wait3A_789 = tpu.memref_squeeze %dma_wait3A_788 : memref<1x40xi32, #tpu.memory_space<vmem>> -> memref<40xi32, #tpu.memory_space<vmem>>
        %dma_wait3A_790 = arith.constant 0 : i32
        %dma_wait3A_791 = arith.constant 0 : i32
        %dma_wait3A_792 = tpu.memref_slice %arg13[%dma_wait3A_790, %dma_wait3A_791] : memref<10240x128xf32, #tpu.memory_space<vmem_shared>> -> memref<10240x128xf32, #tpu.memory_space<vmem_shared>>
        tpu.wait_indirect_dma semaphore(%arg19 : memref<!tpu.dma_semaphore, #tpu.memory_space<semaphore_mem>>) src(%dma_wait3A_786 : memref<40x128xf32, #tpu.memory_space<vmem>>) dst(%dma_wait3A_792 : memref<10240x128xf32, #tpu.memory_space<vmem_shared>>)
      } else {
      }
      %add3A_378 = arith.constant 2 : i32
      %add3A_379 = arith.addi %add3A_344, %add3A_378 : i32
      %dma_start3A_380 = arith.constant 3 : i32
      %dma_start3A_381 = arith.constant 0 : i32
      %dma_start3A_382 = tpu.memref_slice %arg8[%dma_start3A_380, %dma_start3A_381] : memref<4x40xi32, #tpu.memory_space<vmem>> -> memref<1x40xi32, #tpu.memory_space<vmem>>
      %dma_start3A_383 = tpu.memref_squeeze %dma_start3A_382 : memref<1x40xi32, #tpu.memory_space<vmem>> -> memref<40xi32, #tpu.memory_space<vmem>>
      %dma_start3A_384 = arith.constant 0 : i32
      %dma_start3A_385 = tpu.memref_slice %arg5[%add3A, %add3A_379, %dma_start3A_384] : memref<32x250x40xi32, #tpu.memory_space<hbm>> -> memref<1x1x40xi32, #tpu.memory_space<hbm>>
      %dma_start3A_386 = tpu.memref_squeeze %dma_start3A_385 : memref<1x1x40xi32, #tpu.memory_space<hbm>> -> memref<40xi32, #tpu.memory_space<hbm>>
      %dma_start3A_387 = arith.constant 0 : i32
      %dma_start3A_388 = tpu.memref_slice %arg8[%dma_start3A_380, %dma_start3A_387] : memref<4x40xi32, #tpu.memory_space<vmem>> -> memref<1x40xi32, #tpu.memory_space<vmem>>
      %dma_start3A_389 = tpu.memref_squeeze %dma_start3A_388 : memref<1x40xi32, #tpu.memory_space<vmem>> -> memref<40xi32, #tpu.memory_space<vmem>>
      %dma_start3A_390 = arith.constant 0 : i32
      %dma_start3A_391 = tpu.memref_slice %arg5[%add3A, %add3A_379, %dma_start3A_390] : memref<32x250x40xi32, #tpu.memory_space<hbm>> -> memref<1x1x40xi32, #tpu.memory_space<hbm>>
      %dma_start3A_392 = tpu.memref_squeeze %dma_start3A_391 : memref<1x1x40xi32, #tpu.memory_space<hbm>> -> memref<40xi32, #tpu.memory_space<hbm>>
      tpu.enqueue_dma source(%dma_start3A_392 : memref<40xi32, #tpu.memory_space<hbm>>) target(%dma_start3A_389 : memref<40xi32, #tpu.memory_space<vmem>>) target_semaphore(%arg23 : memref<!tpu.dma_semaphore, #tpu.memory_space<semaphore_mem>>)
      %add3A_393 = arith.constant 2 : i32
      %add3A_394 = arith.addi %add3A_344, %add3A_393 : i32
      %dma_start3A_395 = arith.constant 3 : i32
      %dma_start3A_396 = arith.constant 0 : i32
      %dma_start3A_397 = tpu.memref_slice %arg9[%dma_start3A_395, %dma_start3A_396] : memref<4x40xi32, #tpu.memory_space<vmem>> -> memref<1x40xi32, #tpu.memory_space<vmem>>
      %dma_start3A_398 = tpu.memref_squeeze %dma_start3A_397 : memref<1x40xi32, #tpu.memory_space<vmem>> -> memref<40xi32, #tpu.memory_space<vmem>>
      %dma_start3A_399 = arith.constant 0 : i32
      %dma_start3A_400 = tpu.memref_slice %arg4[%add3A, %add3A_394, %dma_start3A_399] : memref<32x250x40xi32, #tpu.memory_space<hbm>> -> memref<1x1x40xi32, #tpu.memory_space<hbm>>
      %dma_start3A_401 = tpu.memref_squeeze %dma_start3A_400 : memref<1x1x40xi32, #tpu.memory_space<hbm>> -> memref<40xi32, #tpu.memory_space<hbm>>
      %dma_start3A_402 = arith.constant 0 : i32
      %dma_start3A_403 = tpu.memref_slice %arg9[%dma_start3A_395, %dma_start3A_402] : memref<4x40xi32, #tpu.memory_space<vmem>> -> memref<1x40xi32, #tpu.memory_space<vmem>>
      %dma_start3A_404 = tpu.memref_squeeze %dma_start3A_403 : memref<1x40xi32, #tpu.memory_space<vmem>> -> memref<40xi32, #tpu.memory_space<vmem>>
      %dma_start3A_405 = arith.constant 0 : i32
      %dma_start3A_406 = tpu.memref_slice %arg4[%add3A, %add3A_394, %dma_start3A_405] : memref<32x250x40xi32, #tpu.memory_space<hbm>> -> memref<1x1x40xi32, #tpu.memory_space<hbm>>
      %dma_start3A_407 = tpu.memref_squeeze %dma_start3A_406 : memref<1x1x40xi32, #tpu.memory_space<hbm>> -> memref<40xi32, #tpu.memory_space<hbm>>
      tpu.enqueue_dma source(%dma_start3A_407 : memref<40xi32, #tpu.memory_space<hbm>>) target(%dma_start3A_404 : memref<40xi32, #tpu.memory_space<vmem>>) target_semaphore(%arg23 : memref<!tpu.dma_semaphore, #tpu.memory_space<semaphore_mem>>)
      %parallel_loop3A_408 = arith.constant 0 : i32
      %parallel_loop3A_409 = arith.constant 40 : i32
      %parallel_loop3A_410 = arith.constant 1 : i32
      scf.for %parallel_loop3A_781 = %parallel_loop3A_408 to %parallel_loop3A_409 step %parallel_loop3A_410  : i32 {
        %parallel_loop3A_782 = arith.constant 1 : i32
        %parallel_loop3A_783 = arith.index_cast %parallel_loop3A_782 : i32 to index
        %parallel_loop3A_784 = arith.index_cast %parallel_loop3A_781 : i32 to index
        %parallel_loop3A_785 = arith.constant 0 : index
        %parallel_loop3A_786 = tpu.vector_load %arg10[%parallel_loop3A_783, %parallel_loop3A_784, %parallel_loop3A_785] {strides = array<i32>} : memref<2x40x128xf32, #tpu.memory_space<vmem>>, vector<1x1x16xf32>,
        %parallel_loop3A_787 = vector.shape_cast %parallel_loop3A_786 : vector<1x1x16xf32> to vector<16xf32>
        %parallel_loop3A_788 = arith.constant 1 : i32
        %parallel_loop3A_789 = arith.index_cast %parallel_loop3A_788 : i32 to index
        %parallel_loop3A_790 = arith.index_cast %parallel_loop3A_781 : i32 to index
        %parallel_loop3A_791 = arith.constant 0 : index
        %parallel_loop3A_792 = tpu.vector_load %arg11[%parallel_loop3A_789, %parallel_loop3A_790, %parallel_loop3A_791] {strides = array<i32>} : memref<2x40x128xf32, #tpu.memory_space<vmem>>, vector<1x1x16xf32>,
        %parallel_loop3A_793 = vector.shape_cast %parallel_loop3A_792 : vector<1x1x16xf32> to vector<16xf32>
        %parallel_loop3A_794 = arith.mulf %parallel_loop3A_787, %parallel_loop3A_793 : vector<16xf32>
        %parallel_loop3A_795 = arith.constant 1 : i32
        %parallel_loop3A_796 = arith.index_cast %parallel_loop3A_795 : i32 to index
        %parallel_loop3A_797 = arith.index_cast %parallel_loop3A_781 : i32 to index
        %parallel_loop3A_798 = arith.constant 0 : index
        %parallel_loop3A_799 = tpu.vector_load %arg12[%parallel_loop3A_796, %parallel_loop3A_797, %parallel_loop3A_798] {strides = array<i32>} : memref<2x40x128xf32, #tpu.memory_space<vmem>>, vector<1x1x16xf32>,
        %parallel_loop3A_800 = vector.shape_cast %parallel_loop3A_799 : vector<1x1x16xf32> to vector<16xf32>
        %parallel_loop3A_801 = vector.shape_cast %parallel_loop3A_794 : vector<16xf32> to vector<1x1x16xf32>
        tpu.vector_store %arg12[%parallel_loop3A_796, %parallel_loop3A_797, %parallel_loop3A_798], %parallel_loop3A_801 {strides = array<i32>} : memref<2x40x128xf32, #tpu.memory_space<vmem>>, vector<1x1x16xf32>,
        %parallel_loop3A_802 = arith.constant 1 : i32
        %parallel_loop3A_803 = arith.index_cast %parallel_loop3A_802 : i32 to index
        %parallel_loop3A_804 = arith.index_cast %parallel_loop3A_781 : i32 to index
        %parallel_loop3A_805 = arith.constant 16 : index
        %parallel_loop3A_806 = tpu.vector_load %arg10[%parallel_loop3A_803, %parallel_loop3A_804, %parallel_loop3A_805] {strides = array<i32>} : memref<2x40x128xf32, #tpu.memory_space<vmem>>, vector<1x1x16xf32>,
        %parallel_loop3A_807 = vector.shape_cast %parallel_loop3A_806 : vector<1x1x16xf32> to vector<16xf32>
        %parallel_loop3A_808 = arith.constant 1 : i32
        %parallel_loop3A_809 = arith.index_cast %parallel_loop3A_808 : i32 to index
        %parallel_loop3A_810 = arith.index_cast %parallel_loop3A_781 : i32 to index
        %parallel_loop3A_811 = arith.constant 16 : index
        %parallel_loop3A_812 = tpu.vector_load %arg11[%parallel_loop3A_809, %parallel_loop3A_810, %parallel_loop3A_811] {strides = array<i32>} : memref<2x40x128xf32, #tpu.memory_space<vmem>>, vector<1x1x16xf32>,
        %parallel_loop3A_813 = vector.shape_cast %parallel_loop3A_812 : vector<1x1x16xf32> to vector<16xf32>
        %parallel_loop3A_814 = arith.mulf %parallel_loop3A_807, %parallel_loop3A_813 : vector<16xf32>
        %parallel_loop3A_815 = arith.constant 1 : i32
        %parallel_loop3A_816 = arith.index_cast %parallel_loop3A_815 : i32 to index
        %parallel_loop3A_817 = arith.index_cast %parallel_loop3A_781 : i32 to index
        %parallel_loop3A_818 = arith.constant 16 : index
        %parallel_loop3A_819 = tpu.vector_load %arg12[%parallel_loop3A_816, %parallel_loop3A_817, %parallel_loop3A_818] {strides = array<i32>} : memref<2x40x128xf32, #tpu.memory_space<vmem>>, vector<1x1x16xf32>,
        %parallel_loop3A_820 = vector.shape_cast %parallel_loop3A_819 : vector<1x1x16xf32> to vector<16xf32>
        %parallel_loop3A_821 = vector.shape_cast %parallel_loop3A_814 : vector<16xf32> to vector<1x1x16xf32>
        tpu.vector_store %arg12[%parallel_loop3A_816, %parallel_loop3A_817, %parallel_loop3A_818], %parallel_loop3A_821 {strides = array<i32>} : memref<2x40x128xf32, #tpu.memory_space<vmem>>, vector<1x1x16xf32>,
        %parallel_loop3A_822 = arith.constant 1 : i32
        %parallel_loop3A_823 = arith.index_cast %parallel_loop3A_822 : i32 to index
        %parallel_loop3A_824 = arith.index_cast %parallel_loop3A_781 : i32 to index
        %parallel_loop3A_825 = arith.constant 32 : index
        %parallel_loop3A_826 = tpu.vector_load %arg10[%parallel_loop3A_823, %parallel_loop3A_824, %parallel_loop3A_825] {strides = array<i32>} : memref<2x40x128xf32, #tpu.memory_space<vmem>>, vector<1x1x16xf32>,
        %parallel_loop3A_827 = vector.shape_cast %parallel_loop3A_826 : vector<1x1x16xf32> to vector<16xf32>
        %parallel_loop3A_828 = arith.constant 1 : i32
        %parallel_loop3A_829 = arith.index_cast %parallel_loop3A_828 : i32 to index
        %parallel_loop3A_830 = arith.index_cast %parallel_loop3A_781 : i32 to index
        %parallel_loop3A_831 = arith.constant 32 : index
        %parallel_loop3A_832 = tpu.vector_load %arg11[%parallel_loop3A_829, %parallel_loop3A_830, %parallel_loop3A_831] {strides = array<i32>} : memref<2x40x128xf32, #tpu.memory_space<vmem>>, vector<1x1x16xf32>,
        %parallel_loop3A_833 = vector.shape_cast %parallel_loop3A_832 : vector<1x1x16xf32> to vector<16xf32>
        %parallel_loop3A_834 = arith.mulf %parallel_loop3A_827, %parallel_loop3A_833 : vector<16xf32>
        %parallel_loop3A_835 = arith.constant 1 : i32
        %parallel_loop3A_836 = arith.index_cast %parallel_loop3A_835 : i32 to index
        %parallel_loop3A_837 = arith.index_cast %parallel_loop3A_781 : i32 to index
        %parallel_loop3A_838 = arith.constant 32 : index
        %parallel_loop3A_839 = tpu.vector_load %arg12[%parallel_loop3A_836, %parallel_loop3A_837, %parallel_loop3A_838] {strides = array<i32>} : memref<2x40x128xf32, #tpu.memory_space<vmem>>, vector<1x1x16xf32>,
        %parallel_loop3A_840 = vector.shape_cast %parallel_loop3A_839 : vector<1x1x16xf32> to vector<16xf32>
        %parallel_loop3A_841 = vector.shape_cast %parallel_loop3A_834 : vector<16xf32> to vector<1x1x16xf32>
        tpu.vector_store %arg12[%parallel_loop3A_836, %parallel_loop3A_837, %parallel_loop3A_838], %parallel_loop3A_841 {strides = array<i32>} : memref<2x40x128xf32, #tpu.memory_space<vmem>>, vector<1x1x16xf32>,
        %parallel_loop3A_842 = arith.constant 1 : i32
        %parallel_loop3A_843 = arith.index_cast %parallel_loop3A_842 : i32 to index
        %parallel_loop3A_844 = arith.index_cast %parallel_loop3A_781 : i32 to index
        %parallel_loop3A_845 = arith.constant 48 : index
        %parallel_loop3A_846 = tpu.vector_load %arg10[%parallel_loop3A_843, %parallel_loop3A_844, %parallel_loop3A_845] {strides = array<i32>} : memref<2x40x128xf32, #tpu.memory_space<vmem>>, vector<1x1x16xf32>,
        %parallel_loop3A_847 = vector.shape_cast %parallel_loop3A_846 : vector<1x1x16xf32> to vector<16xf32>
        %parallel_loop3A_848 = arith.constant 1 : i32
        %parallel_loop3A_849 = arith.index_cast %parallel_loop3A_848 : i32 to index
        %parallel_loop3A_850 = arith.index_cast %parallel_loop3A_781 : i32 to index
        %parallel_loop3A_851 = arith.constant 48 : index
        %parallel_loop3A_852 = tpu.vector_load %arg11[%parallel_loop3A_849, %parallel_loop3A_850, %parallel_loop3A_851] {strides = array<i32>} : memref<2x40x128xf32, #tpu.memory_space<vmem>>, vector<1x1x16xf32>,
        %parallel_loop3A_853 = vector.shape_cast %parallel_loop3A_852 : vector<1x1x16xf32> to vector<16xf32>
        %parallel_loop3A_854 = arith.mulf %parallel_loop3A_847, %parallel_loop3A_853 : vector<16xf32>
        %parallel_loop3A_855 = arith.constant 1 : i32
        %parallel_loop3A_856 = arith.index_cast %parallel_loop3A_855 : i32 to index
        %parallel_loop3A_857 = arith.index_cast %parallel_loop3A_781 : i32 to index
        %parallel_loop3A_858 = arith.constant 48 : index
        %parallel_loop3A_859 = tpu.vector_load %arg12[%parallel_loop3A_856, %parallel_loop3A_857, %parallel_loop3A_858] {strides = array<i32>} : memref<2x40x128xf32, #tpu.memory_space<vmem>>, vector<1x1x16xf32>,
        %parallel_loop3A_860 = vector.shape_cast %parallel_loop3A_859 : vector<1x1x16xf32> to vector<16xf32>
        %parallel_loop3A_861 = vector.shape_cast %parallel_loop3A_854 : vector<16xf32> to vector<1x1x16xf32>
        tpu.vector_store %arg12[%parallel_loop3A_856, %parallel_loop3A_857, %parallel_loop3A_858], %parallel_loop3A_861 {strides = array<i32>} : memref<2x40x128xf32, #tpu.memory_space<vmem>>, vector<1x1x16xf32>,
        %parallel_loop3A_862 = arith.constant 1 : i32
        %parallel_loop3A_863 = arith.index_cast %parallel_loop3A_862 : i32 to index
        %parallel_loop3A_864 = arith.index_cast %parallel_loop3A_781 : i32 to index
        %parallel_loop3A_865 = arith.constant 64 : index
        %parallel_loop3A_866 = tpu.vector_load %arg10[%parallel_loop3A_863, %parallel_loop3A_864, %parallel_loop3A_865] {strides = array<i32>} : memref<2x40x128xf32, #tpu.memory_space<vmem>>, vector<1x1x16xf32>,
        %parallel_loop3A_867 = vector.shape_cast %parallel_loop3A_866 : vector<1x1x16xf32> to vector<16xf32>
        %parallel_loop3A_868 = arith.constant 1 : i32
        %parallel_loop3A_869 = arith.index_cast %parallel_loop3A_868 : i32 to index
        %parallel_loop3A_870 = arith.index_cast %parallel_loop3A_781 : i32 to index
        %parallel_loop3A_871 = arith.constant 64 : index
        %parallel_loop3A_872 = tpu.vector_load %arg11[%parallel_loop3A_869, %parallel_loop3A_870, %parallel_loop3A_871] {strides = array<i32>} : memref<2x40x128xf32, #tpu.memory_space<vmem>>, vector<1x1x16xf32>,
        %parallel_loop3A_873 = vector.shape_cast %parallel_loop3A_872 : vector<1x1x16xf32> to vector<16xf32>
        %parallel_loop3A_874 = arith.mulf %parallel_loop3A_867, %parallel_loop3A_873 : vector<16xf32>
        %parallel_loop3A_875 = arith.constant 1 : i32
        %parallel_loop3A_876 = arith.index_cast %parallel_loop3A_875 : i32 to index
        %parallel_loop3A_877 = arith.index_cast %parallel_loop3A_781 : i32 to index
        %parallel_loop3A_878 = arith.constant 64 : index
        %parallel_loop3A_879 = tpu.vector_load %arg12[%parallel_loop3A_876, %parallel_loop3A_877, %parallel_loop3A_878] {strides = array<i32>} : memref<2x40x128xf32, #tpu.memory_space<vmem>>, vector<1x1x16xf32>,
        %parallel_loop3A_880 = vector.shape_cast %parallel_loop3A_879 : vector<1x1x16xf32> to vector<16xf32>
        %parallel_loop3A_881 = vector.shape_cast %parallel_loop3A_874 : vector<16xf32> to vector<1x1x16xf32>
        tpu.vector_store %arg12[%parallel_loop3A_876, %parallel_loop3A_877, %parallel_loop3A_878], %parallel_loop3A_881 {strides = array<i32>} : memref<2x40x128xf32, #tpu.memory_space<vmem>>, vector<1x1x16xf32>,
        %parallel_loop3A_882 = arith.constant 1 : i32
        %parallel_loop3A_883 = arith.index_cast %parallel_loop3A_882 : i32 to index
        %parallel_loop3A_884 = arith.index_cast %parallel_loop3A_781 : i32 to index
        %parallel_loop3A_885 = arith.constant 80 : index
        %parallel_loop3A_886 = tpu.vector_load %arg10[%parallel_loop3A_883, %parallel_loop3A_884, %parallel_loop3A_885] {strides = array<i32>} : memref<2x40x128xf32, #tpu.memory_space<vmem>>, vector<1x1x16xf32>,
        %parallel_loop3A_887 = vector.shape_cast %parallel_loop3A_886 : vector<1x1x16xf32> to vector<16xf32>
        %parallel_loop3A_888 = arith.constant 1 : i32
        %parallel_loop3A_889 = arith.index_cast %parallel_loop3A_888 : i32 to index
        %parallel_loop3A_890 = arith.index_cast %parallel_loop3A_781 : i32 to index
        %parallel_loop3A_891 = arith.constant 80 : index
        %parallel_loop3A_892 = tpu.vector_load %arg11[%parallel_loop3A_889, %parallel_loop3A_890, %parallel_loop3A_891] {strides = array<i32>} : memref<2x40x128xf32, #tpu.memory_space<vmem>>, vector<1x1x16xf32>,
        %parallel_loop3A_893 = vector.shape_cast %parallel_loop3A_892 : vector<1x1x16xf32> to vector<16xf32>
        %parallel_loop3A_894 = arith.mulf %parallel_loop3A_887, %parallel_loop3A_893 : vector<16xf32>
        %parallel_loop3A_895 = arith.constant 1 : i32
        %parallel_loop3A_896 = arith.index_cast %parallel_loop3A_895 : i32 to index
        %parallel_loop3A_897 = arith.index_cast %parallel_loop3A_781 : i32 to index
        %parallel_loop3A_898 = arith.constant 80 : index
        %parallel_loop3A_899 = tpu.vector_load %arg12[%parallel_loop3A_896, %parallel_loop3A_897, %parallel_loop3A_898] {strides = array<i32>} : memref<2x40x128xf32, #tpu.memory_space<vmem>>, vector<1x1x16xf32>,
        %parallel_loop3A_900 = vector.shape_cast %parallel_loop3A_899 : vector<1x1x16xf32> to vector<16xf32>
        %parallel_loop3A_901 = vector.shape_cast %parallel_loop3A_894 : vector<16xf32> to vector<1x1x16xf32>
        tpu.vector_store %arg12[%parallel_loop3A_896, %parallel_loop3A_897, %parallel_loop3A_898], %parallel_loop3A_901 {strides = array<i32>} : memref<2x40x128xf32, #tpu.memory_space<vmem>>, vector<1x1x16xf32>,
        %parallel_loop3A_902 = arith.constant 1 : i32
        %parallel_loop3A_903 = arith.index_cast %parallel_loop3A_902 : i32 to index
        %parallel_loop3A_904 = arith.index_cast %parallel_loop3A_781 : i32 to index
        %parallel_loop3A_905 = arith.constant 96 : index
        %parallel_loop3A_906 = tpu.vector_load %arg10[%parallel_loop3A_903, %parallel_loop3A_904, %parallel_loop3A_905] {strides = array<i32>} : memref<2x40x128xf32, #tpu.memory_space<vmem>>, vector<1x1x16xf32>,
        %parallel_loop3A_907 = vector.shape_cast %parallel_loop3A_906 : vector<1x1x16xf32> to vector<16xf32>
        %parallel_loop3A_908 = arith.constant 1 : i32
        %parallel_loop3A_909 = arith.index_cast %parallel_loop3A_908 : i32 to index
        %parallel_loop3A_910 = arith.index_cast %parallel_loop3A_781 : i32 to index
        %parallel_loop3A_911 = arith.constant 96 : index
        %parallel_loop3A_912 = tpu.vector_load %arg11[%parallel_loop3A_909, %parallel_loop3A_910, %parallel_loop3A_911] {strides = array<i32>} : memref<2x40x128xf32, #tpu.memory_space<vmem>>, vector<1x1x16xf32>,
        %parallel_loop3A_913 = vector.shape_cast %parallel_loop3A_912 : vector<1x1x16xf32> to vector<16xf32>
        %parallel_loop3A_914 = arith.mulf %parallel_loop3A_907, %parallel_loop3A_913 : vector<16xf32>
        %parallel_loop3A_915 = arith.constant 1 : i32
        %parallel_loop3A_916 = arith.index_cast %parallel_loop3A_915 : i32 to index
        %parallel_loop3A_917 = arith.index_cast %parallel_loop3A_781 : i32 to index
        %parallel_loop3A_918 = arith.constant 96 : index
        %parallel_loop3A_919 = tpu.vector_load %arg12[%parallel_loop3A_916, %parallel_loop3A_917, %parallel_loop3A_918] {strides = array<i32>} : memref<2x40x128xf32, #tpu.memory_space<vmem>>, vector<1x1x16xf32>,
        %parallel_loop3A_920 = vector.shape_cast %parallel_loop3A_919 : vector<1x1x16xf32> to vector<16xf32>
        %parallel_loop3A_921 = vector.shape_cast %parallel_loop3A_914 : vector<16xf32> to vector<1x1x16xf32>
        tpu.vector_store %arg12[%parallel_loop3A_916, %parallel_loop3A_917, %parallel_loop3A_918], %parallel_loop3A_921 {strides = array<i32>} : memref<2x40x128xf32, #tpu.memory_space<vmem>>, vector<1x1x16xf32>,
        %parallel_loop3A_922 = arith.constant 1 : i32
        %parallel_loop3A_923 = arith.index_cast %parallel_loop3A_922 : i32 to index
        %parallel_loop3A_924 = arith.index_cast %parallel_loop3A_781 : i32 to index
        %parallel_loop3A_925 = arith.constant 112 : index
        %parallel_loop3A_926 = tpu.vector_load %arg10[%parallel_loop3A_923, %parallel_loop3A_924, %parallel_loop3A_925] {strides = array<i32>} : memref<2x40x128xf32, #tpu.memory_space<vmem>>, vector<1x1x16xf32>,
        %parallel_loop3A_927 = vector.shape_cast %parallel_loop3A_926 : vector<1x1x16xf32> to vector<16xf32>
        %parallel_loop3A_928 = arith.constant 1 : i32
        %parallel_loop3A_929 = arith.index_cast %parallel_loop3A_928 : i32 to index
        %parallel_loop3A_930 = arith.index_cast %parallel_loop3A_781 : i32 to index
        %parallel_loop3A_931 = arith.constant 112 : index
        %parallel_loop3A_932 = tpu.vector_load %arg11[%parallel_loop3A_929, %parallel_loop3A_930, %parallel_loop3A_931] {strides = array<i32>} : memref<2x40x128xf32, #tpu.memory_space<vmem>>, vector<1x1x16xf32>,
        %parallel_loop3A_933 = vector.shape_cast %parallel_loop3A_932 : vector<1x1x16xf32> to vector<16xf32>
        %parallel_loop3A_934 = arith.mulf %parallel_loop3A_927, %parallel_loop3A_933 : vector<16xf32>
        %parallel_loop3A_935 = arith.constant 1 : i32
        %parallel_loop3A_936 = arith.index_cast %parallel_loop3A_935 : i32 to index
        %parallel_loop3A_937 = arith.index_cast %parallel_loop3A_781 : i32 to index
        %parallel_loop3A_938 = arith.constant 112 : index
        %parallel_loop3A_939 = tpu.vector_load %arg12[%parallel_loop3A_936, %parallel_loop3A_937, %parallel_loop3A_938] {strides = array<i32>} : memref<2x40x128xf32, #tpu.memory_space<vmem>>, vector<1x1x16xf32>,
        %parallel_loop3A_940 = vector.shape_cast %parallel_loop3A_939 : vector<1x1x16xf32> to vector<16xf32>
        %parallel_loop3A_941 = vector.shape_cast %parallel_loop3A_934 : vector<16xf32> to vector<1x1x16xf32>
        tpu.vector_store %arg12[%parallel_loop3A_936, %parallel_loop3A_937, %parallel_loop3A_938], %parallel_loop3A_941 {strides = array<i32>} : memref<2x40x128xf32, #tpu.memory_space<vmem>>, vector<1x1x16xf32>,
      } {sc.loop_unroll_factor = 2 : i64, sc.parallel_access}
      %dma_start3A_411 = arith.constant 1 : i32
      %dma_start3A_412 = arith.constant 1 : i32
      %dma_start3A_413 = arith.constant 0 : i32
      %dma_start3A_414 = arith.constant 0 : i32
      %dma_start3A_415 = tpu.memref_slice %arg12[%dma_start3A_411, %dma_start3A_413, %dma_start3A_414] : memref<2x40x128xf32, #tpu.memory_space<vmem>> -> memref<1x40x128xf32, #tpu.memory_space<vmem>>
      %dma_start3A_416 = tpu.memref_squeeze %dma_start3A_415 : memref<1x40x128xf32, #tpu.memory_space<vmem>> -> memref<40x128xf32, #tpu.memory_space<vmem>>
      %dma_start3A_417 = arith.constant 0 : i32
      %dma_start3A_418 = tpu.memref_slice %arg9[%dma_start3A_412, %dma_start3A_417] : memref<4x40xi32, #tpu.memory_space<vmem>> -> memref<1x40xi32, #tpu.memory_space<vmem>>
      %dma_start3A_419 = tpu.memref_squeeze %dma_start3A_418 : memref<1x40xi32, #tpu.memory_space<vmem>> -> memref<40xi32, #tpu.memory_space<vmem>>
      %dma_start3A_420 = arith.constant 0 : i32
      %dma_start3A_421 = arith.constant 0 : i32
      %dma_start3A_422 = tpu.memref_slice %arg13[%dma_start3A_420, %dma_start3A_421] : memref<10240x128xf32, #tpu.memory_space<vmem_shared>> -> memref<10240x128xf32, #tpu.memory_space<vmem_shared>>
      tpu.enqueue_indirect_dma source(%dma_start3A_416 : memref<40x128xf32, #tpu.memory_space<vmem>>) target(%dma_start3A_422 : memref<10240x128xf32, #tpu.memory_space<vmem_shared>>) offsets(%dma_start3A_419 : memref<40xi32, #tpu.memory_space<vmem>>) semaphore(%arg19 : memref<!tpu.dma_semaphore, #tpu.memory_space<semaphore_mem>>) {add = true}
      %add3A_423 = arith.constant 2 : i32
      %add3A_424 = arith.addi %add3A_344, %add3A_423 : i32
      %dma_wait3A_425 = arith.constant 3 : i32
      %dma_wait3A_426 = arith.constant 0 : i32
      %dma_wait3A_427 = tpu.memref_slice %arg8[%dma_wait3A_425, %dma_wait3A_426] : memref<4x40xi32, #tpu.memory_space<vmem>> -> memref<1x40xi32, #tpu.memory_space<vmem>>
      %dma_wait3A_428 = tpu.memref_squeeze %dma_wait3A_427 : memref<1x40xi32, #tpu.memory_space<vmem>> -> memref<40xi32, #tpu.memory_space<vmem>>
      %dma_wait3A_429 = arith.constant 0 : i32
      %dma_wait3A_430 = tpu.memref_slice %arg5[%add3A, %add3A_424, %dma_wait3A_429] : memref<32x250x40xi32, #tpu.memory_space<hbm>> -> memref<1x1x40xi32, #tpu.memory_space<hbm>>
      %dma_wait3A_431 = tpu.memref_squeeze %dma_wait3A_430 : memref<1x1x40xi32, #tpu.memory_space<hbm>> -> memref<40xi32, #tpu.memory_space<hbm>>
      %dma_wait3A_432 = arith.constant 0 : i32
      %dma_wait3A_433 = tpu.memref_slice %arg8[%dma_wait3A_425, %dma_wait3A_432] : memref<4x40xi32, #tpu.memory_space<vmem>> -> memref<1x40xi32, #tpu.memory_space<vmem>>
      %dma_wait3A_434 = tpu.memref_squeeze %dma_wait3A_433 : memref<1x40xi32, #tpu.memory_space<vmem>> -> memref<40xi32, #tpu.memory_space<vmem>>
      %dma_wait3A_435 = arith.constant 0 : i32
      %dma_wait3A_436 = tpu.memref_slice %arg5[%add3A, %add3A_424, %dma_wait3A_435] : memref<32x250x40xi32, #tpu.memory_space<hbm>> -> memref<1x1x40xi32, #tpu.memory_space<hbm>>
      %dma_wait3A_437 = tpu.memref_squeeze %dma_wait3A_436 : memref<1x1x40xi32, #tpu.memory_space<hbm>> -> memref<40xi32, #tpu.memory_space<hbm>>
      tpu.wait_dma2 semaphore(%arg23 : memref<!tpu.dma_semaphore, #tpu.memory_space<semaphore_mem>>) src(%dma_wait3A_437 : memref<40xi32, #tpu.memory_space<hbm>>) dst(%dma_wait3A_434 : memref<40xi32, #tpu.memory_space<vmem>>)
      %add3A_438 = arith.constant 2 : i32
      %add3A_439 = arith.addi %add3A_344, %add3A_438 : i32
      %dma_wait3A_440 = arith.constant 3 : i32
      %dma_wait3A_441 = arith.constant 0 : i32
      %dma_wait3A_442 = tpu.memref_slice %arg9[%dma_wait3A_440, %dma_wait3A_441] : memref<4x40xi32, #tpu.memory_space<vmem>> -> memref<1x40xi32, #tpu.memory_space<vmem>>
      %dma_wait3A_443 = tpu.memref_squeeze %dma_wait3A_442 : memref<1x40xi32, #tpu.memory_space<vmem>> -> memref<40xi32, #tpu.memory_space<vmem>>
      %dma_wait3A_444 = arith.constant 0 : i32
      %dma_wait3A_445 = tpu.memref_slice %arg4[%add3A, %add3A_439, %dma_wait3A_444] : memref<32x250x40xi32, #tpu.memory_space<hbm>> -> memref<1x1x40xi32, #tpu.memory_space<hbm>>
      %dma_wait3A_446 = tpu.memref_squeeze %dma_wait3A_445 : memref<1x1x40xi32, #tpu.memory_space<hbm>> -> memref<40xi32, #tpu.memory_space<hbm>>
      %dma_wait3A_447 = arith.constant 0 : i32
      %dma_wait3A_448 = tpu.memref_slice %arg9[%dma_wait3A_440, %dma_wait3A_447] : memref<4x40xi32, #tpu.memory_space<vmem>> -> memref<1x40xi32, #tpu.memory_space<vmem>>
      %dma_wait3A_449 = tpu.memref_squeeze %dma_wait3A_448 : memref<1x40xi32, #tpu.memory_space<vmem>> -> memref<40xi32, #tpu.memory_space<vmem>>
      %dma_wait3A_450 = arith.constant 0 : i32
      %dma_wait3A_451 = tpu.memref_slice %arg4[%add3A, %add3A_439, %dma_wait3A_450] : memref<32x250x40xi32, #tpu.memory_space<hbm>> -> memref<1x1x40xi32, #tpu.memory_space<hbm>>
      %dma_wait3A_452 = tpu.memref_squeeze %dma_wait3A_451 : memref<1x1x40xi32, #tpu.memory_space<hbm>> -> memref<40xi32, #tpu.memory_space<hbm>>
      tpu.wait_dma2 semaphore(%arg23 : memref<!tpu.dma_semaphore, #tpu.memory_space<semaphore_mem>>) src(%dma_wait3A_452 : memref<40xi32, #tpu.memory_space<hbm>>) dst(%dma_wait3A_449 : memref<40xi32, #tpu.memory_space<vmem>>)
      %add3A_453 = arith.constant 2 : i32
      %add3A_454 = arith.addi %add3A_344, %add3A_453 : i32
      %dma_start3A_455 = arith.constant 3 : i32
      %dma_start3A_456 = arith.constant 1 : i32
      %dma_start3A_457 = arith.constant 0 : i32
      %dma_start3A_458 = arith.constant 0 : i32
      %dma_start3A_459 = tpu.memref_slice %arg10[%dma_start3A_456, %dma_start3A_457, %dma_start3A_458] : memref<2x40x128xf32, #tpu.memory_space<vmem>> -> memref<1x40x128xf32, #tpu.memory_space<vmem>>
      %dma_start3A_460 = tpu.memref_squeeze %dma_start3A_459 : memref<1x40x128xf32, #tpu.memory_space<vmem>> -> memref<40x128xf32, #tpu.memory_space<vmem>>
      %dma_start3A_461 = arith.constant 0 : i32
      %dma_start3A_462 = tpu.memref_slice %arg8[%dma_start3A_455, %dma_start3A_461] : memref<4x40xi32, #tpu.memory_space<vmem>> -> memref<1x40xi32, #tpu.memory_space<vmem>>
      %dma_start3A_463 = tpu.memref_squeeze %dma_start3A_462 : memref<1x40xi32, #tpu.memory_space<vmem>> -> memref<40xi32, #tpu.memory_space<vmem>>
      %dma_start3A_464 = arith.constant 0 : i32
      %dma_start3A_465 = arith.constant 0 : i32
      %dma_start3A_466 = tpu.memref_slice %arg2[%dma_start3A_464, %dma_start3A_465] : memref<10000x128xf32, #tpu.memory_space<hbm>> -> memref<10000x128xf32, #tpu.memory_space<hbm>>
      tpu.enqueue_indirect_dma source(%dma_start3A_466 : memref<10000x128xf32, #tpu.memory_space<hbm>>) target(%dma_start3A_460 : memref<40x128xf32, #tpu.memory_space<vmem>>) offsets(%dma_start3A_463 : memref<40xi32, #tpu.memory_space<vmem>>) semaphore(%arg15 : memref<!tpu.dma_semaphore, #tpu.memory_space<semaphore_mem>>)
      %mul3A_467 = arith.constant 40 : i32
      %mul3A_468 = arith.muli %add3A_454, %mul3A_467 : i32
      %add3A_469 = arith.addi %mul3A_4, %mul3A_468 : i32
      %dma_start3A_470 = arith.constant 1 : i32
      %dma_start3A_471 = arith.constant 0 : i32
      %dma_start3A_472 = arith.constant 0 : i32
      %dma_start3A_473 = tpu.memref_slice %arg11[%dma_start3A_470, %dma_start3A_471, %dma_start3A_472] : memref<2x40x128xf32, #tpu.memory_space<vmem>> -> memref<1x40x128xf32, #tpu.memory_space<vmem>>
      %dma_start3A_474 = tpu.memref_squeeze %dma_start3A_473 : memref<1x40x128xf32, #tpu.memory_space<vmem>> -> memref<40x128xf32, #tpu.memory_space<vmem>>
      %dma_start3A_475 = arith.constant 0 : i32
      %dma_start3A_476 = tpu.memref_slice %arg3[%add3A_469, %dma_start3A_475] : memref<320000x128xf32, #tpu.memory_space<hbm>> -> memref<40x128xf32, #tpu.memory_space<hbm>>
      %dma_start3A_477 = arith.constant 0 : i32
      %dma_start3A_478 = arith.constant 0 : i32
      %dma_start3A_479 = tpu.memref_slice %arg11[%dma_start3A_470, %dma_start3A_477, %dma_start3A_478] : memref<2x40x128xf32, #tpu.memory_space<vmem>> -> memref<1x40x128xf32, #tpu.memory_space<vmem>>
      %dma_start3A_480 = tpu.memref_squeeze %dma_start3A_479 : memref<1x40x128xf32, #tpu.memory_space<vmem>> -> memref<40x128xf32, #tpu.memory_space<vmem>>
      %dma_start3A_481 = arith.constant 0 : i32
      %dma_start3A_482 = tpu.memref_slice %arg3[%add3A_469, %dma_start3A_481] : memref<320000x128xf32, #tpu.memory_space<hbm>> -> memref<40x128xf32, #tpu.memory_space<hbm>>
      tpu.enqueue_dma source(%dma_start3A_482 : memref<40x128xf32, #tpu.memory_space<hbm>>) target(%dma_start3A_480 : memref<40x128xf32, #tpu.memory_space<vmem>>) target_semaphore(%arg17 : memref<!tpu.dma_semaphore, #tpu.memory_space<semaphore_mem>>)
      %mul3A_483 = arith.constant 4 : i32
      %mul3A_484 = arith.muli %mul3A_483, %scan3A_201 : i32
      %add3A_485 = arith.constant 2 : i32
      %add3A_486 = arith.addi %mul3A_484, %add3A_485 : i32
      %dma_wait3A_487 = arith.constant 2 : i32
      %dma_wait3A_488 = arith.constant 0 : i32
      %dma_wait3A_489 = arith.constant 0 : i32
      %dma_wait3A_490 = arith.constant 0 : i32
      %dma_wait3A_491 = tpu.memref_slice %arg10[%dma_wait3A_488, %dma_wait3A_489, %dma_wait3A_490] : memref<2x40x128xf32, #tpu.memory_space<vmem>> -> memref<1x40x128xf32, #tpu.memory_space<vmem>>
      %dma_wait3A_492 = tpu.memref_squeeze %dma_wait3A_491 : memref<1x40x128xf32, #tpu.memory_space<vmem>> -> memref<40x128xf32, #tpu.memory_space<vmem>>
      %dma_wait3A_493 = arith.constant 0 : i32
      %dma_wait3A_494 = tpu.memref_slice %arg8[%dma_wait3A_487, %dma_wait3A_493] : memref<4x40xi32, #tpu.memory_space<vmem>> -> memref<1x40xi32, #tpu.memory_space<vmem>>
      %dma_wait3A_495 = tpu.memref_squeeze %dma_wait3A_494 : memref<1x40xi32, #tpu.memory_space<vmem>> -> memref<40xi32, #tpu.memory_space<vmem>>
      %dma_wait3A_496 = arith.constant 0 : i32
      %dma_wait3A_497 = arith.constant 0 : i32
      %dma_wait3A_498 = tpu.memref_slice %arg2[%dma_wait3A_496, %dma_wait3A_497] : memref<10000x128xf32, #tpu.memory_space<hbm>> -> memref<10000x128xf32, #tpu.memory_space<hbm>>
      tpu.wait_indirect_dma semaphore(%arg14 : memref<!tpu.dma_semaphore, #tpu.memory_space<semaphore_mem>>) src(%dma_wait3A_498 : memref<10000x128xf32, #tpu.memory_space<hbm>>) dst(%dma_wait3A_492 : memref<40x128xf32, #tpu.memory_space<vmem>>)
      %mul3A_499 = arith.constant 40 : i32
      %mul3A_500 = arith.muli %add3A_486, %mul3A_499 : i32
      %add3A_501 = arith.addi %mul3A_4, %mul3A_500 : i32
      %dma_wait3A_502 = arith.constant 0 : i32
      %dma_wait3A_503 = arith.constant 0 : i32
      %dma_wait3A_504 = arith.constant 0 : i32
      %dma_wait3A_505 = tpu.memref_slice %arg11[%dma_wait3A_502, %dma_wait3A_503, %dma_wait3A_504] : memref<2x40x128xf32, #tpu.memory_space<vmem>> -> memref<1x40x128xf32, #tpu.memory_space<vmem>>
      %dma_wait3A_506 = tpu.memref_squeeze %dma_wait3A_505 : memref<1x40x128xf32, #tpu.memory_space<vmem>> -> memref<40x128xf32, #tpu.memory_space<vmem>>
      %dma_wait3A_507 = arith.constant 0 : i32
      %dma_wait3A_508 = tpu.memref_slice %arg3[%add3A_501, %dma_wait3A_507] : memref<320000x128xf32, #tpu.memory_space<hbm>> -> memref<40x128xf32, #tpu.memory_space<hbm>>
      %dma_wait3A_509 = arith.constant 0 : i32
      %dma_wait3A_510 = arith.constant 0 : i32
      %dma_wait3A_511 = tpu.memref_slice %arg11[%dma_wait3A_502, %dma_wait3A_509, %dma_wait3A_510] : memref<2x40x128xf32, #tpu.memory_space<vmem>> -> memref<1x40x128xf32, #tpu.memory_space<vmem>>
      %dma_wait3A_512 = tpu.memref_squeeze %dma_wait3A_511 : memref<1x40x128xf32, #tpu.memory_space<vmem>> -> memref<40x128xf32, #tpu.memory_space<vmem>>
      %dma_wait3A_513 = arith.constant 0 : i32
      %dma_wait3A_514 = tpu.memref_slice %arg3[%add3A_501, %dma_wait3A_513] : memref<320000x128xf32, #tpu.memory_space<hbm>> -> memref<40x128xf32, #tpu.memory_space<hbm>>
      tpu.wait_dma2 semaphore(%arg16 : memref<!tpu.dma_semaphore, #tpu.memory_space<semaphore_mem>>) src(%dma_wait3A_514 : memref<40x128xf32, #tpu.memory_space<hbm>>) dst(%dma_wait3A_512 : memref<40x128xf32, #tpu.memory_space<vmem>>)
      %dma_wait3A_515 = arith.constant 0 : i32
      %dma_wait3A_516 = arith.constant 0 : i32
      %dma_wait3A_517 = arith.constant 0 : i32
      %dma_wait3A_518 = arith.constant 0 : i32
      %dma_wait3A_519 = tpu.memref_slice %arg12[%dma_wait3A_515, %dma_wait3A_517, %dma_wait3A_518] : memref<2x40x128xf32, #tpu.memory_space<vmem>> -> memref<1x40x128xf32, #tpu.memory_space<vmem>>
      %dma_wait3A_520 = tpu.memref_squeeze %dma_wait3A_519 : memref<1x40x128xf32, #tpu.memory_space<vmem>> -> memref<40x128xf32, #tpu.memory_space<vmem>>
      %dma_wait3A_521 = arith.constant 0 : i32
      %dma_wait3A_522 = tpu.memref_slice %arg9[%dma_wait3A_516, %dma_wait3A_521] : memref<4x40xi32, #tpu.memory_space<vmem>> -> memref<1x40xi32, #tpu.memory_space<vmem>>
      %dma_wait3A_523 = tpu.memref_squeeze %dma_wait3A_522 : memref<1x40xi32, #tpu.memory_space<vmem>> -> memref<40xi32, #tpu.memory_space<vmem>>
      %dma_wait3A_524 = arith.constant 0 : i32
      %dma_wait3A_525 = arith.constant 0 : i32
      %dma_wait3A_526 = tpu.memref_slice %arg13[%dma_wait3A_524, %dma_wait3A_525] : memref<10240x128xf32, #tpu.memory_space<vmem_shared>> -> memref<10240x128xf32, #tpu.memory_space<vmem_shared>>
      tpu.wait_indirect_dma semaphore(%arg18 : memref<!tpu.dma_semaphore, #tpu.memory_space<semaphore_mem>>) src(%dma_wait3A_520 : memref<40x128xf32, #tpu.memory_space<vmem>>) dst(%dma_wait3A_526 : memref<10240x128xf32, #tpu.memory_space<vmem_shared>>)
      %add3A_527 = arith.constant 2 : i32
      %add3A_528 = arith.addi %add3A_486, %add3A_527 : i32
      %dma_start3A_529 = arith.constant 0 : i32
      %dma_start3A_530 = arith.constant 0 : i32
      %dma_start3A_531 = tpu.memref_slice %arg8[%dma_start3A_529, %dma_start3A_530] : memref<4x40xi32, #tpu.memory_space<vmem>> -> memref<1x40xi32, #tpu.memory_space<vmem>>
      %dma_start3A_532 = tpu.memref_squeeze %dma_start3A_531 : memref<1x40xi32, #tpu.memory_space<vmem>> -> memref<40xi32, #tpu.memory_space<vmem>>
      %dma_start3A_533 = arith.constant 0 : i32
      %dma_start3A_534 = tpu.memref_slice %arg5[%add3A, %add3A_528, %dma_start3A_533] : memref<32x250x40xi32, #tpu.memory_space<hbm>> -> memref<1x1x40xi32, #tpu.memory_space<hbm>>
      %dma_start3A_535 = tpu.memref_squeeze %dma_start3A_534 : memref<1x1x40xi32, #tpu.memory_space<hbm>> -> memref<40xi32, #tpu.memory_space<hbm>>
      %dma_start3A_536 = arith.constant 0 : i32
      %dma_start3A_537 = tpu.memref_slice %arg8[%dma_start3A_529, %dma_start3A_536] : memref<4x40xi32, #tpu.memory_space<vmem>> -> memref<1x40xi32, #tpu.memory_space<vmem>>
      %dma_start3A_538 = tpu.memref_squeeze %dma_start3A_537 : memref<1x40xi32, #tpu.memory_space<vmem>> -> memref<40xi32, #tpu.memory_space<vmem>>
      %dma_start3A_539 = arith.constant 0 : i32
      %dma_start3A_540 = tpu.memref_slice %arg5[%add3A, %add3A_528, %dma_start3A_539] : memref<32x250x40xi32, #tpu.memory_space<hbm>> -> memref<1x1x40xi32, #tpu.memory_space<hbm>>
      %dma_start3A_541 = tpu.memref_squeeze %dma_start3A_540 : memref<1x1x40xi32, #tpu.memory_space<hbm>> -> memref<40xi32, #tpu.memory_space<hbm>>
      tpu.enqueue_dma source(%dma_start3A_541 : memref<40xi32, #tpu.memory_space<hbm>>) target(%dma_start3A_538 : memref<40xi32, #tpu.memory_space<vmem>>) target_semaphore(%arg20 : memref<!tpu.dma_semaphore, #tpu.memory_space<semaphore_mem>>)
      %add3A_542 = arith.constant 2 : i32
      %add3A_543 = arith.addi %add3A_486, %add3A_542 : i32
      %dma_start3A_544 = arith.constant 0 : i32
      %dma_start3A_545 = arith.constant 0 : i32
      %dma_start3A_546 = tpu.memref_slice %arg9[%dma_start3A_544, %dma_start3A_545] : memref<4x40xi32, #tpu.memory_space<vmem>> -> memref<1x40xi32, #tpu.memory_space<vmem>>
      %dma_start3A_547 = tpu.memref_squeeze %dma_start3A_546 : memref<1x40xi32, #tpu.memory_space<vmem>> -> memref<40xi32, #tpu.memory_space<vmem>>
      %dma_start3A_548 = arith.constant 0 : i32
      %dma_start3A_549 = tpu.memref_slice %arg4[%add3A, %add3A_543, %dma_start3A_548] : memref<32x250x40xi32, #tpu.memory_space<hbm>> -> memref<1x1x40xi32, #tpu.memory_space<hbm>>
      %dma_start3A_550 = tpu.memref_squeeze %dma_start3A_549 : memref<1x1x40xi32, #tpu.memory_space<hbm>> -> memref<40xi32, #tpu.memory_space<hbm>>
      %dma_start3A_551 = arith.constant 0 : i32
      %dma_start3A_552 = tpu.memref_slice %arg9[%dma_start3A_544, %dma_start3A_551] : memref<4x40xi32, #tpu.memory_space<vmem>> -> memref<1x40xi32, #tpu.memory_space<vmem>>
      %dma_start3A_553 = tpu.memref_squeeze %dma_start3A_552 : memref<1x40xi32, #tpu.memory_space<vmem>> -> memref<40xi32, #tpu.memory_space<vmem>>
      %dma_start3A_554 = arith.constant 0 : i32
      %dma_start3A_555 = tpu.memref_slice %arg4[%add3A, %add3A_543, %dma_start3A_554] : memref<32x250x40xi32, #tpu.memory_space<hbm>> -> memref<1x1x40xi32, #tpu.memory_space<hbm>>
      %dma_start3A_556 = tpu.memref_squeeze %dma_start3A_555 : memref<1x1x40xi32, #tpu.memory_space<hbm>> -> memref<40xi32, #tpu.memory_space<hbm>>
      tpu.enqueue_dma source(%dma_start3A_556 : memref<40xi32, #tpu.memory_space<hbm>>) target(%dma_start3A_553 : memref<40xi32, #tpu.memory_space<vmem>>) target_semaphore(%arg20 : memref<!tpu.dma_semaphore, #tpu.memory_space<semaphore_mem>>)
      %parallel_loop3A_557 = arith.constant 0 : i32
      %parallel_loop3A_558 = arith.constant 40 : i32
      %parallel_loop3A_559 = arith.constant 1 : i32
      scf.for %parallel_loop3A_781 = %parallel_loop3A_557 to %parallel_loop3A_558 step %parallel_loop3A_559  : i32 {
        %parallel_loop3A_782 = arith.constant 0 : i32
        %parallel_loop3A_783 = arith.index_cast %parallel_loop3A_782 : i32 to index
        %parallel_loop3A_784 = arith.index_cast %parallel_loop3A_781 : i32 to index
        %parallel_loop3A_785 = arith.constant 0 : index
        %parallel_loop3A_786 = tpu.vector_load %arg10[%parallel_loop3A_783, %parallel_loop3A_784, %parallel_loop3A_785] {strides = array<i32>} : memref<2x40x128xf32, #tpu.memory_space<vmem>>, vector<1x1x16xf32>,
        %parallel_loop3A_787 = vector.shape_cast %parallel_loop3A_786 : vector<1x1x16xf32> to vector<16xf32>
        %parallel_loop3A_788 = arith.constant 0 : i32
        %parallel_loop3A_789 = arith.index_cast %parallel_loop3A_788 : i32 to index
        %parallel_loop3A_790 = arith.index_cast %parallel_loop3A_781 : i32 to index
        %parallel_loop3A_791 = arith.constant 0 : index
        %parallel_loop3A_792 = tpu.vector_load %arg11[%parallel_loop3A_789, %parallel_loop3A_790, %parallel_loop3A_791] {strides = array<i32>} : memref<2x40x128xf32, #tpu.memory_space<vmem>>, vector<1x1x16xf32>,
        %parallel_loop3A_793 = vector.shape_cast %parallel_loop3A_792 : vector<1x1x16xf32> to vector<16xf32>
        %parallel_loop3A_794 = arith.mulf %parallel_loop3A_787, %parallel_loop3A_793 : vector<16xf32>
        %parallel_loop3A_795 = arith.constant 0 : i32
        %parallel_loop3A_796 = arith.index_cast %parallel_loop3A_795 : i32 to index
        %parallel_loop3A_797 = arith.index_cast %parallel_loop3A_781 : i32 to index
        %parallel_loop3A_798 = arith.constant 0 : index
        %parallel_loop3A_799 = tpu.vector_load %arg12[%parallel_loop3A_796, %parallel_loop3A_797, %parallel_loop3A_798] {strides = array<i32>} : memref<2x40x128xf32, #tpu.memory_space<vmem>>, vector<1x1x16xf32>,
        %parallel_loop3A_800 = vector.shape_cast %parallel_loop3A_799 : vector<1x1x16xf32> to vector<16xf32>
        %parallel_loop3A_801 = vector.shape_cast %parallel_loop3A_794 : vector<16xf32> to vector<1x1x16xf32>
        tpu.vector_store %arg12[%parallel_loop3A_796, %parallel_loop3A_797, %parallel_loop3A_798], %parallel_loop3A_801 {strides = array<i32>} : memref<2x40x128xf32, #tpu.memory_space<vmem>>, vector<1x1x16xf32>,
        %parallel_loop3A_802 = arith.constant 0 : i32
        %parallel_loop3A_803 = arith.index_cast %parallel_loop3A_802 : i32 to index
        %parallel_loop3A_804 = arith.index_cast %parallel_loop3A_781 : i32 to index
        %parallel_loop3A_805 = arith.constant 16 : index
        %parallel_loop3A_806 = tpu.vector_load %arg10[%parallel_loop3A_803, %parallel_loop3A_804, %parallel_loop3A_805] {strides = array<i32>} : memref<2x40x128xf32, #tpu.memory_space<vmem>>, vector<1x1x16xf32>,
        %parallel_loop3A_807 = vector.shape_cast %parallel_loop3A_806 : vector<1x1x16xf32> to vector<16xf32>
        %parallel_loop3A_808 = arith.constant 0 : i32
        %parallel_loop3A_809 = arith.index_cast %parallel_loop3A_808 : i32 to index
        %parallel_loop3A_810 = arith.index_cast %parallel_loop3A_781 : i32 to index
        %parallel_loop3A_811 = arith.constant 16 : index
        %parallel_loop3A_812 = tpu.vector_load %arg11[%parallel_loop3A_809, %parallel_loop3A_810, %parallel_loop3A_811] {strides = array<i32>} : memref<2x40x128xf32, #tpu.memory_space<vmem>>, vector<1x1x16xf32>,
        %parallel_loop3A_813 = vector.shape_cast %parallel_loop3A_812 : vector<1x1x16xf32> to vector<16xf32>
        %parallel_loop3A_814 = arith.mulf %parallel_loop3A_807, %parallel_loop3A_813 : vector<16xf32>
        %parallel_loop3A_815 = arith.constant 0 : i32
        %parallel_loop3A_816 = arith.index_cast %parallel_loop3A_815 : i32 to index
        %parallel_loop3A_817 = arith.index_cast %parallel_loop3A_781 : i32 to index
        %parallel_loop3A_818 = arith.constant 16 : index
        %parallel_loop3A_819 = tpu.vector_load %arg12[%parallel_loop3A_816, %parallel_loop3A_817, %parallel_loop3A_818] {strides = array<i32>} : memref<2x40x128xf32, #tpu.memory_space<vmem>>, vector<1x1x16xf32>,
        %parallel_loop3A_820 = vector.shape_cast %parallel_loop3A_819 : vector<1x1x16xf32> to vector<16xf32>
        %parallel_loop3A_821 = vector.shape_cast %parallel_loop3A_814 : vector<16xf32> to vector<1x1x16xf32>
        tpu.vector_store %arg12[%parallel_loop3A_816, %parallel_loop3A_817, %parallel_loop3A_818], %parallel_loop3A_821 {strides = array<i32>} : memref<2x40x128xf32, #tpu.memory_space<vmem>>, vector<1x1x16xf32>,
        %parallel_loop3A_822 = arith.constant 0 : i32
        %parallel_loop3A_823 = arith.index_cast %parallel_loop3A_822 : i32 to index
        %parallel_loop3A_824 = arith.index_cast %parallel_loop3A_781 : i32 to index
        %parallel_loop3A_825 = arith.constant 32 : index
        %parallel_loop3A_826 = tpu.vector_load %arg10[%parallel_loop3A_823, %parallel_loop3A_824, %parallel_loop3A_825] {strides = array<i32>} : memref<2x40x128xf32, #tpu.memory_space<vmem>>, vector<1x1x16xf32>,
        %parallel_loop3A_827 = vector.shape_cast %parallel_loop3A_826 : vector<1x1x16xf32> to vector<16xf32>
        %parallel_loop3A_828 = arith.constant 0 : i32
        %parallel_loop3A_829 = arith.index_cast %parallel_loop3A_828 : i32 to index
        %parallel_loop3A_830 = arith.index_cast %parallel_loop3A_781 : i32 to index
        %parallel_loop3A_831 = arith.constant 32 : index
        %parallel_loop3A_832 = tpu.vector_load %arg11[%parallel_loop3A_829, %parallel_loop3A_830, %parallel_loop3A_831] {strides = array<i32>} : memref<2x40x128xf32, #tpu.memory_space<vmem>>, vector<1x1x16xf32>,
        %parallel_loop3A_833 = vector.shape_cast %parallel_loop3A_832 : vector<1x1x16xf32> to vector<16xf32>
        %parallel_loop3A_834 = arith.mulf %parallel_loop3A_827, %parallel_loop3A_833 : vector<16xf32>
        %parallel_loop3A_835 = arith.constant 0 : i32
        %parallel_loop3A_836 = arith.index_cast %parallel_loop3A_835 : i32 to index
        %parallel_loop3A_837 = arith.index_cast %parallel_loop3A_781 : i32 to index
        %parallel_loop3A_838 = arith.constant 32 : index
        %parallel_loop3A_839 = tpu.vector_load %arg12[%parallel_loop3A_836, %parallel_loop3A_837, %parallel_loop3A_838] {strides = array<i32>} : memref<2x40x128xf32, #tpu.memory_space<vmem>>, vector<1x1x16xf32>,
        %parallel_loop3A_840 = vector.shape_cast %parallel_loop3A_839 : vector<1x1x16xf32> to vector<16xf32>
        %parallel_loop3A_841 = vector.shape_cast %parallel_loop3A_834 : vector<16xf32> to vector<1x1x16xf32>
        tpu.vector_store %arg12[%parallel_loop3A_836, %parallel_loop3A_837, %parallel_loop3A_838], %parallel_loop3A_841 {strides = array<i32>} : memref<2x40x128xf32, #tpu.memory_space<vmem>>, vector<1x1x16xf32>,
        %parallel_loop3A_842 = arith.constant 0 : i32
        %parallel_loop3A_843 = arith.index_cast %parallel_loop3A_842 : i32 to index
        %parallel_loop3A_844 = arith.index_cast %parallel_loop3A_781 : i32 to index
        %parallel_loop3A_845 = arith.constant 48 : index
        %parallel_loop3A_846 = tpu.vector_load %arg10[%parallel_loop3A_843, %parallel_loop3A_844, %parallel_loop3A_845] {strides = array<i32>} : memref<2x40x128xf32, #tpu.memory_space<vmem>>, vector<1x1x16xf32>,
        %parallel_loop3A_847 = vector.shape_cast %parallel_loop3A_846 : vector<1x1x16xf32> to vector<16xf32>
        %parallel_loop3A_848 = arith.constant 0 : i32
        %parallel_loop3A_849 = arith.index_cast %parallel_loop3A_848 : i32 to index
        %parallel_loop3A_850 = arith.index_cast %parallel_loop3A_781 : i32 to index
        %parallel_loop3A_851 = arith.constant 48 : index
        %parallel_loop3A_852 = tpu.vector_load %arg11[%parallel_loop3A_849, %parallel_loop3A_850, %parallel_loop3A_851] {strides = array<i32>} : memref<2x40x128xf32, #tpu.memory_space<vmem>>, vector<1x1x16xf32>,
        %parallel_loop3A_853 = vector.shape_cast %parallel_loop3A_852 : vector<1x1x16xf32> to vector<16xf32>
        %parallel_loop3A_854 = arith.mulf %parallel_loop3A_847, %parallel_loop3A_853 : vector<16xf32>
        %parallel_loop3A_855 = arith.constant 0 : i32
        %parallel_loop3A_856 = arith.index_cast %parallel_loop3A_855 : i32 to index
        %parallel_loop3A_857 = arith.index_cast %parallel_loop3A_781 : i32 to index
        %parallel_loop3A_858 = arith.constant 48 : index
        %parallel_loop3A_859 = tpu.vector_load %arg12[%parallel_loop3A_856, %parallel_loop3A_857, %parallel_loop3A_858] {strides = array<i32>} : memref<2x40x128xf32, #tpu.memory_space<vmem>>, vector<1x1x16xf32>,
        %parallel_loop3A_860 = vector.shape_cast %parallel_loop3A_859 : vector<1x1x16xf32> to vector<16xf32>
        %parallel_loop3A_861 = vector.shape_cast %parallel_loop3A_854 : vector<16xf32> to vector<1x1x16xf32>
        tpu.vector_store %arg12[%parallel_loop3A_856, %parallel_loop3A_857, %parallel_loop3A_858], %parallel_loop3A_861 {strides = array<i32>} : memref<2x40x128xf32, #tpu.memory_space<vmem>>, vector<1x1x16xf32>,
        %parallel_loop3A_862 = arith.constant 0 : i32
        %parallel_loop3A_863 = arith.index_cast %parallel_loop3A_862 : i32 to index
        %parallel_loop3A_864 = arith.index_cast %parallel_loop3A_781 : i32 to index
        %parallel_loop3A_865 = arith.constant 64 : index
        %parallel_loop3A_866 = tpu.vector_load %arg10[%parallel_loop3A_863, %parallel_loop3A_864, %parallel_loop3A_865] {strides = array<i32>} : memref<2x40x128xf32, #tpu.memory_space<vmem>>, vector<1x1x16xf32>,
        %parallel_loop3A_867 = vector.shape_cast %parallel_loop3A_866 : vector<1x1x16xf32> to vector<16xf32>
        %parallel_loop3A_868 = arith.constant 0 : i32
        %parallel_loop3A_869 = arith.index_cast %parallel_loop3A_868 : i32 to index
        %parallel_loop3A_870 = arith.index_cast %parallel_loop3A_781 : i32 to index
        %parallel_loop3A_871 = arith.constant 64 : index
        %parallel_loop3A_872 = tpu.vector_load %arg11[%parallel_loop3A_869, %parallel_loop3A_870, %parallel_loop3A_871] {strides = array<i32>} : memref<2x40x128xf32, #tpu.memory_space<vmem>>, vector<1x1x16xf32>,
        %parallel_loop3A_873 = vector.shape_cast %parallel_loop3A_872 : vector<1x1x16xf32> to vector<16xf32>
        %parallel_loop3A_874 = arith.mulf %parallel_loop3A_867, %parallel_loop3A_873 : vector<16xf32>
        %parallel_loop3A_875 = arith.constant 0 : i32
        %parallel_loop3A_876 = arith.index_cast %parallel_loop3A_875 : i32 to index
        %parallel_loop3A_877 = arith.index_cast %parallel_loop3A_781 : i32 to index
        %parallel_loop3A_878 = arith.constant 64 : index
        %parallel_loop3A_879 = tpu.vector_load %arg12[%parallel_loop3A_876, %parallel_loop3A_877, %parallel_loop3A_878] {strides = array<i32>} : memref<2x40x128xf32, #tpu.memory_space<vmem>>, vector<1x1x16xf32>,
        %parallel_loop3A_880 = vector.shape_cast %parallel_loop3A_879 : vector<1x1x16xf32> to vector<16xf32>
        %parallel_loop3A_881 = vector.shape_cast %parallel_loop3A_874 : vector<16xf32> to vector<1x1x16xf32>
        tpu.vector_store %arg12[%parallel_loop3A_876, %parallel_loop3A_877, %parallel_loop3A_878], %parallel_loop3A_881 {strides = array<i32>} : memref<2x40x128xf32, #tpu.memory_space<vmem>>, vector<1x1x16xf32>,
        %parallel_loop3A_882 = arith.constant 0 : i32
        %parallel_loop3A_883 = arith.index_cast %parallel_loop3A_882 : i32 to index
        %parallel_loop3A_884 = arith.index_cast %parallel_loop3A_781 : i32 to index
        %parallel_loop3A_885 = arith.constant 80 : index
        %parallel_loop3A_886 = tpu.vector_load %arg10[%parallel_loop3A_883, %parallel_loop3A_884, %parallel_loop3A_885] {strides = array<i32>} : memref<2x40x128xf32, #tpu.memory_space<vmem>>, vector<1x1x16xf32>,
        %parallel_loop3A_887 = vector.shape_cast %parallel_loop3A_886 : vector<1x1x16xf32> to vector<16xf32>
        %parallel_loop3A_888 = arith.constant 0 : i32
        %parallel_loop3A_889 = arith.index_cast %parallel_loop3A_888 : i32 to index
        %parallel_loop3A_890 = arith.index_cast %parallel_loop3A_781 : i32 to index
        %parallel_loop3A_891 = arith.constant 80 : index
        %parallel_loop3A_892 = tpu.vector_load %arg11[%parallel_loop3A_889, %parallel_loop3A_890, %parallel_loop3A_891] {strides = array<i32>} : memref<2x40x128xf32, #tpu.memory_space<vmem>>, vector<1x1x16xf32>,
        %parallel_loop3A_893 = vector.shape_cast %parallel_loop3A_892 : vector<1x1x16xf32> to vector<16xf32>
        %parallel_loop3A_894 = arith.mulf %parallel_loop3A_887, %parallel_loop3A_893 : vector<16xf32>
        %parallel_loop3A_895 = arith.constant 0 : i32
        %parallel_loop3A_896 = arith.index_cast %parallel_loop3A_895 : i32 to index
        %parallel_loop3A_897 = arith.index_cast %parallel_loop3A_781 : i32 to index
        %parallel_loop3A_898 = arith.constant 80 : index
        %parallel_loop3A_899 = tpu.vector_load %arg12[%parallel_loop3A_896, %parallel_loop3A_897, %parallel_loop3A_898] {strides = array<i32>} : memref<2x40x128xf32, #tpu.memory_space<vmem>>, vector<1x1x16xf32>,
        %parallel_loop3A_900 = vector.shape_cast %parallel_loop3A_899 : vector<1x1x16xf32> to vector<16xf32>
        %parallel_loop3A_901 = vector.shape_cast %parallel_loop3A_894 : vector<16xf32> to vector<1x1x16xf32>
        tpu.vector_store %arg12[%parallel_loop3A_896, %parallel_loop3A_897, %parallel_loop3A_898], %parallel_loop3A_901 {strides = array<i32>} : memref<2x40x128xf32, #tpu.memory_space<vmem>>, vector<1x1x16xf32>,
        %parallel_loop3A_902 = arith.constant 0 : i32
        %parallel_loop3A_903 = arith.index_cast %parallel_loop3A_902 : i32 to index
        %parallel_loop3A_904 = arith.index_cast %parallel_loop3A_781 : i32 to index
        %parallel_loop3A_905 = arith.constant 96 : index
        %parallel_loop3A_906 = tpu.vector_load %arg10[%parallel_loop3A_903, %parallel_loop3A_904, %parallel_loop3A_905] {strides = array<i32>} : memref<2x40x128xf32, #tpu.memory_space<vmem>>, vector<1x1x16xf32>,
        %parallel_loop3A_907 = vector.shape_cast %parallel_loop3A_906 : vector<1x1x16xf32> to vector<16xf32>
        %parallel_loop3A_908 = arith.constant 0 : i32
        %parallel_loop3A_909 = arith.index_cast %parallel_loop3A_908 : i32 to index
        %parallel_loop3A_910 = arith.index_cast %parallel_loop3A_781 : i32 to index
        %parallel_loop3A_911 = arith.constant 96 : index
        %parallel_loop3A_912 = tpu.vector_load %arg11[%parallel_loop3A_909, %parallel_loop3A_910, %parallel_loop3A_911] {strides = array<i32>} : memref<2x40x128xf32, #tpu.memory_space<vmem>>, vector<1x1x16xf32>,
        %parallel_loop3A_913 = vector.shape_cast %parallel_loop3A_912 : vector<1x1x16xf32> to vector<16xf32>
        %parallel_loop3A_914 = arith.mulf %parallel_loop3A_907, %parallel_loop3A_913 : vector<16xf32>
        %parallel_loop3A_915 = arith.constant 0 : i32
        %parallel_loop3A_916 = arith.index_cast %parallel_loop3A_915 : i32 to index
        %parallel_loop3A_917 = arith.index_cast %parallel_loop3A_781 : i32 to index
        %parallel_loop3A_918 = arith.constant 96 : index
        %parallel_loop3A_919 = tpu.vector_load %arg12[%parallel_loop3A_916, %parallel_loop3A_917, %parallel_loop3A_918] {strides = array<i32>} : memref<2x40x128xf32, #tpu.memory_space<vmem>>, vector<1x1x16xf32>,
        %parallel_loop3A_920 = vector.shape_cast %parallel_loop3A_919 : vector<1x1x16xf32> to vector<16xf32>
        %parallel_loop3A_921 = vector.shape_cast %parallel_loop3A_914 : vector<16xf32> to vector<1x1x16xf32>
        tpu.vector_store %arg12[%parallel_loop3A_916, %parallel_loop3A_917, %parallel_loop3A_918], %parallel_loop3A_921 {strides = array<i32>} : memref<2x40x128xf32, #tpu.memory_space<vmem>>, vector<1x1x16xf32>,
        %parallel_loop3A_922 = arith.constant 0 : i32
        %parallel_loop3A_923 = arith.index_cast %parallel_loop3A_922 : i32 to index
        %parallel_loop3A_924 = arith.index_cast %parallel_loop3A_781 : i32 to index
        %parallel_loop3A_925 = arith.constant 112 : index
        %parallel_loop3A_926 = tpu.vector_load %arg10[%parallel_loop3A_923, %parallel_loop3A_924, %parallel_loop3A_925] {strides = array<i32>} : memref<2x40x128xf32, #tpu.memory_space<vmem>>, vector<1x1x16xf32>,
        %parallel_loop3A_927 = vector.shape_cast %parallel_loop3A_926 : vector<1x1x16xf32> to vector<16xf32>
        %parallel_loop3A_928 = arith.constant 0 : i32
        %parallel_loop3A_929 = arith.index_cast %parallel_loop3A_928 : i32 to index
        %parallel_loop3A_930 = arith.index_cast %parallel_loop3A_781 : i32 to index
        %parallel_loop3A_931 = arith.constant 112 : index
        %parallel_loop3A_932 = tpu.vector_load %arg11[%parallel_loop3A_929, %parallel_loop3A_930, %parallel_loop3A_931] {strides = array<i32>} : memref<2x40x128xf32, #tpu.memory_space<vmem>>, vector<1x1x16xf32>,
        %parallel_loop3A_933 = vector.shape_cast %parallel_loop3A_932 : vector<1x1x16xf32> to vector<16xf32>
        %parallel_loop3A_934 = arith.mulf %parallel_loop3A_927, %parallel_loop3A_933 : vector<16xf32>
        %parallel_loop3A_935 = arith.constant 0 : i32
        %parallel_loop3A_936 = arith.index_cast %parallel_loop3A_935 : i32 to index
        %parallel_loop3A_937 = arith.index_cast %parallel_loop3A_781 : i32 to index
        %parallel_loop3A_938 = arith.constant 112 : index
        %parallel_loop3A_939 = tpu.vector_load %arg12[%parallel_loop3A_936, %parallel_loop3A_937, %parallel_loop3A_938] {strides = array<i32>} : memref<2x40x128xf32, #tpu.memory_space<vmem>>, vector<1x1x16xf32>,
        %parallel_loop3A_940 = vector.shape_cast %parallel_loop3A_939 : vector<1x1x16xf32> to vector<16xf32>
        %parallel_loop3A_941 = vector.shape_cast %parallel_loop3A_934 : vector<16xf32> to vector<1x1x16xf32>
        tpu.vector_store %arg12[%parallel_loop3A_936, %parallel_loop3A_937, %parallel_loop3A_938], %parallel_loop3A_941 {strides = array<i32>} : memref<2x40x128xf32, #tpu.memory_space<vmem>>, vector<1x1x16xf32>,
      } {sc.loop_unroll_factor = 2 : i64, sc.parallel_access}
      %dma_start3A_560 = arith.constant 0 : i32
      %dma_start3A_561 = arith.constant 2 : i32
      %dma_start3A_562 = arith.constant 0 : i32
      %dma_start3A_563 = arith.constant 0 : i32
      %dma_start3A_564 = tpu.memref_slice %arg12[%dma_start3A_560, %dma_start3A_562, %dma_start3A_563] : memref<2x40x128xf32, #tpu.memory_space<vmem>> -> memref<1x40x128xf32, #tpu.memory_space<vmem>>
      %dma_start3A_565 = tpu.memref_squeeze %dma_start3A_564 : memref<1x40x128xf32, #tpu.memory_space<vmem>> -> memref<40x128xf32, #tpu.memory_space<vmem>>
      %dma_start3A_566 = arith.constant 0 : i32
      %dma_start3A_567 = tpu.memref_slice %arg9[%dma_start3A_561, %dma_start3A_566] : memref<4x40xi32, #tpu.memory_space<vmem>> -> memref<1x40xi32, #tpu.memory_space<vmem>>
      %dma_start3A_568 = tpu.memref_squeeze %dma_start3A_567 : memref<1x40xi32, #tpu.memory_space<vmem>> -> memref<40xi32, #tpu.memory_space<vmem>>
      %dma_start3A_569 = arith.constant 0 : i32
      %dma_start3A_570 = arith.constant 0 : i32
      %dma_start3A_571 = tpu.memref_slice %arg13[%dma_start3A_569, %dma_start3A_570] : memref<10240x128xf32, #tpu.memory_space<vmem_shared>> -> memref<10240x128xf32, #tpu.memory_space<vmem_shared>>
      tpu.enqueue_indirect_dma source(%dma_start3A_565 : memref<40x128xf32, #tpu.memory_space<vmem>>) target(%dma_start3A_571 : memref<10240x128xf32, #tpu.memory_space<vmem_shared>>) offsets(%dma_start3A_568 : memref<40xi32, #tpu.memory_space<vmem>>) semaphore(%arg18 : memref<!tpu.dma_semaphore, #tpu.memory_space<semaphore_mem>>) {add = true}
      %add3A_572 = arith.constant 2 : i32
      %add3A_573 = arith.addi %add3A_486, %add3A_572 : i32
      %dma_wait3A_574 = arith.constant 0 : i32
      %dma_wait3A_575 = arith.constant 0 : i32
      %dma_wait3A_576 = tpu.memref_slice %arg8[%dma_wait3A_574, %dma_wait3A_575] : memref<4x40xi32, #tpu.memory_space<vmem>> -> memref<1x40xi32, #tpu.memory_space<vmem>>
      %dma_wait3A_577 = tpu.memref_squeeze %dma_wait3A_576 : memref<1x40xi32, #tpu.memory_space<vmem>> -> memref<40xi32, #tpu.memory_space<vmem>>
      %dma_wait3A_578 = arith.constant 0 : i32
      %dma_wait3A_579 = tpu.memref_slice %arg5[%add3A, %add3A_573, %dma_wait3A_578] : memref<32x250x40xi32, #tpu.memory_space<hbm>> -> memref<1x1x40xi32, #tpu.memory_space<hbm>>
      %dma_wait3A_580 = tpu.memref_squeeze %dma_wait3A_579 : memref<1x1x40xi32, #tpu.memory_space<hbm>> -> memref<40xi32, #tpu.memory_space<hbm>>
      %dma_wait3A_581 = arith.constant 0 : i32
      %dma_wait3A_582 = tpu.memref_slice %arg8[%dma_wait3A_574, %dma_wait3A_581] : memref<4x40xi32, #tpu.memory_space<vmem>> -> memref<1x40xi32, #tpu.memory_space<vmem>>
      %dma_wait3A_583 = tpu.memref_squeeze %dma_wait3A_582 : memref<1x40xi32, #tpu.memory_space<vmem>> -> memref<40xi32, #tpu.memory_space<vmem>>
      %dma_wait3A_584 = arith.constant 0 : i32
      %dma_wait3A_585 = tpu.memref_slice %arg5[%add3A, %add3A_573, %dma_wait3A_584] : memref<32x250x40xi32, #tpu.memory_space<hbm>> -> memref<1x1x40xi32, #tpu.memory_space<hbm>>
      %dma_wait3A_586 = tpu.memref_squeeze %dma_wait3A_585 : memref<1x1x40xi32, #tpu.memory_space<hbm>> -> memref<40xi32, #tpu.memory_space<hbm>>
      tpu.wait_dma2 semaphore(%arg20 : memref<!tpu.dma_semaphore, #tpu.memory_space<semaphore_mem>>) src(%dma_wait3A_586 : memref<40xi32, #tpu.memory_space<hbm>>) dst(%dma_wait3A_583 : memref<40xi32, #tpu.memory_space<vmem>>)
      %add3A_587 = arith.constant 2 : i32
      %add3A_588 = arith.addi %add3A_486, %add3A_587 : i32
      %dma_wait3A_589 = arith.constant 0 : i32
      %dma_wait3A_590 = arith.constant 0 : i32
      %dma_wait3A_591 = tpu.memref_slice %arg9[%dma_wait3A_589, %dma_wait3A_590] : memref<4x40xi32, #tpu.memory_space<vmem>> -> memref<1x40xi32, #tpu.memory_space<vmem>>
      %dma_wait3A_592 = tpu.memref_squeeze %dma_wait3A_591 : memref<1x40xi32, #tpu.memory_space<vmem>> -> memref<40xi32, #tpu.memory_space<vmem>>
      %dma_wait3A_593 = arith.constant 0 : i32
      %dma_wait3A_594 = tpu.memref_slice %arg4[%add3A, %add3A_588, %dma_wait3A_593] : memref<32x250x40xi32, #tpu.memory_space<hbm>> -> memref<1x1x40xi32, #tpu.memory_space<hbm>>
      %dma_wait3A_595 = tpu.memref_squeeze %dma_wait3A_594 : memref<1x1x40xi32, #tpu.memory_space<hbm>> -> memref<40xi32, #tpu.memory_space<hbm>>
      %dma_wait3A_596 = arith.constant 0 : i32
      %dma_wait3A_597 = tpu.memref_slice %arg9[%dma_wait3A_589, %dma_wait3A_596] : memref<4x40xi32, #tpu.memory_space<vmem>> -> memref<1x40xi32, #tpu.memory_space<vmem>>
      %dma_wait3A_598 = tpu.memref_squeeze %dma_wait3A_597 : memref<1x40xi32, #tpu.memory_space<vmem>> -> memref<40xi32, #tpu.memory_space<vmem>>
      %dma_wait3A_599 = arith.constant 0 : i32
      %dma_wait3A_600 = tpu.memref_slice %arg4[%add3A, %add3A_588, %dma_wait3A_599] : memref<32x250x40xi32, #tpu.memory_space<hbm>> -> memref<1x1x40xi32, #tpu.memory_space<hbm>>
      %dma_wait3A_601 = tpu.memref_squeeze %dma_wait3A_600 : memref<1x1x40xi32, #tpu.memory_space<hbm>> -> memref<40xi32, #tpu.memory_space<hbm>>
      tpu.wait_dma2 semaphore(%arg20 : memref<!tpu.dma_semaphore, #tpu.memory_space<semaphore_mem>>) src(%dma_wait3A_601 : memref<40xi32, #tpu.memory_space<hbm>>) dst(%dma_wait3A_598 : memref<40xi32, #tpu.memory_space<vmem>>)
      %add3A_602 = arith.constant 2 : i32
      %add3A_603 = arith.addi %add3A_486, %add3A_602 : i32
      %dma_start3A_604 = arith.constant 0 : i32
      %dma_start3A_605 = arith.constant 0 : i32
      %dma_start3A_606 = arith.constant 0 : i32
      %dma_start3A_607 = arith.constant 0 : i32
      %dma_start3A_608 = tpu.memref_slice %arg10[%dma_start3A_605, %dma_start3A_606, %dma_start3A_607] : memref<2x40x128xf32, #tpu.memory_space<vmem>> -> memref<1x40x128xf32, #tpu.memory_space<vmem>>
      %dma_start3A_609 = tpu.memref_squeeze %dma_start3A_608 : memref<1x40x128xf32, #tpu.memory_space<vmem>> -> memref<40x128xf32, #tpu.memory_space<vmem>>
      %dma_start3A_610 = arith.constant 0 : i32
      %dma_start3A_611 = tpu.memref_slice %arg8[%dma_start3A_604, %dma_start3A_610] : memref<4x40xi32, #tpu.memory_space<vmem>> -> memref<1x40xi32, #tpu.memory_space<vmem>>
      %dma_start3A_612 = tpu.memref_squeeze %dma_start3A_611 : memref<1x40xi32, #tpu.memory_space<vmem>> -> memref<40xi32, #tpu.memory_space<vmem>>
      %dma_start3A_613 = arith.constant 0 : i32
      %dma_start3A_614 = arith.constant 0 : i32
      %dma_start3A_615 = tpu.memref_slice %arg2[%dma_start3A_613, %dma_start3A_614] : memref<10000x128xf32, #tpu.memory_space<hbm>> -> memref<10000x128xf32, #tpu.memory_space<hbm>>
      tpu.enqueue_indirect_dma source(%dma_start3A_615 : memref<10000x128xf32, #tpu.memory_space<hbm>>) target(%dma_start3A_609 : memref<40x128xf32, #tpu.memory_space<vmem>>) offsets(%dma_start3A_612 : memref<40xi32, #tpu.memory_space<vmem>>) semaphore(%arg14 : memref<!tpu.dma_semaphore, #tpu.memory_space<semaphore_mem>>)
      %mul3A_616 = arith.constant 40 : i32
      %mul3A_617 = arith.muli %add3A_603, %mul3A_616 : i32
      %add3A_618 = arith.addi %mul3A_4, %mul3A_617 : i32
      %dma_start3A_619 = arith.constant 0 : i32
      %dma_start3A_620 = arith.constant 0 : i32
      %dma_start3A_621 = arith.constant 0 : i32
      %dma_start3A_622 = tpu.memref_slice %arg11[%dma_start3A_619, %dma_start3A_620, %dma_start3A_621] : memref<2x40x128xf32, #tpu.memory_space<vmem>> -> memref<1x40x128xf32, #tpu.memory_space<vmem>>
      %dma_start3A_623 = tpu.memref_squeeze %dma_start3A_622 : memref<1x40x128xf32, #tpu.memory_space<vmem>> -> memref<40x128xf32, #tpu.memory_space<vmem>>
      %dma_start3A_624 = arith.constant 0 : i32
      %dma_start3A_625 = tpu.memref_slice %arg3[%add3A_618, %dma_start3A_624] : memref<320000x128xf32, #tpu.memory_space<hbm>> -> memref<40x128xf32, #tpu.memory_space<hbm>>
      %dma_start3A_626 = arith.constant 0 : i32
      %dma_start3A_627 = arith.constant 0 : i32
      %dma_start3A_628 = tpu.memref_slice %arg11[%dma_start3A_619, %dma_start3A_626, %dma_start3A_627] : memref<2x40x128xf32, #tpu.memory_space<vmem>> -> memref<1x40x128xf32, #tpu.memory_space<vmem>>
      %dma_start3A_629 = tpu.memref_squeeze %dma_start3A_628 : memref<1x40x128xf32, #tpu.memory_space<vmem>> -> memref<40x128xf32, #tpu.memory_space<vmem>>
      %dma_start3A_630 = arith.constant 0 : i32
      %dma_start3A_631 = tpu.memref_slice %arg3[%add3A_618, %dma_start3A_630] : memref<320000x128xf32, #tpu.memory_space<hbm>> -> memref<40x128xf32, #tpu.memory_space<hbm>>
      tpu.enqueue_dma source(%dma_start3A_631 : memref<40x128xf32, #tpu.memory_space<hbm>>) target(%dma_start3A_629 : memref<40x128xf32, #tpu.memory_space<vmem>>) target_semaphore(%arg16 : memref<!tpu.dma_semaphore, #tpu.memory_space<semaphore_mem>>)
      %mul3A_632 = arith.constant 4 : i32
      %mul3A_633 = arith.muli %mul3A_632, %scan3A_201 : i32
      %add3A_634 = arith.constant 3 : i32
      %add3A_635 = arith.addi %mul3A_633, %add3A_634 : i32
      %dma_wait3A_636 = arith.constant 3 : i32
      %dma_wait3A_637 = arith.constant 1 : i32
      %dma_wait3A_638 = arith.constant 0 : i32
      %dma_wait3A_639 = arith.constant 0 : i32
      %dma_wait3A_640 = tpu.memref_slice %arg10[%dma_wait3A_637, %dma_wait3A_638, %dma_wait3A_639] : memref<2x40x128xf32, #tpu.memory_space<vmem>> -> memref<1x40x128xf32, #tpu.memory_space<vmem>>
      %dma_wait3A_641 = tpu.memref_squeeze %dma_wait3A_640 : memref<1x40x128xf32, #tpu.memory_space<vmem>> -> memref<40x128xf32, #tpu.memory_space<vmem>>
      %dma_wait3A_642 = arith.constant 0 : i32
      %dma_wait3A_643 = tpu.memref_slice %arg8[%dma_wait3A_636, %dma_wait3A_642] : memref<4x40xi32, #tpu.memory_space<vmem>> -> memref<1x40xi32, #tpu.memory_space<vmem>>
      %dma_wait3A_644 = tpu.memref_squeeze %dma_wait3A_643 : memref<1x40xi32, #tpu.memory_space<vmem>> -> memref<40xi32, #tpu.memory_space<vmem>>
      %dma_wait3A_645 = arith.constant 0 : i32
      %dma_wait3A_646 = arith.constant 0 : i32
      %dma_wait3A_647 = tpu.memref_slice %arg2[%dma_wait3A_645, %dma_wait3A_646] : memref<10000x128xf32, #tpu.memory_space<hbm>> -> memref<10000x128xf32, #tpu.memory_space<hbm>>
      tpu.wait_indirect_dma semaphore(%arg15 : memref<!tpu.dma_semaphore, #tpu.memory_space<semaphore_mem>>) src(%dma_wait3A_647 : memref<10000x128xf32, #tpu.memory_space<hbm>>) dst(%dma_wait3A_641 : memref<40x128xf32, #tpu.memory_space<vmem>>)
      %mul3A_648 = arith.constant 40 : i32
      %mul3A_649 = arith.muli %add3A_635, %mul3A_648 : i32
      %add3A_650 = arith.addi %mul3A_4, %mul3A_649 : i32
      %dma_wait3A_651 = arith.constant 1 : i32
      %dma_wait3A_652 = arith.constant 0 : i32
      %dma_wait3A_653 = arith.constant 0 : i32
      %dma_wait3A_654 = tpu.memref_slice %arg11[%dma_wait3A_651, %dma_wait3A_652, %dma_wait3A_653] : memref<2x40x128xf32, #tpu.memory_space<vmem>> -> memref<1x40x128xf32, #tpu.memory_space<vmem>>
      %dma_wait3A_655 = tpu.memref_squeeze %dma_wait3A_654 : memref<1x40x128xf32, #tpu.memory_space<vmem>> -> memref<40x128xf32, #tpu.memory_space<vmem>>
      %dma_wait3A_656 = arith.constant 0 : i32
      %dma_wait3A_657 = tpu.memref_slice %arg3[%add3A_650, %dma_wait3A_656] : memref<320000x128xf32, #tpu.memory_space<hbm>> -> memref<40x128xf32, #tpu.memory_space<hbm>>
      %dma_wait3A_658 = arith.constant 0 : i32
      %dma_wait3A_659 = arith.constant 0 : i32
      %dma_wait3A_660 = tpu.memref_slice %arg11[%dma_wait3A_651, %dma_wait3A_658, %dma_wait3A_659] : memref<2x40x128xf32, #tpu.memory_space<vmem>> -> memref<1x40x128xf32, #tpu.memory_space<vmem>>
      %dma_wait3A_661 = tpu.memref_squeeze %dma_wait3A_660 : memref<1x40x128xf32, #tpu.memory_space<vmem>> -> memref<40x128xf32, #tpu.memory_space<vmem>>
      %dma_wait3A_662 = arith.constant 0 : i32
      %dma_wait3A_663 = tpu.memref_slice %arg3[%add3A_650, %dma_wait3A_662] : memref<320000x128xf32, #tpu.memory_space<hbm>> -> memref<40x128xf32, #tpu.memory_space<hbm>>
      tpu.wait_dma2 semaphore(%arg17 : memref<!tpu.dma_semaphore, #tpu.memory_space<semaphore_mem>>) src(%dma_wait3A_663 : memref<40x128xf32, #tpu.memory_space<hbm>>) dst(%dma_wait3A_661 : memref<40x128xf32, #tpu.memory_space<vmem>>)
      %dma_wait3A_664 = arith.constant 1 : i32
      %dma_wait3A_665 = arith.constant 1 : i32
      %dma_wait3A_666 = arith.constant 0 : i32
      %dma_wait3A_667 = arith.constant 0 : i32
      %dma_wait3A_668 = tpu.memref_slice %arg12[%dma_wait3A_664, %dma_wait3A_666, %dma_wait3A_667] : memref<2x40x128xf32, #tpu.memory_space<vmem>> -> memref<1x40x128xf32, #tpu.memory_space<vmem>>
      %dma_wait3A_669 = tpu.memref_squeeze %dma_wait3A_668 : memref<1x40x128xf32, #tpu.memory_space<vmem>> -> memref<40x128xf32, #tpu.memory_space<vmem>>
      %dma_wait3A_670 = arith.constant 0 : i32
      %dma_wait3A_671 = tpu.memref_slice %arg9[%dma_wait3A_665, %dma_wait3A_670] : memref<4x40xi32, #tpu.memory_space<vmem>> -> memref<1x40xi32, #tpu.memory_space<vmem>>
      %dma_wait3A_672 = tpu.memref_squeeze %dma_wait3A_671 : memref<1x40xi32, #tpu.memory_space<vmem>> -> memref<40xi32, #tpu.memory_space<vmem>>
      %dma_wait3A_673 = arith.constant 0 : i32
      %dma_wait3A_674 = arith.constant 0 : i32
      %dma_wait3A_675 = tpu.memref_slice %arg13[%dma_wait3A_673, %dma_wait3A_674] : memref<10240x128xf32, #tpu.memory_space<vmem_shared>> -> memref<10240x128xf32, #tpu.memory_space<vmem_shared>>
      tpu.wait_indirect_dma semaphore(%arg19 : memref<!tpu.dma_semaphore, #tpu.memory_space<semaphore_mem>>) src(%dma_wait3A_669 : memref<40x128xf32, #tpu.memory_space<vmem>>) dst(%dma_wait3A_675 : memref<10240x128xf32, #tpu.memory_space<vmem_shared>>)
      %add3A_676 = arith.constant 2 : i32
      %add3A_677 = arith.addi %add3A_635, %add3A_676 : i32
      %dma_start3A_678 = arith.constant 1 : i32
      %dma_start3A_679 = arith.constant 0 : i32
      %dma_start3A_680 = tpu.memref_slice %arg8[%dma_start3A_678, %dma_start3A_679] : memref<4x40xi32, #tpu.memory_space<vmem>> -> memref<1x40xi32, #tpu.memory_space<vmem>>
      %dma_start3A_681 = tpu.memref_squeeze %dma_start3A_680 : memref<1x40xi32, #tpu.memory_space<vmem>> -> memref<40xi32, #tpu.memory_space<vmem>>
      %dma_start3A_682 = arith.constant 0 : i32
      %dma_start3A_683 = tpu.memref_slice %arg5[%add3A, %add3A_677, %dma_start3A_682] : memref<32x250x40xi32, #tpu.memory_space<hbm>> -> memref<1x1x40xi32, #tpu.memory_space<hbm>>
      %dma_start3A_684 = tpu.memref_squeeze %dma_start3A_683 : memref<1x1x40xi32, #tpu.memory_space<hbm>> -> memref<40xi32, #tpu.memory_space<hbm>>
      %dma_start3A_685 = arith.constant 0 : i32
      %dma_start3A_686 = tpu.memref_slice %arg8[%dma_start3A_678, %dma_start3A_685] : memref<4x40xi32, #tpu.memory_space<vmem>> -> memref<1x40xi32, #tpu.memory_space<vmem>>
      %dma_start3A_687 = tpu.memref_squeeze %dma_start3A_686 : memref<1x40xi32, #tpu.memory_space<vmem>> -> memref<40xi32, #tpu.memory_space<vmem>>
      %dma_start3A_688 = arith.constant 0 : i32
      %dma_start3A_689 = tpu.memref_slice %arg5[%add3A, %add3A_677, %dma_start3A_688] : memref<32x250x40xi32, #tpu.memory_space<hbm>> -> memref<1x1x40xi32, #tpu.memory_space<hbm>>
      %dma_start3A_690 = tpu.memref_squeeze %dma_start3A_689 : memref<1x1x40xi32, #tpu.memory_space<hbm>> -> memref<40xi32, #tpu.memory_space<hbm>>
      tpu.enqueue_dma source(%dma_start3A_690 : memref<40xi32, #tpu.memory_space<hbm>>) target(%dma_start3A_687 : memref<40xi32, #tpu.memory_space<vmem>>) target_semaphore(%arg21 : memref<!tpu.dma_semaphore, #tpu.memory_space<semaphore_mem>>)
      %add3A_691 = arith.constant 2 : i32
      %add3A_692 = arith.addi %add3A_635, %add3A_691 : i32
      %dma_start3A_693 = arith.constant 1 : i32
      %dma_start3A_694 = arith.constant 0 : i32
      %dma_start3A_695 = tpu.memref_slice %arg9[%dma_start3A_693, %dma_start3A_694] : memref<4x40xi32, #tpu.memory_space<vmem>> -> memref<1x40xi32, #tpu.memory_space<vmem>>
      %dma_start3A_696 = tpu.memref_squeeze %dma_start3A_695 : memref<1x40xi32, #tpu.memory_space<vmem>> -> memref<40xi32, #tpu.memory_space<vmem>>
      %dma_start3A_697 = arith.constant 0 : i32
      %dma_start3A_698 = tpu.memref_slice %arg4[%add3A, %add3A_692, %dma_start3A_697] : memref<32x250x40xi32, #tpu.memory_space<hbm>> -> memref<1x1x40xi32, #tpu.memory_space<hbm>>
      %dma_start3A_699 = tpu.memref_squeeze %dma_start3A_698 : memref<1x1x40xi32, #tpu.memory_space<hbm>> -> memref<40xi32, #tpu.memory_space<hbm>>
      %dma_start3A_700 = arith.constant 0 : i32
      %dma_start3A_701 = tpu.memref_slice %arg9[%dma_start3A_693, %dma_start3A_700] : memref<4x40xi32, #tpu.memory_space<vmem>> -> memref<1x40xi32, #tpu.memory_space<vmem>>
      %dma_start3A_702 = tpu.memref_squeeze %dma_start3A_701 : memref<1x40xi32, #tpu.memory_space<vmem>> -> memref<40xi32, #tpu.memory_space<vmem>>
      %dma_start3A_703 = arith.constant 0 : i32
      %dma_start3A_704 = tpu.memref_slice %arg4[%add3A, %add3A_692, %dma_start3A_703] : memref<32x250x40xi32, #tpu.memory_space<hbm>> -> memref<1x1x40xi32, #tpu.memory_space<hbm>>
      %dma_start3A_705 = tpu.memref_squeeze %dma_start3A_704 : memref<1x1x40xi32, #tpu.memory_space<hbm>> -> memref<40xi32, #tpu.memory_space<hbm>>
      tpu.enqueue_dma source(%dma_start3A_705 : memref<40xi32, #tpu.memory_space<hbm>>) target(%dma_start3A_702 : memref<40xi32, #tpu.memory_space<vmem>>) target_semaphore(%arg21 : memref<!tpu.dma_semaphore, #tpu.memory_space<semaphore_mem>>)
      %parallel_loop3A_706 = arith.constant 0 : i32
      %parallel_loop3A_707 = arith.constant 40 : i32
      %parallel_loop3A_708 = arith.constant 1 : i32
      scf.for %parallel_loop3A_781 = %parallel_loop3A_706 to %parallel_loop3A_707 step %parallel_loop3A_708  : i32 {
        %parallel_loop3A_782 = arith.constant 1 : i32
        %parallel_loop3A_783 = arith.index_cast %parallel_loop3A_782 : i32 to index
        %parallel_loop3A_784 = arith.index_cast %parallel_loop3A_781 : i32 to index
        %parallel_loop3A_785 = arith.constant 0 : index
        %parallel_loop3A_786 = tpu.vector_load %arg10[%parallel_loop3A_783, %parallel_loop3A_784, %parallel_loop3A_785] {strides = array<i32>} : memref<2x40x128xf32, #tpu.memory_space<vmem>>, vector<1x1x16xf32>,
        %parallel_loop3A_787 = vector.shape_cast %parallel_loop3A_786 : vector<1x1x16xf32> to vector<16xf32>
        %parallel_loop3A_788 = arith.constant 1 : i32
        %parallel_loop3A_789 = arith.index_cast %parallel_loop3A_788 : i32 to index
        %parallel_loop3A_790 = arith.index_cast %parallel_loop3A_781 : i32 to index
        %parallel_loop3A_791 = arith.constant 0 : index
        %parallel_loop3A_792 = tpu.vector_load %arg11[%parallel_loop3A_789, %parallel_loop3A_790, %parallel_loop3A_791] {strides = array<i32>} : memref<2x40x128xf32, #tpu.memory_space<vmem>>, vector<1x1x16xf32>,
        %parallel_loop3A_793 = vector.shape_cast %parallel_loop3A_792 : vector<1x1x16xf32> to vector<16xf32>
        %parallel_loop3A_794 = arith.mulf %parallel_loop3A_787, %parallel_loop3A_793 : vector<16xf32>
        %parallel_loop3A_795 = arith.constant 1 : i32
        %parallel_loop3A_796 = arith.index_cast %parallel_loop3A_795 : i32 to index
        %parallel_loop3A_797 = arith.index_cast %parallel_loop3A_781 : i32 to index
        %parallel_loop3A_798 = arith.constant 0 : index
        %parallel_loop3A_799 = tpu.vector_load %arg12[%parallel_loop3A_796, %parallel_loop3A_797, %parallel_loop3A_798] {strides = array<i32>} : memref<2x40x128xf32, #tpu.memory_space<vmem>>, vector<1x1x16xf32>,
        %parallel_loop3A_800 = vector.shape_cast %parallel_loop3A_799 : vector<1x1x16xf32> to vector<16xf32>
        %parallel_loop3A_801 = vector.shape_cast %parallel_loop3A_794 : vector<16xf32> to vector<1x1x16xf32>
        tpu.vector_store %arg12[%parallel_loop3A_796, %parallel_loop3A_797, %parallel_loop3A_798], %parallel_loop3A_801 {strides = array<i32>} : memref<2x40x128xf32, #tpu.memory_space<vmem>>, vector<1x1x16xf32>,
        %parallel_loop3A_802 = arith.constant 1 : i32
        %parallel_loop3A_803 = arith.index_cast %parallel_loop3A_802 : i32 to index
        %parallel_loop3A_804 = arith.index_cast %parallel_loop3A_781 : i32 to index
        %parallel_loop3A_805 = arith.constant 16 : index
        %parallel_loop3A_806 = tpu.vector_load %arg10[%parallel_loop3A_803, %parallel_loop3A_804, %parallel_loop3A_805] {strides = array<i32>} : memref<2x40x128xf32, #tpu.memory_space<vmem>>, vector<1x1x16xf32>,
        %parallel_loop3A_807 = vector.shape_cast %parallel_loop3A_806 : vector<1x1x16xf32> to vector<16xf32>
        %parallel_loop3A_808 = arith.constant 1 : i32
        %parallel_loop3A_809 = arith.index_cast %parallel_loop3A_808 : i32 to index
        %parallel_loop3A_810 = arith.index_cast %parallel_loop3A_781 : i32 to index
        %parallel_loop3A_811 = arith.constant 16 : index
        %parallel_loop3A_812 = tpu.vector_load %arg11[%parallel_loop3A_809, %parallel_loop3A_810, %parallel_loop3A_811] {strides = array<i32>} : memref<2x40x128xf32, #tpu.memory_space<vmem>>, vector<1x1x16xf32>,
        %parallel_loop3A_813 = vector.shape_cast %parallel_loop3A_812 : vector<1x1x16xf32> to vector<16xf32>
        %parallel_loop3A_814 = arith.mulf %parallel_loop3A_807, %parallel_loop3A_813 : vector<16xf32>
        %parallel_loop3A_815 = arith.constant 1 : i32
        %parallel_loop3A_816 = arith.index_cast %parallel_loop3A_815 : i32 to index
        %parallel_loop3A_817 = arith.index_cast %parallel_loop3A_781 : i32 to index
        %parallel_loop3A_818 = arith.constant 16 : index
        %parallel_loop3A_819 = tpu.vector_load %arg12[%parallel_loop3A_816, %parallel_loop3A_817, %parallel_loop3A_818] {strides = array<i32>} : memref<2x40x128xf32, #tpu.memory_space<vmem>>, vector<1x1x16xf32>,
        %parallel_loop3A_820 = vector.shape_cast %parallel_loop3A_819 : vector<1x1x16xf32> to vector<16xf32>
        %parallel_loop3A_821 = vector.shape_cast %parallel_loop3A_814 : vector<16xf32> to vector<1x1x16xf32>
        tpu.vector_store %arg12[%parallel_loop3A_816, %parallel_loop3A_817, %parallel_loop3A_818], %parallel_loop3A_821 {strides = array<i32>} : memref<2x40x128xf32, #tpu.memory_space<vmem>>, vector<1x1x16xf32>,
        %parallel_loop3A_822 = arith.constant 1 : i32
        %parallel_loop3A_823 = arith.index_cast %parallel_loop3A_822 : i32 to index
        %parallel_loop3A_824 = arith.index_cast %parallel_loop3A_781 : i32 to index
        %parallel_loop3A_825 = arith.constant 32 : index
        %parallel_loop3A_826 = tpu.vector_load %arg10[%parallel_loop3A_823, %parallel_loop3A_824, %parallel_loop3A_825] {strides = array<i32>} : memref<2x40x128xf32, #tpu.memory_space<vmem>>, vector<1x1x16xf32>,
        %parallel_loop3A_827 = vector.shape_cast %parallel_loop3A_826 : vector<1x1x16xf32> to vector<16xf32>
        %parallel_loop3A_828 = arith.constant 1 : i32
        %parallel_loop3A_829 = arith.index_cast %parallel_loop3A_828 : i32 to index
        %parallel_loop3A_830 = arith.index_cast %parallel_loop3A_781 : i32 to index
        %parallel_loop3A_831 = arith.constant 32 : index
        %parallel_loop3A_832 = tpu.vector_load %arg11[%parallel_loop3A_829, %parallel_loop3A_830, %parallel_loop3A_831] {strides = array<i32>} : memref<2x40x128xf32, #tpu.memory_space<vmem>>, vector<1x1x16xf32>,
        %parallel_loop3A_833 = vector.shape_cast %parallel_loop3A_832 : vector<1x1x16xf32> to vector<16xf32>
        %parallel_loop3A_834 = arith.mulf %parallel_loop3A_827, %parallel_loop3A_833 : vector<16xf32>
        %parallel_loop3A_835 = arith.constant 1 : i32
        %parallel_loop3A_836 = arith.index_cast %parallel_loop3A_835 : i32 to index
        %parallel_loop3A_837 = arith.index_cast %parallel_loop3A_781 : i32 to index
        %parallel_loop3A_838 = arith.constant 32 : index
        %parallel_loop3A_839 = tpu.vector_load %arg12[%parallel_loop3A_836, %parallel_loop3A_837, %parallel_loop3A_838] {strides = array<i32>} : memref<2x40x128xf32, #tpu.memory_space<vmem>>, vector<1x1x16xf32>,
        %parallel_loop3A_840 = vector.shape_cast %parallel_loop3A_839 : vector<1x1x16xf32> to vector<16xf32>
        %parallel_loop3A_841 = vector.shape_cast %parallel_loop3A_834 : vector<16xf32> to vector<1x1x16xf32>
        tpu.vector_store %arg12[%parallel_loop3A_836, %parallel_loop3A_837, %parallel_loop3A_838], %parallel_loop3A_841 {strides = array<i32>} : memref<2x40x128xf32, #tpu.memory_space<vmem>>, vector<1x1x16xf32>,
        %parallel_loop3A_842 = arith.constant 1 : i32
        %parallel_loop3A_843 = arith.index_cast %parallel_loop3A_842 : i32 to index
        %parallel_loop3A_844 = arith.index_cast %parallel_loop3A_781 : i32 to index
        %parallel_loop3A_845 = arith.constant 48 : index
        %parallel_loop3A_846 = tpu.vector_load %arg10[%parallel_loop3A_843, %parallel_loop3A_844, %parallel_loop3A_845] {strides = array<i32>} : memref<2x40x128xf32, #tpu.memory_space<vmem>>, vector<1x1x16xf32>,
        %parallel_loop3A_847 = vector.shape_cast %parallel_loop3A_846 : vector<1x1x16xf32> to vector<16xf32>
        %parallel_loop3A_848 = arith.constant 1 : i32
        %parallel_loop3A_849 = arith.index_cast %parallel_loop3A_848 : i32 to index
        %parallel_loop3A_850 = arith.index_cast %parallel_loop3A_781 : i32 to index
        %parallel_loop3A_851 = arith.constant 48 : index
        %parallel_loop3A_852 = tpu.vector_load %arg11[%parallel_loop3A_849, %parallel_loop3A_850, %parallel_loop3A_851] {strides = array<i32>} : memref<2x40x128xf32, #tpu.memory_space<vmem>>, vector<1x1x16xf32>,
        %parallel_loop3A_853 = vector.shape_cast %parallel_loop3A_852 : vector<1x1x16xf32> to vector<16xf32>
        %parallel_loop3A_854 = arith.mulf %parallel_loop3A_847, %parallel_loop3A_853 : vector<16xf32>
        %parallel_loop3A_855 = arith.constant 1 : i32
        %parallel_loop3A_856 = arith.index_cast %parallel_loop3A_855 : i32 to index
        %parallel_loop3A_857 = arith.index_cast %parallel_loop3A_781 : i32 to index
        %parallel_loop3A_858 = arith.constant 48 : index
        %parallel_loop3A_859 = tpu.vector_load %arg12[%parallel_loop3A_856, %parallel_loop3A_857, %parallel_loop3A_858] {strides = array<i32>} : memref<2x40x128xf32, #tpu.memory_space<vmem>>, vector<1x1x16xf32>,
        %parallel_loop3A_860 = vector.shape_cast %parallel_loop3A_859 : vector<1x1x16xf32> to vector<16xf32>
        %parallel_loop3A_861 = vector.shape_cast %parallel_loop3A_854 : vector<16xf32> to vector<1x1x16xf32>
        tpu.vector_store %arg12[%parallel_loop3A_856, %parallel_loop3A_857, %parallel_loop3A_858], %parallel_loop3A_861 {strides = array<i32>} : memref<2x40x128xf32, #tpu.memory_space<vmem>>, vector<1x1x16xf32>,
        %parallel_loop3A_862 = arith.constant 1 : i32
        %parallel_loop3A_863 = arith.index_cast %parallel_loop3A_862 : i32 to index
        %parallel_loop3A_864 = arith.index_cast %parallel_loop3A_781 : i32 to index
        %parallel_loop3A_865 = arith.constant 64 : index
        %parallel_loop3A_866 = tpu.vector_load %arg10[%parallel_loop3A_863, %parallel_loop3A_864, %parallel_loop3A_865] {strides = array<i32>} : memref<2x40x128xf32, #tpu.memory_space<vmem>>, vector<1x1x16xf32>,
        %parallel_loop3A_867 = vector.shape_cast %parallel_loop3A_866 : vector<1x1x16xf32> to vector<16xf32>
        %parallel_loop3A_868 = arith.constant 1 : i32
        %parallel_loop3A_869 = arith.index_cast %parallel_loop3A_868 : i32 to index
        %parallel_loop3A_870 = arith.index_cast %parallel_loop3A_781 : i32 to index
        %parallel_loop3A_871 = arith.constant 64 : index
        %parallel_loop3A_872 = tpu.vector_load %arg11[%parallel_loop3A_869, %parallel_loop3A_870, %parallel_loop3A_871] {strides = array<i32>} : memref<2x40x128xf32, #tpu.memory_space<vmem>>, vector<1x1x16xf32>,
        %parallel_loop3A_873 = vector.shape_cast %parallel_loop3A_872 : vector<1x1x16xf32> to vector<16xf32>
        %parallel_loop3A_874 = arith.mulf %parallel_loop3A_867, %parallel_loop3A_873 : vector<16xf32>
        %parallel_loop3A_875 = arith.constant 1 : i32
        %parallel_loop3A_876 = arith.index_cast %parallel_loop3A_875 : i32 to index
        %parallel_loop3A_877 = arith.index_cast %parallel_loop3A_781 : i32 to index
        %parallel_loop3A_878 = arith.constant 64 : index
        %parallel_loop3A_879 = tpu.vector_load %arg12[%parallel_loop3A_876, %parallel_loop3A_877, %parallel_loop3A_878] {strides = array<i32>} : memref<2x40x128xf32, #tpu.memory_space<vmem>>, vector<1x1x16xf32>,
        %parallel_loop3A_880 = vector.shape_cast %parallel_loop3A_879 : vector<1x1x16xf32> to vector<16xf32>
        %parallel_loop3A_881 = vector.shape_cast %parallel_loop3A_874 : vector<16xf32> to vector<1x1x16xf32>
        tpu.vector_store %arg12[%parallel_loop3A_876, %parallel_loop3A_877, %parallel_loop3A_878], %parallel_loop3A_881 {strides = array<i32>} : memref<2x40x128xf32, #tpu.memory_space<vmem>>, vector<1x1x16xf32>,
        %parallel_loop3A_882 = arith.constant 1 : i32
        %parallel_loop3A_883 = arith.index_cast %parallel_loop3A_882 : i32 to index
        %parallel_loop3A_884 = arith.index_cast %parallel_loop3A_781 : i32 to index
        %parallel_loop3A_885 = arith.constant 80 : index
        %parallel_loop3A_886 = tpu.vector_load %arg10[%parallel_loop3A_883, %parallel_loop3A_884, %parallel_loop3A_885] {strides = array<i32>} : memref<2x40x128xf32, #tpu.memory_space<vmem>>, vector<1x1x16xf32>,
        %parallel_loop3A_887 = vector.shape_cast %parallel_loop3A_886 : vector<1x1x16xf32> to vector<16xf32>
        %parallel_loop3A_888 = arith.constant 1 : i32
        %parallel_loop3A_889 = arith.index_cast %parallel_loop3A_888 : i32 to index
        %parallel_loop3A_890 = arith.index_cast %parallel_loop3A_781 : i32 to index
        %parallel_loop3A_891 = arith.constant 80 : index
        %parallel_loop3A_892 = tpu.vector_load %arg11[%parallel_loop3A_889, %parallel_loop3A_890, %parallel_loop3A_891] {strides = array<i32>} : memref<2x40x128xf32, #tpu.memory_space<vmem>>, vector<1x1x16xf32>,
        %parallel_loop3A_893 = vector.shape_cast %parallel_loop3A_892 : vector<1x1x16xf32> to vector<16xf32>
        %parallel_loop3A_894 = arith.mulf %parallel_loop3A_887, %parallel_loop3A_893 : vector<16xf32>
        %parallel_loop3A_895 = arith.constant 1 : i32
        %parallel_loop3A_896 = arith.index_cast %parallel_loop3A_895 : i32 to index
        %parallel_loop3A_897 = arith.index_cast %parallel_loop3A_781 : i32 to index
        %parallel_loop3A_898 = arith.constant 80 : index
        %parallel_loop3A_899 = tpu.vector_load %arg12[%parallel_loop3A_896, %parallel_loop3A_897, %parallel_loop3A_898] {strides = array<i32>} : memref<2x40x128xf32, #tpu.memory_space<vmem>>, vector<1x1x16xf32>,
        %parallel_loop3A_900 = vector.shape_cast %parallel_loop3A_899 : vector<1x1x16xf32> to vector<16xf32>
        %parallel_loop3A_901 = vector.shape_cast %parallel_loop3A_894 : vector<16xf32> to vector<1x1x16xf32>
        tpu.vector_store %arg12[%parallel_loop3A_896, %parallel_loop3A_897, %parallel_loop3A_898], %parallel_loop3A_901 {strides = array<i32>} : memref<2x40x128xf32, #tpu.memory_space<vmem>>, vector<1x1x16xf32>,
        %parallel_loop3A_902 = arith.constant 1 : i32
        %parallel_loop3A_903 = arith.index_cast %parallel_loop3A_902 : i32 to index
        %parallel_loop3A_904 = arith.index_cast %parallel_loop3A_781 : i32 to index
        %parallel_loop3A_905 = arith.constant 96 : index
        %parallel_loop3A_906 = tpu.vector_load %arg10[%parallel_loop3A_903, %parallel_loop3A_904, %parallel_loop3A_905] {strides = array<i32>} : memref<2x40x128xf32, #tpu.memory_space<vmem>>, vector<1x1x16xf32>,
        %parallel_loop3A_907 = vector.shape_cast %parallel_loop3A_906 : vector<1x1x16xf32> to vector<16xf32>
        %parallel_loop3A_908 = arith.constant 1 : i32
        %parallel_loop3A_909 = arith.index_cast %parallel_loop3A_908 : i32 to index
        %parallel_loop3A_910 = arith.index_cast %parallel_loop3A_781 : i32 to index
        %parallel_loop3A_911 = arith.constant 96 : index
        %parallel_loop3A_912 = tpu.vector_load %arg11[%parallel_loop3A_909, %parallel_loop3A_910, %parallel_loop3A_911] {strides = array<i32>} : memref<2x40x128xf32, #tpu.memory_space<vmem>>, vector<1x1x16xf32>,
        %parallel_loop3A_913 = vector.shape_cast %parallel_loop3A_912 : vector<1x1x16xf32> to vector<16xf32>
        %parallel_loop3A_914 = arith.mulf %parallel_loop3A_907, %parallel_loop3A_913 : vector<16xf32>
        %parallel_loop3A_915 = arith.constant 1 : i32
        %parallel_loop3A_916 = arith.index_cast %parallel_loop3A_915 : i32 to index
        %parallel_loop3A_917 = arith.index_cast %parallel_loop3A_781 : i32 to index
        %parallel_loop3A_918 = arith.constant 96 : index
        %parallel_loop3A_919 = tpu.vector_load %arg12[%parallel_loop3A_916, %parallel_loop3A_917, %parallel_loop3A_918] {strides = array<i32>} : memref<2x40x128xf32, #tpu.memory_space<vmem>>, vector<1x1x16xf32>,
        %parallel_loop3A_920 = vector.shape_cast %parallel_loop3A_919 : vector<1x1x16xf32> to vector<16xf32>
        %parallel_loop3A_921 = vector.shape_cast %parallel_loop3A_914 : vector<16xf32> to vector<1x1x16xf32>
        tpu.vector_store %arg12[%parallel_loop3A_916, %parallel_loop3A_917, %parallel_loop3A_918], %parallel_loop3A_921 {strides = array<i32>} : memref<2x40x128xf32, #tpu.memory_space<vmem>>, vector<1x1x16xf32>,
        %parallel_loop3A_922 = arith.constant 1 : i32
        %parallel_loop3A_923 = arith.index_cast %parallel_loop3A_922 : i32 to index
        %parallel_loop3A_924 = arith.index_cast %parallel_loop3A_781 : i32 to index
        %parallel_loop3A_925 = arith.constant 112 : index
        %parallel_loop3A_926 = tpu.vector_load %arg10[%parallel_loop3A_923, %parallel_loop3A_924, %parallel_loop3A_925] {strides = array<i32>} : memref<2x40x128xf32, #tpu.memory_space<vmem>>, vector<1x1x16xf32>,
        %parallel_loop3A_927 = vector.shape_cast %parallel_loop3A_926 : vector<1x1x16xf32> to vector<16xf32>
        %parallel_loop3A_928 = arith.constant 1 : i32
        %parallel_loop3A_929 = arith.index_cast %parallel_loop3A_928 : i32 to index
        %parallel_loop3A_930 = arith.index_cast %parallel_loop3A_781 : i32 to index
        %parallel_loop3A_931 = arith.constant 112 : index
        %parallel_loop3A_932 = tpu.vector_load %arg11[%parallel_loop3A_929, %parallel_loop3A_930, %parallel_loop3A_931] {strides = array<i32>} : memref<2x40x128xf32, #tpu.memory_space<vmem>>, vector<1x1x16xf32>,
        %parallel_loop3A_933 = vector.shape_cast %parallel_loop3A_932 : vector<1x1x16xf32> to vector<16xf32>
        %parallel_loop3A_934 = arith.mulf %parallel_loop3A_927, %parallel_loop3A_933 : vector<16xf32>
        %parallel_loop3A_935 = arith.constant 1 : i32
        %parallel_loop3A_936 = arith.index_cast %parallel_loop3A_935 : i32 to index
        %parallel_loop3A_937 = arith.index_cast %parallel_loop3A_781 : i32 to index
        %parallel_loop3A_938 = arith.constant 112 : index
        %parallel_loop3A_939 = tpu.vector_load %arg12[%parallel_loop3A_936, %parallel_loop3A_937, %parallel_loop3A_938] {strides = array<i32>} : memref<2x40x128xf32, #tpu.memory_space<vmem>>, vector<1x1x16xf32>,
        %parallel_loop3A_940 = vector.shape_cast %parallel_loop3A_939 : vector<1x1x16xf32> to vector<16xf32>
        %parallel_loop3A_941 = vector.shape_cast %parallel_loop3A_934 : vector<16xf32> to vector<1x1x16xf32>
        tpu.vector_store %arg12[%parallel_loop3A_936, %parallel_loop3A_937, %parallel_loop3A_938], %parallel_loop3A_941 {strides = array<i32>} : memref<2x40x128xf32, #tpu.memory_space<vmem>>, vector<1x1x16xf32>,
      } {sc.loop_unroll_factor = 2 : i64, sc.parallel_access}
      %dma_start3A_709 = arith.constant 1 : i32
      %dma_start3A_710 = arith.constant 3 : i32
      %dma_start3A_711 = arith.constant 0 : i32
      %dma_start3A_712 = arith.constant 0 : i32
      %dma_start3A_713 = tpu.memref_slice %arg12[%dma_start3A_709, %dma_start3A_711, %dma_start3A_712] : memref<2x40x128xf32, #tpu.memory_space<vmem>> -> memref<1x40x128xf32, #tpu.memory_space<vmem>>
      %dma_start3A_714 = tpu.memref_squeeze %dma_start3A_713 : memref<1x40x128xf32, #tpu.memory_space<vmem>> -> memref<40x128xf32, #tpu.memory_space<vmem>>
      %dma_start3A_715 = arith.constant 0 : i32
      %dma_start3A_716 = tpu.memref_slice %arg9[%dma_start3A_710, %dma_start3A_715] : memref<4x40xi32, #tpu.memory_space<vmem>> -> memref<1x40xi32, #tpu.memory_space<vmem>>
      %dma_start3A_717 = tpu.memref_squeeze %dma_start3A_716 : memref<1x40xi32, #tpu.memory_space<vmem>> -> memref<40xi32, #tpu.memory_space<vmem>>
      %dma_start3A_718 = arith.constant 0 : i32
      %dma_start3A_719 = arith.constant 0 : i32
      %dma_start3A_720 = tpu.memref_slice %arg13[%dma_start3A_718, %dma_start3A_719] : memref<10240x128xf32, #tpu.memory_space<vmem_shared>> -> memref<10240x128xf32, #tpu.memory_space<vmem_shared>>
      tpu.enqueue_indirect_dma source(%dma_start3A_714 : memref<40x128xf32, #tpu.memory_space<vmem>>) target(%dma_start3A_720 : memref<10240x128xf32, #tpu.memory_space<vmem_shared>>) offsets(%dma_start3A_717 : memref<40xi32, #tpu.memory_space<vmem>>) semaphore(%arg19 : memref<!tpu.dma_semaphore, #tpu.memory_space<semaphore_mem>>) {add = true}
      %add3A_721 = arith.constant 2 : i32
      %add3A_722 = arith.addi %add3A_635, %add3A_721 : i32
      %dma_wait3A_723 = arith.constant 1 : i32
      %dma_wait3A_724 = arith.constant 0 : i32
      %dma_wait3A_725 = tpu.memref_slice %arg8[%dma_wait3A_723, %dma_wait3A_724] : memref<4x40xi32, #tpu.memory_space<vmem>> -> memref<1x40xi32, #tpu.memory_space<vmem>>
      %dma_wait3A_726 = tpu.memref_squeeze %dma_wait3A_725 : memref<1x40xi32, #tpu.memory_space<vmem>> -> memref<40xi32, #tpu.memory_space<vmem>>
      %dma_wait3A_727 = arith.constant 0 : i32
      %dma_wait3A_728 = tpu.memref_slice %arg5[%add3A, %add3A_722, %dma_wait3A_727] : memref<32x250x40xi32, #tpu.memory_space<hbm>> -> memref<1x1x40xi32, #tpu.memory_space<hbm>>
      %dma_wait3A_729 = tpu.memref_squeeze %dma_wait3A_728 : memref<1x1x40xi32, #tpu.memory_space<hbm>> -> memref<40xi32, #tpu.memory_space<hbm>>
      %dma_wait3A_730 = arith.constant 0 : i32
      %dma_wait3A_731 = tpu.memref_slice %arg8[%dma_wait3A_723, %dma_wait3A_730] : memref<4x40xi32, #tpu.memory_space<vmem>> -> memref<1x40xi32, #tpu.memory_space<vmem>>
      %dma_wait3A_732 = tpu.memref_squeeze %dma_wait3A_731 : memref<1x40xi32, #tpu.memory_space<vmem>> -> memref<40xi32, #tpu.memory_space<vmem>>
      %dma_wait3A_733 = arith.constant 0 : i32
      %dma_wait3A_734 = tpu.memref_slice %arg5[%add3A, %add3A_722, %dma_wait3A_733] : memref<32x250x40xi32, #tpu.memory_space<hbm>> -> memref<1x1x40xi32, #tpu.memory_space<hbm>>
      %dma_wait3A_735 = tpu.memref_squeeze %dma_wait3A_734 : memref<1x1x40xi32, #tpu.memory_space<hbm>> -> memref<40xi32, #tpu.memory_space<hbm>>
      tpu.wait_dma2 semaphore(%arg21 : memref<!tpu.dma_semaphore, #tpu.memory_space<semaphore_mem>>) src(%dma_wait3A_735 : memref<40xi32, #tpu.memory_space<hbm>>) dst(%dma_wait3A_732 : memref<40xi32, #tpu.memory_space<vmem>>)
      %add3A_736 = arith.constant 2 : i32
      %add3A_737 = arith.addi %add3A_635, %add3A_736 : i32
      %dma_wait3A_738 = arith.constant 1 : i32
      %dma_wait3A_739 = arith.constant 0 : i32
      %dma_wait3A_740 = tpu.memref_slice %arg9[%dma_wait3A_738, %dma_wait3A_739] : memref<4x40xi32, #tpu.memory_space<vmem>> -> memref<1x40xi32, #tpu.memory_space<vmem>>
      %dma_wait3A_741 = tpu.memref_squeeze %dma_wait3A_740 : memref<1x40xi32, #tpu.memory_space<vmem>> -> memref<40xi32, #tpu.memory_space<vmem>>
      %dma_wait3A_742 = arith.constant 0 : i32
      %dma_wait3A_743 = tpu.memref_slice %arg4[%add3A, %add3A_737, %dma_wait3A_742] : memref<32x250x40xi32, #tpu.memory_space<hbm>> -> memref<1x1x40xi32, #tpu.memory_space<hbm>>
      %dma_wait3A_744 = tpu.memref_squeeze %dma_wait3A_743 : memref<1x1x40xi32, #tpu.memory_space<hbm>> -> memref<40xi32, #tpu.memory_space<hbm>>
      %dma_wait3A_745 = arith.constant 0 : i32
      %dma_wait3A_746 = tpu.memref_slice %arg9[%dma_wait3A_738, %dma_wait3A_745] : memref<4x40xi32, #tpu.memory_space<vmem>> -> memref<1x40xi32, #tpu.memory_space<vmem>>
      %dma_wait3A_747 = tpu.memref_squeeze %dma_wait3A_746 : memref<1x40xi32, #tpu.memory_space<vmem>> -> memref<40xi32, #tpu.memory_space<vmem>>
      %dma_wait3A_748 = arith.constant 0 : i32
      %dma_wait3A_749 = tpu.memref_slice %arg4[%add3A, %add3A_737, %dma_wait3A_748] : memref<32x250x40xi32, #tpu.memory_space<hbm>> -> memref<1x1x40xi32, #tpu.memory_space<hbm>>
      %dma_wait3A_750 = tpu.memref_squeeze %dma_wait3A_749 : memref<1x1x40xi32, #tpu.memory_space<hbm>> -> memref<40xi32, #tpu.memory_space<hbm>>
      tpu.wait_dma2 semaphore(%arg21 : memref<!tpu.dma_semaphore, #tpu.memory_space<semaphore_mem>>) src(%dma_wait3A_750 : memref<40xi32, #tpu.memory_space<hbm>>) dst(%dma_wait3A_747 : memref<40xi32, #tpu.memory_space<vmem>>)
      %add3A_751 = arith.constant 2 : i32
      %add3A_752 = arith.addi %add3A_635, %add3A_751 : i32
      %dma_start3A_753 = arith.constant 1 : i32
      %dma_start3A_754 = arith.constant 1 : i32
      %dma_start3A_755 = arith.constant 0 : i32
      %dma_start3A_756 = arith.constant 0 : i32
      %dma_start3A_757 = tpu.memref_slice %arg10[%dma_start3A_754, %dma_start3A_755, %dma_start3A_756] : memref<2x40x128xf32, #tpu.memory_space<vmem>> -> memref<1x40x128xf32, #tpu.memory_space<vmem>>
      %dma_start3A_758 = tpu.memref_squeeze %dma_start3A_757 : memref<1x40x128xf32, #tpu.memory_space<vmem>> -> memref<40x128xf32, #tpu.memory_space<vmem>>
      %dma_start3A_759 = arith.constant 0 : i32
      %dma_start3A_760 = tpu.memref_slice %arg8[%dma_start3A_753, %dma_start3A_759] : memref<4x40xi32, #tpu.memory_space<vmem>> -> memref<1x40xi32, #tpu.memory_space<vmem>>
      %dma_start3A_761 = tpu.memref_squeeze %dma_start3A_760 : memref<1x40xi32, #tpu.memory_space<vmem>> -> memref<40xi32, #tpu.memory_space<vmem>>
      %dma_start3A_762 = arith.constant 0 : i32
      %dma_start3A_763 = arith.constant 0 : i32
      %dma_start3A_764 = tpu.memref_slice %arg2[%dma_start3A_762, %dma_start3A_763] : memref<10000x128xf32, #tpu.memory_space<hbm>> -> memref<10000x128xf32, #tpu.memory_space<hbm>>
      tpu.enqueue_indirect_dma source(%dma_start3A_764 : memref<10000x128xf32, #tpu.memory_space<hbm>>) target(%dma_start3A_758 : memref<40x128xf32, #tpu.memory_space<vmem>>) offsets(%dma_start3A_761 : memref<40xi32, #tpu.memory_space<vmem>>) semaphore(%arg15 : memref<!tpu.dma_semaphore, #tpu.memory_space<semaphore_mem>>)
      %mul3A_765 = arith.constant 40 : i32
      %mul3A_766 = arith.muli %add3A_752, %mul3A_765 : i32
      %add3A_767 = arith.addi %mul3A_4, %mul3A_766 : i32
      %dma_start3A_768 = arith.constant 1 : i32
      %dma_start3A_769 = arith.constant 0 : i32
      %dma_start3A_770 = arith.constant 0 : i32
      %dma_start3A_771 = tpu.memref_slice %arg11[%dma_start3A_768, %dma_start3A_769, %dma_start3A_770] : memref<2x40x128xf32, #tpu.memory_space<vmem>> -> memref<1x40x128xf32, #tpu.memory_space<vmem>>
      %dma_start3A_772 = tpu.memref_squeeze %dma_start3A_771 : memref<1x40x128xf32, #tpu.memory_space<vmem>> -> memref<40x128xf32, #tpu.memory_space<vmem>>
      %dma_start3A_773 = arith.constant 0 : i32
      %dma_start3A_774 = tpu.memref_slice %arg3[%add3A_767, %dma_start3A_773] : memref<320000x128xf32, #tpu.memory_space<hbm>> -> memref<40x128xf32, #tpu.memory_space<hbm>>
      %dma_start3A_775 = arith.constant 0 : i32
      %dma_start3A_776 = arith.constant 0 : i32
      %dma_start3A_777 = tpu.memref_slice %arg11[%dma_start3A_768, %dma_start3A_775, %dma_start3A_776] : memref<2x40x128xf32, #tpu.memory_space<vmem>> -> memref<1x40x128xf32, #tpu.memory_space<vmem>>
      %dma_start3A_778 = tpu.memref_squeeze %dma_start3A_777 : memref<1x40x128xf32, #tpu.memory_space<vmem>> -> memref<40x128xf32, #tpu.memory_space<vmem>>
      %dma_start3A_779 = arith.constant 0 : i32
      %dma_start3A_780 = tpu.memref_slice %arg3[%add3A_767, %dma_start3A_779] : memref<320000x128xf32, #tpu.memory_space<hbm>> -> memref<40x128xf32, #tpu.memory_space<hbm>>
      tpu.enqueue_dma source(%dma_start3A_780 : memref<40x128xf32, #tpu.memory_space<hbm>>) target(%dma_start3A_778 : memref<40x128xf32, #tpu.memory_space<vmem>>) target_semaphore(%arg17 : memref<!tpu.dma_semaphore, #tpu.memory_space<semaphore_mem>>)
    }
    %scan3A_69 = arith.constant 62 : i32
    %dma_wait3A = arith.constant 0 : i32
    %dma_wait3A_70 = arith.constant 0 : i32
    %dma_wait3A_71 = arith.constant 0 : i32
    %dma_wait3A_72 = arith.constant 0 : i32
    %dma_wait3A_73 = tpu.memref_slice %arg10[%dma_wait3A_70, %dma_wait3A_71, %dma_wait3A_72] : memref<2x40x128xf32, #tpu.memory_space<vmem>> -> memref<1x40x128xf32, #tpu.memory_space<vmem>>
    %dma_wait3A_74 = tpu.memref_squeeze %dma_wait3A_73 : memref<1x40x128xf32, #tpu.memory_space<vmem>> -> memref<40x128xf32, #tpu.memory_space<vmem>>
    %dma_wait3A_75 = arith.constant 0 : i32
    %dma_wait3A_76 = tpu.memref_slice %arg8[%dma_wait3A, %dma_wait3A_75] : memref<4x40xi32, #tpu.memory_space<vmem>> -> memref<1x40xi32, #tpu.memory_space<vmem>>
    %dma_wait3A_77 = tpu.memref_squeeze %dma_wait3A_76 : memref<1x40xi32, #tpu.memory_space<vmem>> -> memref<40xi32, #tpu.memory_space<vmem>>
    %dma_wait3A_78 = arith.constant 0 : i32
    %dma_wait3A_79 = arith.constant 0 : i32
    %dma_wait3A_80 = tpu.memref_slice %arg2[%dma_wait3A_78, %dma_wait3A_79] : memref<10000x128xf32, #tpu.memory_space<hbm>> -> memref<10000x128xf32, #tpu.memory_space<hbm>>
    tpu.wait_indirect_dma semaphore(%arg14 : memref<!tpu.dma_semaphore, #tpu.memory_space<semaphore_mem>>) src(%dma_wait3A_80 : memref<10000x128xf32, #tpu.memory_space<hbm>>) dst(%dma_wait3A_74 : memref<40x128xf32, #tpu.memory_space<vmem>>)
    %add3A_81 = arith.constant 9920 : i32
    %add3A_82 = arith.addi %mul3A_4, %add3A_81 : i32
    %dma_wait3A_83 = arith.constant 0 : i32
    %dma_wait3A_84 = arith.constant 0 : i32
    %dma_wait3A_85 = arith.constant 0 : i32
    %dma_wait3A_86 = tpu.memref_slice %arg11[%dma_wait3A_83, %dma_wait3A_84, %dma_wait3A_85] : memref<2x40x128xf32, #tpu.memory_space<vmem>> -> memref<1x40x128xf32, #tpu.memory_space<vmem>>
    %dma_wait3A_87 = tpu.memref_squeeze %dma_wait3A_86 : memref<1x40x128xf32, #tpu.memory_space<vmem>> -> memref<40x128xf32, #tpu.memory_space<vmem>>
    %dma_wait3A_88 = arith.constant 0 : i32
    %dma_wait3A_89 = tpu.memref_slice %arg3[%add3A_82, %dma_wait3A_88] : memref<320000x128xf32, #tpu.memory_space<hbm>> -> memref<40x128xf32, #tpu.memory_space<hbm>>
    %dma_wait3A_90 = arith.constant 0 : i32
    %dma_wait3A_91 = arith.constant 0 : i32
    %dma_wait3A_92 = tpu.memref_slice %arg11[%dma_wait3A_83, %dma_wait3A_90, %dma_wait3A_91] : memref<2x40x128xf32, #tpu.memory_space<vmem>> -> memref<1x40x128xf32, #tpu.memory_space<vmem>>
    %dma_wait3A_93 = tpu.memref_squeeze %dma_wait3A_92 : memref<1x40x128xf32, #tpu.memory_space<vmem>> -> memref<40x128xf32, #tpu.memory_space<vmem>>
    %dma_wait3A_94 = arith.constant 0 : i32
    %dma_wait3A_95 = tpu.memref_slice %arg3[%add3A_82, %dma_wait3A_94] : memref<320000x128xf32, #tpu.memory_space<hbm>> -> memref<40x128xf32, #tpu.memory_space<hbm>>
    tpu.wait_dma2 semaphore(%arg16 : memref<!tpu.dma_semaphore, #tpu.memory_space<semaphore_mem>>) src(%dma_wait3A_95 : memref<40x128xf32, #tpu.memory_space<hbm>>) dst(%dma_wait3A_93 : memref<40x128xf32, #tpu.memory_space<vmem>>)
    %dma_wait3A_96 = arith.constant 0 : i32
    %dma_wait3A_97 = arith.constant 2 : i32
    %dma_wait3A_98 = arith.constant 0 : i32
    %dma_wait3A_99 = arith.constant 0 : i32
    %dma_wait3A_100 = tpu.memref_slice %arg12[%dma_wait3A_96, %dma_wait3A_98, %dma_wait3A_99] : memref<2x40x128xf32, #tpu.memory_space<vmem>> -> memref<1x40x128xf32, #tpu.memory_space<vmem>>
    %dma_wait3A_101 = tpu.memref_squeeze %dma_wait3A_100 : memref<1x40x128xf32, #tpu.memory_space<vmem>> -> memref<40x128xf32, #tpu.memory_space<vmem>>
    %dma_wait3A_102 = arith.constant 0 : i32
    %dma_wait3A_103 = tpu.memref_slice %arg9[%dma_wait3A_97, %dma_wait3A_102] : memref<4x40xi32, #tpu.memory_space<vmem>> -> memref<1x40xi32, #tpu.memory_space<vmem>>
    %dma_wait3A_104 = tpu.memref_squeeze %dma_wait3A_103 : memref<1x40xi32, #tpu.memory_space<vmem>> -> memref<40xi32, #tpu.memory_space<vmem>>
    %dma_wait3A_105 = arith.constant 0 : i32
    %dma_wait3A_106 = arith.constant 0 : i32
    %dma_wait3A_107 = tpu.memref_slice %arg13[%dma_wait3A_105, %dma_wait3A_106] : memref<10240x128xf32, #tpu.memory_space<vmem_shared>> -> memref<10240x128xf32, #tpu.memory_space<vmem_shared>>
    tpu.wait_indirect_dma semaphore(%arg18 : memref<!tpu.dma_semaphore, #tpu.memory_space<semaphore_mem>>) src(%dma_wait3A_101 : memref<40x128xf32, #tpu.memory_space<vmem>>) dst(%dma_wait3A_107 : memref<10240x128xf32, #tpu.memory_space<vmem_shared>>)
    %parallel_loop3A = arith.constant 0 : i32
    %parallel_loop3A_108 = arith.constant 40 : i32
    %parallel_loop3A_109 = arith.constant 1 : i32
    scf.for %parallel_loop3A_201 = %parallel_loop3A to %parallel_loop3A_108 step %parallel_loop3A_109  : i32 {
      %parallel_loop3A_202 = arith.constant 0 : i32
      %parallel_loop3A_203 = arith.index_cast %parallel_loop3A_202 : i32 to index
      %parallel_loop3A_204 = arith.index_cast %parallel_loop3A_201 : i32 to index
      %parallel_loop3A_205 = arith.constant 0 : index
      %parallel_loop3A_206 = tpu.vector_load %arg10[%parallel_loop3A_203, %parallel_loop3A_204, %parallel_loop3A_205] {strides = array<i32>} : memref<2x40x128xf32, #tpu.memory_space<vmem>>, vector<1x1x16xf32>,
      %parallel_loop3A_207 = vector.shape_cast %parallel_loop3A_206 : vector<1x1x16xf32> to vector<16xf32>
      %parallel_loop3A_208 = arith.constant 0 : i32
      %parallel_loop3A_209 = arith.index_cast %parallel_loop3A_208 : i32 to index
      %parallel_loop3A_210 = arith.index_cast %parallel_loop3A_201 : i32 to index
      %parallel_loop3A_211 = arith.constant 0 : index
      %parallel_loop3A_212 = tpu.vector_load %arg11[%parallel_loop3A_209, %parallel_loop3A_210, %parallel_loop3A_211] {strides = array<i32>} : memref<2x40x128xf32, #tpu.memory_space<vmem>>, vector<1x1x16xf32>,
      %parallel_loop3A_213 = vector.shape_cast %parallel_loop3A_212 : vector<1x1x16xf32> to vector<16xf32>
      %parallel_loop3A_214 = arith.mulf %parallel_loop3A_207, %parallel_loop3A_213 : vector<16xf32>
      %parallel_loop3A_215 = arith.constant 0 : i32
      %parallel_loop3A_216 = arith.index_cast %parallel_loop3A_215 : i32 to index
      %parallel_loop3A_217 = arith.index_cast %parallel_loop3A_201 : i32 to index
      %parallel_loop3A_218 = arith.constant 0 : index
      %parallel_loop3A_219 = tpu.vector_load %arg12[%parallel_loop3A_216, %parallel_loop3A_217, %parallel_loop3A_218] {strides = array<i32>} : memref<2x40x128xf32, #tpu.memory_space<vmem>>, vector<1x1x16xf32>,
      %parallel_loop3A_220 = vector.shape_cast %parallel_loop3A_219 : vector<1x1x16xf32> to vector<16xf32>
      %parallel_loop3A_221 = vector.shape_cast %parallel_loop3A_214 : vector<16xf32> to vector<1x1x16xf32>
      tpu.vector_store %arg12[%parallel_loop3A_216, %parallel_loop3A_217, %parallel_loop3A_218], %parallel_loop3A_221 {strides = array<i32>} : memref<2x40x128xf32, #tpu.memory_space<vmem>>, vector<1x1x16xf32>,
      %parallel_loop3A_222 = arith.constant 0 : i32
      %parallel_loop3A_223 = arith.index_cast %parallel_loop3A_222 : i32 to index
      %parallel_loop3A_224 = arith.index_cast %parallel_loop3A_201 : i32 to index
      %parallel_loop3A_225 = arith.constant 16 : index
      %parallel_loop3A_226 = tpu.vector_load %arg10[%parallel_loop3A_223, %parallel_loop3A_224, %parallel_loop3A_225] {strides = array<i32>} : memref<2x40x128xf32, #tpu.memory_space<vmem>>, vector<1x1x16xf32>,
      %parallel_loop3A_227 = vector.shape_cast %parallel_loop3A_226 : vector<1x1x16xf32> to vector<16xf32>
      %parallel_loop3A_228 = arith.constant 0 : i32
      %parallel_loop3A_229 = arith.index_cast %parallel_loop3A_228 : i32 to index
      %parallel_loop3A_230 = arith.index_cast %parallel_loop3A_201 : i32 to index
      %parallel_loop3A_231 = arith.constant 16 : index
      %parallel_loop3A_232 = tpu.vector_load %arg11[%parallel_loop3A_229, %parallel_loop3A_230, %parallel_loop3A_231] {strides = array<i32>} : memref<2x40x128xf32, #tpu.memory_space<vmem>>, vector<1x1x16xf32>,
      %parallel_loop3A_233 = vector.shape_cast %parallel_loop3A_232 : vector<1x1x16xf32> to vector<16xf32>
      %parallel_loop3A_234 = arith.mulf %parallel_loop3A_227, %parallel_loop3A_233 : vector<16xf32>
      %parallel_loop3A_235 = arith.constant 0 : i32
      %parallel_loop3A_236 = arith.index_cast %parallel_loop3A_235 : i32 to index
      %parallel_loop3A_237 = arith.index_cast %parallel_loop3A_201 : i32 to index
      %parallel_loop3A_238 = arith.constant 16 : index
      %parallel_loop3A_239 = tpu.vector_load %arg12[%parallel_loop3A_236, %parallel_loop3A_237, %parallel_loop3A_238] {strides = array<i32>} : memref<2x40x128xf32, #tpu.memory_space<vmem>>, vector<1x1x16xf32>,
      %parallel_loop3A_240 = vector.shape_cast %parallel_loop3A_239 : vector<1x1x16xf32> to vector<16xf32>
      %parallel_loop3A_241 = vector.shape_cast %parallel_loop3A_234 : vector<16xf32> to vector<1x1x16xf32>
      tpu.vector_store %arg12[%parallel_loop3A_236, %parallel_loop3A_237, %parallel_loop3A_238], %parallel_loop3A_241 {strides = array<i32>} : memref<2x40x128xf32, #tpu.memory_space<vmem>>, vector<1x1x16xf32>,
      %parallel_loop3A_242 = arith.constant 0 : i32
      %parallel_loop3A_243 = arith.index_cast %parallel_loop3A_242 : i32 to index
      %parallel_loop3A_244 = arith.index_cast %parallel_loop3A_201 : i32 to index
      %parallel_loop3A_245 = arith.constant 32 : index
      %parallel_loop3A_246 = tpu.vector_load %arg10[%parallel_loop3A_243, %parallel_loop3A_244, %parallel_loop3A_245] {strides = array<i32>} : memref<2x40x128xf32, #tpu.memory_space<vmem>>, vector<1x1x16xf32>,
      %parallel_loop3A_247 = vector.shape_cast %parallel_loop3A_246 : vector<1x1x16xf32> to vector<16xf32>
      %parallel_loop3A_248 = arith.constant 0 : i32
      %parallel_loop3A_249 = arith.index_cast %parallel_loop3A_248 : i32 to index
      %parallel_loop3A_250 = arith.index_cast %parallel_loop3A_201 : i32 to index
      %parallel_loop3A_251 = arith.constant 32 : index
      %parallel_loop3A_252 = tpu.vector_load %arg11[%parallel_loop3A_249, %parallel_loop3A_250, %parallel_loop3A_251] {strides = array<i32>} : memref<2x40x128xf32, #tpu.memory_space<vmem>>, vector<1x1x16xf32>,
      %parallel_loop3A_253 = vector.shape_cast %parallel_loop3A_252 : vector<1x1x16xf32> to vector<16xf32>
      %parallel_loop3A_254 = arith.mulf %parallel_loop3A_247, %parallel_loop3A_253 : vector<16xf32>
      %parallel_loop3A_255 = arith.constant 0 : i32
      %parallel_loop3A_256 = arith.index_cast %parallel_loop3A_255 : i32 to index
      %parallel_loop3A_257 = arith.index_cast %parallel_loop3A_201 : i32 to index
      %parallel_loop3A_258 = arith.constant 32 : index
      %parallel_loop3A_259 = tpu.vector_load %arg12[%parallel_loop3A_256, %parallel_loop3A_257, %parallel_loop3A_258] {strides = array<i32>} : memref<2x40x128xf32, #tpu.memory_space<vmem>>, vector<1x1x16xf32>,
      %parallel_loop3A_260 = vector.shape_cast %parallel_loop3A_259 : vector<1x1x16xf32> to vector<16xf32>
      %parallel_loop3A_261 = vector.shape_cast %parallel_loop3A_254 : vector<16xf32> to vector<1x1x16xf32>
      tpu.vector_store %arg12[%parallel_loop3A_256, %parallel_loop3A_257, %parallel_loop3A_258], %parallel_loop3A_261 {strides = array<i32>} : memref<2x40x128xf32, #tpu.memory_space<vmem>>, vector<1x1x16xf32>,
      %parallel_loop3A_262 = arith.constant 0 : i32
      %parallel_loop3A_263 = arith.index_cast %parallel_loop3A_262 : i32 to index
      %parallel_loop3A_264 = arith.index_cast %parallel_loop3A_201 : i32 to index
      %parallel_loop3A_265 = arith.constant 48 : index
      %parallel_loop3A_266 = tpu.vector_load %arg10[%parallel_loop3A_263, %parallel_loop3A_264, %parallel_loop3A_265] {strides = array<i32>} : memref<2x40x128xf32, #tpu.memory_space<vmem>>, vector<1x1x16xf32>,
      %parallel_loop3A_267 = vector.shape_cast %parallel_loop3A_266 : vector<1x1x16xf32> to vector<16xf32>
      %parallel_loop3A_268 = arith.constant 0 : i32
      %parallel_loop3A_269 = arith.index_cast %parallel_loop3A_268 : i32 to index
      %parallel_loop3A_270 = arith.index_cast %parallel_loop3A_201 : i32 to index
      %parallel_loop3A_271 = arith.constant 48 : index
      %parallel_loop3A_272 = tpu.vector_load %arg11[%parallel_loop3A_269, %parallel_loop3A_270, %parallel_loop3A_271] {strides = array<i32>} : memref<2x40x128xf32, #tpu.memory_space<vmem>>, vector<1x1x16xf32>,
      %parallel_loop3A_273 = vector.shape_cast %parallel_loop3A_272 : vector<1x1x16xf32> to vector<16xf32>
      %parallel_loop3A_274 = arith.mulf %parallel_loop3A_267, %parallel_loop3A_273 : vector<16xf32>
      %parallel_loop3A_275 = arith.constant 0 : i32
      %parallel_loop3A_276 = arith.index_cast %parallel_loop3A_275 : i32 to index
      %parallel_loop3A_277 = arith.index_cast %parallel_loop3A_201 : i32 to index
      %parallel_loop3A_278 = arith.constant 48 : index
      %parallel_loop3A_279 = tpu.vector_load %arg12[%parallel_loop3A_276, %parallel_loop3A_277, %parallel_loop3A_278] {strides = array<i32>} : memref<2x40x128xf32, #tpu.memory_space<vmem>>, vector<1x1x16xf32>,
      %parallel_loop3A_280 = vector.shape_cast %parallel_loop3A_279 : vector<1x1x16xf32> to vector<16xf32>
      %parallel_loop3A_281 = vector.shape_cast %parallel_loop3A_274 : vector<16xf32> to vector<1x1x16xf32>
      tpu.vector_store %arg12[%parallel_loop3A_276, %parallel_loop3A_277, %parallel_loop3A_278], %parallel_loop3A_281 {strides = array<i32>} : memref<2x40x128xf32, #tpu.memory_space<vmem>>, vector<1x1x16xf32>,
      %parallel_loop3A_282 = arith.constant 0 : i32
      %parallel_loop3A_283 = arith.index_cast %parallel_loop3A_282 : i32 to index
      %parallel_loop3A_284 = arith.index_cast %parallel_loop3A_201 : i32 to index
      %parallel_loop3A_285 = arith.constant 64 : index
      %parallel_loop3A_286 = tpu.vector_load %arg10[%parallel_loop3A_283, %parallel_loop3A_284, %parallel_loop3A_285] {strides = array<i32>} : memref<2x40x128xf32, #tpu.memory_space<vmem>>, vector<1x1x16xf32>,
      %parallel_loop3A_287 = vector.shape_cast %parallel_loop3A_286 : vector<1x1x16xf32> to vector<16xf32>
      %parallel_loop3A_288 = arith.constant 0 : i32
      %parallel_loop3A_289 = arith.index_cast %parallel_loop3A_288 : i32 to index
      %parallel_loop3A_290 = arith.index_cast %parallel_loop3A_201 : i32 to index
      %parallel_loop3A_291 = arith.constant 64 : index
      %parallel_loop3A_292 = tpu.vector_load %arg11[%parallel_loop3A_289, %parallel_loop3A_290, %parallel_loop3A_291] {strides = array<i32>} : memref<2x40x128xf32, #tpu.memory_space<vmem>>, vector<1x1x16xf32>,
      %parallel_loop3A_293 = vector.shape_cast %parallel_loop3A_292 : vector<1x1x16xf32> to vector<16xf32>
      %parallel_loop3A_294 = arith.mulf %parallel_loop3A_287, %parallel_loop3A_293 : vector<16xf32>
      %parallel_loop3A_295 = arith.constant 0 : i32
      %parallel_loop3A_296 = arith.index_cast %parallel_loop3A_295 : i32 to index
      %parallel_loop3A_297 = arith.index_cast %parallel_loop3A_201 : i32 to index
      %parallel_loop3A_298 = arith.constant 64 : index
      %parallel_loop3A_299 = tpu.vector_load %arg12[%parallel_loop3A_296, %parallel_loop3A_297, %parallel_loop3A_298] {strides = array<i32>} : memref<2x40x128xf32, #tpu.memory_space<vmem>>, vector<1x1x16xf32>,
      %parallel_loop3A_300 = vector.shape_cast %parallel_loop3A_299 : vector<1x1x16xf32> to vector<16xf32>
      %parallel_loop3A_301 = vector.shape_cast %parallel_loop3A_294 : vector<16xf32> to vector<1x1x16xf32>
      tpu.vector_store %arg12[%parallel_loop3A_296, %parallel_loop3A_297, %parallel_loop3A_298], %parallel_loop3A_301 {strides = array<i32>} : memref<2x40x128xf32, #tpu.memory_space<vmem>>, vector<1x1x16xf32>,
      %parallel_loop3A_302 = arith.constant 0 : i32
      %parallel_loop3A_303 = arith.index_cast %parallel_loop3A_302 : i32 to index
      %parallel_loop3A_304 = arith.index_cast %parallel_loop3A_201 : i32 to index
      %parallel_loop3A_305 = arith.constant 80 : index
      %parallel_loop3A_306 = tpu.vector_load %arg10[%parallel_loop3A_303, %parallel_loop3A_304, %parallel_loop3A_305] {strides = array<i32>} : memref<2x40x128xf32, #tpu.memory_space<vmem>>, vector<1x1x16xf32>,
      %parallel_loop3A_307 = vector.shape_cast %parallel_loop3A_306 : vector<1x1x16xf32> to vector<16xf32>
      %parallel_loop3A_308 = arith.constant 0 : i32
      %parallel_loop3A_309 = arith.index_cast %parallel_loop3A_308 : i32 to index
      %parallel_loop3A_310 = arith.index_cast %parallel_loop3A_201 : i32 to index
      %parallel_loop3A_311 = arith.constant 80 : index
      %parallel_loop3A_312 = tpu.vector_load %arg11[%parallel_loop3A_309, %parallel_loop3A_310, %parallel_loop3A_311] {strides = array<i32>} : memref<2x40x128xf32, #tpu.memory_space<vmem>>, vector<1x1x16xf32>,
      %parallel_loop3A_313 = vector.shape_cast %parallel_loop3A_312 : vector<1x1x16xf32> to vector<16xf32>
      %parallel_loop3A_314 = arith.mulf %parallel_loop3A_307, %parallel_loop3A_313 : vector<16xf32>
      %parallel_loop3A_315 = arith.constant 0 : i32
      %parallel_loop3A_316 = arith.index_cast %parallel_loop3A_315 : i32 to index
      %parallel_loop3A_317 = arith.index_cast %parallel_loop3A_201 : i32 to index
      %parallel_loop3A_318 = arith.constant 80 : index
      %parallel_loop3A_319 = tpu.vector_load %arg12[%parallel_loop3A_316, %parallel_loop3A_317, %parallel_loop3A_318] {strides = array<i32>} : memref<2x40x128xf32, #tpu.memory_space<vmem>>, vector<1x1x16xf32>,
      %parallel_loop3A_320 = vector.shape_cast %parallel_loop3A_319 : vector<1x1x16xf32> to vector<16xf32>
      %parallel_loop3A_321 = vector.shape_cast %parallel_loop3A_314 : vector<16xf32> to vector<1x1x16xf32>
      tpu.vector_store %arg12[%parallel_loop3A_316, %parallel_loop3A_317, %parallel_loop3A_318], %parallel_loop3A_321 {strides = array<i32>} : memref<2x40x128xf32, #tpu.memory_space<vmem>>, vector<1x1x16xf32>,
      %parallel_loop3A_322 = arith.constant 0 : i32
      %parallel_loop3A_323 = arith.index_cast %parallel_loop3A_322 : i32 to index
      %parallel_loop3A_324 = arith.index_cast %parallel_loop3A_201 : i32 to index
      %parallel_loop3A_325 = arith.constant 96 : index
      %parallel_loop3A_326 = tpu.vector_load %arg10[%parallel_loop3A_323, %parallel_loop3A_324, %parallel_loop3A_325] {strides = array<i32>} : memref<2x40x128xf32, #tpu.memory_space<vmem>>, vector<1x1x16xf32>,
      %parallel_loop3A_327 = vector.shape_cast %parallel_loop3A_326 : vector<1x1x16xf32> to vector<16xf32>
      %parallel_loop3A_328 = arith.constant 0 : i32
      %parallel_loop3A_329 = arith.index_cast %parallel_loop3A_328 : i32 to index
      %parallel_loop3A_330 = arith.index_cast %parallel_loop3A_201 : i32 to index
      %parallel_loop3A_331 = arith.constant 96 : index
      %parallel_loop3A_332 = tpu.vector_load %arg11[%parallel_loop3A_329, %parallel_loop3A_330, %parallel_loop3A_331] {strides = array<i32>} : memref<2x40x128xf32, #tpu.memory_space<vmem>>, vector<1x1x16xf32>,
      %parallel_loop3A_333 = vector.shape_cast %parallel_loop3A_332 : vector<1x1x16xf32> to vector<16xf32>
      %parallel_loop3A_334 = arith.mulf %parallel_loop3A_327, %parallel_loop3A_333 : vector<16xf32>
      %parallel_loop3A_335 = arith.constant 0 : i32
      %parallel_loop3A_336 = arith.index_cast %parallel_loop3A_335 : i32 to index
      %parallel_loop3A_337 = arith.index_cast %parallel_loop3A_201 : i32 to index
      %parallel_loop3A_338 = arith.constant 96 : index
      %parallel_loop3A_339 = tpu.vector_load %arg12[%parallel_loop3A_336, %parallel_loop3A_337, %parallel_loop3A_338] {strides = array<i32>} : memref<2x40x128xf32, #tpu.memory_space<vmem>>, vector<1x1x16xf32>,
      %parallel_loop3A_340 = vector.shape_cast %parallel_loop3A_339 : vector<1x1x16xf32> to vector<16xf32>
      %parallel_loop3A_341 = vector.shape_cast %parallel_loop3A_334 : vector<16xf32> to vector<1x1x16xf32>
      tpu.vector_store %arg12[%parallel_loop3A_336, %parallel_loop3A_337, %parallel_loop3A_338], %parallel_loop3A_341 {strides = array<i32>} : memref<2x40x128xf32, #tpu.memory_space<vmem>>, vector<1x1x16xf32>,
      %parallel_loop3A_342 = arith.constant 0 : i32
      %parallel_loop3A_343 = arith.index_cast %parallel_loop3A_342 : i32 to index
      %parallel_loop3A_344 = arith.index_cast %parallel_loop3A_201 : i32 to index
      %parallel_loop3A_345 = arith.constant 112 : index
      %parallel_loop3A_346 = tpu.vector_load %arg10[%parallel_loop3A_343, %parallel_loop3A_344, %parallel_loop3A_345] {strides = array<i32>} : memref<2x40x128xf32, #tpu.memory_space<vmem>>, vector<1x1x16xf32>,
      %parallel_loop3A_347 = vector.shape_cast %parallel_loop3A_346 : vector<1x1x16xf32> to vector<16xf32>
      %parallel_loop3A_348 = arith.constant 0 : i32
      %parallel_loop3A_349 = arith.index_cast %parallel_loop3A_348 : i32 to index
      %parallel_loop3A_350 = arith.index_cast %parallel_loop3A_201 : i32 to index
      %parallel_loop3A_351 = arith.constant 112 : index
      %parallel_loop3A_352 = tpu.vector_load %arg11[%parallel_loop3A_349, %parallel_loop3A_350, %parallel_loop3A_351] {strides = array<i32>} : memref<2x40x128xf32, #tpu.memory_space<vmem>>, vector<1x1x16xf32>,
      %parallel_loop3A_353 = vector.shape_cast %parallel_loop3A_352 : vector<1x1x16xf32> to vector<16xf32>
      %parallel_loop3A_354 = arith.mulf %parallel_loop3A_347, %parallel_loop3A_353 : vector<16xf32>
      %parallel_loop3A_355 = arith.constant 0 : i32
      %parallel_loop3A_356 = arith.index_cast %parallel_loop3A_355 : i32 to index
      %parallel_loop3A_357 = arith.index_cast %parallel_loop3A_201 : i32 to index
      %parallel_loop3A_358 = arith.constant 112 : index
      %parallel_loop3A_359 = tpu.vector_load %arg12[%parallel_loop3A_356, %parallel_loop3A_357, %parallel_loop3A_358] {strides = array<i32>} : memref<2x40x128xf32, #tpu.memory_space<vmem>>, vector<1x1x16xf32>,
      %parallel_loop3A_360 = vector.shape_cast %parallel_loop3A_359 : vector<1x1x16xf32> to vector<16xf32>
      %parallel_loop3A_361 = vector.shape_cast %parallel_loop3A_354 : vector<16xf32> to vector<1x1x16xf32>
      tpu.vector_store %arg12[%parallel_loop3A_356, %parallel_loop3A_357, %parallel_loop3A_358], %parallel_loop3A_361 {strides = array<i32>} : memref<2x40x128xf32, #tpu.memory_space<vmem>>, vector<1x1x16xf32>,
    } {sc.loop_unroll_factor = 2 : i64, sc.parallel_access}
    %dma_start3A_110 = arith.constant 0 : i32
    %dma_start3A_111 = arith.constant 0 : i32
    %dma_start3A_112 = arith.constant 0 : i32
    %dma_start3A_113 = arith.constant 0 : i32
    %dma_start3A_114 = tpu.memref_slice %arg12[%dma_start3A_110, %dma_start3A_112, %dma_start3A_113] : memref<2x40x128xf32, #tpu.memory_space<vmem>> -> memref<1x40x128xf32, #tpu.memory_space<vmem>>
    %dma_start3A_115 = tpu.memref_squeeze %dma_start3A_114 : memref<1x40x128xf32, #tpu.memory_space<vmem>> -> memref<40x128xf32, #tpu.memory_space<vmem>>
    %dma_start3A_116 = arith.constant 0 : i32
    %dma_start3A_117 = tpu.memref_slice %arg9[%dma_start3A_111, %dma_start3A_116] : memref<4x40xi32, #tpu.memory_space<vmem>> -> memref<1x40xi32, #tpu.memory_space<vmem>>
    %dma_start3A_118 = tpu.memref_squeeze %dma_start3A_117 : memref<1x40xi32, #tpu.memory_space<vmem>> -> memref<40xi32, #tpu.memory_space<vmem>>
    %dma_start3A_119 = arith.constant 0 : i32
    %dma_start3A_120 = arith.constant 0 : i32
    %dma_start3A_121 = tpu.memref_slice %arg13[%dma_start3A_119, %dma_start3A_120] : memref<10240x128xf32, #tpu.memory_space<vmem_shared>> -> memref<10240x128xf32, #tpu.memory_space<vmem_shared>>
    tpu.enqueue_indirect_dma source(%dma_start3A_115 : memref<40x128xf32, #tpu.memory_space<vmem>>) target(%dma_start3A_121 : memref<10240x128xf32, #tpu.memory_space<vmem_shared>>) offsets(%dma_start3A_118 : memref<40xi32, #tpu.memory_space<vmem>>) semaphore(%arg18 : memref<!tpu.dma_semaphore, #tpu.memory_space<semaphore_mem>>) {add = true}
    %dma_wait3A_122 = arith.constant 1 : i32
    %dma_wait3A_123 = arith.constant 1 : i32
    %dma_wait3A_124 = arith.constant 0 : i32
    %dma_wait3A_125 = arith.constant 0 : i32
    %dma_wait3A_126 = tpu.memref_slice %arg10[%dma_wait3A_123, %dma_wait3A_124, %dma_wait3A_125] : memref<2x40x128xf32, #tpu.memory_space<vmem>> -> memref<1x40x128xf32, #tpu.memory_space<vmem>>
    %dma_wait3A_127 = tpu.memref_squeeze %dma_wait3A_126 : memref<1x40x128xf32, #tpu.memory_space<vmem>> -> memref<40x128xf32, #tpu.memory_space<vmem>>
    %dma_wait3A_128 = arith.constant 0 : i32
    %dma_wait3A_129 = tpu.memref_slice %arg8[%dma_wait3A_122, %dma_wait3A_128] : memref<4x40xi32, #tpu.memory_space<vmem>> -> memref<1x40xi32, #tpu.memory_space<vmem>>
    %dma_wait3A_130 = tpu.memref_squeeze %dma_wait3A_129 : memref<1x40xi32, #tpu.memory_space<vmem>> -> memref<40xi32, #tpu.memory_space<vmem>>
    %dma_wait3A_131 = arith.constant 0 : i32
    %dma_wait3A_132 = arith.constant 0 : i32
    %dma_wait3A_133 = tpu.memref_slice %arg2[%dma_wait3A_131, %dma_wait3A_132] : memref<10000x128xf32, #tpu.memory_space<hbm>> -> memref<10000x128xf32, #tpu.memory_space<hbm>>
    tpu.wait_indirect_dma semaphore(%arg15 : memref<!tpu.dma_semaphore, #tpu.memory_space<semaphore_mem>>) src(%dma_wait3A_133 : memref<10000x128xf32, #tpu.memory_space<hbm>>) dst(%dma_wait3A_127 : memref<40x128xf32, #tpu.memory_space<vmem>>)
    %add3A_134 = arith.constant 9960 : i32
    %add3A_135 = arith.addi %mul3A_4, %add3A_134 : i32
    %dma_wait3A_136 = arith.constant 1 : i32
    %dma_wait3A_137 = arith.constant 0 : i32
    %dma_wait3A_138 = arith.constant 0 : i32
    %dma_wait3A_139 = tpu.memref_slice %arg11[%dma_wait3A_136, %dma_wait3A_137, %dma_wait3A_138] : memref<2x40x128xf32, #tpu.memory_space<vmem>> -> memref<1x40x128xf32, #tpu.memory_space<vmem>>
    %dma_wait3A_140 = tpu.memref_squeeze %dma_wait3A_139 : memref<1x40x128xf32, #tpu.memory_space<vmem>> -> memref<40x128xf32, #tpu.memory_space<vmem>>
    %dma_wait3A_141 = arith.constant 0 : i32
    %dma_wait3A_142 = tpu.memref_slice %arg3[%add3A_135, %dma_wait3A_141] : memref<320000x128xf32, #tpu.memory_space<hbm>> -> memref<40x128xf32, #tpu.memory_space<hbm>>
    %dma_wait3A_143 = arith.constant 0 : i32
    %dma_wait3A_144 = arith.constant 0 : i32
    %dma_wait3A_145 = tpu.memref_slice %arg11[%dma_wait3A_136, %dma_wait3A_143, %dma_wait3A_144] : memref<2x40x128xf32, #tpu.memory_space<vmem>> -> memref<1x40x128xf32, #tpu.memory_space<vmem>>
    %dma_wait3A_146 = tpu.memref_squeeze %dma_wait3A_145 : memref<1x40x128xf32, #tpu.memory_space<vmem>> -> memref<40x128xf32, #tpu.memory_space<vmem>>
    %dma_wait3A_147 = arith.constant 0 : i32
    %dma_wait3A_148 = tpu.memref_slice %arg3[%add3A_135, %dma_wait3A_147] : memref<320000x128xf32, #tpu.memory_space<hbm>> -> memref<40x128xf32, #tpu.memory_space<hbm>>
    tpu.wait_dma2 semaphore(%arg17 : memref<!tpu.dma_semaphore, #tpu.memory_space<semaphore_mem>>) src(%dma_wait3A_148 : memref<40x128xf32, #tpu.memory_space<hbm>>) dst(%dma_wait3A_146 : memref<40x128xf32, #tpu.memory_space<vmem>>)
    %dma_wait3A_149 = arith.constant 1 : i32
    %dma_wait3A_150 = arith.constant 3 : i32
    %dma_wait3A_151 = arith.constant 0 : i32
    %dma_wait3A_152 = arith.constant 0 : i32
    %dma_wait3A_153 = tpu.memref_slice %arg12[%dma_wait3A_149, %dma_wait3A_151, %dma_wait3A_152] : memref<2x40x128xf32, #tpu.memory_space<vmem>> -> memref<1x40x128xf32, #tpu.memory_space<vmem>>
    %dma_wait3A_154 = tpu.memref_squeeze %dma_wait3A_153 : memref<1x40x128xf32, #tpu.memory_space<vmem>> -> memref<40x128xf32, #tpu.memory_space<vmem>>
    %dma_wait3A_155 = arith.constant 0 : i32
    %dma_wait3A_156 = tpu.memref_slice %arg9[%dma_wait3A_150, %dma_wait3A_155] : memref<4x40xi32, #tpu.memory_space<vmem>> -> memref<1x40xi32, #tpu.memory_space<vmem>>
    %dma_wait3A_157 = tpu.memref_squeeze %dma_wait3A_156 : memref<1x40xi32, #tpu.memory_space<vmem>> -> memref<40xi32, #tpu.memory_space<vmem>>
    %dma_wait3A_158 = arith.constant 0 : i32
    %dma_wait3A_159 = arith.constant 0 : i32
    %dma_wait3A_160 = tpu.memref_slice %arg13[%dma_wait3A_158, %dma_wait3A_159] : memref<10240x128xf32, #tpu.memory_space<vmem_shared>> -> memref<10240x128xf32, #tpu.memory_space<vmem_shared>>
    tpu.wait_indirect_dma semaphore(%arg19 : memref<!tpu.dma_semaphore, #tpu.memory_space<semaphore_mem>>) src(%dma_wait3A_154 : memref<40x128xf32, #tpu.memory_space<vmem>>) dst(%dma_wait3A_160 : memref<10240x128xf32, #tpu.memory_space<vmem_shared>>)
    %parallel_loop3A_161 = arith.constant 0 : i32
    %parallel_loop3A_162 = arith.constant 40 : i32
    %parallel_loop3A_163 = arith.constant 1 : i32
    scf.for %parallel_loop3A_201 = %parallel_loop3A_161 to %parallel_loop3A_162 step %parallel_loop3A_163  : i32 {
      %parallel_loop3A_202 = arith.constant 1 : i32
      %parallel_loop3A_203 = arith.index_cast %parallel_loop3A_202 : i32 to index
      %parallel_loop3A_204 = arith.index_cast %parallel_loop3A_201 : i32 to index
      %parallel_loop3A_205 = arith.constant 0 : index
      %parallel_loop3A_206 = tpu.vector_load %arg10[%parallel_loop3A_203, %parallel_loop3A_204, %parallel_loop3A_205] {strides = array<i32>} : memref<2x40x128xf32, #tpu.memory_space<vmem>>, vector<1x1x16xf32>,
      %parallel_loop3A_207 = vector.shape_cast %parallel_loop3A_206 : vector<1x1x16xf32> to vector<16xf32>
      %parallel_loop3A_208 = arith.constant 1 : i32
      %parallel_loop3A_209 = arith.index_cast %parallel_loop3A_208 : i32 to index
      %parallel_loop3A_210 = arith.index_cast %parallel_loop3A_201 : i32 to index
      %parallel_loop3A_211 = arith.constant 0 : index
      %parallel_loop3A_212 = tpu.vector_load %arg11[%parallel_loop3A_209, %parallel_loop3A_210, %parallel_loop3A_211] {strides = array<i32>} : memref<2x40x128xf32, #tpu.memory_space<vmem>>, vector<1x1x16xf32>,
      %parallel_loop3A_213 = vector.shape_cast %parallel_loop3A_212 : vector<1x1x16xf32> to vector<16xf32>
      %parallel_loop3A_214 = arith.mulf %parallel_loop3A_207, %parallel_loop3A_213 : vector<16xf32>
      %parallel_loop3A_215 = arith.constant 1 : i32
      %parallel_loop3A_216 = arith.index_cast %parallel_loop3A_215 : i32 to index
      %parallel_loop3A_217 = arith.index_cast %parallel_loop3A_201 : i32 to index
      %parallel_loop3A_218 = arith.constant 0 : index
      %parallel_loop3A_219 = tpu.vector_load %arg12[%parallel_loop3A_216, %parallel_loop3A_217, %parallel_loop3A_218] {strides = array<i32>} : memref<2x40x128xf32, #tpu.memory_space<vmem>>, vector<1x1x16xf32>,
      %parallel_loop3A_220 = vector.shape_cast %parallel_loop3A_219 : vector<1x1x16xf32> to vector<16xf32>
      %parallel_loop3A_221 = vector.shape_cast %parallel_loop3A_214 : vector<16xf32> to vector<1x1x16xf32>
      tpu.vector_store %arg12[%parallel_loop3A_216, %parallel_loop3A_217, %parallel_loop3A_218], %parallel_loop3A_221 {strides = array<i32>} : memref<2x40x128xf32, #tpu.memory_space<vmem>>, vector<1x1x16xf32>,
      %parallel_loop3A_222 = arith.constant 1 : i32
      %parallel_loop3A_223 = arith.index_cast %parallel_loop3A_222 : i32 to index
      %parallel_loop3A_224 = arith.index_cast %parallel_loop3A_201 : i32 to index
      %parallel_loop3A_225 = arith.constant 16 : index
      %parallel_loop3A_226 = tpu.vector_load %arg10[%parallel_loop3A_223, %parallel_loop3A_224, %parallel_loop3A_225] {strides = array<i32>} : memref<2x40x128xf32, #tpu.memory_space<vmem>>, vector<1x1x16xf32>,
      %parallel_loop3A_227 = vector.shape_cast %parallel_loop3A_226 : vector<1x1x16xf32> to vector<16xf32>
      %parallel_loop3A_228 = arith.constant 1 : i32
      %parallel_loop3A_229 = arith.index_cast %parallel_loop3A_228 : i32 to index
      %parallel_loop3A_230 = arith.index_cast %parallel_loop3A_201 : i32 to index
      %parallel_loop3A_231 = arith.constant 16 : index
      %parallel_loop3A_232 = tpu.vector_load %arg11[%parallel_loop3A_229, %parallel_loop3A_230, %parallel_loop3A_231] {strides = array<i32>} : memref<2x40x128xf32, #tpu.memory_space<vmem>>, vector<1x1x16xf32>,
      %parallel_loop3A_233 = vector.shape_cast %parallel_loop3A_232 : vector<1x1x16xf32> to vector<16xf32>
      %parallel_loop3A_234 = arith.mulf %parallel_loop3A_227, %parallel_loop3A_233 : vector<16xf32>
      %parallel_loop3A_235 = arith.constant 1 : i32
      %parallel_loop3A_236 = arith.index_cast %parallel_loop3A_235 : i32 to index
      %parallel_loop3A_237 = arith.index_cast %parallel_loop3A_201 : i32 to index
      %parallel_loop3A_238 = arith.constant 16 : index
      %parallel_loop3A_239 = tpu.vector_load %arg12[%parallel_loop3A_236, %parallel_loop3A_237, %parallel_loop3A_238] {strides = array<i32>} : memref<2x40x128xf32, #tpu.memory_space<vmem>>, vector<1x1x16xf32>,
      %parallel_loop3A_240 = vector.shape_cast %parallel_loop3A_239 : vector<1x1x16xf32> to vector<16xf32>
      %parallel_loop3A_241 = vector.shape_cast %parallel_loop3A_234 : vector<16xf32> to vector<1x1x16xf32>
      tpu.vector_store %arg12[%parallel_loop3A_236, %parallel_loop3A_237, %parallel_loop3A_238], %parallel_loop3A_241 {strides = array<i32>} : memref<2x40x128xf32, #tpu.memory_space<vmem>>, vector<1x1x16xf32>,
      %parallel_loop3A_242 = arith.constant 1 : i32
      %parallel_loop3A_243 = arith.index_cast %parallel_loop3A_242 : i32 to index
      %parallel_loop3A_244 = arith.index_cast %parallel_loop3A_201 : i32 to index
      %parallel_loop3A_245 = arith.constant 32 : index
      %parallel_loop3A_246 = tpu.vector_load %arg10[%parallel_loop3A_243, %parallel_loop3A_244, %parallel_loop3A_245] {strides = array<i32>} : memref<2x40x128xf32, #tpu.memory_space<vmem>>, vector<1x1x16xf32>,
      %parallel_loop3A_247 = vector.shape_cast %parallel_loop3A_246 : vector<1x1x16xf32> to vector<16xf32>
      %parallel_loop3A_248 = arith.constant 1 : i32
      %parallel_loop3A_249 = arith.index_cast %parallel_loop3A_248 : i32 to index
      %parallel_loop3A_250 = arith.index_cast %parallel_loop3A_201 : i32 to index
      %parallel_loop3A_251 = arith.constant 32 : index
      %parallel_loop3A_252 = tpu.vector_load %arg11[%parallel_loop3A_249, %parallel_loop3A_250, %parallel_loop3A_251] {strides = array<i32>} : memref<2x40x128xf32, #tpu.memory_space<vmem>>, vector<1x1x16xf32>,
      %parallel_loop3A_253 = vector.shape_cast %parallel_loop3A_252 : vector<1x1x16xf32> to vector<16xf32>
      %parallel_loop3A_254 = arith.mulf %parallel_loop3A_247, %parallel_loop3A_253 : vector<16xf32>
      %parallel_loop3A_255 = arith.constant 1 : i32
      %parallel_loop3A_256 = arith.index_cast %parallel_loop3A_255 : i32 to index
      %parallel_loop3A_257 = arith.index_cast %parallel_loop3A_201 : i32 to index
      %parallel_loop3A_258 = arith.constant 32 : index
      %parallel_loop3A_259 = tpu.vector_load %arg12[%parallel_loop3A_256, %parallel_loop3A_257, %parallel_loop3A_258] {strides = array<i32>} : memref<2x40x128xf32, #tpu.memory_space<vmem>>, vector<1x1x16xf32>,
      %parallel_loop3A_260 = vector.shape_cast %parallel_loop3A_259 : vector<1x1x16xf32> to vector<16xf32>
      %parallel_loop3A_261 = vector.shape_cast %parallel_loop3A_254 : vector<16xf32> to vector<1x1x16xf32>
      tpu.vector_store %arg12[%parallel_loop3A_256, %parallel_loop3A_257, %parallel_loop3A_258], %parallel_loop3A_261 {strides = array<i32>} : memref<2x40x128xf32, #tpu.memory_space<vmem>>, vector<1x1x16xf32>,
      %parallel_loop3A_262 = arith.constant 1 : i32
      %parallel_loop3A_263 = arith.index_cast %parallel_loop3A_262 : i32 to index
      %parallel_loop3A_264 = arith.index_cast %parallel_loop3A_201 : i32 to index
      %parallel_loop3A_265 = arith.constant 48 : index
      %parallel_loop3A_266 = tpu.vector_load %arg10[%parallel_loop3A_263, %parallel_loop3A_264, %parallel_loop3A_265] {strides = array<i32>} : memref<2x40x128xf32, #tpu.memory_space<vmem>>, vector<1x1x16xf32>,
      %parallel_loop3A_267 = vector.shape_cast %parallel_loop3A_266 : vector<1x1x16xf32> to vector<16xf32>
      %parallel_loop3A_268 = arith.constant 1 : i32
      %parallel_loop3A_269 = arith.index_cast %parallel_loop3A_268 : i32 to index
      %parallel_loop3A_270 = arith.index_cast %parallel_loop3A_201 : i32 to index
      %parallel_loop3A_271 = arith.constant 48 : index
      %parallel_loop3A_272 = tpu.vector_load %arg11[%parallel_loop3A_269, %parallel_loop3A_270, %parallel_loop3A_271] {strides = array<i32>} : memref<2x40x128xf32, #tpu.memory_space<vmem>>, vector<1x1x16xf32>,
      %parallel_loop3A_273 = vector.shape_cast %parallel_loop3A_272 : vector<1x1x16xf32> to vector<16xf32>
      %parallel_loop3A_274 = arith.mulf %parallel_loop3A_267, %parallel_loop3A_273 : vector<16xf32>
      %parallel_loop3A_275 = arith.constant 1 : i32
      %parallel_loop3A_276 = arith.index_cast %parallel_loop3A_275 : i32 to index
      %parallel_loop3A_277 = arith.index_cast %parallel_loop3A_201 : i32 to index
      %parallel_loop3A_278 = arith.constant 48 : index
      %parallel_loop3A_279 = tpu.vector_load %arg12[%parallel_loop3A_276, %parallel_loop3A_277, %parallel_loop3A_278] {strides = array<i32>} : memref<2x40x128xf32, #tpu.memory_space<vmem>>, vector<1x1x16xf32>,
      %parallel_loop3A_280 = vector.shape_cast %parallel_loop3A_279 : vector<1x1x16xf32> to vector<16xf32>
      %parallel_loop3A_281 = vector.shape_cast %parallel_loop3A_274 : vector<16xf32> to vector<1x1x16xf32>
      tpu.vector_store %arg12[%parallel_loop3A_276, %parallel_loop3A_277, %parallel_loop3A_278], %parallel_loop3A_281 {strides = array<i32>} : memref<2x40x128xf32, #tpu.memory_space<vmem>>, vector<1x1x16xf32>,
      %parallel_loop3A_282 = arith.constant 1 : i32
      %parallel_loop3A_283 = arith.index_cast %parallel_loop3A_282 : i32 to index
      %parallel_loop3A_284 = arith.index_cast %parallel_loop3A_201 : i32 to index
      %parallel_loop3A_285 = arith.constant 64 : index
      %parallel_loop3A_286 = tpu.vector_load %arg10[%parallel_loop3A_283, %parallel_loop3A_284, %parallel_loop3A_285] {strides = array<i32>} : memref<2x40x128xf32, #tpu.memory_space<vmem>>, vector<1x1x16xf32>,
      %parallel_loop3A_287 = vector.shape_cast %parallel_loop3A_286 : vector<1x1x16xf32> to vector<16xf32>
      %parallel_loop3A_288 = arith.constant 1 : i32
      %parallel_loop3A_289 = arith.index_cast %parallel_loop3A_288 : i32 to index
      %parallel_loop3A_290 = arith.index_cast %parallel_loop3A_201 : i32 to index
      %parallel_loop3A_291 = arith.constant 64 : index
      %parallel_loop3A_292 = tpu.vector_load %arg11[%parallel_loop3A_289, %parallel_loop3A_290, %parallel_loop3A_291] {strides = array<i32>} : memref<2x40x128xf32, #tpu.memory_space<vmem>>, vector<1x1x16xf32>,
      %parallel_loop3A_293 = vector.shape_cast %parallel_loop3A_292 : vector<1x1x16xf32> to vector<16xf32>
      %parallel_loop3A_294 = arith.mulf %parallel_loop3A_287, %parallel_loop3A_293 : vector<16xf32>
      %parallel_loop3A_295 = arith.constant 1 : i32
      %parallel_loop3A_296 = arith.index_cast %parallel_loop3A_295 : i32 to index
      %parallel_loop3A_297 = arith.index_cast %parallel_loop3A_201 : i32 to index
      %parallel_loop3A_298 = arith.constant 64 : index
      %parallel_loop3A_299 = tpu.vector_load %arg12[%parallel_loop3A_296, %parallel_loop3A_297, %parallel_loop3A_298] {strides = array<i32>} : memref<2x40x128xf32, #tpu.memory_space<vmem>>, vector<1x1x16xf32>,
      %parallel_loop3A_300 = vector.shape_cast %parallel_loop3A_299 : vector<1x1x16xf32> to vector<16xf32>
      %parallel_loop3A_301 = vector.shape_cast %parallel_loop3A_294 : vector<16xf32> to vector<1x1x16xf32>
      tpu.vector_store %arg12[%parallel_loop3A_296, %parallel_loop3A_297, %parallel_loop3A_298], %parallel_loop3A_301 {strides = array<i32>} : memref<2x40x128xf32, #tpu.memory_space<vmem>>, vector<1x1x16xf32>,
      %parallel_loop3A_302 = arith.constant 1 : i32
      %parallel_loop3A_303 = arith.index_cast %parallel_loop3A_302 : i32 to index
      %parallel_loop3A_304 = arith.index_cast %parallel_loop3A_201 : i32 to index
      %parallel_loop3A_305 = arith.constant 80 : index
      %parallel_loop3A_306 = tpu.vector_load %arg10[%parallel_loop3A_303, %parallel_loop3A_304, %parallel_loop3A_305] {strides = array<i32>} : memref<2x40x128xf32, #tpu.memory_space<vmem>>, vector<1x1x16xf32>,
      %parallel_loop3A_307 = vector.shape_cast %parallel_loop3A_306 : vector<1x1x16xf32> to vector<16xf32>
      %parallel_loop3A_308 = arith.constant 1 : i32
      %parallel_loop3A_309 = arith.index_cast %parallel_loop3A_308 : i32 to index
      %parallel_loop3A_310 = arith.index_cast %parallel_loop3A_201 : i32 to index
      %parallel_loop3A_311 = arith.constant 80 : index
      %parallel_loop3A_312 = tpu.vector_load %arg11[%parallel_loop3A_309, %parallel_loop3A_310, %parallel_loop3A_311] {strides = array<i32>} : memref<2x40x128xf32, #tpu.memory_space<vmem>>, vector<1x1x16xf32>,
      %parallel_loop3A_313 = vector.shape_cast %parallel_loop3A_312 : vector<1x1x16xf32> to vector<16xf32>
      %parallel_loop3A_314 = arith.mulf %parallel_loop3A_307, %parallel_loop3A_313 : vector<16xf32>
      %parallel_loop3A_315 = arith.constant 1 : i32
      %parallel_loop3A_316 = arith.index_cast %parallel_loop3A_315 : i32 to index
      %parallel_loop3A_317 = arith.index_cast %parallel_loop3A_201 : i32 to index
      %parallel_loop3A_318 = arith.constant 80 : index
      %parallel_loop3A_319 = tpu.vector_load %arg12[%parallel_loop3A_316, %parallel_loop3A_317, %parallel_loop3A_318] {strides = array<i32>} : memref<2x40x128xf32, #tpu.memory_space<vmem>>, vector<1x1x16xf32>,
      %parallel_loop3A_320 = vector.shape_cast %parallel_loop3A_319 : vector<1x1x16xf32> to vector<16xf32>
      %parallel_loop3A_321 = vector.shape_cast %parallel_loop3A_314 : vector<16xf32> to vector<1x1x16xf32>
      tpu.vector_store %arg12[%parallel_loop3A_316, %parallel_loop3A_317, %parallel_loop3A_318], %parallel_loop3A_321 {strides = array<i32>} : memref<2x40x128xf32, #tpu.memory_space<vmem>>, vector<1x1x16xf32>,
      %parallel_loop3A_322 = arith.constant 1 : i32
      %parallel_loop3A_323 = arith.index_cast %parallel_loop3A_322 : i32 to index
      %parallel_loop3A_324 = arith.index_cast %parallel_loop3A_201 : i32 to index
      %parallel_loop3A_325 = arith.constant 96 : index
      %parallel_loop3A_326 = tpu.vector_load %arg10[%parallel_loop3A_323, %parallel_loop3A_324, %parallel_loop3A_325] {strides = array<i32>} : memref<2x40x128xf32, #tpu.memory_space<vmem>>, vector<1x1x16xf32>,
      %parallel_loop3A_327 = vector.shape_cast %parallel_loop3A_326 : vector<1x1x16xf32> to vector<16xf32>
      %parallel_loop3A_328 = arith.constant 1 : i32
      %parallel_loop3A_329 = arith.index_cast %parallel_loop3A_328 : i32 to index
      %parallel_loop3A_330 = arith.index_cast %parallel_loop3A_201 : i32 to index
      %parallel_loop3A_331 = arith.constant 96 : index
      %parallel_loop3A_332 = tpu.vector_load %arg11[%parallel_loop3A_329, %parallel_loop3A_330, %parallel_loop3A_331] {strides = array<i32>} : memref<2x40x128xf32, #tpu.memory_space<vmem>>, vector<1x1x16xf32>,
      %parallel_loop3A_333 = vector.shape_cast %parallel_loop3A_332 : vector<1x1x16xf32> to vector<16xf32>
      %parallel_loop3A_334 = arith.mulf %parallel_loop3A_327, %parallel_loop3A_333 : vector<16xf32>
      %parallel_loop3A_335 = arith.constant 1 : i32
      %parallel_loop3A_336 = arith.index_cast %parallel_loop3A_335 : i32 to index
      %parallel_loop3A_337 = arith.index_cast %parallel_loop3A_201 : i32 to index
      %parallel_loop3A_338 = arith.constant 96 : index
      %parallel_loop3A_339 = tpu.vector_load %arg12[%parallel_loop3A_336, %parallel_loop3A_337, %parallel_loop3A_338] {strides = array<i32>} : memref<2x40x128xf32, #tpu.memory_space<vmem>>, vector<1x1x16xf32>,
      %parallel_loop3A_340 = vector.shape_cast %parallel_loop3A_339 : vector<1x1x16xf32> to vector<16xf32>
      %parallel_loop3A_341 = vector.shape_cast %parallel_loop3A_334 : vector<16xf32> to vector<1x1x16xf32>
      tpu.vector_store %arg12[%parallel_loop3A_336, %parallel_loop3A_337, %parallel_loop3A_338], %parallel_loop3A_341 {strides = array<i32>} : memref<2x40x128xf32, #tpu.memory_space<vmem>>, vector<1x1x16xf32>,
      %parallel_loop3A_342 = arith.constant 1 : i32
      %parallel_loop3A_343 = arith.index_cast %parallel_loop3A_342 : i32 to index
      %parallel_loop3A_344 = arith.index_cast %parallel_loop3A_201 : i32 to index
      %parallel_loop3A_345 = arith.constant 112 : index
      %parallel_loop3A_346 = tpu.vector_load %arg10[%parallel_loop3A_343, %parallel_loop3A_344, %parallel_loop3A_345] {strides = array<i32>} : memref<2x40x128xf32, #tpu.memory_space<vmem>>, vector<1x1x16xf32>,
      %parallel_loop3A_347 = vector.shape_cast %parallel_loop3A_346 : vector<1x1x16xf32> to vector<16xf32>
      %parallel_loop3A_348 = arith.constant 1 : i32
      %parallel_loop3A_349 = arith.index_cast %parallel_loop3A_348 : i32 to index
      %parallel_loop3A_350 = arith.index_cast %parallel_loop3A_201 : i32 to index
      %parallel_loop3A_351 = arith.constant 112 : index
      %parallel_loop3A_352 = tpu.vector_load %arg11[%parallel_loop3A_349, %parallel_loop3A_350, %parallel_loop3A_351] {strides = array<i32>} : memref<2x40x128xf32, #tpu.memory_space<vmem>>, vector<1x1x16xf32>,
      %parallel_loop3A_353 = vector.shape_cast %parallel_loop3A_352 : vector<1x1x16xf32> to vector<16xf32>
      %parallel_loop3A_354 = arith.mulf %parallel_loop3A_347, %parallel_loop3A_353 : vector<16xf32>
      %parallel_loop3A_355 = arith.constant 1 : i32
      %parallel_loop3A_356 = arith.index_cast %parallel_loop3A_355 : i32 to index
      %parallel_loop3A_357 = arith.index_cast %parallel_loop3A_201 : i32 to index
      %parallel_loop3A_358 = arith.constant 112 : index
      %parallel_loop3A_359 = tpu.vector_load %arg12[%parallel_loop3A_356, %parallel_loop3A_357, %parallel_loop3A_358] {strides = array<i32>} : memref<2x40x128xf32, #tpu.memory_space<vmem>>, vector<1x1x16xf32>,
      %parallel_loop3A_360 = vector.shape_cast %parallel_loop3A_359 : vector<1x1x16xf32> to vector<16xf32>
      %parallel_loop3A_361 = vector.shape_cast %parallel_loop3A_354 : vector<16xf32> to vector<1x1x16xf32>
      tpu.vector_store %arg12[%parallel_loop3A_356, %parallel_loop3A_357, %parallel_loop3A_358], %parallel_loop3A_361 {strides = array<i32>} : memref<2x40x128xf32, #tpu.memory_space<vmem>>, vector<1x1x16xf32>,
    } {sc.loop_unroll_factor = 2 : i64, sc.parallel_access}
    %dma_start3A_164 = arith.constant 1 : i32
    %dma_start3A_165 = arith.constant 1 : i32
    %dma_start3A_166 = arith.constant 0 : i32
    %dma_start3A_167 = arith.constant 0 : i32
    %dma_start3A_168 = tpu.memref_slice %arg12[%dma_start3A_164, %dma_start3A_166, %dma_start3A_167] : memref<2x40x128xf32, #tpu.memory_space<vmem>> -> memref<1x40x128xf32, #tpu.memory_space<vmem>>
    %dma_start3A_169 = tpu.memref_squeeze %dma_start3A_168 : memref<1x40x128xf32, #tpu.memory_space<vmem>> -> memref<40x128xf32, #tpu.memory_space<vmem>>
    %dma_start3A_170 = arith.constant 0 : i32
    %dma_start3A_171 = tpu.memref_slice %arg9[%dma_start3A_165, %dma_start3A_170] : memref<4x40xi32, #tpu.memory_space<vmem>> -> memref<1x40xi32, #tpu.memory_space<vmem>>
    %dma_start3A_172 = tpu.memref_squeeze %dma_start3A_171 : memref<1x40xi32, #tpu.memory_space<vmem>> -> memref<40xi32, #tpu.memory_space<vmem>>
    %dma_start3A_173 = arith.constant 0 : i32
    %dma_start3A_174 = arith.constant 0 : i32
    %dma_start3A_175 = tpu.memref_slice %arg13[%dma_start3A_173, %dma_start3A_174] : memref<10240x128xf32, #tpu.memory_space<vmem_shared>> -> memref<10240x128xf32, #tpu.memory_space<vmem_shared>>
    tpu.enqueue_indirect_dma source(%dma_start3A_169 : memref<40x128xf32, #tpu.memory_space<vmem>>) target(%dma_start3A_175 : memref<10240x128xf32, #tpu.memory_space<vmem_shared>>) offsets(%dma_start3A_172 : memref<40xi32, #tpu.memory_space<vmem>>) semaphore(%arg19 : memref<!tpu.dma_semaphore, #tpu.memory_space<semaphore_mem>>) {add = true}
    %dma_wait3A_176 = arith.constant 0 : i32
    %dma_wait3A_177 = arith.constant 0 : i32
    %dma_wait3A_178 = arith.constant 0 : i32
    %dma_wait3A_179 = arith.constant 0 : i32
    %dma_wait3A_180 = tpu.memref_slice %arg12[%dma_wait3A_176, %dma_wait3A_178, %dma_wait3A_179] : memref<2x40x128xf32, #tpu.memory_space<vmem>> -> memref<1x40x128xf32, #tpu.memory_space<vmem>>
    %dma_wait3A_181 = tpu.memref_squeeze %dma_wait3A_180 : memref<1x40x128xf32, #tpu.memory_space<vmem>> -> memref<40x128xf32, #tpu.memory_space<vmem>>
    %dma_wait3A_182 = arith.constant 0 : i32
    %dma_wait3A_183 = tpu.memref_slice %arg9[%dma_wait3A_177, %dma_wait3A_182] : memref<4x40xi32, #tpu.memory_space<vmem>> -> memref<1x40xi32, #tpu.memory_space<vmem>>
    %dma_wait3A_184 = tpu.memref_squeeze %dma_wait3A_183 : memref<1x40xi32, #tpu.memory_space<vmem>> -> memref<40xi32, #tpu.memory_space<vmem>>
    %dma_wait3A_185 = arith.constant 0 : i32
    %dma_wait3A_186 = arith.constant 0 : i32
    %dma_wait3A_187 = tpu.memref_slice %arg13[%dma_wait3A_185, %dma_wait3A_186] : memref<10240x128xf32, #tpu.memory_space<vmem_shared>> -> memref<10240x128xf32, #tpu.memory_space<vmem_shared>>
    tpu.wait_indirect_dma semaphore(%arg18 : memref<!tpu.dma_semaphore, #tpu.memory_space<semaphore_mem>>) src(%dma_wait3A_181 : memref<40x128xf32, #tpu.memory_space<vmem>>) dst(%dma_wait3A_187 : memref<10240x128xf32, #tpu.memory_space<vmem_shared>>)
    %dma_wait3A_188 = arith.constant 1 : i32
    %dma_wait3A_189 = arith.constant 1 : i32
    %dma_wait3A_190 = arith.constant 0 : i32
    %dma_wait3A_191 = arith.constant 0 : i32
    %dma_wait3A_192 = tpu.memref_slice %arg12[%dma_wait3A_188, %dma_wait3A_190, %dma_wait3A_191] : memref<2x40x128xf32, #tpu.memory_space<vmem>> -> memref<1x40x128xf32, #tpu.memory_space<vmem>>
    %dma_wait3A_193 = tpu.memref_squeeze %dma_wait3A_192 : memref<1x40x128xf32, #tpu.memory_space<vmem>> -> memref<40x128xf32, #tpu.memory_space<vmem>>
    %dma_wait3A_194 = arith.constant 0 : i32
    %dma_wait3A_195 = tpu.memref_slice %arg9[%dma_wait3A_189, %dma_wait3A_194] : memref<4x40xi32, #tpu.memory_space<vmem>> -> memref<1x40xi32, #tpu.memory_space<vmem>>
    %dma_wait3A_196 = tpu.memref_squeeze %dma_wait3A_195 : memref<1x40xi32, #tpu.memory_space<vmem>> -> memref<40xi32, #tpu.memory_space<vmem>>
    %dma_wait3A_197 = arith.constant 0 : i32
    %dma_wait3A_198 = arith.constant 0 : i32
    %dma_wait3A_199 = tpu.memref_slice %arg13[%dma_wait3A_197, %dma_wait3A_198] : memref<10240x128xf32, #tpu.memory_space<vmem_shared>> -> memref<10240x128xf32, #tpu.memory_space<vmem_shared>>
    tpu.wait_indirect_dma semaphore(%arg19 : memref<!tpu.dma_semaphore, #tpu.memory_space<semaphore_mem>>) src(%dma_wait3A_193 : memref<40x128xf32, #tpu.memory_space<vmem>>) dst(%dma_wait3A_199 : memref<10240x128xf32, #tpu.memory_space<vmem_shared>>)
    %barrier3A_200 = arith.constant 0 : index
    tpu.barrier barrier_id(%barrier3A_200)
    "tpu.region"() ({
      %run_scoped3A_201 = tpu.sem_alloc : memref<!tpu.dma_semaphore, #tpu.memory_space<semaphore_mem>>
      %dma_start3A_202 = arith.constant 0 : i32
      %dma_start3A_203 = tpu.memref_slice %arg7[%arg0, %mul3A_2, %dma_start3A_202] : memref<2x10240x128xf32, #tpu.memory_space<hbm>> -> memref<1x640x128xf32, #tpu.memory_space<hbm>>
      %dma_start3A_204 = tpu.memref_squeeze %dma_start3A_203 : memref<1x640x128xf32, #tpu.memory_space<hbm>> -> memref<640x128xf32, #tpu.memory_space<hbm>>
      %dma_start3A_205 = arith.constant 0 : i32
      %dma_start3A_206 = tpu.memref_slice %arg13[%mul3A_2, %dma_start3A_205] : memref<10240x128xf32, #tpu.memory_space<vmem_shared>> -> memref<640x128xf32, #tpu.memory_space<vmem_shared>>
      tpu.enqueue_dma source(%dma_start3A_206 : memref<640x128xf32, #tpu.memory_space<vmem_shared>>) target(%dma_start3A_204 : memref<640x128xf32, #tpu.memory_space<hbm>>) target_semaphore(%run_scoped3A_201 : memref<!tpu.dma_semaphore, #tpu.memory_space<semaphore_mem>>)
      %dma_wait3A_207 = arith.constant 0 : i32
      %dma_wait3A_208 = tpu.memref_slice %arg7[%arg0, %mul3A_2, %dma_wait3A_207] : memref<2x10240x128xf32, #tpu.memory_space<hbm>> -> memref<1x640x128xf32, #tpu.memory_space<hbm>>
      %dma_wait3A_209 = tpu.memref_squeeze %dma_wait3A_208 : memref<1x640x128xf32, #tpu.memory_space<hbm>> -> memref<640x128xf32, #tpu.memory_space<hbm>>
      %dma_wait3A_210 = arith.constant 0 : i32
      %dma_wait3A_211 = tpu.memref_slice %arg13[%mul3A_2, %dma_wait3A_210] : memref<10240x128xf32, #tpu.memory_space<vmem_shared>> -> memref<640x128xf32, #tpu.memory_space<vmem_shared>>
      tpu.wait_dma2 semaphore(%run_scoped3A_201 : memref<!tpu.dma_semaphore, #tpu.memory_space<semaphore_mem>>) src(%dma_wait3A_211 : memref<640x128xf32, #tpu.memory_space<vmem_shared>>) dst(%dma_wait3A_209 : memref<640x128xf32, #tpu.memory_space<hbm>>)
      tpu.yield
    }) : () -> ()
    return
  }
}

module attributes {stable_mosaic.version = 14 : i64} {
  func.func @_filter_body(%arg0: i32, %arg1: memref<16x12800xf32, #tpu.memory_space<vmem>>, %arg2: memref<16x128xf32, #tpu.memory_space<vmem>>, %arg3: memref<1x128xf32, #tpu.memory_space<vmem>>, %arg4: memref<128x128xf32, #tpu.memory_space<vmem>>, %arg5: memref<1x128xf32, #tpu.memory_space<vmem>>, %arg6: memref<12800x128xf32, #tpu.memory_space<vmem>>) attributes {dimension_semantics = [#tpu.dimension_semantics<arbitrary>], iteration_bounds = array<i64: 25>, scalar_prefetch = 0 : i64, scratch_operands = 0 : i64, tpu.core_type = #tpu.core_type<tc>, window_params = [{transform_indices = @transform_0, window_bounds = array<i64: 16, 12800>}, {pipeline_mode = #tpu.pipeline_mode<synchronous>, transform_indices = @transform_1, window_bounds = array<i64: 16, 128>}, {pipeline_mode = #tpu.pipeline_mode<synchronous>, transform_indices = @transform_2, window_bounds = array<i64: 1, 128>}, {pipeline_mode = #tpu.pipeline_mode<synchronous>, transform_indices = @transform_3, window_bounds = array<i64: 128, 128>}, {pipeline_mode = #tpu.pipeline_mode<synchronous>, transform_indices = @transform_4, window_bounds = array<i64: 1, 128>}, {transform_indices = @transform_5, window_bounds = array<i64: 12800, 128>}]} {
    %get3A = arith.constant 0 : index
    %get3A_0 = arith.constant 0 : index
    %get3A_1 = vector.load %arg1[%get3A, %get3A_0] : memref<16x12800xf32, #tpu.memory_space<vmem>>, vector<16x12800xf32>
    %transpose3A = tpu.transpose %get3A_1, [1, 0] : vector<16x12800xf32> -> vector<12800x16xf32>
    %convert_element_type3A = arith.truncf %transpose3A : vector<12800x16xf32> to vector<12800x16xbf16>
    %get3A_2 = arith.constant 0 : index
    %get3A_3 = arith.constant 0 : index
    %get3A_4 = vector.load %arg2[%get3A_2, %get3A_3] : memref<16x128xf32, #tpu.memory_space<vmem>>, vector<16x128xf32>
    %convert_element_type3A_5 = arith.truncf %get3A_4 : vector<16x128xf32> to vector<16x128xbf16>
    %dot_general3A = arith.constant dense<0.000000e+00> : vector<12800x128xf32>
    %dot_general3A_6 = tpu.matmul %convert_element_type3A, %convert_element_type3A_5, %dot_general3A {dimension_numbers = #tpu.dot_dimension_numbers<[1], [0], [0], [1], [0, 0, 1, 1], [], []>, transpose_lhs_hint = false} : vector<12800x16xbf16>, vector<16x128xbf16>, vector<12800x128xf32> -> vector<12800x128xf32>
    %get3A_7 = arith.constant 0 : index
    %get3A_8 = arith.constant 0 : index
    %get3A_9 = vector.load %arg3[%get3A_7, %get3A_8] : memref<1x128xf32, #tpu.memory_space<vmem>>, vector<1x128xf32>
    %add3A = vector.broadcast %get3A_9 : vector<1x128xf32> to vector<12800x128xf32>
    %add3A_10 = arith.addf %dot_general3A_6, %add3A : vector<12800x128xf32>
    %logistic3A = arith.negf %add3A_10 : vector<12800x128xf32>
    %logistic3A_11 = math.exp %logistic3A : vector<12800x128xf32>
    %logistic3A_12 = arith.constant 1.000000e+00 : f32
    %logistic3A_13 = vector.broadcast %logistic3A_12 : f32 to vector<12800x128xf32>
    %logistic3A_14 = arith.addf %logistic3A_13, %logistic3A_11 : vector<12800x128xf32>
    %logistic3A_15 = arith.divf %logistic3A_13, %logistic3A_14 : vector<12800x128xf32>
    %mul3A = arith.mulf %add3A_10, %logistic3A_15 : vector<12800x128xf32>
    %convert_element_type3A_16 = arith.truncf %mul3A : vector<12800x128xf32> to vector<12800x128xbf16>
    %get3A_17 = arith.constant 0 : index
    %get3A_18 = arith.constant 0 : index
    %get3A_19 = vector.load %arg4[%get3A_17, %get3A_18] : memref<128x128xf32, #tpu.memory_space<vmem>>, vector<128x128xf32>
    %convert_element_type3A_20 = arith.truncf %get3A_19 : vector<128x128xf32> to vector<128x128xbf16>
    %dot_general3A_21 = arith.constant dense<0.000000e+00> : vector<12800x128xf32>
    %dot_general3A_22 = tpu.matmul %convert_element_type3A_16, %convert_element_type3A_20, %dot_general3A_21 {dimension_numbers = #tpu.dot_dimension_numbers<[1], [0], [0], [1], [0, 0, 1, 1], [], []>, transpose_lhs_hint = false} : vector<12800x128xbf16>, vector<128x128xbf16>, vector<12800x128xf32> -> vector<12800x128xf32>
    %get3A_23 = arith.constant 0 : index
    %get3A_24 = arith.constant 0 : index
    %get3A_25 = vector.load %arg5[%get3A_23, %get3A_24] : memref<1x128xf32, #tpu.memory_space<vmem>>, vector<1x128xf32>
    %add3A_26 = vector.broadcast %get3A_25 : vector<1x128xf32> to vector<12800x128xf32>
    %add3A_27 = arith.addf %dot_general3A_22, %add3A_26 : vector<12800x128xf32>
    %swap3A = arith.constant 0 : index
    %swap3A_28 = arith.constant 0 : index
    %swap3A_29 = vector.load %arg6[%swap3A, %swap3A_28] : memref<12800x128xf32, #tpu.memory_space<vmem>>, vector<12800x128xf32>
    tpu.vector_store %arg6[%swap3A, %swap3A_28], %add3A_27 {strides = array<i32>} : memref<12800x128xf32, #tpu.memory_space<vmem>>, vector<12800x128xf32>,
    return
  }
  func.func @transform_0(%arg0: i32) -> (i32, i32) {
    %c0_i32 = arith.constant 0 : i32
    %c0_i32_0 = arith.constant 0 : i32
    return %c0_i32, %arg0 : i32, i32
  }
  func.func @transform_1(%arg0: i32) -> (i32, i32) {
    %c0_i32 = arith.constant 0 : i32
    %c0_i32_0 = arith.constant 0 : i32
    %c0_i32_1 = arith.constant 0 : i32
    return %c0_i32, %c0_i32_0 : i32, i32
  }
  func.func @transform_2(%arg0: i32) -> (i32, i32) {
    %c0_i32 = arith.constant 0 : i32
    %c0_i32_0 = arith.constant 0 : i32
    %c0_i32_1 = arith.constant 0 : i32
    return %c0_i32, %c0_i32_0 : i32, i32
  }
  func.func @transform_3(%arg0: i32) -> (i32, i32) {
    %c0_i32 = arith.constant 0 : i32
    %c0_i32_0 = arith.constant 0 : i32
    %c0_i32_1 = arith.constant 0 : i32
    return %c0_i32, %c0_i32_0 : i32, i32
  }
  func.func @transform_4(%arg0: i32) -> (i32, i32) {
    %c0_i32 = arith.constant 0 : i32
    %c0_i32_0 = arith.constant 0 : i32
    %c0_i32_1 = arith.constant 0 : i32
    return %c0_i32, %c0_i32_0 : i32, i32
  }
  func.func @transform_5(%arg0: i32) -> (i32, i32) {
    %c0_i32 = arith.constant 0 : i32
    %c0_i32_0 = arith.constant 0 : i32
    return %arg0, %c0_i32 : i32, i32
  }
}

module attributes {stable_mosaic.version = 14 : i64} {
  func.func @_update_body(%arg0: i32, %arg1: memref<2000x128xf32, #tpu.memory_space<vmem>>, %arg2: memref<2x2000x128xf32, #tpu.memory_space<vmem>>, %arg3: memref<128x128xf32, #tpu.memory_space<vmem>>, %arg4: memref<1x128xf32, #tpu.memory_space<vmem>>, %arg5: memref<128x128xf32, #tpu.memory_space<vmem>>, %arg6: memref<1x128xf32, #tpu.memory_space<vmem>>, %arg7: memref<2000x128xf32, #tpu.memory_space<vmem>>) attributes {dimension_semantics = [#tpu.dimension_semantics<arbitrary>], iteration_bounds = array<i64: 5>, scalar_prefetch = 0 : i64, scratch_operands = 0 : i64, tpu.core_type = #tpu.core_type<tc>, window_params = [{transform_indices = @transform_0, window_bounds = array<i64: 2000, 128>}, {transform_indices = @transform_1, window_bounds = array<i64: 2, 2000, 128>}, {pipeline_mode = #tpu.pipeline_mode<synchronous>, transform_indices = @transform_2, window_bounds = array<i64: 128, 128>}, {pipeline_mode = #tpu.pipeline_mode<synchronous>, transform_indices = @transform_3, window_bounds = array<i64: 1, 128>}, {pipeline_mode = #tpu.pipeline_mode<synchronous>, transform_indices = @transform_4, window_bounds = array<i64: 128, 128>}, {pipeline_mode = #tpu.pipeline_mode<synchronous>, transform_indices = @transform_5, window_bounds = array<i64: 1, 128>}, {transform_indices = @transform_6, window_bounds = array<i64: 2000, 128>}]} {
    %get3A = arith.constant 0 : index
    %get3A_0 = arith.constant 0 : index
    %get3A_1 = arith.constant 0 : index
    %get3A_2 = vector.load %arg2[%get3A, %get3A_0, %get3A_1] : memref<2x2000x128xf32, #tpu.memory_space<vmem>>, vector<1x2000x128xf32>
    %get3A_3 = vector.shape_cast %get3A_2 : vector<1x2000x128xf32> to vector<2000x128xf32>
    %get3A_4 = arith.constant 1 : index
    %get3A_5 = arith.constant 0 : index
    %get3A_6 = arith.constant 0 : index
    %get3A_7 = vector.load %arg2[%get3A_4, %get3A_5, %get3A_6] : memref<2x2000x128xf32, #tpu.memory_space<vmem>>, vector<1x2000x128xf32>
    %get3A_8 = vector.shape_cast %get3A_7 : vector<1x2000x128xf32> to vector<2000x128xf32>
    %add3A = arith.addf %get3A_3, %get3A_8 : vector<2000x128xf32>
    %get3A_9 = arith.constant 0 : index
    %get3A_10 = arith.constant 0 : index
    %get3A_11 = vector.load %arg3[%get3A_9, %get3A_10] : memref<128x128xf32, #tpu.memory_space<vmem>>, vector<128x128xf32>
    %dot_general3A = arith.constant dense<0.000000e+00> : vector<2000x128xf32>
    %dot_general3A_12 = tpu.matmul %add3A, %get3A_11, %dot_general3A {dimension_numbers = #tpu.dot_dimension_numbers<[1], [0], [0], [1], [0, 0, 1, 1], [], []>, transpose_lhs_hint = false} : vector<2000x128xf32>, vector<128x128xf32>, vector<2000x128xf32> -> vector<2000x128xf32>
    %get3A_13 = arith.constant 0 : index
    %get3A_14 = arith.constant 0 : index
    %get3A_15 = vector.load %arg4[%get3A_13, %get3A_14] : memref<1x128xf32, #tpu.memory_space<vmem>>, vector<1x128xf32>
    %add3A_16 = vector.broadcast %get3A_15 : vector<1x128xf32> to vector<2000x128xf32>
    %add3A_17 = arith.addf %dot_general3A_12, %add3A_16 : vector<2000x128xf32>
    %logistic3A = arith.negf %add3A_17 : vector<2000x128xf32>
    %logistic3A_18 = math.exp %logistic3A : vector<2000x128xf32>
    %logistic3A_19 = arith.constant 1.000000e+00 : f32
    %logistic3A_20 = vector.broadcast %logistic3A_19 : f32 to vector<2000x128xf32>
    %logistic3A_21 = arith.addf %logistic3A_20, %logistic3A_18 : vector<2000x128xf32>
    %logistic3A_22 = arith.divf %logistic3A_20, %logistic3A_21 : vector<2000x128xf32>
    %mul3A = arith.mulf %add3A_17, %logistic3A_22 : vector<2000x128xf32>
    %get3A_23 = arith.constant 0 : index
    %get3A_24 = arith.constant 0 : index
    %get3A_25 = vector.load %arg1[%get3A_23, %get3A_24] : memref<2000x128xf32, #tpu.memory_space<vmem>>, vector<2000x128xf32>
    %get3A_26 = arith.constant 0 : index
    %get3A_27 = arith.constant 0 : index
    %get3A_28 = vector.load %arg5[%get3A_26, %get3A_27] : memref<128x128xf32, #tpu.memory_space<vmem>>, vector<128x128xf32>
    %dot_general3A_29 = arith.constant dense<0.000000e+00> : vector<2000x128xf32>
    %dot_general3A_30 = tpu.matmul %mul3A, %get3A_28, %dot_general3A_29 {dimension_numbers = #tpu.dot_dimension_numbers<[1], [0], [0], [1], [0, 0, 1, 1], [], []>, transpose_lhs_hint = false} : vector<2000x128xf32>, vector<128x128xf32>, vector<2000x128xf32> -> vector<2000x128xf32>
    %add3A_31 = arith.addf %get3A_25, %dot_general3A_30 : vector<2000x128xf32>
    %get3A_32 = arith.constant 0 : index
    %get3A_33 = arith.constant 0 : index
    %get3A_34 = vector.load %arg6[%get3A_32, %get3A_33] : memref<1x128xf32, #tpu.memory_space<vmem>>, vector<1x128xf32>
    %add3A_35 = vector.broadcast %get3A_34 : vector<1x128xf32> to vector<2000x128xf32>
    %add3A_36 = arith.addf %add3A_31, %add3A_35 : vector<2000x128xf32>
    %swap3A = arith.constant 0 : index
    %swap3A_37 = arith.constant 0 : index
    %swap3A_38 = vector.load %arg7[%swap3A, %swap3A_37] : memref<2000x128xf32, #tpu.memory_space<vmem>>, vector<2000x128xf32>
    tpu.vector_store %arg7[%swap3A, %swap3A_37], %add3A_36 {strides = array<i32>} : memref<2000x128xf32, #tpu.memory_space<vmem>>, vector<2000x128xf32>,
    return
  }
  func.func @transform_0(%arg0: i32) -> (i32, i32) {
    %c0_i32 = arith.constant 0 : i32
    %c0_i32_0 = arith.constant 0 : i32
    return %arg0, %c0_i32 : i32, i32
  }
  func.func @transform_1(%arg0: i32) -> (i32, i32, i32) {
    %c0_i32 = arith.constant 0 : i32
    %c0_i32_0 = arith.constant 0 : i32
    %c0_i32_1 = arith.constant 0 : i32
    return %c0_i32, %arg0, %c0_i32_0 : i32, i32, i32
  }
  func.func @transform_2(%arg0: i32) -> (i32, i32) {
    %c0_i32 = arith.constant 0 : i32
    %c0_i32_0 = arith.constant 0 : i32
    %c0_i32_1 = arith.constant 0 : i32
    return %c0_i32, %c0_i32_0 : i32, i32
  }
  func.func @transform_3(%arg0: i32) -> (i32, i32) {
    %c0_i32 = arith.constant 0 : i32
    %c0_i32_0 = arith.constant 0 : i32
    %c0_i32_1 = arith.constant 0 : i32
    return %c0_i32, %c0_i32_0 : i32, i32
  }
  func.func @transform_4(%arg0: i32) -> (i32, i32) {
    %c0_i32 = arith.constant 0 : i32
    %c0_i32_0 = arith.constant 0 : i32
    %c0_i32_1 = arith.constant 0 : i32
    return %c0_i32, %c0_i32_0 : i32, i32
  }
  func.func @transform_5(%arg0: i32) -> (i32, i32) {
    %c0_i32 = arith.constant 0 : i32
    %c0_i32_0 = arith.constant 0 : i32
    %c0_i32_1 = arith.constant 0 : i32
    return %c0_i32, %c0_i32_0 : i32, i32
  }
  func.func @transform_6(%arg0: i32) -> (i32, i32) {
    %c0_i32 = arith.constant 0 : i32
    %c0_i32_0 = arith.constant 0 : i32
    return %arg0, %c0_i32 : i32, i32
  }
}

</mosaic_0001>

<sc_bundles>
// kernel: kernel.5.cloned.1.call-start
scs
__scs_entry_jumppad:
0x0: {  	(pc) =	sbr.rel $0x88, $3  }
0x1: {  	(tag) =	ssettag $0x0;
	lr =	simm.s32 $0x1  }
0x2: {  	[smem:$0x3F95] =	sst lr;
	_ =	strace $0xD0000000  }
0x3: {  	_ = 	snop  }
0x4: {  	_ = 	snop  }
0x5: {  	_ = 	snop  }
0x6: {  	_ = 	snop  }
0x7: {  	_ = 	snop  }
__scs_overlays_trampoline_lowered:
0x8: {  	[smem:$0x3FA4] =	sst s0  }
0x9: {  	[smem:$0x3FA5] =	sst s1  }
0xa: {  	[smem:$0x3FA6] =	sst s2  }
0xb: {  	[smem:$0x3FA7] =	sst s3  }
0xc: {  	[smem:$0x3FA8] =	sst s4  }
0xd: {  	[smem:$0x3FA9] =	sst s5  }
0xe: {  	[smem:$0x3FAA] =	sst s6  }
0xf: {  	[smem:$0x3FAB] =	sst s7  }
0x10: {  	[smem:$0x3FAC] =	sst s8  }
0x11: {  	[smem:$0x3FAD] =	sst s9;
	s0 =	simm.s32 @!p0 $0x0  }
0x12: {  	s1 =	sld [smem:$0x3F93];
	s0 =	simm.s32 @p0 $0x1  }
0x13: {  	[smem:$0x3FAE] =	sst s0;
	s0 =	simm.s32 @!p1 $0x0  }
0x14: {  	s2 =	sld [smem:$0x3F92];
	s0 =	simm.s32 @p1 $0x1  }
0x15: {  	[smem:$0x3FAF] =	sst s0;
	s0 =	simm.s32 @!p2 $0x0  }
0x16: {  	s3 =	sld [smem:$0x3FDB];
	s0 =	simm.s32 @p2 $0x1  }
0x17: {  	s4 =	simm.s32 $0x1BF5;
	[smem:$0x3FB1] =	sst s0  }
0x18: {  	s0 =	sld [smem:$0x3F94];
	_ =	swait.ge [sflag:s4], $0x0  }
0x19: {  	s7 =	sld [smem:$0x3F95]  }
0x1a: {  	s8 =	sadd.s32 $0xFFFFE003, lr  }
0x1b: {  	s9 =	sadd.s32 $0xFFFFFEF7, lr;
	s5 =	simm.s32 $0xFFFFFFFF;
	p2 =	slt.u32 s8, $0xFFFFF086  }
0x1c: {  	p1 =	slt.u32 s9, $0xF7A;
	s5 =	simm.s32 @!p2 $0x0  }
0x1d: {  	s5 =	simm.s32 @p1 $0x1;
	p0 =	seq.s32 s7, s2  }
0x1e: {  	s7 =	smul.u32 @!p0 $0xF7A, s2;
	p2 =	seq.s32 @!p0 s5, $0x0  }
0x1f: {  	s9 =	smul.u32 $0xF7A, s1;
	s8 =	simm.s32 @!p0 $0x1BF5;
	p2 =	por !p2, p0  }
0x20: {  	[sflag:s8] =	ssyncset.s32 @!p0 $0xFFFFF086;
	s6 =	sadd.s32 @!p0 s3, s7;
	s7 =	simm.s32 @!p0 $0x108  }
0x21: {  	s3 =	sadd.s32 s3, s9;
	s6 =	sadd.s32 @!p0 $0x88, s6;
	s7 =	simm.s32 @p2 $0x1082  }
0x22: {  	[simem:s7], [sflag:s8] =	dma.local @!p0 [hbm:s6], $0xF7A  }
0x23: {  	s9 =	sor.u32 $0xD0000000, s2;
	s6 =	simm.s32 $0x108;
	_ =	swait.ge @!p0 [sflag:s8], $0x0  }
0x24: {  	s3 =	sadd.s32 $0x88, s3;
	s6 =	simm.s32 @!p1 $0x1082;
	[sflag:s4] =	ssyncset.s32 $0xFFFFF086  }
0x25: {  	[simem:s6], [sflag:s4] =	dma.local [hbm:s3], $0xF7A  }
0x26: {  	[smem:$0x3F95] =	sst s1;
	(tag) =	ssettag s2;
	_ =	strace s9  }
0x27: {  	s1 =	sld [smem:$0x3FA5]  }
0x28: {  	s2 =	sld [smem:$0x3FA6]  }
0x29: {  	s4 =	sld [smem:$0x3FA8]  }
0x2a: {  	p0 =	seq.s32 s5, $0x0;
	s5 =	sld [smem:$0x3FA9]  }
0x2b: {  	s6 =	sld [smem:$0x3FAA]  }
0x2c: {  	s7 =	sld [smem:$0x3FAB]  }
0x2d: {  	s3 =	simm.s32 $0x108;
	s8 =	sld [smem:$0x3FAC]  }
0x2e: {  	s3 =	simm.s32 @!p0 $0x1082;
	s9 =	sld [smem:$0x3FAD]  }
0x2f: {  	lr =	sadd.s32 s0, s3;
	s0 =	sld [smem:$0x3FA4]  }
0x30: {  	s3 =	sld [smem:$0x3FA7]  }
0x31: {  	[smem:$0x3FB0] =	sst s10  }
0x32: {  	s10 =	sld [smem:$0x3FAE];
	_ =	sdelay $0x3  }
0x33: {  	p0 =	seq.s32 s10, $0x1;
	s10 =	sld [smem:$0x3FB0];
	_ =	sdelay $0x3  }
0x34: {  	[smem:$0x3FB0] =	sst s10  }
0x35: {  	s10 =	sld [smem:$0x3FAF];
	_ =	sdelay $0x3  }
0x36: {  	p1 =	seq.s32 s10, $0x1;
	s10 =	sld [smem:$0x3FB0];
	_ =	sdelay $0x3  }
0x37: {  	[smem:$0x3FB0] =	sst s10  }
0x38: {  	s10 =	sld [smem:$0x3FB1]  }
0x39: {  	_ = 	snop;
	(pc) =	sbr.ind lr, $3  }
0x3a: {  	_ = 	snop  }
0x3b: {  	_ = 	snop  }
0x3c: {  	p2 =	seq.s32 s10, $0x1;
	s10 =	sld [smem:$0x3FB0]  }
0x3d: {  	_ =	shalt  }
0x3e: {  	_ =	shalt  }
0x3f: {  	_ =	shalt  }
0x40: {  	_ =	shalt  }
0x41: {  	_ =	shalt  }
0x42: {  	_ =	shalt  }
0x43: {  	_ =	shalt  }
0x44: {  	_ =	shalt  }
0x45: {  	_ =	shalt  }
0x46: {  	_ =	shalt  }
0x47: {  	_ =	shalt  }
0x48: {  	_ =	shalt  }
0x49: {  	_ =	shalt  }
0x4a: {  	_ =	shalt  }
0x4b: {  	_ =	shalt  }
0x4c: {  	_ =	shalt  }
0x4d: {  	_ =	shalt  }
0x4e: {  	_ =	shalt  }
0x4f: {  	_ =	shalt  }
0x50: {  	_ =	shalt  }
0x51: {  	_ =	shalt  }
0x52: {  	_ =	shalt  }
0x53: {  	_ =	shalt  }
0x54: {  	_ =	shalt  }
0x55: {  	_ =	shalt  }
0x56: {  	_ =	shalt  }
0x57: {  	_ =	shalt  }
0x58: {  	_ =	shalt  }
0x59: {  	_ =	shalt  }
0x5a: {  	_ =	shalt  }
0x5b: {  	_ =	shalt  }
0x5c: {  	_ =	shalt  }
0x5d: {  	_ =	shalt  }
0x5e: {  	_ =	shalt  }
0x5f: {  	_ =	shalt  }
0x60: {  	_ =	shalt  }
0x61: {  	_ =	shalt  }
0x62: {  	_ =	shalt  }
0x63: {  	_ =	shalt  }
0x64: {  	_ =	shalt  }
0x65: {  	_ =	shalt  }
0x66: {  	_ =	shalt  }
0x67: {  	_ =	shalt  }
0x68: {  	_ =	shalt  }
0x69: {  	_ =	shalt  }
0x6a: {  	_ =	shalt  }
0x6b: {  	_ =	shalt  }
0x6c: {  	_ =	shalt  }
0x6d: {  	_ =	shalt  }
0x6e: {  	_ =	shalt  }
0x6f: {  	_ =	shalt  }
0x70: {  	_ =	shalt  }
0x71: {  	_ =	shalt  }
0x72: {  	_ =	shalt  }
0x73: {  	_ =	shalt  }
0x74: {  	_ =	shalt  }
0x75: {  	_ =	shalt  }
0x76: {  	_ =	shalt  }
0x77: {  	_ =	shalt  }
0x78: {  	_ =	shalt  }
0x79: {  	_ =	shalt  }
0x7a: {  	_ =	shalt  }
0x7b: {  	_ =	shalt  }
0x7c: {  	_ =	shalt  }
0x7d: {  	_ =	shalt  }
0x7e: {  	_ =	shalt  }
0x7f: {  	_ =	shalt  }
0x80: {  	_ =	shalt  }
0x81: {  	_ =	shalt  }
0x82: {  	_ =	shalt  }
0x83: {  	_ =	shalt  }
0x84: {  	_ =	shalt  }
0x85: {  	_ =	shalt  }
0x86: {  	_ =	shalt  }
0x87: {  	_ =	shalt  }
.Lfunc_end0:
.L_simem_size_0:
called_computation_lowered:
.L_overlay_start_0:
0x88: {  	s2 =	sld [smem:$0x3FD9]  }
0x89: {  	s3 =	sld [smem:$0x3FFE];
	_ =	sdelay $0x1  }
0x8a: {  	s1 =	srdreg.scid  }
0x8b: {  	s0 =	sand.u32 $0x1, s1  }
0x8c: {  	s17 =	sshll.u32 s0, $0xA;
	s2 =	sadd.s32 s3, s2  }
0x8d: {  	s2 =	sadd.s32 s2, s17  }
0x8e: {  	[smem:$0x3FBC] =	sst s2  }
0x8f: {  	_ = 	snop  }
0x90: {  	s2 =	sld [smem:$0x3FC9]  }
0x91: {  	s18 =	sld [smem:$0x3FD0];
	(tm) =	ssettm $0x1  }
0x92: {  	s4 =	sld [smem:$0x3FFB];
	_ =	sdelay $0x3  }
0x93: {  	_ =	strace s4  }
0x94: {  	s4 =	sld [smem:$0x3FFC];
	_ =	sdelay $0x3  }
0x95: {  	_ =	strace s4  }
0x96: {  	s4 =	sld [smem:$0x3FFD];
	_ =	sdelay $0x3  }
0x97: {  	_ =	strace s4  }
0x98: {  	_ =	strace $0x8FFFFFFF  }
0x99: {  	s19 =	sld [smem:$0x3FDB];
	_ =	sdelay $0x1  }
0x9a: {  	s5 =	simm.s32 $_scs_section_size  }
0x9b: {  	s6 =	simm.s32 $_size__tile_overlayer_lowered;
	s7 =	simm.s32 $_tile_overlayer_lowered  }
0x9c: {  	s22 =	simm.s32 $0x1BFF;
	s21 =	sshll.u32 s7, $0x1;
	s4 =	sadd.s32 s5, s19  }
0x9d: {  	s8 =	simm.s32 $0x0;
	s20 =	sshll.u32 s6, $0x1;
	s6 =	sadd.s32 s21, s4  }
0x9e: {  	[timem:s8], [sflag:s22] =	dma.local [hbm:s6], s20  }
0x9f: {  	_ =	swait.ge [sflag:s22], s20  }
0xa0: {  	s5 =	ssub.s32 $0x0, s20;
	[sflag:s22] =	ssyncset.done $0x0  }
0xa1: {  	[sflag:s22] =	ssyncadd.s32 s5;
	_ =	sdelay $0x1  }
0xa2: {  	s23 =	simm.s32 $0x1B8B  }
0xa3: {  	_ =	swait.ge [sflag:s23], $0x1  }
0xa4: {  	[sflag:s23] =	ssyncset.done $0x0  }
0xa5: {  	s25 =	simm.s32 $0x1B8E;
	s24 =	sld [smem:$0x3FFE];
	[sflag:s23] =	ssyncadd.s32 $0xFFFFFFFF  }
0xa6: {  	s26 =	simm.s32 $execute0_lowered;
	[smem:$0x3FD2] =	sst s25  }
0xa7: {  	s6 =	sshll.u32 s26, $0x1;
	_ =	strace $0x80000046;
	[dreg:$0x1] =	wrdreg $0xFFFFFFFF  }
0xa8: {  	s28 =	simm.s32 $_size_execute0_lowered;
	s4 =	sadd.s32 s4, s6;
	[dreg:$0x0] =	wrdreg $0x0  }
0xa9: {  	s6 =	sshll.u32 s28, $0x1;
	[dreg:$0x2] =	wrdreg s4  }
0xaa: {  	[dreg:$0x3] =	wrdreg s6  }
0xab: {  	[dreg:$0x4] =	wrdreg $0xC0  }
0xac: {  	_ =	task [dreg:s8], $0x5FFFF  }
0xad: {  	[dreg:$0x1] =	wrdreg $0xFFFFFFFF  }
0xae: {  	[dreg:$0x0] =	wrdreg $0x60  }
0xaf: {  	[dreg:$0x2] =	wrdreg s2  }
0xb0: {  	[dreg:$0x3] =	wrdreg s24  }
0xb1: {  	[dreg:$0x4] =	wrdreg s18  }
0xb2: {  	[dreg:$0x5] =	wrdreg $0x7C000  }
0xb3: {  	[dreg:$0x6] =	wrdreg $0x9  }
0xb4: {  	_ =	task.clear_ibuf [dreg:s8], $0x7FFFF;
	_ =	strace $0x90000046  }
0xb5: {  	s29 =	simm.s32 $0x9;
	_ =	strace $0x80000048  }
0xb6: {  	_ =	swait.ge [sflag:s29], $0x1  }
0xb7: {  	[sflag:s29] =	ssyncadd.s32 $0xFFFFFFFF  }
0xb8: {  	_ =	strace $0x90000048  }
0xb9: {  	_ =	sfence  }
0xba: {  	s30 =	sld [smem:$0x0];
	_ =	sdelay $0x2  }
0xbb: {  	s31 =	sshll.u32 s1, $0xD;
	s1 =	sshrl.u32 s1, $0x2  }
0xbc: {  	s3 =	sand.u32 $0x4000, s31;
	s1 =	sadd.s32 s1, s30  }
0xbd: {  	s0 =	sor.u32 s3, s0;
	s1 =	sshll.u32 s1, $0x11  }
0xbe: {  	s0 =	sor.u32 s1, s0  }
0xbf: {  	s0 =	sadd.s32 $0x8F2B, s0  }
0xc0: {  	[sflag:s0] =	ssyncadd.remote.s32 $0x1  }
0xc1: {  	_ =	sfence.sel $0xFFFF  }
0xc2: {  	[dreg:$0x0] =	wrdreg $0xFFFFFFFF;
	(pc) =	sbr.abs _section_cstart, $3  }
0xc3: {  	[dreg:$0x1] =	wrdreg $0xFFFFFFFF  }
0xc4: {  	_ =	task.clear_ibuf [dreg:s8], $0x2FFFF;
	_ =	strace $0x9FFFFFFF  }
0xc5: {  	(tm) =	ssettm $0x7FFFFFFF  }
tec
execute0_lowered:
.L_overlay_start_1:
0x0: {  	(tag) =	ssettag $0x1  }
0x1: {  	s1 =	rddreg [dreg:$0x0]  }
0x2: {  	s0 =	rddreg [dreg:$0x1]  }
0x3: {  	s3 =	rddreg [dreg:$0x2]  }
0x4: {  	s4 =	rddreg [dreg:$0x3]  }
0x5: {  	s13 =	stileid.u32;
	s2 =	srdreg.scid  }
0x6: {  	s5 =	simm.s32 $0x0;
	s30 =	simm.s32 $0x200;
	s29 =	simm.s32 $0x80  }
0x7: {  	s31 =	simm.s32 $0x1;
	s8 =	smul.u32 $0x14000, s13;
	s2 =	sand.u32 $0x1, s2  }
0x8: {  	[smem:$0x7FF] =	sst s5;
	s6 =	sadd.s32 $0x21C00, s0;
	s15 =	smul.u32 $0x50000, s13  }
0x9: {  	s7 =	sadd.s32 $0x1C00, s0;
	s17 =	sshll.u32 s13, $0x6;
	s9 =	smul.u32 $0x140000, s2  }
0xa: {  	_ =	strace $0x80000047;
	s16 =	ssub.s32 $0x2, s2;
	s2 =	sshll.u32 s2, $0x4  }
0xb: {  	s10 =	sshrl.u32 s8, $0x3;
	s11 =	sshrl.u32 s16, $0x1;
	s2 =	sor.u32 s13, s2  }
0xc: {  	s13 =	simm.s32 $0x9;
	s8 =	sadd.s32 s8, s9;
	s14 =	sadd.s32 s10, s0  }
0xd: {  	s10 =	sshrl.u32 s15, $0x2;
	s12 =	ssub.s32 s16, s11;
	s18 =	smul.u32 $0x27100, s2  }
0xe: {  	s16 =	sor.u32 $0x1C0B, s17;
	s19 =	sshll.u32 s2, $0xC;
	s11 =	sshll.u32 s2, $0xF  }
0xf: {  	s17 =	simm.s32 $0x280;
	s15 =	simm.s32 $0x4;
	s8 =	sshrl.u32 s8, $0x3  }
0x10: {  	s10 =	sadd.s32 s10, s4;
	s9 =	sadd.s32 $0x503C00, s14;
	s14 =	smul.u32 $0x138800, s2  }
0x11: {  	s20 =	sadd.s32 s7, s19;
	s21 =	sadd.s32 s3, s19;
	[dreg:$0x6] =	wrdreg s16  }
0x12: {  	s23 =	sor.u32 $0x10, s19;
	s28 =	smax.u32 s12, $0x1;
	[dreg:$0x5] =	wrdreg s9  }
0x13: {  	s12 =	simm.s32 $0xB;
	s19 =	simm.s32 $0xA;
	[dreg:$0x7] =	wrdreg s20  }
0x14: {  	s0 =	sadd.s32 s8, s0;
	s8 =	smul.u32 $0x2710, s2;
	[dreg:$0x8] =	wrdreg s21  }
0x15: {  	s22 =	sadd.s32 s6, s18;
	s25 =	sadd.s32 s7, s23;
	[dreg:$0xe] =	wrdreg s28  }
0x16: {  	s2 =	sadd.s32 s3, s23;
	s10 =	sshrl.u32 s10, $0x3;
	[dreg:$0x9] =	wrdreg s22  }
0x17: {  	s23 =	simm.s32 $0x28;
	s20 =	simm.s32 $0x7;
	[dreg:$0xa] =	wrdreg s25  }
0x18: {  	s18 =	simm.s32 $0x0;
	s24 =	sshrl.u32 s14, $0x3;
	[dreg:$0xb] =	wrdreg s2  }
0x19: {  	s0 =	sadd.s32 $0x52BC00, s0;
	[dreg:$0xf] =	wrdreg s10;
	s26 =	sadd.s32 s6, s24  }
0x1a: {  	s14 =	simm.s32 $0x2;
	[dreg:$0xd] =	wrdreg s0;
	s2 =	sadd.s32 $0x280, s26  }
0x1b: {  	s0 =	simm.s32 $0x3;
	[dreg:$0xc] =	wrdreg s2;
	s2 =	simm.s32 $0x8  }
.LBB2_1:
0x1c: {  	[dreg:$0x10] =	wrdreg s18  }
0x1d: {  	s9 =	rddreg [dreg:$0x5]  }
0x1e: {  	[spmem:s10], [sflag:s16] =	dma.local [hbm:s9], $0x2800  }
0x1f: {  	_ =	swait.ge [sflag:s12], $0x2800  }
0x20: {  	[sflag:s12] =	ssyncset.done $0x0  }
0x21: {  	[sflag:s12] =	ssyncadd.s32 $0xFFFFD800  }
0x22: {  	[bflag:$0x0] =	sbarrier.arrive $0xFFFF  }
0x23: {  	s16 =	rddreg [dreg:$0x7]  }
0x24: {  	[tilespmem:s5], [sflag:$0xB] =	stream.linear.gather [hbm4b:s16+s5], $0x80, $0x38;
	[tilespmem:$0x1BC00] =	vst v63  }
0x25: {  	_ =	swait.ge [sflag:s12], $0x80  }
0x26: {  	[sflag:s12] =	ssyncset.done $0x0  }
0x27: {  	s18 =	rddreg [dreg:$0x8];
	[sflag:s12] =	ssyncadd.s32 $0xFFFFFF80  }
0x28: {  	[tilespmem:s30], [sflag:$0xB] =	stream.linear.gather [hbm4b:s18+s5], $0x80, $0x38;
	[tilespmem:$0x1BC00] =	vst v63  }
0x29: {  	_ =	swait.ge [sflag:s12], $0x80  }
0x2a: {  	[sflag:s12] =	ssyncset.done $0x0  }
0x2b: {  	s21 =	simm.s32 $0x400;
	[sflag:s12] =	ssyncadd.s32 $0xFFFFFF80  }
0x2c: {  	[tilespmem:s21], [sflag:$0x1] =	stream.indirect.gather [hbm4b:s1+s23], $0x80, s5, s23, $0xb8;
	[tilespmem:$0x1BC00] =	vst v63  }
0x2d: {  	s24 =	simm.s32 $0x2C00;
	s22 =	rddreg [dreg:$0x9]  }
0x2e: {  	[tilespmem:s24], [sflag:$0x3] =	stream.linear.gather [hbm4b:s22+s5], $0x1400, $0x38;
	[tilespmem:$0x1BC00] =	vst v63  }
0x2f: {  	s25 =	rddreg [dreg:$0xa]  }
0x30: {  	[tilespmem:s29], [sflag:$0xB] =	stream.linear.gather [hbm4b:s25+s5], $0x80, $0x38;
	[tilespmem:$0x1BC00] =	vst v63  }
0x31: {  	_ =	swait.ge [sflag:s12], $0x80  }
0x32: {  	[sflag:s12] =	ssyncset.done $0x0  }
0x33: {  	s26 =	rddreg [dreg:$0xb];
	[sflag:s12] =	ssyncadd.s32 $0xFFFFFF80  }
0x34: {  	[tilespmem:s17], [sflag:$0xB] =	stream.linear.gather [hbm4b:s26+s5], $0x80, $0x38;
	[tilespmem:$0x1BC00] =	vst v63  }
0x35: {  	_ =	swait.ge [sflag:s12], $0x80  }
0x36: {  	[sflag:s12] =	ssyncset.done $0x0  }
0x37: {  	s28 =	simm.s32 $0x1800;
	[sflag:s12] =	ssyncadd.s32 $0xFFFFFF80  }
0x38: {  	[tilespmem:s28], [sflag:$0x2] =	stream.indirect.gather [hbm4b:s1+s23], $0x80, s29, s23, $0xb8;
	[tilespmem:$0x1BC00] =	vst v63  }
0x39: {  	s9 =	simm.s32 $0x0;
	s30 =	simm.s32 $0x4000;
	s29 =	rddreg [dreg:$0xc]  }
0x3a: {  	[tilespmem:s30], [sflag:$0x4] =	stream.linear.gather [hbm4b:s29+s5], $0x1400, $0x38;
	[tilespmem:$0x1BC00] =	vst v63  }
.LBB2_2:
0x3b: {  	_ =	swait.ge [sflag:s31], $0x1400  }
0x3c: {  	s16 =	sshll.u32 s9, $0x2;
	[sflag:s31] =	ssyncset.done $0x0  }
0x3d: {  	p0 =	seq.s32 s9, $0x0;
	s24 =	sor.u32 $0x2, s16;
	[sflag:s31] =	ssyncadd.s32 $0xFFFFEC00  }
0x3e: {  	s12 =	sshll.u32 s9, $0x9;
	s10 =	sshll.u32 s24, $0x7;
	_ =	swait.ge [sflag:s0], $0x1400  }
0x3f: {  	s18 =	simm.s32 @!p0 $0x5;
	s10 =	sand.u32 $0x300, s10;
	[sflag:s0] =	ssyncset.done $0x0  }
0x40: {  	s17 =	sand.u32 $0x7C00, s12;
	s10 =	sor.u32 s10, s11;
	[sflag:s0] =	ssyncadd.s32 $0xFFFFEC00  }
0x41: {  	s10 =	sor.u32 s17, s10;
	_ =	swait.ge @!p0 [sflag:s18], $0x1400  }
0x42: {  	s10 =	sshrl.u32 s10, $0x3;
	[sflag:s18] =	ssyncset.done @!p0 $0x0  }
0x43: {  	s26 =	simm.s32 $0x100;
	s25 =	sadd.s32 s7, s10;
	[sflag:s18] =	ssyncadd.s32 @!p0 $0xFFFFEC00  }
0x44: {  	[tilespmem:s26], [sflag:$0x9] =	stream.linear.gather [hbm4b:s25+s5], $0x80, $0x38;
	[tilespmem:$0x1BC00] =	vst v63  }
0x45: {  	s21 =	simm.s32 $0x480;
	s10 =	sadd.s32 s3, s10;
	s18 =	simm.s32 $0x300  }
0x46: {  	[tilespmem:s18], [sflag:$0x9] =	stream.linear.gather [hbm4b:s10+s5], $0x80, $0x38;
	[tilespmem:$0x1BC00] =	vst v63  }
0x47: {  	s28 =	simm.s32 $0x2C80;
	v0 =	vld [tilespmem:s21+$0x0]  }
0x48: {  	v1 =	vld [tilespmem:s28+$0x0];
	_ =	sdelay $0x4  }
0x49: {  	v0 =	vmul.f32 v1, v0  }
0x4a: {  	s25 =	simm.s32 $0x5480  }
0x4b: {  	[tilespmem:s25+$0x0] =	vst v0  }
0x4c: {  	v0 =	vld [tilespmem:s21+$0x10]  }
0x4d: {  	v1 =	vld [tilespmem:s28+$0x10]  }
0x4e: {  	v2 =	vld [tilespmem:s28+$0xFFFFFF80]  }
0x4f: {  	v3 =	vld [tilespmem:s21+$0xFFFFFF80];
	_ =	sdelay $0x2  }
0x50: {  	v0 =	vmul.f32 v1, v0;
	_ =	sdelay $0x1  }
0x51: {  	[tilespmem:s25+$0x10] =	vst v0;
	v0 =	vmul.f32 v2, v3  }
0x52: {  	v1 =	vld [tilespmem:s21+$0x20]  }
0x53: {  	v2 =	vld [tilespmem:s28+$0x20];
	[tilespmem:s25+$0xFFFFFF80] =	vst v0  }
0x54: {  	v0 =	vld [tilespmem:s21+$0xFFFFFF90]  }
0x55: {  	v3 =	vld [tilespmem:s28+$0xFFFFFF90];
	_ =	sdelay $0x2  }
0x56: {  	v1 =	vmul.f32 v2, v1;
	_ =	sdelay $0x1  }
0x57: {  	[tilespmem:s25+$0x20] =	vst v1;
	v0 =	vmul.f32 v3, v0  }
0x58: {  	v1 =	vld [tilespmem:s21+$0x30]  }
0x59: {  	v2 =	vld [tilespmem:s28+$0x30];
	[tilespmem:s25+$0xFFFFFF90] =	vst v0  }
0x5a: {  	v0 =	vld [tilespmem:s21+$0xFFFFFFA0]  }
0x5b: {  	s30 =	simm.s32 $0x580;
	v3 =	vld [tilespmem:s28+$0xFFFFFFA0]  }
0x5c: {  	s12 =	simm.s32 $0x2D80;
	v4 =	vld [tilespmem:s30+$0x0]  }
0x5d: {  	v5 =	vld [tilespmem:s12+$0x0]  }
0x5e: {  	v6 =	vld [tilespmem:s30+$0xFFFFFF80];
	v1 =	vmul.f32 v2, v1  }
0x5f: {  	v2 =	vld [tilespmem:s12+$0xFFFFFF80]  }
0x60: {  	[tilespmem:s25+$0x30] =	vst v1;
	v0 =	vmul.f32 v3, v0  }
0x61: {  	v1 =	vld [tilespmem:s21+$0x40]  }
0x62: {  	v3 =	vld [tilespmem:s28+$0x40];
	[tilespmem:s25+$0xFFFFFFA0] =	vst v0;
	v0 =	vmul.f32 v5, v4  }
0x63: {  	s29 =	simm.s32 $0x5580;
	v4 =	vld [tilespmem:s21+$0xFFFFFFB0]  }
0x64: {  	v5 =	vld [tilespmem:s28+$0xFFFFFFB0];
	v2 =	vmul.f32 v2, v6;
	[tilespmem:s29+$0x0] =	vst v0  }
0x65: {  	v0 =	vld [tilespmem:s30+$0x10]  }
0x66: {  	[tilespmem:s29+$0xFFFFFF80] =	vst v2;
	v2 =	vld [tilespmem:s12+$0x10]  }
0x67: {  	v1 =	vmul.f32 v3, v1;
	v3 =	vld [tilespmem:s30+$0xFFFFFF90]  }
0x68: {  	v6 =	vld [tilespmem:s12+$0xFFFFFF90]  }
0x69: {  	[tilespmem:s25+$0x40] =	vst v1;
	v1 =	vmul.f32 v5, v4  }
0x6a: {  	v4 =	vld [tilespmem:s21+$0x50]  }
0x6b: {  	v5 =	vld [tilespmem:s28+$0x50];
	[tilespmem:s25+$0xFFFFFFB0] =	vst v1;
	v0 =	vmul.f32 v2, v0  }
0x6c: {  	v1 =	vld [tilespmem:s21+$0xFFFFFFC0]  }
0x6d: {  	v2 =	vld [tilespmem:s28+$0xFFFFFFC0];
	v3 =	vmul.f32 v6, v3;
	[tilespmem:s29+$0x10] =	vst v0  }
0x6e: {  	v0 =	vld [tilespmem:s30+$0x20]  }
0x6f: {  	[tilespmem:s29+$0xFFFFFF90] =	vst v3;
	v3 =	vld [tilespmem:s12+$0x20]  }
0x70: {  	v4 =	vmul.f32 v5, v4;
	v5 =	vld [tilespmem:s30+$0xFFFFFFA0]  }
0x71: {  	v6 =	vld [tilespmem:s12+$0xFFFFFFA0]  }
0x72: {  	s26 =	simm.s32 $0x2E80  }
0x73: {  	v8 =	vld [tilespmem:s26+$0x0];
	[tilespmem:s25+$0x50] =	vst v4  }
0x74: {  	v1 =	vmul.f32 v2, v1;
	v2 =	vld [tilespmem:s21+$0x60];
	v0 =	vmul.f32 v3, v0  }
0x75: {  	s18 =	simm.s32 $0x680;
	v4 =	vld [tilespmem:s28+$0x60]  }
0x76: {  	v9 =	vld [tilespmem:s18+$0xFFFFFF80];
	v5 =	vmul.f32 v6, v5;
	[tilespmem:s29+$0x20] =	vst v0  }
0x77: {  	[tilespmem:s25+$0xFFFFFFC0] =	vst v1;
	v0 =	vld [tilespmem:s30+$0x30]  }
0x78: {  	[tilespmem:s29+$0xFFFFFFA0] =	vst v5;
	v5 =	vld [tilespmem:s12+$0x30]  }
0x79: {  	v1 =	vld [tilespmem:s21+$0xFFFFFFD0]  }
0x7a: {  	v3 =	vld [tilespmem:s28+$0xFFFFFFD0];
	v2 =	vmul.f32 v4, v2  }
0x7b: {  	v6 =	vld [tilespmem:s18+$0x0]  }
0x7c: {  	v4 =	vld [tilespmem:s30+$0xFFFFFFB0];
	[tilespmem:s25+$0x60] =	vst v2  }
0x7d: {  	v2 =	vld [tilespmem:s21+$0x70];
	v0 =	vmul.f32 v5, v0  }
0x7e: {  	v7 =	vld [tilespmem:s28+$0x70]  }
0x7f: {  	v5 =	vld [tilespmem:s26+$0xFFFFFF80];
	[tilespmem:s29+$0x30] =	vst v0  }
0x80: {  	v0 =	vmul.f32 v3, v1;
	v1 =	vld [tilespmem:s30+$0x40]  }
0x81: {  	v3 =	vld [tilespmem:s12+$0x40]  }
0x82: {  	[tilespmem:s25+$0xFFFFFFD0] =	vst v0;
	v0 =	vmul.f32 v8, v6;
	v6 =	vld [tilespmem:s12+$0xFFFFFFB0]  }
0x83: {  	s22 =	simm.s32 $0x5680;
	v8 =	vld [tilespmem:s21+$0xFFFFFFE0]  }
0x84: {  	v5 =	vmul.f32 v5, v9;
	[tilespmem:s22+$0x0] =	vst v0;
	v0 =	vld [tilespmem:s28+$0xFFFFFFE0]  }
0x85: {  	v61 =	vld [tilespmem:s18+$0x10]  }
0x86: {  	[tilespmem:s22+$0xFFFFFF80] =	vst v5;
	v5 =	vld [tilespmem:s26+$0x10];
	v1 =	vmul.f32 v3, v1  }
0x87: {  	v3 =	vld [tilespmem:s18+$0xFFFFFF90]  }
0x88: {  	v4 =	vmul.f32 v6, v4;
	v6 =	vld [tilespmem:s26+$0xFFFFFF90];
	[tilespmem:s29+$0x40] =	vst v1  }
0x89: {  	v1 =	vld [tilespmem:s30+$0x50]  }
0x8a: {  	[tilespmem:s29+$0xFFFFFFB0] =	vst v4;
	v0 =	vmul.f32 v0, v8;
	v4 =	vld [tilespmem:s12+$0x50]  }
0x8b: {  	v5 =	vmul.f32 v5, v61;
	v8 =	vld [tilespmem:s30+$0xFFFFFFC0]  }
0x8c: {  	v62 =	vld [tilespmem:s12+$0xFFFFFFC0];
	[tilespmem:s25+$0xFFFFFFE0] =	vst v0  }
0x8d: {  	v3 =	vmul.f32 v6, v3;
	[tilespmem:s22+$0x10] =	vst v5;
	v0 =	vld [tilespmem:s21+$0xFFFFFFF0]  }
0x8e: {  	v5 =	vld [tilespmem:s18+$0x20]  }
0x8f: {  	[tilespmem:s22+$0xFFFFFF90] =	vst v3;
	v3 =	vld [tilespmem:s26+$0x20];
	v1 =	vmul.f32 v4, v1  }
0x90: {  	v6 =	vld [tilespmem:s18+$0xFFFFFFA0]  }
0x91: {  	v10 =	vld [tilespmem:s26+$0xFFFFFFA0];
	v4 =	vmul.f32 v62, v8;
	[tilespmem:s29+$0x50] =	vst v1  }
0x92: {  	v8 =	vld [tilespmem:s30+$0x60]  }
0x93: {  	[tilespmem:s29+$0xFFFFFFC0] =	vst v4;
	v63 =	vld [tilespmem:s12+$0x60]  }
0x94: {  	v4 =	vld [tilespmem:s12+$0xFFFFFFD0];
	v1 =	vmul.f32 v3, v5  }
0x95: {  	v3 =	vld [tilespmem:s30+$0xFFFFFFD0]  }
0x96: {  	v5 =	vmul.f32 v10, v6;
	[tilespmem:s22+$0x20] =	vst v1;
	v1 =	vld [tilespmem:s28+$0xFFFFFFF0]  }
0x97: {  	v2 =	vmul.f32 v7, v2;
	v6 =	vld [tilespmem:s18+$0x30]  }
0x98: {  	[tilespmem:s22+$0xFFFFFFA0] =	vst v5;
	v7 =	vld [tilespmem:s26+$0x30];
	v5 =	vmul.f32 v63, v8  }
0x99: {  	s10 =	simm.s32 $0x4;
	[tilespmem:s25+$0x70] =	vst v2;
	s21 =	simm.s32 $0x780;
	s28 =	simm.s32 $0x2E80;
	v2 =	vld [tilespmem:s18+$0xFFFFFFB0]  }
.LBB2_3:
0x9a: {  	v8 =	vld [tilespmem:s21+$0x0];
	v3 =	vmul.f32 v4, v3;
	[tilespmem:s29+$0x60] =	vst v5  }
0x9b: {  	v4 =	vld [tilespmem:s30+$0x70];
	v0 =	vmul.f32 v1, v0  }
0x9c: {  	s26 =	sadd.s32 $0x100, s26;
	[tilespmem:s29+$0xFFFFFFD0] =	vst v3;
	v1 =	vld [tilespmem:s12+$0x70]  }
0x9d: {  	v3 =	vld [tilespmem:s26+$0x0];
	v5 =	vmul.f32 v7, v6;
	[tilespmem:s25+$0xFFFFFFF0] =	vst v0;
	s25 =	smov.u32 s29;
	s29 =	smov.u32 s22  }
0x9e: {  	v0 =	vld [tilespmem:s26+$0xFFFFFF80]  }
0x9f: {  	v6 =	vld [tilespmem:s21+$0xFFFFFF80];
	[tilespmem:s22+$0x30] =	vst v5  }
0xa0: {  	v5 =	vld [tilespmem:s18+$0x40]  }
0xa1: {  	v7 =	vld [tilespmem:s28+$0x40];
	v1 =	vmul.f32 v1, v4  }
0xa2: {  	v3 =	vmul.f32 v3, v8;
	v4 =	vld [tilespmem:s28+$0xFFFFFFB0]  }
0xa3: {  	s22 =	sadd.s32 $0x100, s22;
	v8 =	vld [tilespmem:s30+$0xFFFFFFE0];
	[tilespmem:s25+$0x70] =	vst v1  }
0xa4: {  	s10 =	sadd.s32 $0x2, s10;
	v0 =	vmul.f32 v0, v6;
	[tilespmem:s22+$0x0] =	vst v3;
	v1 =	vld [tilespmem:s12+$0xFFFFFFE0]  }
0xa5: {  	p1 =	slt.u32 s10, $0x26;
	v3 =	vld [tilespmem:s21+$0x10]  }
0xa6: {  	[tilespmem:s22+$0xFFFFFF80] =	vst v0;
	v0 =	vld [tilespmem:s26+$0x10];
	v5 =	vmul.f32 v7, v5  }
0xa7: {  	v6 =	vld [tilespmem:s21+$0xFFFFFF90];
	v2 =	vmul.f32 v4, v2  }
0xa8: {  	v4 =	vld [tilespmem:s26+$0xFFFFFF90];
	[tilespmem:s29+$0x40] =	vst v5  }
0xa9: {  	[tilespmem:s29+$0xFFFFFFB0] =	vst v2;
	v2 =	vld [tilespmem:s18+$0x50];
	v1 =	vmul.f32 v1, v8  }
0xaa: {  	v5 =	vld [tilespmem:s28+$0x50]  }
0xab: {  	v0 =	vmul.f32 v0, v3;
	v3 =	vld [tilespmem:s18+$0xFFFFFFC0];
	[tilespmem:s25+$0xFFFFFFE0] =	vst v1  }
0xac: {  	v1 =	vld [tilespmem:s28+$0xFFFFFFC0]  }
0xad: {  	v4 =	vmul.f32 v4, v6;
	[tilespmem:s22+$0x10] =	vst v0;
	v0 =	vld [tilespmem:s30+$0xFFFFFFF0];
	s30 =	smov.u32 s18;
	s18 =	smov.u32 s21  }
0xae: {  	v6 =	vld [tilespmem:s21+$0x20]  }
0xaf: {  	[tilespmem:s22+$0xFFFFFF90] =	vst v4;
	v4 =	vld [tilespmem:s26+$0x20];
	v2 =	vmul.f32 v5, v2  }
0xb0: {  	v5 =	vld [tilespmem:s21+$0xFFFFFFA0]  }
0xb1: {  	v7 =	vld [tilespmem:s26+$0xFFFFFFA0];
	v1 =	vmul.f32 v1, v3;
	[tilespmem:s29+$0x50] =	vst v2  }
0xb2: {  	v2 =	vld [tilespmem:s30+$0x60]  }
0xb3: {  	[tilespmem:s29+$0xFFFFFFC0] =	vst v1;
	v8 =	vld [tilespmem:s28+$0x60]  }
0xb4: {  	v1 =	vmul.f32 v4, v6;
	v3 =	vld [tilespmem:s30+$0xFFFFFFD0]  }
.Ltmp0:
0xb5: {  	v4 =	vld [tilespmem:s28+$0xFFFFFFD0];
	(pc) =	sbr.rel @p1 .LBB2_3-.Ltmp0, $4  }
0xb6: {  	v5 =	vmul.f32 v7, v5;
	[tilespmem:s22+$0x20] =	vst v1;
	v1 =	vld [tilespmem:s12+$0xFFFFFFF0];
	s12 =	smov.u32 s28;
	s28 =	smov.u32 s26  }
0xb7: {  	v6 =	vld [tilespmem:s21+$0x30]  }
0xb8: {  	[tilespmem:s22+$0xFFFFFFA0] =	vst v5;
	v7 =	vld [tilespmem:s26+$0x30];
	v5 =	vmul.f32 v8, v2  }
0xb9: {  	s21 =	sadd.s32 $0x100, s21;
	v2 =	vld [tilespmem:s18+$0xFFFFFFB0]  }
0xba: {  	v8 =	vld [tilespmem:s28+$0xFFFFFFB0];
	_ =	sdelay $0x2  }
0xbb: {  	v6 =	vmul.f32 v7, v6;
	_ =	sdelay $0x1  }
0xbc: {  	[tilespmem:s22+$0x30] =	vst v6;
	v2 =	vmul.f32 v8, v2  }
0xbd: {  	v6 =	vld [tilespmem:s18+$0x40]  }
0xbe: {  	v7 =	vld [tilespmem:s28+$0x40];
	[tilespmem:s22+$0xFFFFFFB0] =	vst v2  }
0xbf: {  	v2 =	vld [tilespmem:s18+$0xFFFFFFC0]  }
0xc0: {  	v8 =	vld [tilespmem:s28+$0xFFFFFFC0];
	_ =	sdelay $0x2  }
0xc1: {  	v6 =	vmul.f32 v7, v6;
	_ =	sdelay $0x1  }
0xc2: {  	[tilespmem:s22+$0x40] =	vst v6;
	v2 =	vmul.f32 v8, v2  }
0xc3: {  	v6 =	vld [tilespmem:s18+$0x50]  }
0xc4: {  	v7 =	vld [tilespmem:s28+$0x50];
	[tilespmem:s22+$0xFFFFFFC0] =	vst v2  }
0xc5: {  	v2 =	vld [tilespmem:s18+$0xFFFFFFD0]  }
0xc6: {  	v8 =	vld [tilespmem:s28+$0xFFFFFFD0]  }
0xc7: {  	v3 =	vmul.f32 v4, v3;
	_ =	sdelay $0x1  }
0xc8: {  	[tilespmem:s29+$0xFFFFFFD0] =	vst v3;
	v3 =	vmul.f32 v7, v6  }
0xc9: {  	v4 =	vld [tilespmem:s30+$0xFFFFFFE0]  }
0xca: {  	v6 =	vld [tilespmem:s12+$0xFFFFFFE0];
	[tilespmem:s22+$0x50] =	vst v3;
	v2 =	vmul.f32 v8, v2  }
0xcb: {  	v3 =	vld [tilespmem:s18+$0x60]  }
0xcc: {  	v7 =	vld [tilespmem:s28+$0x60];
	[tilespmem:s22+$0xFFFFFFD0] =	vst v2  }
0xcd: {  	v2 =	vld [tilespmem:s18+$0xFFFFFFE0]  }
0xce: {  	v8 =	vld [tilespmem:s28+$0xFFFFFFE0]  }
0xcf: {  	[tilespmem:s29+$0x60] =	vst v5;
	v4 =	vmul.f32 v6, v4  }
0xd0: {  	v5 =	vld [tilespmem:s30+$0x70]  }
0xd1: {  	v6 =	vld [tilespmem:s12+$0x70];
	[tilespmem:s29+$0xFFFFFFE0] =	vst v4;
	v3 =	vmul.f32 v7, v3  }
0xd2: {  	v4 =	vld [tilespmem:s30+$0xFFFFFFF0]  }
0xd3: {  	v7 =	vld [tilespmem:s12+$0xFFFFFFF0];
	[tilespmem:s22+$0x60] =	vst v3;
	v2 =	vmul.f32 v8, v2  }
0xd4: {  	v3 =	vld [tilespmem:s18+$0x70]  }
0xd5: {  	v8 =	vld [tilespmem:s28+$0x70];
	[tilespmem:s22+$0xFFFFFFE0] =	vst v2  }
0xd6: {  	v2 =	vld [tilespmem:s18+$0xFFFFFFF0]  }
0xd7: {  	v9 =	vld [tilespmem:s28+$0xFFFFFFF0]  }
0xd8: {  	v0 =	vmul.f32 v1, v0  }
0xd9: {  	v1 =	vmul.f32 v6, v5  }
0xda: {  	[tilespmem:s25+$0xFFFFFFF0] =	vst v0;
	v0 =	vmul.f32 v7, v4  }
0xdb: {  	[tilespmem:s29+$0x70] =	vst v1;
	v1 =	vmul.f32 v8, v3  }
0xdc: {  	[tilespmem:s29+$0xFFFFFFF0] =	vst v0;
	v0 =	vmul.f32 v9, v2  }
0xdd: {  	[tilespmem:s22+$0x70] =	vst v1  }
0xde: {  	s10 =	simm.s32 $0x5400;
	s30 =	simm.s32 $0x200;
	[tilespmem:s22+$0xFFFFFFF0] =	vst v0  }
0xdf: {  	[spmem:s4] =	stream.indirect.scatter.add.f32 [tilespmem:s10], [sflag:$0x5], $0x80, s30, s23, $0xb8;
	[tilespmem:$0x1BC00] =	vst v63  }
0xe0: {  	_ =	swait.ge [sflag:s13], $0x80  }
0xe1: {  	[sflag:s13] =	ssyncset.done $0x0  }
0xe2: {  	s24 =	smul.u32 $0x28, s24;
	[sflag:s13] =	ssyncadd.s32 $0xFFFFFF80  }
0xe3: {  	_ =	swait.ge [sflag:s13], $0x80  }
0xe4: {  	s26 =	simm.s32 $0x100;
	s10 =	sadd.s32 s8, s24;
	[sflag:s13] =	ssyncset.done $0x0  }
0xe5: {  	s25 =	simm.s32 $0x400;
	s10 =	sshll.u32 s10, $0x4;
	[sflag:s13] =	ssyncadd.s32 $0xFFFFFF80  }
0xe6: {  	[tilespmem:s25], [sflag:$0x1] =	stream.indirect.gather [hbm4b:s1+s23], $0x80, s26, s23, $0xb8;
	[tilespmem:$0x1BC00] =	vst v63  }
0xe7: {  	s21 =	simm.s32 $0x2C00;
	s10 =	sadd.s32 s6, s10  }
0xe8: {  	[tilespmem:s21], [sflag:$0x3] =	stream.linear.gather [hbm4b:s10+s5], $0x1400, $0x38;
	[tilespmem:$0x1BC00] =	vst v63  }
0xe9: {  	_ =	swait.ge [sflag:s14], $0x1400  }
0xea: {  	[sflag:s14] =	ssyncset.done $0x0  }
0xeb: {  	s24 =	sor.u32 $0x3, s16;
	[sflag:s14] =	ssyncadd.s32 $0xFFFFEC00  }
0xec: {  	s22 =	sshll.u32 s24, $0x7;
	_ =	swait.ge [sflag:s15], $0x1400  }
0xed: {  	s10 =	sand.u32 $0x380, s22;
	[sflag:s15] =	ssyncset.done $0x0  }
0xee: {  	s12 =	simm.s32 @!p0 $0x6;
	s10 =	sor.u32 s10, s11;
	[sflag:s15] =	ssyncadd.s32 $0xFFFFEC00  }
0xef: {  	s10 =	sor.u32 s17, s10;
	_ =	swait.ge @!p0 [sflag:s12], $0x1400  }
0xf0: {  	s10 =	sshrl.u32 s10, $0x3;
	[sflag:s12] =	ssyncset.done @!p0 $0x0  }
0xf1: {  	s26 =	simm.s32 $0x180;
	s25 =	sadd.s32 s7, s10;
	[sflag:s12] =	ssyncadd.s32 @!p0 $0xFFFFEC00  }
0xf2: {  	[tilespmem:s26], [sflag:$0xA] =	stream.linear.gather [hbm4b:s25+s5], $0x80, $0x38;
	[tilespmem:$0x1BC00] =	vst v63  }
0xf3: {  	s18 =	simm.s32 $0x380;
	s21 =	simm.s32 $0x18F0;
	s10 =	sadd.s32 s3, s10  }
0xf4: {  	[tilespmem:s18], [sflag:$0xA] =	stream.linear.gather [hbm4b:s10+s5], $0x80, $0x38;
	[tilespmem:$0x1BC00] =	vst v63  }
0xf5: {  	s28 =	simm.s32 $0x40F0;
	v0 =	vld [tilespmem:s21+$0xFFFFFF90]  }
0xf6: {  	v1 =	vld [tilespmem:s28+$0xFFFFFF90];
	_ =	sdelay $0x4  }
0xf7: {  	v0 =	vmul.f32 v1, v0  }
0xf8: {  	s17 =	simm.s32 $0x68F0  }
0xf9: {  	[tilespmem:s17+$0xFFFFFF90] =	vst v0  }
0xfa: {  	v0 =	vld [tilespmem:s21+$0xFFFFFFA0]  }
0xfb: {  	v1 =	vld [tilespmem:s28+$0xFFFFFFA0]  }
0xfc: {  	v2 =	vld [tilespmem:s28+$0xFFFFFF10]  }
0xfd: {  	v3 =	vld [tilespmem:s21+$0xFFFFFF10];
	_ =	sdelay $0x2  }
0xfe: {  	v0 =	vmul.f32 v1, v0;
	_ =	sdelay $0x1  }
0xff: {  	[tilespmem:s17+$0xFFFFFFA0] =	vst v0;
	v0 =	vmul.f32 v2, v3  }
0x100: {  	v1 =	vld [tilespmem:s21+$0xFFFFFFB0]  }
0x101: {  	v2 =	vld [tilespmem:s28+$0xFFFFFFB0];
	[tilespmem:s17+$0xFFFFFF10] =	vst v0  }
0x102: {  	v0 =	vld [tilespmem:s21+$0xFFFFFF20]  }
0x103: {  	v3 =	vld [tilespmem:s28+$0xFFFFFF20];
	_ =	sdelay $0x2  }
0x104: {  	v1 =	vmul.f32 v2, v1;
	_ =	sdelay $0x1  }
0x105: {  	[tilespmem:s17+$0xFFFFFFB0] =	vst v1;
	v0 =	vmul.f32 v3, v0  }
0x106: {  	v1 =	vld [tilespmem:s21+$0xFFFFFFC0]  }
0x107: {  	v2 =	vld [tilespmem:s28+$0xFFFFFFC0];
	[tilespmem:s17+$0xFFFFFF20] =	vst v0  }
0x108: {  	v0 =	vld [tilespmem:s21+$0xFFFFFF30]  }
0x109: {  	s29 =	simm.s32 $0x19F0;
	v3 =	vld [tilespmem:s28+$0xFFFFFF30]  }
0x10a: {  	s12 =	simm.s32 $0x41F0;
	v4 =	vld [tilespmem:s29+$0xFFFFFF90]  }
0x10b: {  	v5 =	vld [tilespmem:s12+$0xFFFFFF90]  }
0x10c: {  	v6 =	vld [tilespmem:s29+$0xFFFFFF10];
	v1 =	vmul.f32 v2, v1  }
0x10d: {  	v2 =	vld [tilespmem:s12+$0xFFFFFF10]  }
0x10e: {  	[tilespmem:s17+$0xFFFFFFC0] =	vst v1;
	v0 =	vmul.f32 v3, v0  }
0x10f: {  	v1 =	vld [tilespmem:s21+$0xFFFFFFD0]  }
0x110: {  	v3 =	vld [tilespmem:s28+$0xFFFFFFD0];
	[tilespmem:s17+$0xFFFFFF30] =	vst v0;
	v0 =	vmul.f32 v5, v4  }
0x111: {  	s25 =	simm.s32 $0x69F0;
	v4 =	vld [tilespmem:s21+$0xFFFFFF40]  }
0x112: {  	v5 =	vld [tilespmem:s28+$0xFFFFFF40];
	v2 =	vmul.f32 v2, v6;
	[tilespmem:s25+$0xFFFFFF90] =	vst v0  }
0x113: {  	v0 =	vld [tilespmem:s29+$0xFFFFFFA0]  }
0x114: {  	[tilespmem:s25+$0xFFFFFF10] =	vst v2;
	v2 =	vld [tilespmem:s12+$0xFFFFFFA0]  }
0x115: {  	v1 =	vmul.f32 v3, v1;
	v3 =	vld [tilespmem:s29+$0xFFFFFF20]  }
0x116: {  	v6 =	vld [tilespmem:s12+$0xFFFFFF20]  }
0x117: {  	[tilespmem:s17+$0xFFFFFFD0] =	vst v1;
	v1 =	vmul.f32 v5, v4  }
0x118: {  	v4 =	vld [tilespmem:s21+$0xFFFFFFE0]  }
0x119: {  	v5 =	vld [tilespmem:s28+$0xFFFFFFE0];
	[tilespmem:s17+$0xFFFFFF40] =	vst v1;
	v0 =	vmul.f32 v2, v0  }
0x11a: {  	v1 =	vld [tilespmem:s21+$0xFFFFFF50]  }
0x11b: {  	v2 =	vld [tilespmem:s28+$0xFFFFFF50];
	v3 =	vmul.f32 v6, v3;
	[tilespmem:s25+$0xFFFFFFA0] =	vst v0  }
0x11c: {  	v0 =	vld [tilespmem:s29+$0xFFFFFFB0]  }
0x11d: {  	[tilespmem:s25+$0xFFFFFF20] =	vst v3;
	v3 =	vld [tilespmem:s12+$0xFFFFFFB0]  }
0x11e: {  	v4 =	vmul.f32 v5, v4;
	v5 =	vld [tilespmem:s29+$0xFFFFFF30]  }
0x11f: {  	v6 =	vld [tilespmem:s12+$0xFFFFFF30]  }
0x120: {  	s26 =	simm.s32 $0x42F0  }
0x121: {  	v8 =	vld [tilespmem:s26+$0xFFFFFF90];
	[tilespmem:s17+$0xFFFFFFE0] =	vst v4  }
0x122: {  	v1 =	vmul.f32 v2, v1;
	v2 =	vld [tilespmem:s21+$0xFFFFFFF0];
	v0 =	vmul.f32 v3, v0  }
0x123: {  	s18 =	simm.s32 $0x1AF0;
	v4 =	vld [tilespmem:s28+$0xFFFFFFF0]  }
0x124: {  	v60 =	vld [tilespmem:s18+$0xFFFFFF10];
	v5 =	vmul.f32 v6, v5;
	[tilespmem:s25+$0xFFFFFFB0] =	vst v0  }
0x125: {  	[tilespmem:s17+$0xFFFFFF50] =	vst v1;
	v0 =	vld [tilespmem:s29+$0xFFFFFFC0]  }
0x126: {  	[tilespmem:s25+$0xFFFFFF30] =	vst v5;
	v5 =	vld [tilespmem:s12+$0xFFFFFFC0]  }
0x127: {  	v1 =	vld [tilespmem:s21+$0xFFFFFF60]  }
0x128: {  	v3 =	vld [tilespmem:s28+$0xFFFFFF60];
	v2 =	vmul.f32 v4, v2  }
0x129: {  	v6 =	vld [tilespmem:s18+$0xFFFFFF90]  }
0x12a: {  	v4 =	vld [tilespmem:s29+$0xFFFFFF40];
	[tilespmem:s17+$0xFFFFFFF0] =	vst v2  }
0x12b: {  	v2 =	vld [tilespmem:s21+$0x0];
	v0 =	vmul.f32 v5, v0  }
0x12c: {  	v7 =	vld [tilespmem:s28+$0x0]  }
0x12d: {  	v5 =	vld [tilespmem:s26+$0xFFFFFF10];
	[tilespmem:s25+$0xFFFFFFC0] =	vst v0  }
0x12e: {  	v0 =	vmul.f32 v3, v1;
	v1 =	vld [tilespmem:s29+$0xFFFFFFD0]  }
0x12f: {  	v3 =	vld [tilespmem:s12+$0xFFFFFFD0]  }
0x130: {  	[tilespmem:s17+$0xFFFFFF60] =	vst v0;
	v0 =	vmul.f32 v8, v6;
	v6 =	vld [tilespmem:s12+$0xFFFFFF40]  }
0x131: {  	s22 =	simm.s32 $0x6AF0;
	v8 =	vld [tilespmem:s21+$0xFFFFFF70]  }
0x132: {  	v5 =	vmul.f32 v5, v60;
	[tilespmem:s22+$0xFFFFFF90] =	vst v0;
	v0 =	vld [tilespmem:s28+$0xFFFFFF70]  }
0x133: {  	v61 =	vld [tilespmem:s18+$0xFFFFFFA0]  }
0x134: {  	[tilespmem:s22+$0xFFFFFF10] =	vst v5;
	v5 =	vld [tilespmem:s26+$0xFFFFFFA0];
	v1 =	vmul.f32 v3, v1  }
0x135: {  	v3 =	vld [tilespmem:s18+$0xFFFFFF20]  }
0x136: {  	v4 =	vmul.f32 v6, v4;
	v6 =	vld [tilespmem:s26+$0xFFFFFF20];
	[tilespmem:s25+$0xFFFFFFD0] =	vst v1  }
0x137: {  	v1 =	vld [tilespmem:s29+$0xFFFFFFE0]  }
0x138: {  	[tilespmem:s25+$0xFFFFFF40] =	vst v4;
	v0 =	vmul.f32 v0, v8;
	v4 =	vld [tilespmem:s12+$0xFFFFFFE0]  }
0x139: {  	v5 =	vmul.f32 v5, v61;
	v8 =	vld [tilespmem:s29+$0xFFFFFF50]  }
0x13a: {  	v62 =	vld [tilespmem:s12+$0xFFFFFF50];
	[tilespmem:s17+$0xFFFFFF70] =	vst v0  }
0x13b: {  	v3 =	vmul.f32 v6, v3;
	[tilespmem:s22+$0xFFFFFFA0] =	vst v5;
	v0 =	vld [tilespmem:s21+$0xFFFFFF80]  }
0x13c: {  	v5 =	vld [tilespmem:s18+$0xFFFFFFB0]  }
0x13d: {  	[tilespmem:s22+$0xFFFFFF20] =	vst v3;
	v3 =	vld [tilespmem:s26+$0xFFFFFFB0];
	v1 =	vmul.f32 v4, v1  }
0x13e: {  	v6 =	vld [tilespmem:s18+$0xFFFFFF30]  }
0x13f: {  	v10 =	vld [tilespmem:s26+$0xFFFFFF30];
	v4 =	vmul.f32 v62, v8;
	[tilespmem:s25+$0xFFFFFFE0] =	vst v1  }
0x140: {  	v8 =	vld [tilespmem:s29+$0xFFFFFFF0]  }
0x141: {  	[tilespmem:s25+$0xFFFFFF50] =	vst v4;
	v63 =	vld [tilespmem:s12+$0xFFFFFFF0]  }
0x142: {  	v4 =	vld [tilespmem:s12+$0xFFFFFF60];
	v1 =	vmul.f32 v3, v5  }
0x143: {  	v3 =	vld [tilespmem:s29+$0xFFFFFF60]  }
0x144: {  	v5 =	vmul.f32 v10, v6;
	[tilespmem:s22+$0xFFFFFFB0] =	vst v1;
	v1 =	vld [tilespmem:s28+$0xFFFFFF80]  }
0x145: {  	v2 =	vmul.f32 v7, v2;
	v6 =	vld [tilespmem:s18+$0xFFFFFFC0]  }
0x146: {  	[tilespmem:s22+$0xFFFFFF30] =	vst v5;
	v7 =	vld [tilespmem:s26+$0xFFFFFFC0];
	v5 =	vmul.f32 v63, v8  }
0x147: {  	s10 =	simm.s32 $0x4;
	[tilespmem:s17+$0x0] =	vst v2;
	s21 =	simm.s32 $0x1BF0;
	s28 =	simm.s32 $0x42F0;
	v2 =	vld [tilespmem:s18+$0xFFFFFF40]  }
.LBB2_5:
0x148: {  	v8 =	vld [tilespmem:s21+$0xFFFFFF90];
	v3 =	vmul.f32 v4, v3;
	[tilespmem:s25+$0xFFFFFFF0] =	vst v5  }
0x149: {  	v4 =	vld [tilespmem:s29+$0x0];
	v0 =	vmul.f32 v1, v0  }
0x14a: {  	s26 =	sadd.s32 $0x100, s26;
	[tilespmem:s25+$0xFFFFFF60] =	vst v3;
	v1 =	vld [tilespmem:s12+$0x0]  }
0x14b: {  	v3 =	vld [tilespmem:s26+$0xFFFFFF90];
	v5 =	vmul.f32 v7, v6;
	[tilespmem:s17+$0xFFFFFF80] =	vst v0;
	s17 =	smov.u32 s25;
	s25 =	smov.u32 s22  }
0x14c: {  	v0 =	vld [tilespmem:s26+$0xFFFFFF10]  }
0x14d: {  	v6 =	vld [tilespmem:s21+$0xFFFFFF10];
	[tilespmem:s22+$0xFFFFFFC0] =	vst v5  }
0x14e: {  	v5 =	vld [tilespmem:s18+$0xFFFFFFD0]  }
0x14f: {  	v7 =	vld [tilespmem:s28+$0xFFFFFFD0];
	v1 =	vmul.f32 v1, v4  }
0x150: {  	v3 =	vmul.f32 v3, v8;
	v4 =	vld [tilespmem:s28+$0xFFFFFF40]  }
0x151: {  	s22 =	sadd.s32 $0x100, s22;
	v8 =	vld [tilespmem:s29+$0xFFFFFF70];
	[tilespmem:s17+$0x0] =	vst v1  }
0x152: {  	s10 =	sadd.s32 $0x2, s10;
	v0 =	vmul.f32 v0, v6;
	[tilespmem:s22+$0xFFFFFF90] =	vst v3;
	v1 =	vld [tilespmem:s12+$0xFFFFFF70]  }
0x153: {  	p0 =	slt.u32 s10, $0x26;
	v3 =	vld [tilespmem:s21+$0xFFFFFFA0]  }
0x154: {  	[tilespmem:s22+$0xFFFFFF10] =	vst v0;
	v0 =	vld [tilespmem:s26+$0xFFFFFFA0];
	v5 =	vmul.f32 v7, v5  }
0x155: {  	v6 =	vld [tilespmem:s21+$0xFFFFFF20];
	v2 =	vmul.f32 v4, v2  }
0x156: {  	v4 =	vld [tilespmem:s26+$0xFFFFFF20];
	[tilespmem:s25+$0xFFFFFFD0] =	vst v5  }
0x157: {  	[tilespmem:s25+$0xFFFFFF40] =	vst v2;
	v2 =	vld [tilespmem:s18+$0xFFFFFFE0];
	v1 =	vmul.f32 v1, v8  }
0x158: {  	v5 =	vld [tilespmem:s28+$0xFFFFFFE0]  }
0x159: {  	v0 =	vmul.f32 v0, v3;
	v3 =	vld [tilespmem:s18+$0xFFFFFF50];
	[tilespmem:s17+$0xFFFFFF70] =	vst v1  }
0x15a: {  	v1 =	vld [tilespmem:s28+$0xFFFFFF50]  }
0x15b: {  	v4 =	vmul.f32 v4, v6;
	[tilespmem:s22+$0xFFFFFFA0] =	vst v0;
	v0 =	vld [tilespmem:s29+$0xFFFFFF80];
	s29 =	smov.u32 s18;
	s18 =	smov.u32 s21  }
0x15c: {  	v6 =	vld [tilespmem:s21+$0xFFFFFFB0]  }
0x15d: {  	[tilespmem:s22+$0xFFFFFF20] =	vst v4;
	v4 =	vld [tilespmem:s26+$0xFFFFFFB0];
	v2 =	vmul.f32 v5, v2  }
0x15e: {  	v5 =	vld [tilespmem:s21+$0xFFFFFF30]  }
0x15f: {  	v7 =	vld [tilespmem:s26+$0xFFFFFF30];
	v1 =	vmul.f32 v1, v3;
	[tilespmem:s25+$0xFFFFFFE0] =	vst v2  }
0x160: {  	v2 =	vld [tilespmem:s29+$0xFFFFFFF0]  }
0x161: {  	[tilespmem:s25+$0xFFFFFF50] =	vst v1;
	v8 =	vld [tilespmem:s28+$0xFFFFFFF0]  }
0x162: {  	v1 =	vmul.f32 v4, v6;
	v3 =	vld [tilespmem:s29+$0xFFFFFF60]  }
.Ltmp1:
0x163: {  	v4 =	vld [tilespmem:s28+$0xFFFFFF60];
	(pc) =	sbr.rel @p0 .LBB2_5-.Ltmp1, $4  }
0x164: {  	v5 =	vmul.f32 v7, v5;
	[tilespmem:s22+$0xFFFFFFB0] =	vst v1;
	v1 =	vld [tilespmem:s12+$0xFFFFFF80];
	s12 =	smov.u32 s28;
	s28 =	smov.u32 s26  }
0x165: {  	v6 =	vld [tilespmem:s21+$0xFFFFFFC0]  }
0x166: {  	[tilespmem:s22+$0xFFFFFF30] =	vst v5;
	v7 =	vld [tilespmem:s26+$0xFFFFFFC0];
	v5 =	vmul.f32 v8, v2  }
0x167: {  	s21 =	sadd.s32 $0x100, s21;
	v2 =	vld [tilespmem:s18+$0xFFFFFF40]  }
0x168: {  	v8 =	vld [tilespmem:s28+$0xFFFFFF40];
	_ =	sdelay $0x2  }
0x169: {  	v6 =	vmul.f32 v7, v6;
	_ =	sdelay $0x1  }
0x16a: {  	[tilespmem:s22+$0xFFFFFFC0] =	vst v6;
	v2 =	vmul.f32 v8, v2  }
0x16b: {  	v6 =	vld [tilespmem:s18+$0xFFFFFFD0]  }
0x16c: {  	v7 =	vld [tilespmem:s28+$0xFFFFFFD0];
	[tilespmem:s22+$0xFFFFFF40] =	vst v2  }
0x16d: {  	v2 =	vld [tilespmem:s18+$0xFFFFFF50]  }
0x16e: {  	v8 =	vld [tilespmem:s28+$0xFFFFFF50];
	_ =	sdelay $0x2  }
0x16f: {  	v6 =	vmul.f32 v7, v6;
	_ =	sdelay $0x1  }
0x170: {  	[tilespmem:s22+$0xFFFFFFD0] =	vst v6;
	v2 =	vmul.f32 v8, v2  }
0x171: {  	v6 =	vld [tilespmem:s18+$0xFFFFFFE0]  }
0x172: {  	v7 =	vld [tilespmem:s28+$0xFFFFFFE0];
	[tilespmem:s22+$0xFFFFFF50] =	vst v2  }
0x173: {  	v2 =	vld [tilespmem:s18+$0xFFFFFF60]  }
0x174: {  	v8 =	vld [tilespmem:s28+$0xFFFFFF60]  }
0x175: {  	v3 =	vmul.f32 v4, v3;
	_ =	sdelay $0x1  }
0x176: {  	[tilespmem:s25+$0xFFFFFF60] =	vst v3;
	v3 =	vmul.f32 v7, v6  }
0x177: {  	v4 =	vld [tilespmem:s29+$0xFFFFFF70]  }
0x178: {  	v6 =	vld [tilespmem:s12+$0xFFFFFF70];
	[tilespmem:s22+$0xFFFFFFE0] =	vst v3;
	v2 =	vmul.f32 v8, v2  }
0x179: {  	v3 =	vld [tilespmem:s18+$0xFFFFFFF0]  }
0x17a: {  	v7 =	vld [tilespmem:s28+$0xFFFFFFF0];
	[tilespmem:s22+$0xFFFFFF60] =	vst v2  }
0x17b: {  	v2 =	vld [tilespmem:s18+$0xFFFFFF70]  }
0x17c: {  	v8 =	vld [tilespmem:s28+$0xFFFFFF70]  }
0x17d: {  	[tilespmem:s25+$0xFFFFFFF0] =	vst v5;
	v4 =	vmul.f32 v6, v4  }
0x17e: {  	v5 =	vld [tilespmem:s29+$0x0]  }
0x17f: {  	v6 =	vld [tilespmem:s12+$0x0];
	[tilespmem:s25+$0xFFFFFF70] =	vst v4;
	v3 =	vmul.f32 v7, v3  }
0x180: {  	v4 =	vld [tilespmem:s29+$0xFFFFFF80]  }
0x181: {  	v7 =	vld [tilespmem:s12+$0xFFFFFF80];
	[tilespmem:s22+$0xFFFFFFF0] =	vst v3;
	v2 =	vmul.f32 v8, v2  }
0x182: {  	v3 =	vld [tilespmem:s18+$0x0]  }
0x183: {  	v8 =	vld [tilespmem:s28+$0x0];
	[tilespmem:s22+$0xFFFFFF70] =	vst v2  }
0x184: {  	v2 =	vld [tilespmem:s18+$0xFFFFFF80]  }
0x185: {  	v9 =	vld [tilespmem:s28+$0xFFFFFF80]  }
0x186: {  	v0 =	vmul.f32 v1, v0  }
0x187: {  	v1 =	vmul.f32 v6, v5  }
0x188: {  	[tilespmem:s17+$0xFFFFFF80] =	vst v0;
	v0 =	vmul.f32 v7, v4  }
0x189: {  	[tilespmem:s25+$0x0] =	vst v1;
	v1 =	vmul.f32 v8, v3  }
0x18a: {  	[tilespmem:s25+$0xFFFFFF80] =	vst v0;
	v0 =	vmul.f32 v9, v2  }
0x18b: {  	[tilespmem:s22+$0x0] =	vst v1  }
0x18c: {  	s10 =	simm.s32 $0x280;
	s25 =	simm.s32 $0x6800;
	[tilespmem:s22+$0xFFFFFF80] =	vst v0  }
0x18d: {  	[spmem:s4] =	stream.indirect.scatter.add.f32 [tilespmem:s25], [sflag:$0x6], $0x80, s10, s23, $0xb8;
	[tilespmem:$0x1BC00] =	vst v63  }
0x18e: {  	_ =	swait.ge [sflag:s19], $0x80  }
0x18f: {  	[sflag:s19] =	ssyncset.done $0x0  }
0x190: {  	s26 =	smul.u32 $0x28, s24;
	[sflag:s19] =	ssyncadd.s32 $0xFFFFFF80  }
0x191: {  	_ =	swait.ge [sflag:s19], $0x80  }
0x192: {  	s21 =	simm.s32 $0x180;
	s10 =	sadd.s32 s8, s26;
	[sflag:s19] =	ssyncset.done $0x0  }
0x193: {  	s18 =	simm.s32 $0x1800;
	s10 =	sshll.u32 s10, $0x4;
	[sflag:s19] =	ssyncadd.s32 $0xFFFFFF80  }
0x194: {  	[tilespmem:s18], [sflag:$0x2] =	stream.indirect.gather [hbm4b:s1+s23], $0x80, s21, s23, $0xb8;
	[tilespmem:$0x1BC00] =	vst v63  }
0x195: {  	s22 =	simm.s32 $0x4000;
	s10 =	sadd.s32 s6, s10  }
0x196: {  	[tilespmem:s22], [sflag:$0x4] =	stream.linear.gather [hbm4b:s10+s5], $0x1400, $0x38;
	[tilespmem:$0x1BC00] =	vst v63  }
0x197: {  	_ =	swait.ge [sflag:s31], $0x1400  }
0x198: {  	[sflag:s31] =	ssyncset.done $0x0  }
0x199: {  	s17 =	sadd.s32 $0x4, s16;
	[sflag:s31] =	ssyncadd.s32 $0xFFFFEC00  }
0x19a: {  	s24 =	sshll.u32 s17, $0x7;
	_ =	swait.ge [sflag:s0], $0x1400  }
0x19b: {  	s25 =	sand.u32 $0xFC00, s24;
	s26 =	simm.s32 $0x5;
	[sflag:s0] =	ssyncset.done $0x0  }
0x19c: {  	s12 =	sadd.s32 s11, s25;
	s10 =	sand.u32 $0x200, s24;
	[sflag:s0] =	ssyncadd.s32 $0xFFFFEC00  }
0x19d: {  	s10 =	sor.u32 s10, s12;
	_ =	swait.ge [sflag:s26], $0x1400  }
0x19e: {  	s10 =	sshrl.u32 s10, $0x3;
	[sflag:s26] =	ssyncset.done $0x0  }
0x19f: {  	s18 =	sadd.s32 s7, s10;
	[sflag:s26] =	ssyncadd.s32 $0xFFFFEC00  }
0x1a0: {  	[tilespmem:s5], [sflag:$0x7] =	stream.linear.gather [hbm4b:s18+s5], $0x80, $0x38;
	[tilespmem:$0x1BC00] =	vst v63  }
0x1a1: {  	s21 =	simm.s32 $0x480;
	s10 =	sadd.s32 s3, s10  }
0x1a2: {  	[tilespmem:s30], [sflag:$0x7] =	stream.linear.gather [hbm4b:s10+s5], $0x80, $0x38;
	[tilespmem:$0x1BC00] =	vst v63  }
0x1a3: {  	s28 =	simm.s32 $0x2C80;
	v0 =	vld [tilespmem:s21+$0x0]  }
0x1a4: {  	v1 =	vld [tilespmem:s28+$0x0];
	_ =	sdelay $0x4  }
0x1a5: {  	v0 =	vmul.f32 v1, v0  }
0x1a6: {  	s24 =	simm.s32 $0x5480  }
0x1a7: {  	[tilespmem:s24+$0x0] =	vst v0  }
0x1a8: {  	v0 =	vld [tilespmem:s21+$0x10]  }
0x1a9: {  	v1 =	vld [tilespmem:s28+$0x10]  }
0x1aa: {  	v2 =	vld [tilespmem:s28+$0xFFFFFF80]  }
0x1ab: {  	v3 =	vld [tilespmem:s21+$0xFFFFFF80];
	_ =	sdelay $0x2  }
0x1ac: {  	v0 =	vmul.f32 v1, v0;
	_ =	sdelay $0x1  }
0x1ad: {  	[tilespmem:s24+$0x10] =	vst v0;
	v0 =	vmul.f32 v2, v3  }
0x1ae: {  	v1 =	vld [tilespmem:s21+$0x20]  }
0x1af: {  	v2 =	vld [tilespmem:s28+$0x20];
	[tilespmem:s24+$0xFFFFFF80] =	vst v0  }
0x1b0: {  	v0 =	vld [tilespmem:s21+$0xFFFFFF90]  }
0x1b1: {  	v3 =	vld [tilespmem:s28+$0xFFFFFF90];
	_ =	sdelay $0x2  }
0x1b2: {  	v1 =	vmul.f32 v2, v1;
	_ =	sdelay $0x1  }
0x1b3: {  	[tilespmem:s24+$0x20] =	vst v1;
	v0 =	vmul.f32 v3, v0  }
0x1b4: {  	v1 =	vld [tilespmem:s21+$0x30]  }
0x1b5: {  	v2 =	vld [tilespmem:s28+$0x30];
	[tilespmem:s24+$0xFFFFFF90] =	vst v0  }
0x1b6: {  	v0 =	vld [tilespmem:s21+$0xFFFFFFA0]  }
0x1b7: {  	s29 =	simm.s32 $0x580;
	v3 =	vld [tilespmem:s28+$0xFFFFFFA0]  }
0x1b8: {  	s12 =	simm.s32 $0x2D80;
	v4 =	vld [tilespmem:s29+$0x0]  }
0x1b9: {  	v5 =	vld [tilespmem:s12+$0x0]  }
0x1ba: {  	v6 =	vld [tilespmem:s29+$0xFFFFFF80];
	v1 =	vmul.f32 v2, v1  }
0x1bb: {  	v2 =	vld [tilespmem:s12+$0xFFFFFF80]  }
0x1bc: {  	[tilespmem:s24+$0x30] =	vst v1;
	v0 =	vmul.f32 v3, v0  }
0x1bd: {  	v1 =	vld [tilespmem:s21+$0x40]  }
0x1be: {  	v3 =	vld [tilespmem:s28+$0x40];
	[tilespmem:s24+$0xFFFFFFA0] =	vst v0;
	v0 =	vmul.f32 v5, v4  }
0x1bf: {  	s25 =	simm.s32 $0x5580;
	v4 =	vld [tilespmem:s21+$0xFFFFFFB0]  }
0x1c0: {  	v5 =	vld [tilespmem:s28+$0xFFFFFFB0];
	v2 =	vmul.f32 v2, v6;
	[tilespmem:s25+$0x0] =	vst v0  }
0x1c1: {  	v0 =	vld [tilespmem:s29+$0x10]  }
0x1c2: {  	[tilespmem:s25+$0xFFFFFF80] =	vst v2;
	v2 =	vld [tilespmem:s12+$0x10]  }
0x1c3: {  	v1 =	vmul.f32 v3, v1;
	v3 =	vld [tilespmem:s29+$0xFFFFFF90]  }
0x1c4: {  	v6 =	vld [tilespmem:s12+$0xFFFFFF90]  }
0x1c5: {  	[tilespmem:s24+$0x40] =	vst v1;
	v1 =	vmul.f32 v5, v4  }
0x1c6: {  	v4 =	vld [tilespmem:s21+$0x50]  }
0x1c7: {  	v5 =	vld [tilespmem:s28+$0x50];
	[tilespmem:s24+$0xFFFFFFB0] =	vst v1;
	v0 =	vmul.f32 v2, v0  }
0x1c8: {  	v1 =	vld [tilespmem:s21+$0xFFFFFFC0]  }
0x1c9: {  	v2 =	vld [tilespmem:s28+$0xFFFFFFC0];
	v3 =	vmul.f32 v6, v3;
	[tilespmem:s25+$0x10] =	vst v0  }
0x1ca: {  	v0 =	vld [tilespmem:s29+$0x20]  }
0x1cb: {  	[tilespmem:s25+$0xFFFFFF90] =	vst v3;
	v3 =	vld [tilespmem:s12+$0x20]  }
0x1cc: {  	v4 =	vmul.f32 v5, v4;
	v5 =	vld [tilespmem:s29+$0xFFFFFFA0]  }
0x1cd: {  	v6 =	vld [tilespmem:s12+$0xFFFFFFA0]  }
0x1ce: {  	s26 =	simm.s32 $0x2E80  }
0x1cf: {  	v8 =	vld [tilespmem:s26+$0x0];
	[tilespmem:s24+$0x50] =	vst v4  }
0x1d0: {  	v1 =	vmul.f32 v2, v1;
	v2 =	vld [tilespmem:s21+$0x60];
	v0 =	vmul.f32 v3, v0  }
0x1d1: {  	s18 =	simm.s32 $0x680;
	v4 =	vld [tilespmem:s28+$0x60]  }
0x1d2: {  	v60 =	vld [tilespmem:s18+$0xFFFFFF80];
	v5 =	vmul.f32 v6, v5;
	[tilespmem:s25+$0x20] =	vst v0  }
0x1d3: {  	[tilespmem:s24+$0xFFFFFFC0] =	vst v1;
	v0 =	vld [tilespmem:s29+$0x30]  }
0x1d4: {  	[tilespmem:s25+$0xFFFFFFA0] =	vst v5;
	v5 =	vld [tilespmem:s12+$0x30]  }
0x1d5: {  	v1 =	vld [tilespmem:s21+$0xFFFFFFD0]  }
0x1d6: {  	v3 =	vld [tilespmem:s28+$0xFFFFFFD0];
	v2 =	vmul.f32 v4, v2  }
0x1d7: {  	v6 =	vld [tilespmem:s18+$0x0]  }
0x1d8: {  	v4 =	vld [tilespmem:s29+$0xFFFFFFB0];
	[tilespmem:s24+$0x60] =	vst v2  }
0x1d9: {  	v2 =	vld [tilespmem:s21+$0x70];
	v0 =	vmul.f32 v5, v0  }
0x1da: {  	v7 =	vld [tilespmem:s28+$0x70]  }
0x1db: {  	v5 =	vld [tilespmem:s26+$0xFFFFFF80];
	[tilespmem:s25+$0x30] =	vst v0  }
0x1dc: {  	v0 =	vmul.f32 v3, v1;
	v1 =	vld [tilespmem:s29+$0x40]  }
0x1dd: {  	v3 =	vld [tilespmem:s12+$0x40]  }
0x1de: {  	[tilespmem:s24+$0xFFFFFFD0] =	vst v0;
	v0 =	vmul.f32 v8, v6;
	v6 =	vld [tilespmem:s12+$0xFFFFFFB0]  }
0x1df: {  	s22 =	simm.s32 $0x5680;
	v8 =	vld [tilespmem:s21+$0xFFFFFFE0]  }
0x1e0: {  	v5 =	vmul.f32 v5, v60;
	[tilespmem:s22+$0x0] =	vst v0;
	v0 =	vld [tilespmem:s28+$0xFFFFFFE0]  }
0x1e1: {  	v61 =	vld [tilespmem:s18+$0x10]  }
0x1e2: {  	[tilespmem:s22+$0xFFFFFF80] =	vst v5;
	v5 =	vld [tilespmem:s26+$0x10];
	v1 =	vmul.f32 v3, v1  }
0x1e3: {  	v3 =	vld [tilespmem:s18+$0xFFFFFF90]  }
0x1e4: {  	v4 =	vmul.f32 v6, v4;
	v6 =	vld [tilespmem:s26+$0xFFFFFF90];
	[tilespmem:s25+$0x40] =	vst v1  }
0x1e5: {  	v1 =	vld [tilespmem:s29+$0x50]  }
0x1e6: {  	[tilespmem:s25+$0xFFFFFFB0] =	vst v4;
	v0 =	vmul.f32 v0, v8;
	v4 =	vld [tilespmem:s12+$0x50]  }
0x1e7: {  	v5 =	vmul.f32 v5, v61;
	v8 =	vld [tilespmem:s29+$0xFFFFFFC0]  }
0x1e8: {  	v62 =	vld [tilespmem:s12+$0xFFFFFFC0];
	[tilespmem:s24+$0xFFFFFFE0] =	vst v0  }
0x1e9: {  	v3 =	vmul.f32 v6, v3;
	[tilespmem:s22+$0x10] =	vst v5;
	v0 =	vld [tilespmem:s21+$0xFFFFFFF0]  }
0x1ea: {  	v5 =	vld [tilespmem:s18+$0x20]  }
0x1eb: {  	[tilespmem:s22+$0xFFFFFF90] =	vst v3;
	v3 =	vld [tilespmem:s26+$0x20];
	v1 =	vmul.f32 v4, v1  }
0x1ec: {  	v6 =	vld [tilespmem:s18+$0xFFFFFFA0]  }
0x1ed: {  	v10 =	vld [tilespmem:s26+$0xFFFFFFA0];
	v4 =	vmul.f32 v62, v8;
	[tilespmem:s25+$0x50] =	vst v1  }
0x1ee: {  	v8 =	vld [tilespmem:s29+$0x60]  }
0x1ef: {  	[tilespmem:s25+$0xFFFFFFC0] =	vst v4;
	v63 =	vld [tilespmem:s12+$0x60]  }
0x1f0: {  	v4 =	vld [tilespmem:s12+$0xFFFFFFD0];
	v1 =	vmul.f32 v3, v5  }
0x1f1: {  	v3 =	vld [tilespmem:s29+$0xFFFFFFD0]  }
0x1f2: {  	v5 =	vmul.f32 v10, v6;
	[tilespmem:s22+$0x20] =	vst v1;
	v1 =	vld [tilespmem:s28+$0xFFFFFFF0]  }
0x1f3: {  	v2 =	vmul.f32 v7, v2;
	v6 =	vld [tilespmem:s18+$0x30]  }
0x1f4: {  	[tilespmem:s22+$0xFFFFFFA0] =	vst v5;
	v7 =	vld [tilespmem:s26+$0x30];
	v5 =	vmul.f32 v63, v8  }
0x1f5: {  	s10 =	simm.s32 $0x4;
	[tilespmem:s24+$0x70] =	vst v2;
	s21 =	simm.s32 $0x780;
	s28 =	simm.s32 $0x2E80;
	v2 =	vld [tilespmem:s18+$0xFFFFFFB0]  }
.LBB2_7:
0x1f6: {  	v8 =	vld [tilespmem:s21+$0x0];
	v3 =	vmul.f32 v4, v3;
	[tilespmem:s25+$0x60] =	vst v5  }
0x1f7: {  	v4 =	vld [tilespmem:s29+$0x70];
	v0 =	vmul.f32 v1, v0  }
0x1f8: {  	s26 =	sadd.s32 $0x100, s26;
	[tilespmem:s25+$0xFFFFFFD0] =	vst v3;
	v1 =	vld [tilespmem:s12+$0x70]  }
0x1f9: {  	v3 =	vld [tilespmem:s26+$0x0];
	v5 =	vmul.f32 v7, v6;
	[tilespmem:s24+$0xFFFFFFF0] =	vst v0;
	s24 =	smov.u32 s25;
	s25 =	smov.u32 s22  }
0x1fa: {  	v0 =	vld [tilespmem:s26+$0xFFFFFF80]  }
0x1fb: {  	v6 =	vld [tilespmem:s21+$0xFFFFFF80];
	[tilespmem:s22+$0x30] =	vst v5  }
0x1fc: {  	v5 =	vld [tilespmem:s18+$0x40]  }
0x1fd: {  	v7 =	vld [tilespmem:s28+$0x40];
	v1 =	vmul.f32 v1, v4  }
0x1fe: {  	v3 =	vmul.f32 v3, v8;
	v4 =	vld [tilespmem:s28+$0xFFFFFFB0]  }
0x1ff: {  	s22 =	sadd.s32 $0x100, s22;
	v8 =	vld [tilespmem:s29+$0xFFFFFFE0];
	[tilespmem:s24+$0x70] =	vst v1  }
0x200: {  	s10 =	sadd.s32 $0x2, s10;
	v0 =	vmul.f32 v0, v6;
	[tilespmem:s22+$0x0] =	vst v3;
	v1 =	vld [tilespmem:s12+$0xFFFFFFE0]  }
0x201: {  	p0 =	slt.u32 s10, $0x26;
	v3 =	vld [tilespmem:s21+$0x10]  }
0x202: {  	[tilespmem:s22+$0xFFFFFF80] =	vst v0;
	v0 =	vld [tilespmem:s26+$0x10];
	v5 =	vmul.f32 v7, v5  }
0x203: {  	v6 =	vld [tilespmem:s21+$0xFFFFFF90];
	v2 =	vmul.f32 v4, v2  }
0x204: {  	v4 =	vld [tilespmem:s26+$0xFFFFFF90];
	[tilespmem:s25+$0x40] =	vst v5  }
0x205: {  	[tilespmem:s25+$0xFFFFFFB0] =	vst v2;
	v2 =	vld [tilespmem:s18+$0x50];
	v1 =	vmul.f32 v1, v8  }
0x206: {  	v5 =	vld [tilespmem:s28+$0x50]  }
0x207: {  	v0 =	vmul.f32 v0, v3;
	v3 =	vld [tilespmem:s18+$0xFFFFFFC0];
	[tilespmem:s24+$0xFFFFFFE0] =	vst v1  }
0x208: {  	v1 =	vld [tilespmem:s28+$0xFFFFFFC0]  }
0x209: {  	v4 =	vmul.f32 v4, v6;
	[tilespmem:s22+$0x10] =	vst v0;
	v0 =	vld [tilespmem:s29+$0xFFFFFFF0];
	s29 =	smov.u32 s18;
	s18 =	smov.u32 s21  }
0x20a: {  	v6 =	vld [tilespmem:s21+$0x20]  }
0x20b: {  	[tilespmem:s22+$0xFFFFFF90] =	vst v4;
	v4 =	vld [tilespmem:s26+$0x20];
	v2 =	vmul.f32 v5, v2  }
0x20c: {  	v5 =	vld [tilespmem:s21+$0xFFFFFFA0]  }
0x20d: {  	v7 =	vld [tilespmem:s26+$0xFFFFFFA0];
	v1 =	vmul.f32 v1, v3;
	[tilespmem:s25+$0x50] =	vst v2  }
0x20e: {  	v2 =	vld [tilespmem:s29+$0x60]  }
0x20f: {  	[tilespmem:s25+$0xFFFFFFC0] =	vst v1;
	v8 =	vld [tilespmem:s28+$0x60]  }
0x210: {  	v1 =	vmul.f32 v4, v6;
	v3 =	vld [tilespmem:s29+$0xFFFFFFD0]  }
.Ltmp2:
0x211: {  	v4 =	vld [tilespmem:s28+$0xFFFFFFD0];
	(pc) =	sbr.rel @p0 .LBB2_7-.Ltmp2, $4  }
0x212: {  	v5 =	vmul.f32 v7, v5;
	[tilespmem:s22+$0x20] =	vst v1;
	v1 =	vld [tilespmem:s12+$0xFFFFFFF0];
	s12 =	smov.u32 s28;
	s28 =	smov.u32 s26  }
0x213: {  	v6 =	vld [tilespmem:s21+$0x30]  }
0x214: {  	[tilespmem:s22+$0xFFFFFFA0] =	vst v5;
	v7 =	vld [tilespmem:s26+$0x30];
	v5 =	vmul.f32 v8, v2  }
0x215: {  	s21 =	sadd.s32 $0x100, s21;
	v2 =	vld [tilespmem:s18+$0xFFFFFFB0]  }
0x216: {  	v8 =	vld [tilespmem:s28+$0xFFFFFFB0];
	_ =	sdelay $0x2  }
0x217: {  	v6 =	vmul.f32 v7, v6;
	_ =	sdelay $0x1  }
0x218: {  	[tilespmem:s22+$0x30] =	vst v6;
	v2 =	vmul.f32 v8, v2  }
0x219: {  	v6 =	vld [tilespmem:s18+$0x40]  }
0x21a: {  	v7 =	vld [tilespmem:s28+$0x40];
	[tilespmem:s22+$0xFFFFFFB0] =	vst v2  }
0x21b: {  	v2 =	vld [tilespmem:s18+$0xFFFFFFC0]  }
0x21c: {  	v8 =	vld [tilespmem:s28+$0xFFFFFFC0];
	_ =	sdelay $0x2  }
0x21d: {  	v6 =	vmul.f32 v7, v6;
	_ =	sdelay $0x1  }
0x21e: {  	[tilespmem:s22+$0x40] =	vst v6;
	v2 =	vmul.f32 v8, v2  }
0x21f: {  	v6 =	vld [tilespmem:s18+$0x50]  }
0x220: {  	v7 =	vld [tilespmem:s28+$0x50];
	[tilespmem:s22+$0xFFFFFFC0] =	vst v2  }
0x221: {  	v2 =	vld [tilespmem:s18+$0xFFFFFFD0]  }
0x222: {  	v8 =	vld [tilespmem:s28+$0xFFFFFFD0]  }
0x223: {  	v3 =	vmul.f32 v4, v3;
	_ =	sdelay $0x1  }
0x224: {  	[tilespmem:s25+$0xFFFFFFD0] =	vst v3;
	v3 =	vmul.f32 v7, v6  }
0x225: {  	v4 =	vld [tilespmem:s29+$0xFFFFFFE0]  }
0x226: {  	v6 =	vld [tilespmem:s12+$0xFFFFFFE0];
	[tilespmem:s22+$0x50] =	vst v3;
	v2 =	vmul.f32 v8, v2  }
0x227: {  	v3 =	vld [tilespmem:s18+$0x60]  }
0x228: {  	v7 =	vld [tilespmem:s28+$0x60];
	[tilespmem:s22+$0xFFFFFFD0] =	vst v2  }
0x229: {  	v2 =	vld [tilespmem:s18+$0xFFFFFFE0]  }
0x22a: {  	v8 =	vld [tilespmem:s28+$0xFFFFFFE0]  }
0x22b: {  	[tilespmem:s25+$0x60] =	vst v5;
	v4 =	vmul.f32 v6, v4  }
0x22c: {  	v5 =	vld [tilespmem:s29+$0x70]  }
0x22d: {  	v6 =	vld [tilespmem:s12+$0x70];
	[tilespmem:s25+$0xFFFFFFE0] =	vst v4;
	v3 =	vmul.f32 v7, v3  }
0x22e: {  	v4 =	vld [tilespmem:s29+$0xFFFFFFF0]  }
0x22f: {  	v7 =	vld [tilespmem:s12+$0xFFFFFFF0];
	[tilespmem:s22+$0x60] =	vst v3;
	v2 =	vmul.f32 v8, v2  }
0x230: {  	v3 =	vld [tilespmem:s18+$0x70]  }
0x231: {  	v8 =	vld [tilespmem:s28+$0x70];
	[tilespmem:s22+$0xFFFFFFE0] =	vst v2  }
0x232: {  	v2 =	vld [tilespmem:s18+$0xFFFFFFF0]  }
0x233: {  	v9 =	vld [tilespmem:s28+$0xFFFFFFF0]  }
0x234: {  	v0 =	vmul.f32 v1, v0  }
0x235: {  	v1 =	vmul.f32 v6, v5  }
0x236: {  	[tilespmem:s24+$0xFFFFFFF0] =	vst v0;
	v0 =	vmul.f32 v7, v4  }
0x237: {  	[tilespmem:s25+$0x70] =	vst v1;
	v1 =	vmul.f32 v8, v3  }
0x238: {  	[tilespmem:s25+$0xFFFFFFF0] =	vst v0;
	v0 =	vmul.f32 v9, v2  }
0x239: {  	[tilespmem:s22+$0x70] =	vst v1  }
0x23a: {  	s10 =	simm.s32 $0x300;
	s26 =	simm.s32 $0x5400;
	[tilespmem:s22+$0xFFFFFFF0] =	vst v0  }
0x23b: {  	[spmem:s4] =	stream.indirect.scatter.add.f32 [tilespmem:s26], [sflag:$0x5], $0x80, s10, s23, $0xb8;
	[tilespmem:$0x1BC00] =	vst v63  }
0x23c: {  	_ =	swait.ge [sflag:s20], $0x80  }
0x23d: {  	[sflag:s20] =	ssyncset.done $0x0  }
0x23e: {  	s18 =	smul.u32 $0x28, s17;
	[sflag:s20] =	ssyncadd.s32 $0xFFFFFF80  }
0x23f: {  	_ =	swait.ge [sflag:s20], $0x80  }
0x240: {  	s10 =	sadd.s32 s8, s18;
	[sflag:s20] =	ssyncset.done $0x0  }
0x241: {  	s21 =	simm.s32 $0x400;
	s10 =	sshll.u32 s10, $0x4;
	[sflag:s20] =	ssyncadd.s32 $0xFFFFFF80  }
0x242: {  	[tilespmem:s21], [sflag:$0x1] =	stream.indirect.gather [hbm4b:s1+s23], $0x80, s5, s23, $0xb8;
	[tilespmem:$0x1BC00] =	vst v63  }
0x243: {  	s22 =	simm.s32 $0x2C00;
	s10 =	sadd.s32 s6, s10  }
0x244: {  	[tilespmem:s22], [sflag:$0x3] =	stream.linear.gather [hbm4b:s10+s5], $0x1400, $0x38;
	[tilespmem:$0x1BC00] =	vst v63  }
0x245: {  	_ =	swait.ge [sflag:s14], $0x1400  }
0x246: {  	s16 =	sadd.s32 $0x5, s16;
	[sflag:s14] =	ssyncset.done $0x0  }
0x247: {  	s24 =	sshll.u32 s16, $0x7;
	[sflag:s14] =	ssyncadd.s32 $0xFFFFEC00  }
0x248: {  	s25 =	sand.u32 $0xFC00, s24;
	_ =	swait.ge [sflag:s15], $0x1400  }
0x249: {  	s12 =	sadd.s32 s11, s25;
	[sflag:s15] =	ssyncset.done $0x0  }
0x24a: {  	s26 =	simm.s32 $0x6;
	s10 =	sand.u32 $0x280, s24;
	[sflag:s15] =	ssyncadd.s32 $0xFFFFEC00  }
0x24b: {  	s10 =	sor.u32 s10, s12;
	_ =	swait.ge [sflag:s26], $0x1400  }
0x24c: {  	s10 =	sshrl.u32 s10, $0x3;
	[sflag:s26] =	ssyncset.done $0x0  }
0x24d: {  	s29 =	simm.s32 $0x80;
	s17 =	sadd.s32 s7, s10;
	[sflag:s26] =	ssyncadd.s32 $0xFFFFEC00  }
0x24e: {  	[tilespmem:s29], [sflag:$0x8] =	stream.linear.gather [hbm4b:s17+s5], $0x80, $0x38;
	[tilespmem:$0x1BC00] =	vst v63  }
0x24f: {  	s18 =	simm.s32 $0x280;
	s21 =	simm.s32 $0x18F0;
	s10 =	sadd.s32 s3, s10  }
0x250: {  	[tilespmem:s18], [sflag:$0x8] =	stream.linear.gather [hbm4b:s10+s5], $0x80, $0x38;
	[tilespmem:$0x1BC00] =	vst v63  }
0x251: {  	s28 =	simm.s32 $0x40F0;
	v0 =	vld [tilespmem:s21+$0xFFFFFF90]  }
0x252: {  	v1 =	vld [tilespmem:s28+$0xFFFFFF90];
	_ =	sdelay $0x4  }
0x253: {  	v0 =	vmul.f32 v1, v0  }
0x254: {  	s17 =	simm.s32 $0x68F0  }
0x255: {  	[tilespmem:s17+$0xFFFFFF90] =	vst v0  }
0x256: {  	v0 =	vld [tilespmem:s21+$0xFFFFFFA0]  }
0x257: {  	v1 =	vld [tilespmem:s28+$0xFFFFFFA0]  }
0x258: {  	v2 =	vld [tilespmem:s28+$0xFFFFFF10]  }
0x259: {  	v3 =	vld [tilespmem:s21+$0xFFFFFF10];
	_ =	sdelay $0x2  }
0x25a: {  	v0 =	vmul.f32 v1, v0;
	_ =	sdelay $0x1  }
0x25b: {  	[tilespmem:s17+$0xFFFFFFA0] =	vst v0;
	v0 =	vmul.f32 v2, v3  }
0x25c: {  	v1 =	vld [tilespmem:s21+$0xFFFFFFB0]  }
0x25d: {  	v2 =	vld [tilespmem:s28+$0xFFFFFFB0];
	[tilespmem:s17+$0xFFFFFF10] =	vst v0  }
0x25e: {  	v0 =	vld [tilespmem:s21+$0xFFFFFF20]  }
0x25f: {  	v3 =	vld [tilespmem:s28+$0xFFFFFF20];
	_ =	sdelay $0x2  }
0x260: {  	v1 =	vmul.f32 v2, v1;
	_ =	sdelay $0x1  }
0x261: {  	[tilespmem:s17+$0xFFFFFFB0] =	vst v1;
	v0 =	vmul.f32 v3, v0  }
0x262: {  	v1 =	vld [tilespmem:s21+$0xFFFFFFC0]  }
0x263: {  	v2 =	vld [tilespmem:s28+$0xFFFFFFC0];
	[tilespmem:s17+$0xFFFFFF20] =	vst v0  }
0x264: {  	v0 =	vld [tilespmem:s21+$0xFFFFFF30]  }
0x265: {  	s25 =	simm.s32 $0x19F0;
	v3 =	vld [tilespmem:s28+$0xFFFFFF30]  }
0x266: {  	s12 =	simm.s32 $0x41F0;
	v4 =	vld [tilespmem:s25+$0xFFFFFF90]  }
0x267: {  	v5 =	vld [tilespmem:s12+$0xFFFFFF90]  }
0x268: {  	v6 =	vld [tilespmem:s25+$0xFFFFFF10];
	v1 =	vmul.f32 v2, v1  }
0x269: {  	v2 =	vld [tilespmem:s12+$0xFFFFFF10]  }
0x26a: {  	[tilespmem:s17+$0xFFFFFFC0] =	vst v1;
	v0 =	vmul.f32 v3, v0  }
0x26b: {  	v1 =	vld [tilespmem:s21+$0xFFFFFFD0]  }
0x26c: {  	v3 =	vld [tilespmem:s28+$0xFFFFFFD0];
	[tilespmem:s17+$0xFFFFFF30] =	vst v0;
	v0 =	vmul.f32 v5, v4  }
0x26d: {  	s24 =	simm.s32 $0x69F0;
	v4 =	vld [tilespmem:s21+$0xFFFFFF40]  }
0x26e: {  	v5 =	vld [tilespmem:s28+$0xFFFFFF40];
	v2 =	vmul.f32 v2, v6;
	[tilespmem:s24+$0xFFFFFF90] =	vst v0  }
0x26f: {  	v0 =	vld [tilespmem:s25+$0xFFFFFFA0]  }
0x270: {  	[tilespmem:s24+$0xFFFFFF10] =	vst v2;
	v2 =	vld [tilespmem:s12+$0xFFFFFFA0]  }
0x271: {  	v1 =	vmul.f32 v3, v1;
	v3 =	vld [tilespmem:s25+$0xFFFFFF20]  }
0x272: {  	v6 =	vld [tilespmem:s12+$0xFFFFFF20]  }
0x273: {  	[tilespmem:s17+$0xFFFFFFD0] =	vst v1;
	v1 =	vmul.f32 v5, v4  }
0x274: {  	v4 =	vld [tilespmem:s21+$0xFFFFFFE0]  }
0x275: {  	v5 =	vld [tilespmem:s28+$0xFFFFFFE0];
	[tilespmem:s17+$0xFFFFFF40] =	vst v1;
	v0 =	vmul.f32 v2, v0  }
0x276: {  	v1 =	vld [tilespmem:s21+$0xFFFFFF50]  }
0x277: {  	v2 =	vld [tilespmem:s28+$0xFFFFFF50];
	v3 =	vmul.f32 v6, v3;
	[tilespmem:s24+$0xFFFFFFA0] =	vst v0  }
0x278: {  	v0 =	vld [tilespmem:s25+$0xFFFFFFB0]  }
0x279: {  	[tilespmem:s24+$0xFFFFFF20] =	vst v3;
	v3 =	vld [tilespmem:s12+$0xFFFFFFB0]  }
0x27a: {  	v4 =	vmul.f32 v5, v4;
	v5 =	vld [tilespmem:s25+$0xFFFFFF30]  }
0x27b: {  	v6 =	vld [tilespmem:s12+$0xFFFFFF30]  }
0x27c: {  	s26 =	simm.s32 $0x42F0  }
0x27d: {  	v8 =	vld [tilespmem:s26+$0xFFFFFF90];
	[tilespmem:s17+$0xFFFFFFE0] =	vst v4  }
0x27e: {  	v1 =	vmul.f32 v2, v1;
	v2 =	vld [tilespmem:s21+$0xFFFFFFF0];
	v0 =	vmul.f32 v3, v0  }
0x27f: {  	s18 =	simm.s32 $0x1AF0;
	v4 =	vld [tilespmem:s28+$0xFFFFFFF0]  }
0x280: {  	v60 =	vld [tilespmem:s18+$0xFFFFFF10];
	v5 =	vmul.f32 v6, v5;
	[tilespmem:s24+$0xFFFFFFB0] =	vst v0  }
0x281: {  	[tilespmem:s17+$0xFFFFFF50] =	vst v1;
	v0 =	vld [tilespmem:s25+$0xFFFFFFC0]  }
0x282: {  	[tilespmem:s24+$0xFFFFFF30] =	vst v5;
	v5 =	vld [tilespmem:s12+$0xFFFFFFC0]  }
0x283: {  	v1 =	vld [tilespmem:s21+$0xFFFFFF60]  }
0x284: {  	v3 =	vld [tilespmem:s28+$0xFFFFFF60];
	v2 =	vmul.f32 v4, v2  }
0x285: {  	v6 =	vld [tilespmem:s18+$0xFFFFFF90]  }
0x286: {  	v4 =	vld [tilespmem:s25+$0xFFFFFF40];
	[tilespmem:s17+$0xFFFFFFF0] =	vst v2  }
0x287: {  	v2 =	vld [tilespmem:s21+$0x0];
	v0 =	vmul.f32 v5, v0  }
0x288: {  	v7 =	vld [tilespmem:s28+$0x0]  }
0x289: {  	v5 =	vld [tilespmem:s26+$0xFFFFFF10];
	[tilespmem:s24+$0xFFFFFFC0] =	vst v0  }
0x28a: {  	v0 =	vmul.f32 v3, v1;
	v1 =	vld [tilespmem:s25+$0xFFFFFFD0]  }
0x28b: {  	v3 =	vld [tilespmem:s12+$0xFFFFFFD0]  }
0x28c: {  	[tilespmem:s17+$0xFFFFFF60] =	vst v0;
	v0 =	vmul.f32 v8, v6;
	v6 =	vld [tilespmem:s12+$0xFFFFFF40]  }
0x28d: {  	s22 =	simm.s32 $0x6AF0;
	v8 =	vld [tilespmem:s21+$0xFFFFFF70]  }
0x28e: {  	v5 =	vmul.f32 v5, v60;
	[tilespmem:s22+$0xFFFFFF90] =	vst v0;
	v0 =	vld [tilespmem:s28+$0xFFFFFF70]  }
0x28f: {  	v61 =	vld [tilespmem:s18+$0xFFFFFFA0]  }
0x290: {  	[tilespmem:s22+$0xFFFFFF10] =	vst v5;
	v5 =	vld [tilespmem:s26+$0xFFFFFFA0];
	v1 =	vmul.f32 v3, v1  }
0x291: {  	v3 =	vld [tilespmem:s18+$0xFFFFFF20]  }
0x292: {  	v4 =	vmul.f32 v6, v4;
	v6 =	vld [tilespmem:s26+$0xFFFFFF20];
	[tilespmem:s24+$0xFFFFFFD0] =	vst v1  }
0x293: {  	v1 =	vld [tilespmem:s25+$0xFFFFFFE0]  }
0x294: {  	[tilespmem:s24+$0xFFFFFF40] =	vst v4;
	v0 =	vmul.f32 v0, v8;
	v4 =	vld [tilespmem:s12+$0xFFFFFFE0]  }
0x295: {  	v5 =	vmul.f32 v5, v61;
	v8 =	vld [tilespmem:s25+$0xFFFFFF50]  }
0x296: {  	v62 =	vld [tilespmem:s12+$0xFFFFFF50];
	[tilespmem:s17+$0xFFFFFF70] =	vst v0  }
0x297: {  	v3 =	vmul.f32 v6, v3;
	[tilespmem:s22+$0xFFFFFFA0] =	vst v5;
	v0 =	vld [tilespmem:s21+$0xFFFFFF80]  }
0x298: {  	v5 =	vld [tilespmem:s18+$0xFFFFFFB0]  }
0x299: {  	[tilespmem:s22+$0xFFFFFF20] =	vst v3;
	v3 =	vld [tilespmem:s26+$0xFFFFFFB0];
	v1 =	vmul.f32 v4, v1  }
0x29a: {  	v6 =	vld [tilespmem:s18+$0xFFFFFF30]  }
0x29b: {  	v10 =	vld [tilespmem:s26+$0xFFFFFF30];
	v4 =	vmul.f32 v62, v8;
	[tilespmem:s24+$0xFFFFFFE0] =	vst v1  }
0x29c: {  	v8 =	vld [tilespmem:s25+$0xFFFFFFF0]  }
0x29d: {  	[tilespmem:s24+$0xFFFFFF50] =	vst v4;
	v63 =	vld [tilespmem:s12+$0xFFFFFFF0]  }
0x29e: {  	v4 =	vld [tilespmem:s12+$0xFFFFFF60];
	v1 =	vmul.f32 v3, v5  }
0x29f: {  	v3 =	vld [tilespmem:s25+$0xFFFFFF60]  }
0x2a0: {  	v5 =	vmul.f32 v10, v6;
	[tilespmem:s22+$0xFFFFFFB0] =	vst v1;
	v1 =	vld [tilespmem:s28+$0xFFFFFF80]  }
0x2a1: {  	v2 =	vmul.f32 v7, v2;
	v6 =	vld [tilespmem:s18+$0xFFFFFFC0]  }
0x2a2: {  	[tilespmem:s22+$0xFFFFFF30] =	vst v5;
	v7 =	vld [tilespmem:s26+$0xFFFFFFC0];
	v5 =	vmul.f32 v63, v8  }
0x2a3: {  	s10 =	simm.s32 $0x4;
	[tilespmem:s17+$0x0] =	vst v2;
	s21 =	simm.s32 $0x1BF0;
	s28 =	simm.s32 $0x42F0;
	v2 =	vld [tilespmem:s18+$0xFFFFFF40]  }
.LBB2_9:
0x2a4: {  	v8 =	vld [tilespmem:s21+$0xFFFFFF90];
	v3 =	vmul.f32 v4, v3;
	[tilespmem:s24+$0xFFFFFFF0] =	vst v5  }
0x2a5: {  	v4 =	vld [tilespmem:s25+$0x0];
	v0 =	vmul.f32 v1, v0  }
0x2a6: {  	s26 =	sadd.s32 $0x100, s26;
	[tilespmem:s24+$0xFFFFFF60] =	vst v3;
	v1 =	vld [tilespmem:s12+$0x0]  }
0x2a7: {  	v3 =	vld [tilespmem:s26+$0xFFFFFF90];
	v5 =	vmul.f32 v7, v6;
	[tilespmem:s17+$0xFFFFFF80] =	vst v0;
	s17 =	smov.u32 s24;
	s24 =	smov.u32 s22  }
0x2a8: {  	v0 =	vld [tilespmem:s26+$0xFFFFFF10]  }
0x2a9: {  	v6 =	vld [tilespmem:s21+$0xFFFFFF10];
	[tilespmem:s22+$0xFFFFFFC0] =	vst v5  }
0x2aa: {  	v5 =	vld [tilespmem:s18+$0xFFFFFFD0]  }
0x2ab: {  	v7 =	vld [tilespmem:s28+$0xFFFFFFD0];
	v1 =	vmul.f32 v1, v4  }
0x2ac: {  	v3 =	vmul.f32 v3, v8;
	v4 =	vld [tilespmem:s28+$0xFFFFFF40]  }
0x2ad: {  	s22 =	sadd.s32 $0x100, s22;
	v8 =	vld [tilespmem:s25+$0xFFFFFF70];
	[tilespmem:s17+$0x0] =	vst v1  }
0x2ae: {  	s10 =	sadd.s32 $0x2, s10;
	v0 =	vmul.f32 v0, v6;
	[tilespmem:s22+$0xFFFFFF90] =	vst v3;
	v1 =	vld [tilespmem:s12+$0xFFFFFF70]  }
0x2af: {  	p0 =	slt.u32 s10, $0x26;
	v3 =	vld [tilespmem:s21+$0xFFFFFFA0]  }
0x2b0: {  	[tilespmem:s22+$0xFFFFFF10] =	vst v0;
	v0 =	vld [tilespmem:s26+$0xFFFFFFA0];
	v5 =	vmul.f32 v7, v5  }
0x2b1: {  	v6 =	vld [tilespmem:s21+$0xFFFFFF20];
	v2 =	vmul.f32 v4, v2  }
0x2b2: {  	v4 =	vld [tilespmem:s26+$0xFFFFFF20];
	[tilespmem:s24+$0xFFFFFFD0] =	vst v5  }
0x2b3: {  	[tilespmem:s24+$0xFFFFFF40] =	vst v2;
	v2 =	vld [tilespmem:s18+$0xFFFFFFE0];
	v1 =	vmul.f32 v1, v8  }
0x2b4: {  	v5 =	vld [tilespmem:s28+$0xFFFFFFE0]  }
0x2b5: {  	v0 =	vmul.f32 v0, v3;
	v3 =	vld [tilespmem:s18+$0xFFFFFF50];
	[tilespmem:s17+$0xFFFFFF70] =	vst v1  }
0x2b6: {  	v1 =	vld [tilespmem:s28+$0xFFFFFF50]  }
0x2b7: {  	v4 =	vmul.f32 v4, v6;
	[tilespmem:s22+$0xFFFFFFA0] =	vst v0;
	v0 =	vld [tilespmem:s25+$0xFFFFFF80];
	s25 =	smov.u32 s18;
	s18 =	smov.u32 s21  }
0x2b8: {  	v6 =	vld [tilespmem:s21+$0xFFFFFFB0]  }
0x2b9: {  	[tilespmem:s22+$0xFFFFFF20] =	vst v4;
	v4 =	vld [tilespmem:s26+$0xFFFFFFB0];
	v2 =	vmul.f32 v5, v2  }
0x2ba: {  	v5 =	vld [tilespmem:s21+$0xFFFFFF30]  }
0x2bb: {  	v7 =	vld [tilespmem:s26+$0xFFFFFF30];
	v1 =	vmul.f32 v1, v3;
	[tilespmem:s24+$0xFFFFFFE0] =	vst v2  }
0x2bc: {  	v2 =	vld [tilespmem:s25+$0xFFFFFFF0]  }
0x2bd: {  	[tilespmem:s24+$0xFFFFFF50] =	vst v1;
	v8 =	vld [tilespmem:s28+$0xFFFFFFF0]  }
0x2be: {  	v1 =	vmul.f32 v4, v6;
	v3 =	vld [tilespmem:s25+$0xFFFFFF60]  }
.Ltmp3:
0x2bf: {  	v4 =	vld [tilespmem:s28+$0xFFFFFF60];
	(pc) =	sbr.rel @p0 .LBB2_9-.Ltmp3, $4  }
0x2c0: {  	v5 =	vmul.f32 v7, v5;
	[tilespmem:s22+$0xFFFFFFB0] =	vst v1;
	v1 =	vld [tilespmem:s12+$0xFFFFFF80];
	s12 =	smov.u32 s28;
	s28 =	smov.u32 s26  }
0x2c1: {  	v6 =	vld [tilespmem:s21+$0xFFFFFFC0]  }
0x2c2: {  	[tilespmem:s22+$0xFFFFFF30] =	vst v5;
	v7 =	vld [tilespmem:s26+$0xFFFFFFC0];
	v5 =	vmul.f32 v8, v2  }
0x2c3: {  	s21 =	sadd.s32 $0x100, s21;
	v2 =	vld [tilespmem:s18+$0xFFFFFF40]  }
0x2c4: {  	v8 =	vld [tilespmem:s28+$0xFFFFFF40];
	_ =	sdelay $0x2  }
0x2c5: {  	v6 =	vmul.f32 v7, v6;
	_ =	sdelay $0x1  }
0x2c6: {  	[tilespmem:s22+$0xFFFFFFC0] =	vst v6;
	v2 =	vmul.f32 v8, v2  }
0x2c7: {  	v6 =	vld [tilespmem:s18+$0xFFFFFFD0]  }
0x2c8: {  	v48 =	vld [tilespmem:s28+$0xFFFFFFD0];
	[tilespmem:s22+$0xFFFFFF40] =	vst v2  }
0x2c9: {  	v2 =	vld [tilespmem:s18+$0xFFFFFF50]  }
0x2ca: {  	v49 =	vld [tilespmem:s28+$0xFFFFFF50];
	_ =	sdelay $0x2  }
0x2cb: {  	v6 =	vmul.f32 v48, v6;
	_ =	sdelay $0x1  }
0x2cc: {  	[tilespmem:s22+$0xFFFFFFD0] =	vst v6;
	v2 =	vmul.f32 v49, v2  }
0x2cd: {  	v6 =	vld [tilespmem:s18+$0xFFFFFFE0]  }
0x2ce: {  	v50 =	vld [tilespmem:s28+$0xFFFFFFE0];
	[tilespmem:s22+$0xFFFFFF50] =	vst v2  }
0x2cf: {  	v2 =	vld [tilespmem:s18+$0xFFFFFF60]  }
0x2d0: {  	v51 =	vld [tilespmem:s28+$0xFFFFFF60]  }
0x2d1: {  	v3 =	vmul.f32 v4, v3;
	_ =	sdelay $0x1  }
0x2d2: {  	[tilespmem:s24+$0xFFFFFF60] =	vst v3;
	v52 =	vmul.f32 v50, v6  }
0x2d3: {  	v53 =	vld [tilespmem:s25+$0xFFFFFF70]  }
0x2d4: {  	v54 =	vld [tilespmem:s12+$0xFFFFFF70];
	[tilespmem:s22+$0xFFFFFFE0] =	vst v52;
	v2 =	vmul.f32 v51, v2  }
0x2d5: {  	v3 =	vld [tilespmem:s18+$0xFFFFFFF0]  }
0x2d6: {  	v55 =	vld [tilespmem:s28+$0xFFFFFFF0];
	[tilespmem:s22+$0xFFFFFF60] =	vst v2  }
0x2d7: {  	v2 =	vld [tilespmem:s18+$0xFFFFFF70]  }
0x2d8: {  	v56 =	vld [tilespmem:s28+$0xFFFFFF70]  }
0x2d9: {  	[tilespmem:s24+$0xFFFFFFF0] =	vst v5;
	v4 =	vmul.f32 v54, v53  }
0x2da: {  	v5 =	vld [tilespmem:s25+$0x0]  }
0x2db: {  	v57 =	vld [tilespmem:s12+$0x0];
	[tilespmem:s24+$0xFFFFFF70] =	vst v4;
	v3 =	vmul.f32 v55, v3  }
0x2dc: {  	v4 =	vld [tilespmem:s25+$0xFFFFFF80]  }
0x2dd: {  	v58 =	vld [tilespmem:s12+$0xFFFFFF80];
	[tilespmem:s22+$0xFFFFFFF0] =	vst v3;
	v2 =	vmul.f32 v56, v2  }
0x2de: {  	v3 =	vld [tilespmem:s18+$0x0]  }
0x2df: {  	v59 =	vld [tilespmem:s28+$0x0];
	[tilespmem:s22+$0xFFFFFF70] =	vst v2  }
0x2e0: {  	v2 =	vld [tilespmem:s18+$0xFFFFFF80]  }
0x2e1: {  	v9 =	vld [tilespmem:s28+$0xFFFFFF80]  }
0x2e2: {  	v0 =	vmul.f32 v1, v0  }
0x2e3: {  	v60 =	vmul.f32 v57, v5  }
0x2e4: {  	[tilespmem:s17+$0xFFFFFF80] =	vst v0;
	v61 =	vmul.f32 v58, v4  }
0x2e5: {  	[tilespmem:s24+$0x0] =	vst v60;
	v62 =	vmul.f32 v59, v3  }
0x2e6: {  	[tilespmem:s24+$0xFFFFFF80] =	vst v61;
	v63 =	vmul.f32 v9, v2  }
0x2e7: {  	[tilespmem:s22+$0x0] =	vst v62  }
0x2e8: {  	s10 =	simm.s32 $0x380;
	s24 =	simm.s32 $0x6800;
	[tilespmem:s22+$0xFFFFFF80] =	vst v63  }
0x2e9: {  	[spmem:s4] =	stream.indirect.scatter.add.f32 [tilespmem:s24], [sflag:$0x6], $0x80, s10, s23, $0xb8;
	[tilespmem:$0x1BC00] =	vst v63  }
0x2ea: {  	_ =	swait.ge [sflag:s2], $0x80  }
0x2eb: {  	[sflag:s2] =	ssyncset.done $0x0  }
0x2ec: {  	s9 =	sadd.s32 $0x1, s9;
	s25 =	smul.u32 $0x28, s16;
	[sflag:s2] =	ssyncadd.s32 $0xFFFFFF80  }
0x2ed: {  	p0 =	sne.s32 s9, $0x3E;
	_ =	swait.ge [sflag:s2], $0x80  }
.Ltmp4:
0x2ee: {  	s10 =	sadd.s32 s8, s25;
	[sflag:s2] =	ssyncset.done $0x0;
	(pc) =	sbr.rel @p0 .LBB2_2-.Ltmp4, $4  }
0x2ef: {  	s26 =	simm.s32 $0x1800;
	s10 =	sshll.u32 s10, $0x4;
	[sflag:s2] =	ssyncadd.s32 $0xFFFFFF80  }
0x2f0: {  	[tilespmem:s26], [sflag:$0x2] =	stream.indirect.gather [hbm4b:s1+s23], $0x80, s29, s23, $0xb8;
	[tilespmem:$0x1BC00] =	vst v63  }
0x2f1: {  	s28 =	simm.s32 $0x4000;
	s10 =	sadd.s32 s6, s10  }
0x2f2: {  	[tilespmem:s28], [sflag:$0x4] =	stream.linear.gather [hbm4b:s10+s5], $0x1400, $0x38;
	[tilespmem:$0x1BC00] =	vst v63  }
0x2f3: {  	_ =	swait.ge [sflag:s31], $0x1400  }
0x2f4: {  	[sflag:s31] =	ssyncset.done $0x0  }
0x2f5: {  	[sflag:s31] =	ssyncadd.s32 $0xFFFFEC00  }
0x2f6: {  	_ =	swait.ge [sflag:s0], $0x1400  }
0x2f7: {  	[sflag:s0] =	ssyncset.done $0x0  }
0x2f8: {  	s9 =	simm.s32 $0x5;
	[sflag:s0] =	ssyncadd.s32 $0xFFFFEC00  }
0x2f9: {  	_ =	swait.ge [sflag:s9], $0x1400  }
0x2fa: {  	[sflag:s9] =	ssyncset.done $0x0  }
0x2fb: {  	s10 =	simm.s32 $0x480;
	[sflag:s9] =	ssyncadd.s32 $0xFFFFEC00  }
0x2fc: {  	s25 =	simm.s32 $0x2C80;
	v0 =	vld [tilespmem:s10+$0x0]  }
0x2fd: {  	v1 =	vld [tilespmem:s25+$0x0];
	_ =	sdelay $0x4  }
0x2fe: {  	v0 =	vmul.f32 v1, v0  }
0x2ff: {  	s9 =	simm.s32 $0x5480  }
0x300: {  	[tilespmem:s9+$0x0] =	vst v0  }
0x301: {  	v0 =	vld [tilespmem:s10+$0x10]  }
0x302: {  	v1 =	vld [tilespmem:s25+$0x10]  }
0x303: {  	v2 =	vld [tilespmem:s25+$0xFFFFFF80]  }
0x304: {  	v3 =	vld [tilespmem:s10+$0xFFFFFF80];
	_ =	sdelay $0x2  }
0x305: {  	v0 =	vmul.f32 v1, v0;
	_ =	sdelay $0x1  }
0x306: {  	[tilespmem:s9+$0x10] =	vst v0;
	v0 =	vmul.f32 v2, v3  }
0x307: {  	v1 =	vld [tilespmem:s10+$0x20]  }
0x308: {  	v2 =	vld [tilespmem:s25+$0x20];
	[tilespmem:s9+$0xFFFFFF80] =	vst v0  }
0x309: {  	v0 =	vld [tilespmem:s10+$0xFFFFFF90]  }
0x30a: {  	v3 =	vld [tilespmem:s25+$0xFFFFFF90];
	_ =	sdelay $0x2  }
0x30b: {  	v1 =	vmul.f32 v2, v1;
	_ =	sdelay $0x1  }
0x30c: {  	[tilespmem:s9+$0x20] =	vst v1;
	v0 =	vmul.f32 v3, v0  }
0x30d: {  	v1 =	vld [tilespmem:s10+$0x30]  }
0x30e: {  	v2 =	vld [tilespmem:s25+$0x30];
	[tilespmem:s9+$0xFFFFFF90] =	vst v0  }
0x30f: {  	v0 =	vld [tilespmem:s10+$0xFFFFFFA0]  }
0x310: {  	s17 =	simm.s32 $0x580;
	v3 =	vld [tilespmem:s25+$0xFFFFFFA0]  }
0x311: {  	s12 =	simm.s32 $0x2D80;
	v4 =	vld [tilespmem:s17+$0x0]  }
0x312: {  	v5 =	vld [tilespmem:s12+$0x0]  }
0x313: {  	v6 =	vld [tilespmem:s17+$0xFFFFFF80];
	v1 =	vmul.f32 v2, v1  }
0x314: {  	v2 =	vld [tilespmem:s12+$0xFFFFFF80]  }
0x315: {  	[tilespmem:s9+$0x30] =	vst v1;
	v0 =	vmul.f32 v3, v0  }
0x316: {  	v1 =	vld [tilespmem:s10+$0x40]  }
0x317: {  	v3 =	vld [tilespmem:s25+$0x40];
	[tilespmem:s9+$0xFFFFFFA0] =	vst v0;
	v0 =	vmul.f32 v5, v4  }
0x318: {  	s16 =	simm.s32 $0x5580;
	v4 =	vld [tilespmem:s10+$0xFFFFFFB0]  }
0x319: {  	v5 =	vld [tilespmem:s25+$0xFFFFFFB0];
	v2 =	vmul.f32 v2, v6;
	[tilespmem:s16+$0x0] =	vst v0  }
0x31a: {  	v0 =	vld [tilespmem:s17+$0x10]  }
0x31b: {  	[tilespmem:s16+$0xFFFFFF80] =	vst v2;
	v2 =	vld [tilespmem:s12+$0x10]  }
0x31c: {  	v1 =	vmul.f32 v3, v1;
	v3 =	vld [tilespmem:s17+$0xFFFFFF90]  }
0x31d: {  	v6 =	vld [tilespmem:s12+$0xFFFFFF90]  }
0x31e: {  	[tilespmem:s9+$0x40] =	vst v1;
	v1 =	vmul.f32 v5, v4  }
0x31f: {  	v4 =	vld [tilespmem:s10+$0x50]  }
0x320: {  	v5 =	vld [tilespmem:s25+$0x50];
	[tilespmem:s9+$0xFFFFFFB0] =	vst v1;
	v0 =	vmul.f32 v2, v0  }
0x321: {  	v1 =	vld [tilespmem:s10+$0xFFFFFFC0]  }
0x322: {  	v2 =	vld [tilespmem:s25+$0xFFFFFFC0];
	v3 =	vmul.f32 v6, v3;
	[tilespmem:s16+$0x10] =	vst v0  }
0x323: {  	v0 =	vld [tilespmem:s17+$0x20]  }
0x324: {  	[tilespmem:s16+$0xFFFFFF90] =	vst v3;
	v3 =	vld [tilespmem:s12+$0x20]  }
0x325: {  	v4 =	vmul.f32 v5, v4;
	v5 =	vld [tilespmem:s17+$0xFFFFFFA0]  }
0x326: {  	v6 =	vld [tilespmem:s12+$0xFFFFFFA0]  }
0x327: {  	s24 =	simm.s32 $0x2E80  }
0x328: {  	v8 =	vld [tilespmem:s24+$0x0];
	[tilespmem:s9+$0x50] =	vst v4  }
0x329: {  	v1 =	vmul.f32 v2, v1;
	v2 =	vld [tilespmem:s10+$0x60];
	v0 =	vmul.f32 v3, v0  }
0x32a: {  	s18 =	simm.s32 $0x680;
	v4 =	vld [tilespmem:s25+$0x60]  }
0x32b: {  	v9 =	vld [tilespmem:s18+$0xFFFFFF80];
	v5 =	vmul.f32 v6, v5;
	[tilespmem:s16+$0x20] =	vst v0  }
0x32c: {  	[tilespmem:s9+$0xFFFFFFC0] =	vst v1;
	v0 =	vld [tilespmem:s17+$0x30]  }
0x32d: {  	[tilespmem:s16+$0xFFFFFFA0] =	vst v5;
	v5 =	vld [tilespmem:s12+$0x30]  }
0x32e: {  	v1 =	vld [tilespmem:s10+$0xFFFFFFD0]  }
0x32f: {  	v3 =	vld [tilespmem:s25+$0xFFFFFFD0];
	v2 =	vmul.f32 v4, v2  }
0x330: {  	v6 =	vld [tilespmem:s18+$0x0]  }
0x331: {  	v4 =	vld [tilespmem:s17+$0xFFFFFFB0];
	[tilespmem:s9+$0x60] =	vst v2  }
0x332: {  	v2 =	vld [tilespmem:s10+$0x70];
	v0 =	vmul.f32 v5, v0  }
0x333: {  	v7 =	vld [tilespmem:s25+$0x70]  }
0x334: {  	v5 =	vld [tilespmem:s24+$0xFFFFFF80];
	[tilespmem:s16+$0x30] =	vst v0  }
0x335: {  	v0 =	vmul.f32 v3, v1;
	v1 =	vld [tilespmem:s17+$0x40]  }
0x336: {  	v3 =	vld [tilespmem:s12+$0x40]  }
0x337: {  	[tilespmem:s9+$0xFFFFFFD0] =	vst v0;
	v0 =	vmul.f32 v8, v6;
	v6 =	vld [tilespmem:s12+$0xFFFFFFB0]  }
0x338: {  	s22 =	simm.s32 $0x5680;
	v8 =	vld [tilespmem:s10+$0xFFFFFFE0]  }
0x339: {  	v5 =	vmul.f32 v5, v9;
	[tilespmem:s22+$0x0] =	vst v0;
	v0 =	vld [tilespmem:s25+$0xFFFFFFE0]  }
0x33a: {  	v61 =	vld [tilespmem:s18+$0x10]  }
0x33b: {  	[tilespmem:s22+$0xFFFFFF80] =	vst v5;
	v5 =	vld [tilespmem:s24+$0x10];
	v1 =	vmul.f32 v3, v1  }
0x33c: {  	v3 =	vld [tilespmem:s18+$0xFFFFFF90]  }
0x33d: {  	v4 =	vmul.f32 v6, v4;
	v6 =	vld [tilespmem:s24+$0xFFFFFF90];
	[tilespmem:s16+$0x40] =	vst v1  }
0x33e: {  	v1 =	vld [tilespmem:s17+$0x50]  }
0x33f: {  	[tilespmem:s16+$0xFFFFFFB0] =	vst v4;
	v0 =	vmul.f32 v0, v8;
	v4 =	vld [tilespmem:s12+$0x50]  }
0x340: {  	v5 =	vmul.f32 v5, v61;
	v8 =	vld [tilespmem:s17+$0xFFFFFFC0]  }
0x341: {  	v62 =	vld [tilespmem:s12+$0xFFFFFFC0];
	[tilespmem:s9+$0xFFFFFFE0] =	vst v0  }
0x342: {  	v3 =	vmul.f32 v6, v3;
	[tilespmem:s22+$0x10] =	vst v5;
	v0 =	vld [tilespmem:s10+$0xFFFFFFF0]  }
0x343: {  	v5 =	vld [tilespmem:s18+$0x20]  }
0x344: {  	[tilespmem:s22+$0xFFFFFF90] =	vst v3;
	v3 =	vld [tilespmem:s24+$0x20];
	v1 =	vmul.f32 v4, v1  }
0x345: {  	v6 =	vld [tilespmem:s18+$0xFFFFFFA0]  }
0x346: {  	v10 =	vld [tilespmem:s24+$0xFFFFFFA0];
	v4 =	vmul.f32 v62, v8;
	[tilespmem:s16+$0x50] =	vst v1  }
0x347: {  	v8 =	vld [tilespmem:s17+$0x60]  }
0x348: {  	[tilespmem:s16+$0xFFFFFFC0] =	vst v4;
	v63 =	vld [tilespmem:s12+$0x60]  }
0x349: {  	v4 =	vld [tilespmem:s12+$0xFFFFFFD0];
	v1 =	vmul.f32 v3, v5  }
0x34a: {  	v3 =	vld [tilespmem:s17+$0xFFFFFFD0]  }
0x34b: {  	v5 =	vmul.f32 v10, v6;
	[tilespmem:s22+$0x20] =	vst v1;
	v1 =	vld [tilespmem:s25+$0xFFFFFFF0]  }
0x34c: {  	v2 =	vmul.f32 v7, v2;
	v6 =	vld [tilespmem:s18+$0x30]  }
0x34d: {  	[tilespmem:s22+$0xFFFFFFA0] =	vst v5;
	v7 =	vld [tilespmem:s24+$0x30];
	v5 =	vmul.f32 v63, v8  }
0x34e: {  	s21 =	simm.s32 $0x780;
	[tilespmem:s9+$0x70] =	vst v2;
	s10 =	simm.s32 $0x4;
	s25 =	simm.s32 $0x2E80;
	v2 =	vld [tilespmem:s18+$0xFFFFFFB0]  }
.LBB2_12:
0x34f: {  	v8 =	vld [tilespmem:s21+$0x0];
	v3 =	vmul.f32 v4, v3;
	[tilespmem:s16+$0x60] =	vst v5  }
0x350: {  	v4 =	vld [tilespmem:s17+$0x70];
	v0 =	vmul.f32 v1, v0  }
0x351: {  	s24 =	sadd.s32 $0x100, s24;
	[tilespmem:s16+$0xFFFFFFD0] =	vst v3;
	v1 =	vld [tilespmem:s12+$0x70]  }
0x352: {  	v3 =	vld [tilespmem:s24+$0x0];
	v5 =	vmul.f32 v7, v6;
	[tilespmem:s9+$0xFFFFFFF0] =	vst v0;
	s9 =	smov.u32 s16;
	s16 =	smov.u32 s22  }
0x353: {  	v0 =	vld [tilespmem:s24+$0xFFFFFF80]  }
0x354: {  	v6 =	vld [tilespmem:s21+$0xFFFFFF80];
	[tilespmem:s22+$0x30] =	vst v5  }
0x355: {  	v5 =	vld [tilespmem:s18+$0x40]  }
0x356: {  	v7 =	vld [tilespmem:s25+$0x40];
	v1 =	vmul.f32 v1, v4  }
0x357: {  	v3 =	vmul.f32 v3, v8;
	v4 =	vld [tilespmem:s25+$0xFFFFFFB0]  }
0x358: {  	s22 =	sadd.s32 $0x100, s22;
	v8 =	vld [tilespmem:s17+$0xFFFFFFE0];
	[tilespmem:s9+$0x70] =	vst v1  }
0x359: {  	s10 =	sadd.s32 $0x2, s10;
	v0 =	vmul.f32 v0, v6;
	[tilespmem:s22+$0x0] =	vst v3;
	v1 =	vld [tilespmem:s12+$0xFFFFFFE0]  }
0x35a: {  	p0 =	slt.u32 s10, $0x26;
	v3 =	vld [tilespmem:s21+$0x10]  }
0x35b: {  	[tilespmem:s22+$0xFFFFFF80] =	vst v0;
	v0 =	vld [tilespmem:s24+$0x10];
	v5 =	vmul.f32 v7, v5  }
0x35c: {  	v6 =	vld [tilespmem:s21+$0xFFFFFF90];
	v2 =	vmul.f32 v4, v2  }
0x35d: {  	v4 =	vld [tilespmem:s24+$0xFFFFFF90];
	[tilespmem:s16+$0x40] =	vst v5  }
0x35e: {  	[tilespmem:s16+$0xFFFFFFB0] =	vst v2;
	v2 =	vld [tilespmem:s18+$0x50];
	v1 =	vmul.f32 v1, v8  }
0x35f: {  	v5 =	vld [tilespmem:s25+$0x50]  }
0x360: {  	v0 =	vmul.f32 v0, v3;
	v3 =	vld [tilespmem:s18+$0xFFFFFFC0];
	[tilespmem:s9+$0xFFFFFFE0] =	vst v1  }
0x361: {  	v1 =	vld [tilespmem:s25+$0xFFFFFFC0]  }
0x362: {  	v4 =	vmul.f32 v4, v6;
	[tilespmem:s22+$0x10] =	vst v0;
	v0 =	vld [tilespmem:s17+$0xFFFFFFF0];
	s17 =	smov.u32 s18;
	s18 =	smov.u32 s21  }
0x363: {  	v6 =	vld [tilespmem:s21+$0x20]  }
0x364: {  	[tilespmem:s22+$0xFFFFFF90] =	vst v4;
	v4 =	vld [tilespmem:s24+$0x20];
	v2 =	vmul.f32 v5, v2  }
0x365: {  	v5 =	vld [tilespmem:s21+$0xFFFFFFA0]  }
0x366: {  	v7 =	vld [tilespmem:s24+$0xFFFFFFA0];
	v1 =	vmul.f32 v1, v3;
	[tilespmem:s16+$0x50] =	vst v2  }
0x367: {  	v2 =	vld [tilespmem:s17+$0x60]  }
0x368: {  	[tilespmem:s16+$0xFFFFFFC0] =	vst v1;
	v8 =	vld [tilespmem:s25+$0x60]  }
0x369: {  	v1 =	vmul.f32 v4, v6;
	v3 =	vld [tilespmem:s17+$0xFFFFFFD0]  }
.Ltmp5:
0x36a: {  	v4 =	vld [tilespmem:s25+$0xFFFFFFD0];
	(pc) =	sbr.rel @p0 .LBB2_12-.Ltmp5, $4  }
0x36b: {  	v5 =	vmul.f32 v7, v5;
	[tilespmem:s22+$0x20] =	vst v1;
	v1 =	vld [tilespmem:s12+$0xFFFFFFF0];
	s12 =	smov.u32 s25;
	s25 =	smov.u32 s24  }
0x36c: {  	v6 =	vld [tilespmem:s21+$0x30]  }
0x36d: {  	[tilespmem:s22+$0xFFFFFFA0] =	vst v5;
	v7 =	vld [tilespmem:s24+$0x30];
	v5 =	vmul.f32 v8, v2  }
0x36e: {  	s21 =	sadd.s32 $0x100, s21;
	v2 =	vld [tilespmem:s18+$0xFFFFFFB0]  }
0x36f: {  	v8 =	vld [tilespmem:s25+$0xFFFFFFB0];
	_ =	sdelay $0x2  }
0x370: {  	v6 =	vmul.f32 v7, v6;
	_ =	sdelay $0x1  }
0x371: {  	[tilespmem:s22+$0x30] =	vst v6;
	v2 =	vmul.f32 v8, v2  }
0x372: {  	v6 =	vld [tilespmem:s18+$0x40]  }
0x373: {  	v7 =	vld [tilespmem:s25+$0x40];
	[tilespmem:s22+$0xFFFFFFB0] =	vst v2  }
0x374: {  	v2 =	vld [tilespmem:s18+$0xFFFFFFC0]  }
0x375: {  	v8 =	vld [tilespmem:s25+$0xFFFFFFC0];
	_ =	sdelay $0x2  }
0x376: {  	v6 =	vmul.f32 v7, v6;
	_ =	sdelay $0x1  }
0x377: {  	[tilespmem:s22+$0x40] =	vst v6;
	v2 =	vmul.f32 v8, v2  }
0x378: {  	v6 =	vld [tilespmem:s18+$0x50]  }
0x379: {  	v7 =	vld [tilespmem:s25+$0x50];
	[tilespmem:s22+$0xFFFFFFC0] =	vst v2  }
0x37a: {  	v2 =	vld [tilespmem:s18+$0xFFFFFFD0]  }
0x37b: {  	v8 =	vld [tilespmem:s25+$0xFFFFFFD0]  }
0x37c: {  	v3 =	vmul.f32 v4, v3;
	_ =	sdelay $0x1  }
0x37d: {  	[tilespmem:s16+$0xFFFFFFD0] =	vst v3;
	v3 =	vmul.f32 v7, v6  }
0x37e: {  	v4 =	vld [tilespmem:s17+$0xFFFFFFE0]  }
0x37f: {  	v6 =	vld [tilespmem:s12+$0xFFFFFFE0];
	[tilespmem:s22+$0x50] =	vst v3;
	v2 =	vmul.f32 v8, v2  }
0x380: {  	v3 =	vld [tilespmem:s18+$0x60]  }
0x381: {  	v7 =	vld [tilespmem:s25+$0x60];
	[tilespmem:s22+$0xFFFFFFD0] =	vst v2  }
0x382: {  	v2 =	vld [tilespmem:s18+$0xFFFFFFE0]  }
0x383: {  	v8 =	vld [tilespmem:s25+$0xFFFFFFE0]  }
0x384: {  	[tilespmem:s16+$0x60] =	vst v5;
	v4 =	vmul.f32 v6, v4  }
0x385: {  	v5 =	vld [tilespmem:s17+$0x70]  }
0x386: {  	v6 =	vld [tilespmem:s12+$0x70];
	[tilespmem:s16+$0xFFFFFFE0] =	vst v4;
	v3 =	vmul.f32 v7, v3  }
0x387: {  	v4 =	vld [tilespmem:s17+$0xFFFFFFF0]  }
0x388: {  	v7 =	vld [tilespmem:s12+$0xFFFFFFF0];
	[tilespmem:s22+$0x60] =	vst v3;
	v2 =	vmul.f32 v8, v2  }
0x389: {  	v3 =	vld [tilespmem:s18+$0x70]  }
0x38a: {  	v8 =	vld [tilespmem:s25+$0x70];
	[tilespmem:s22+$0xFFFFFFE0] =	vst v2  }
0x38b: {  	v2 =	vld [tilespmem:s18+$0xFFFFFFF0]  }
0x38c: {  	v9 =	vld [tilespmem:s25+$0xFFFFFFF0]  }
0x38d: {  	v0 =	vmul.f32 v1, v0  }
0x38e: {  	v1 =	vmul.f32 v6, v5  }
0x38f: {  	[tilespmem:s9+$0xFFFFFFF0] =	vst v0;
	v0 =	vmul.f32 v7, v4  }
0x390: {  	[tilespmem:s16+$0x70] =	vst v1;
	v1 =	vmul.f32 v8, v3  }
0x391: {  	[tilespmem:s16+$0xFFFFFFF0] =	vst v0;
	v0 =	vmul.f32 v9, v2  }
0x392: {  	[tilespmem:s22+$0x70] =	vst v1  }
0x393: {  	s25 =	simm.s32 $0x5400;
	[tilespmem:s22+$0xFFFFFFF0] =	vst v0  }
0x394: {  	[spmem:s4] =	stream.indirect.scatter.add.f32 [tilespmem:s25], [sflag:$0x5], $0x80, s30, s23, $0xb8;
	[tilespmem:$0x1BC00] =	vst v63  }
0x395: {  	_ =	swait.ge [sflag:s14], $0x1400  }
0x396: {  	[sflag:s14] =	ssyncset.done $0x0  }
0x397: {  	[sflag:s14] =	ssyncadd.s32 $0xFFFFEC00  }
0x398: {  	_ =	swait.ge [sflag:s15], $0x1400  }
0x399: {  	[sflag:s15] =	ssyncset.done $0x0  }
0x39a: {  	s26 =	simm.s32 $0x6;
	[sflag:s15] =	ssyncadd.s32 $0xFFFFEC00  }
0x39b: {  	_ =	swait.ge [sflag:s26], $0x1400  }
0x39c: {  	[sflag:s26] =	ssyncset.done $0x0  }
0x39d: {  	s10 =	simm.s32 $0x18F0;
	[sflag:s26] =	ssyncadd.s32 $0xFFFFEC00  }
0x39e: {  	s28 =	simm.s32 $0x40F0;
	v0 =	vld [tilespmem:s10+$0xFFFFFF90]  }
0x39f: {  	v1 =	vld [tilespmem:s28+$0xFFFFFF90];
	_ =	sdelay $0x4  }
0x3a0: {  	v0 =	vmul.f32 v1, v0  }
0x3a1: {  	s9 =	simm.s32 $0x68F0  }
0x3a2: {  	[tilespmem:s9+$0xFFFFFF90] =	vst v0  }
0x3a3: {  	v0 =	vld [tilespmem:s10+$0xFFFFFFA0]  }
0x3a4: {  	v1 =	vld [tilespmem:s28+$0xFFFFFFA0]  }
0x3a5: {  	v2 =	vld [tilespmem:s28+$0xFFFFFF10]  }
0x3a6: {  	v3 =	vld [tilespmem:s10+$0xFFFFFF10];
	_ =	sdelay $0x2  }
0x3a7: {  	v0 =	vmul.f32 v1, v0;
	_ =	sdelay $0x1  }
0x3a8: {  	[tilespmem:s9+$0xFFFFFFA0] =	vst v0;
	v0 =	vmul.f32 v2, v3  }
0x3a9: {  	v1 =	vld [tilespmem:s10+$0xFFFFFFB0]  }
0x3aa: {  	v2 =	vld [tilespmem:s28+$0xFFFFFFB0];
	[tilespmem:s9+$0xFFFFFF10] =	vst v0  }
0x3ab: {  	v0 =	vld [tilespmem:s10+$0xFFFFFF20]  }
0x3ac: {  	v3 =	vld [tilespmem:s28+$0xFFFFFF20];
	_ =	sdelay $0x2  }
0x3ad: {  	v1 =	vmul.f32 v2, v1;
	_ =	sdelay $0x1  }
0x3ae: {  	[tilespmem:s9+$0xFFFFFFB0] =	vst v1;
	v0 =	vmul.f32 v3, v0  }
0x3af: {  	v1 =	vld [tilespmem:s10+$0xFFFFFFC0]  }
0x3b0: {  	v2 =	vld [tilespmem:s28+$0xFFFFFFC0];
	[tilespmem:s9+$0xFFFFFF20] =	vst v0  }
0x3b1: {  	v0 =	vld [tilespmem:s10+$0xFFFFFF30]  }
0x3b2: {  	s17 =	simm.s32 $0x19F0;
	v3 =	vld [tilespmem:s28+$0xFFFFFF30]  }
0x3b3: {  	s12 =	simm.s32 $0x41F0;
	v4 =	vld [tilespmem:s17+$0xFFFFFF90]  }
0x3b4: {  	v5 =	vld [tilespmem:s12+$0xFFFFFF90]  }
0x3b5: {  	v6 =	vld [tilespmem:s17+$0xFFFFFF10];
	v1 =	vmul.f32 v2, v1  }
0x3b6: {  	v2 =	vld [tilespmem:s12+$0xFFFFFF10]  }
0x3b7: {  	[tilespmem:s9+$0xFFFFFFC0] =	vst v1;
	v0 =	vmul.f32 v3, v0  }
0x3b8: {  	v1 =	vld [tilespmem:s10+$0xFFFFFFD0]  }
0x3b9: {  	v3 =	vld [tilespmem:s28+$0xFFFFFFD0];
	[tilespmem:s9+$0xFFFFFF30] =	vst v0;
	v0 =	vmul.f32 v5, v4  }
0x3ba: {  	s16 =	simm.s32 $0x69F0;
	v4 =	vld [tilespmem:s10+$0xFFFFFF40]  }
0x3bb: {  	v5 =	vld [tilespmem:s28+$0xFFFFFF40];
	v2 =	vmul.f32 v2, v6;
	[tilespmem:s16+$0xFFFFFF90] =	vst v0  }
0x3bc: {  	v0 =	vld [tilespmem:s17+$0xFFFFFFA0]  }
0x3bd: {  	[tilespmem:s16+$0xFFFFFF10] =	vst v2;
	v2 =	vld [tilespmem:s12+$0xFFFFFFA0]  }
0x3be: {  	v1 =	vmul.f32 v3, v1;
	v3 =	vld [tilespmem:s17+$0xFFFFFF20]  }
0x3bf: {  	v6 =	vld [tilespmem:s12+$0xFFFFFF20]  }
0x3c0: {  	[tilespmem:s9+$0xFFFFFFD0] =	vst v1;
	v1 =	vmul.f32 v5, v4  }
0x3c1: {  	v4 =	vld [tilespmem:s10+$0xFFFFFFE0]  }
0x3c2: {  	v5 =	vld [tilespmem:s28+$0xFFFFFFE0];
	[tilespmem:s9+$0xFFFFFF40] =	vst v1;
	v0 =	vmul.f32 v2, v0  }
0x3c3: {  	v1 =	vld [tilespmem:s10+$0xFFFFFF50]  }
0x3c4: {  	v2 =	vld [tilespmem:s28+$0xFFFFFF50];
	v3 =	vmul.f32 v6, v3;
	[tilespmem:s16+$0xFFFFFFA0] =	vst v0  }
0x3c5: {  	v0 =	vld [tilespmem:s17+$0xFFFFFFB0]  }
0x3c6: {  	[tilespmem:s16+$0xFFFFFF20] =	vst v3;
	v3 =	vld [tilespmem:s12+$0xFFFFFFB0]  }
0x3c7: {  	v4 =	vmul.f32 v5, v4;
	v5 =	vld [tilespmem:s17+$0xFFFFFF30]  }
0x3c8: {  	v6 =	vld [tilespmem:s12+$0xFFFFFF30]  }
0x3c9: {  	s24 =	simm.s32 $0x42F0  }
0x3ca: {  	v8 =	vld [tilespmem:s24+$0xFFFFFF90];
	[tilespmem:s9+$0xFFFFFFE0] =	vst v4  }
0x3cb: {  	v1 =	vmul.f32 v2, v1;
	v2 =	vld [tilespmem:s10+$0xFFFFFFF0];
	v0 =	vmul.f32 v3, v0  }
0x3cc: {  	s18 =	simm.s32 $0x1AF0;
	v4 =	vld [tilespmem:s28+$0xFFFFFFF0]  }
0x3cd: {  	v60 =	vld [tilespmem:s18+$0xFFFFFF10];
	v5 =	vmul.f32 v6, v5;
	[tilespmem:s16+$0xFFFFFFB0] =	vst v0  }
0x3ce: {  	[tilespmem:s9+$0xFFFFFF50] =	vst v1;
	v0 =	vld [tilespmem:s17+$0xFFFFFFC0]  }
0x3cf: {  	[tilespmem:s16+$0xFFFFFF30] =	vst v5;
	v5 =	vld [tilespmem:s12+$0xFFFFFFC0]  }
0x3d0: {  	v1 =	vld [tilespmem:s10+$0xFFFFFF60]  }
0x3d1: {  	v3 =	vld [tilespmem:s28+$0xFFFFFF60];
	v2 =	vmul.f32 v4, v2  }
0x3d2: {  	v6 =	vld [tilespmem:s18+$0xFFFFFF90]  }
0x3d3: {  	v4 =	vld [tilespmem:s17+$0xFFFFFF40];
	[tilespmem:s9+$0xFFFFFFF0] =	vst v2  }
0x3d4: {  	v2 =	vld [tilespmem:s10+$0x0];
	v0 =	vmul.f32 v5, v0  }
0x3d5: {  	v7 =	vld [tilespmem:s28+$0x0]  }
0x3d6: {  	v5 =	vld [tilespmem:s24+$0xFFFFFF10];
	[tilespmem:s16+$0xFFFFFFC0] =	vst v0  }
0x3d7: {  	v0 =	vmul.f32 v3, v1;
	v1 =	vld [tilespmem:s17+$0xFFFFFFD0]  }
0x3d8: {  	v3 =	vld [tilespmem:s12+$0xFFFFFFD0]  }
0x3d9: {  	[tilespmem:s9+$0xFFFFFF60] =	vst v0;
	v0 =	vmul.f32 v8, v6;
	v6 =	vld [tilespmem:s12+$0xFFFFFF40]  }
0x3da: {  	s22 =	simm.s32 $0x6AF0;
	v8 =	vld [tilespmem:s10+$0xFFFFFF70]  }
0x3db: {  	v5 =	vmul.f32 v5, v60;
	[tilespmem:s22+$0xFFFFFF90] =	vst v0;
	v0 =	vld [tilespmem:s28+$0xFFFFFF70]  }
0x3dc: {  	v61 =	vld [tilespmem:s18+$0xFFFFFFA0]  }
0x3dd: {  	[tilespmem:s22+$0xFFFFFF10] =	vst v5;
	v5 =	vld [tilespmem:s24+$0xFFFFFFA0];
	v1 =	vmul.f32 v3, v1  }
0x3de: {  	v3 =	vld [tilespmem:s18+$0xFFFFFF20]  }
0x3df: {  	v4 =	vmul.f32 v6, v4;
	v6 =	vld [tilespmem:s24+$0xFFFFFF20];
	[tilespmem:s16+$0xFFFFFFD0] =	vst v1  }
0x3e0: {  	v1 =	vld [tilespmem:s17+$0xFFFFFFE0]  }
0x3e1: {  	[tilespmem:s16+$0xFFFFFF40] =	vst v4;
	v0 =	vmul.f32 v0, v8;
	v4 =	vld [tilespmem:s12+$0xFFFFFFE0]  }
0x3e2: {  	v5 =	vmul.f32 v5, v61;
	v8 =	vld [tilespmem:s17+$0xFFFFFF50]  }
0x3e3: {  	v62 =	vld [tilespmem:s12+$0xFFFFFF50];
	[tilespmem:s9+$0xFFFFFF70] =	vst v0  }
0x3e4: {  	v3 =	vmul.f32 v6, v3;
	[tilespmem:s22+$0xFFFFFFA0] =	vst v5;
	v0 =	vld [tilespmem:s10+$0xFFFFFF80]  }
0x3e5: {  	v5 =	vld [tilespmem:s18+$0xFFFFFFB0]  }
0x3e6: {  	[tilespmem:s22+$0xFFFFFF20] =	vst v3;
	v3 =	vld [tilespmem:s24+$0xFFFFFFB0];
	v1 =	vmul.f32 v4, v1  }
0x3e7: {  	v6 =	vld [tilespmem:s18+$0xFFFFFF30]  }
0x3e8: {  	v10 =	vld [tilespmem:s24+$0xFFFFFF30];
	v4 =	vmul.f32 v62, v8;
	[tilespmem:s16+$0xFFFFFFE0] =	vst v1  }
0x3e9: {  	v8 =	vld [tilespmem:s17+$0xFFFFFFF0]  }
0x3ea: {  	[tilespmem:s16+$0xFFFFFF50] =	vst v4;
	v63 =	vld [tilespmem:s12+$0xFFFFFFF0]  }
0x3eb: {  	v4 =	vld [tilespmem:s12+$0xFFFFFF60];
	v1 =	vmul.f32 v3, v5  }
0x3ec: {  	v3 =	vld [tilespmem:s17+$0xFFFFFF60]  }
0x3ed: {  	v5 =	vmul.f32 v10, v6;
	[tilespmem:s22+$0xFFFFFFB0] =	vst v1;
	v1 =	vld [tilespmem:s28+$0xFFFFFF80]  }
0x3ee: {  	v2 =	vmul.f32 v7, v2;
	v6 =	vld [tilespmem:s18+$0xFFFFFFC0]  }
0x3ef: {  	[tilespmem:s22+$0xFFFFFF30] =	vst v5;
	v7 =	vld [tilespmem:s24+$0xFFFFFFC0];
	v5 =	vmul.f32 v63, v8  }
0x3f0: {  	s21 =	simm.s32 $0x1BF0;
	s25 =	simm.s32 $0x42F0;
	[tilespmem:s9+$0x0] =	vst v2;
	s10 =	simm.s32 $0x4;
	v2 =	vld [tilespmem:s18+$0xFFFFFF40]  }
.LBB2_14:
0x3f1: {  	v8 =	vld [tilespmem:s21+$0xFFFFFF90];
	v3 =	vmul.f32 v4, v3;
	[tilespmem:s16+$0xFFFFFFF0] =	vst v5  }
0x3f2: {  	v4 =	vld [tilespmem:s17+$0x0];
	v0 =	vmul.f32 v1, v0  }
0x3f3: {  	s24 =	sadd.s32 $0x100, s24;
	[tilespmem:s16+$0xFFFFFF60] =	vst v3;
	v1 =	vld [tilespmem:s12+$0x0]  }
0x3f4: {  	v3 =	vld [tilespmem:s24+$0xFFFFFF90];
	v5 =	vmul.f32 v7, v6;
	[tilespmem:s9+$0xFFFFFF80] =	vst v0;
	s9 =	smov.u32 s16;
	s16 =	smov.u32 s22  }
0x3f5: {  	v0 =	vld [tilespmem:s24+$0xFFFFFF10]  }
0x3f6: {  	v6 =	vld [tilespmem:s21+$0xFFFFFF10];
	[tilespmem:s22+$0xFFFFFFC0] =	vst v5  }
0x3f7: {  	v5 =	vld [tilespmem:s18+$0xFFFFFFD0]  }
0x3f8: {  	v7 =	vld [tilespmem:s25+$0xFFFFFFD0];
	v1 =	vmul.f32 v1, v4  }
0x3f9: {  	v3 =	vmul.f32 v3, v8;
	v4 =	vld [tilespmem:s25+$0xFFFFFF40]  }
0x3fa: {  	s22 =	sadd.s32 $0x100, s22;
	v8 =	vld [tilespmem:s17+$0xFFFFFF70];
	[tilespmem:s9+$0x0] =	vst v1  }
0x3fb: {  	s10 =	sadd.s32 $0x2, s10;
	v0 =	vmul.f32 v0, v6;
	[tilespmem:s22+$0xFFFFFF90] =	vst v3;
	v1 =	vld [tilespmem:s12+$0xFFFFFF70]  }
0x3fc: {  	p0 =	slt.u32 s10, $0x26;
	v3 =	vld [tilespmem:s21+$0xFFFFFFA0]  }
0x3fd: {  	[tilespmem:s22+$0xFFFFFF10] =	vst v0;
	v0 =	vld [tilespmem:s24+$0xFFFFFFA0];
	v5 =	vmul.f32 v7, v5  }
0x3fe: {  	v6 =	vld [tilespmem:s21+$0xFFFFFF20];
	v2 =	vmul.f32 v4, v2  }
0x3ff: {  	v4 =	vld [tilespmem:s24+$0xFFFFFF20];
	[tilespmem:s16+$0xFFFFFFD0] =	vst v5  }
0x400: {  	[tilespmem:s16+$0xFFFFFF40] =	vst v2;
	v2 =	vld [tilespmem:s18+$0xFFFFFFE0];
	v1 =	vmul.f32 v1, v8  }
0x401: {  	v5 =	vld [tilespmem:s25+$0xFFFFFFE0]  }
0x402: {  	v0 =	vmul.f32 v0, v3;
	v3 =	vld [tilespmem:s18+$0xFFFFFF50];
	[tilespmem:s9+$0xFFFFFF70] =	vst v1  }
0x403: {  	v1 =	vld [tilespmem:s25+$0xFFFFFF50]  }
0x404: {  	v4 =	vmul.f32 v4, v6;
	[tilespmem:s22+$0xFFFFFFA0] =	vst v0;
	v0 =	vld [tilespmem:s17+$0xFFFFFF80];
	s17 =	smov.u32 s18;
	s18 =	smov.u32 s21  }
0x405: {  	v6 =	vld [tilespmem:s21+$0xFFFFFFB0]  }
0x406: {  	[tilespmem:s22+$0xFFFFFF20] =	vst v4;
	v4 =	vld [tilespmem:s24+$0xFFFFFFB0];
	v2 =	vmul.f32 v5, v2  }
0x407: {  	v5 =	vld [tilespmem:s21+$0xFFFFFF30]  }
0x408: {  	v7 =	vld [tilespmem:s24+$0xFFFFFF30];
	v1 =	vmul.f32 v1, v3;
	[tilespmem:s16+$0xFFFFFFE0] =	vst v2  }
0x409: {  	v2 =	vld [tilespmem:s17+$0xFFFFFFF0]  }
0x40a: {  	[tilespmem:s16+$0xFFFFFF50] =	vst v1;
	v8 =	vld [tilespmem:s25+$0xFFFFFFF0]  }
0x40b: {  	v1 =	vmul.f32 v4, v6;
	v3 =	vld [tilespmem:s17+$0xFFFFFF60]  }
.Ltmp6:
0x40c: {  	v4 =	vld [tilespmem:s25+$0xFFFFFF60];
	(pc) =	sbr.rel @p0 .LBB2_14-.Ltmp6, $4  }
0x40d: {  	v5 =	vmul.f32 v7, v5;
	[tilespmem:s22+$0xFFFFFFB0] =	vst v1;
	v1 =	vld [tilespmem:s12+$0xFFFFFF80];
	s12 =	smov.u32 s25;
	s25 =	smov.u32 s24  }
0x40e: {  	v6 =	vld [tilespmem:s21+$0xFFFFFFC0]  }
0x40f: {  	[tilespmem:s22+$0xFFFFFF30] =	vst v5;
	v7 =	vld [tilespmem:s24+$0xFFFFFFC0];
	v5 =	vmul.f32 v8, v2  }
0x410: {  	s21 =	sadd.s32 $0x100, s21;
	v2 =	vld [tilespmem:s18+$0xFFFFFF40]  }
0x411: {  	v8 =	vld [tilespmem:s25+$0xFFFFFF40];
	_ =	sdelay $0x2  }
0x412: {  	v6 =	vmul.f32 v7, v6;
	_ =	sdelay $0x1  }
0x413: {  	[tilespmem:s22+$0xFFFFFFC0] =	vst v6;
	v2 =	vmul.f32 v8, v2  }
0x414: {  	v6 =	vld [tilespmem:s18+$0xFFFFFFD0]  }
0x415: {  	v48 =	vld [tilespmem:s25+$0xFFFFFFD0];
	[tilespmem:s22+$0xFFFFFF40] =	vst v2  }
0x416: {  	v2 =	vld [tilespmem:s18+$0xFFFFFF50]  }
0x417: {  	v49 =	vld [tilespmem:s25+$0xFFFFFF50];
	_ =	sdelay $0x2  }
0x418: {  	v6 =	vmul.f32 v48, v6;
	_ =	sdelay $0x1  }
0x419: {  	[tilespmem:s22+$0xFFFFFFD0] =	vst v6;
	v2 =	vmul.f32 v49, v2  }
0x41a: {  	v6 =	vld [tilespmem:s18+$0xFFFFFFE0]  }
0x41b: {  	v50 =	vld [tilespmem:s25+$0xFFFFFFE0];
	[tilespmem:s22+$0xFFFFFF50] =	vst v2  }
0x41c: {  	v2 =	vld [tilespmem:s18+$0xFFFFFF60]  }
0x41d: {  	v51 =	vld [tilespmem:s25+$0xFFFFFF60]  }
0x41e: {  	v3 =	vmul.f32 v4, v3;
	_ =	sdelay $0x1  }
0x41f: {  	[tilespmem:s16+$0xFFFFFF60] =	vst v3;
	v52 =	vmul.f32 v50, v6  }
0x420: {  	v53 =	vld [tilespmem:s17+$0xFFFFFF70]  }
0x421: {  	v54 =	vld [tilespmem:s12+$0xFFFFFF70];
	[tilespmem:s22+$0xFFFFFFE0] =	vst v52;
	v2 =	vmul.f32 v51, v2  }
0x422: {  	v3 =	vld [tilespmem:s18+$0xFFFFFFF0]  }
0x423: {  	v55 =	vld [tilespmem:s25+$0xFFFFFFF0];
	[tilespmem:s22+$0xFFFFFF60] =	vst v2  }
0x424: {  	v2 =	vld [tilespmem:s18+$0xFFFFFF70]  }
0x425: {  	v56 =	vld [tilespmem:s25+$0xFFFFFF70]  }
0x426: {  	[tilespmem:s16+$0xFFFFFFF0] =	vst v5;
	v4 =	vmul.f32 v54, v53  }
0x427: {  	v5 =	vld [tilespmem:s17+$0x0]  }
0x428: {  	v57 =	vld [tilespmem:s12+$0x0];
	[tilespmem:s16+$0xFFFFFF70] =	vst v4;
	v3 =	vmul.f32 v55, v3  }
0x429: {  	v4 =	vld [tilespmem:s17+$0xFFFFFF80]  }
0x42a: {  	v58 =	vld [tilespmem:s12+$0xFFFFFF80];
	[tilespmem:s22+$0xFFFFFFF0] =	vst v3;
	v2 =	vmul.f32 v56, v2  }
0x42b: {  	v3 =	vld [tilespmem:s18+$0x0]  }
0x42c: {  	v59 =	vld [tilespmem:s25+$0x0];
	[tilespmem:s22+$0xFFFFFF70] =	vst v2  }
0x42d: {  	v2 =	vld [tilespmem:s18+$0xFFFFFF80]  }
0x42e: {  	v9 =	vld [tilespmem:s25+$0xFFFFFF80]  }
0x42f: {  	v0 =	vmul.f32 v1, v0  }
0x430: {  	v60 =	vmul.f32 v57, v5  }
0x431: {  	[tilespmem:s9+$0xFFFFFF80] =	vst v0;
	v61 =	vmul.f32 v58, v4  }
0x432: {  	[tilespmem:s16+$0x0] =	vst v60;
	v62 =	vmul.f32 v59, v3  }
0x433: {  	[tilespmem:s16+$0xFFFFFF80] =	vst v61;
	v63 =	vmul.f32 v9, v2  }
0x434: {  	[tilespmem:s22+$0x0] =	vst v62  }
0x435: {  	s21 =	simm.s32 $0x6800;
	s17 =	simm.s32 $0x280;
	[tilespmem:s22+$0xFFFFFF80] =	vst v63;
	s22 =	simm.s32 $0x5  }
0x436: {  	[spmem:s4] =	stream.indirect.scatter.add.f32 [tilespmem:s21], [sflag:$0x6], $0x80, s17, s23, $0xb8;
	[tilespmem:$0x1BC00] =	vst v63  }
0x437: {  	_ =	swait.ge [sflag:s22], $0x1400  }
0x438: {  	[sflag:s22] =	ssyncset.done $0x0  }
0x439: {  	s24 =	simm.s32 $0x6;
	[sflag:s22] =	ssyncadd.s32 $0xFFFFEC00  }
0x43a: {  	_ =	swait.ge [sflag:s24], $0x1400  }
0x43b: {  	[sflag:s24] =	ssyncset.done $0x0  }
0x43c: {  	[sflag:s24] =	ssyncadd.s32 $0xFFFFEC00  }
0x43d: {  	[bflag:$0x0] =	sbarrier.arrive $0xFFFF  }
0x43e: {  	s16 =	rddreg [dreg:$0x6]  }
0x43f: {  	s25 =	rddreg [dreg:$0xd]  }
0x440: {  	s12 =	simm.s32 $0xB;
	s10 =	rddreg [dreg:$0xf]  }
0x441: {  	[hbm:s25], [sflag:s16] =	dma.local [spmem:s10], $0x2800  }
0x442: {  	_ =	swait.ge [sflag:s12], $0x2800  }
0x443: {  	s26 =	rddreg [dreg:$0x10]  }
0x444: {  	s28 =	rddreg [dreg:$0xe];
	s18 =	sadd.s32 $0x1, s26  }
0x445: {  	p0 =	sne.s32 s18, s28  }
.Ltmp7:
0x446: {  	_ = 	snop;
	(pc) =	sbr.rel @p0 .LBB2_1-.Ltmp7, $3  }
0x447: {  	_ =	sdelay $0x1  }
0x448: {  	[sflag:s12] =	ssyncset.done $0x0  }
0x449: {  	[sflag:s12] =	ssyncadd.s32 $0xFFFFD800  }
0x44a: {  	_ =	sfence.sel $0x180000  }
0x44b: {  	[bflag:$0x0] =	sbarrier.arrive $0xFFFF  }
0x44c: {  	_ =	strace $0x90000047  }
0x44d: {  	s0 =	stileid.u32;
	[bflag:$0x2] =	sbarrier.arrive $0xFFFF  }
0x44e: {  	p0 =	sne.s32 s0, $0x0;
	s0 =	rddreg [dreg:$0x4]  }
0x44f: {  	s0 =	sadd.s32 @!p0 $0x100000, s0  }
0x450: {  	[sflag:s0] =	ssyncadd.tile.s32 @!p0 $0x1;
	_ =	shalt  }
.Lfunc_end2:
_tile_overlayer_lowered:
.L_overlay_start_2:
0x451: {  	(tag) =	ssettag $0x2  }
0x452: {  	s0 =	rddreg [dreg:$0x0];
	s2 =	stileid.u32  }
0x453: {  	s1 =	rddreg [dreg:$0x1];
	p0 =	sne.s32 s2, $0x0  }
0x454: {  	s3 =	rddreg [dreg:$0x2];
	[bflag:$0x3] =	sbarrier.arrive $0xFFFF;
	s2 =	simm.s32 @!p0 $0x1C0B  }
0x455: {  	[timem:s3], [sflag:s2] =	dma.local @!p0 [hbm:s0], s1  }
0x456: {  	s0 =	simm.s32 @!p0 $0xB  }
0x457: {  	_ =	swait.ge @!p0 [sflag:s0], s1  }
0x458: {  	s1 =	ssub.s32 @!p0 $0x0, s1;
	[sflag:s0] =	ssyncset.done @!p0 $0x0  }
0x459: {  	[sflag:s0] =	ssyncadd.s32 @!p0 s1  }
0x45a: {  	[bflag:$0x3] =	sbarrier.arrive $0xFFFF  }
0x45b: {  	_ =	shalt  }

</sc_bundles>
